<compile_context>
chip_gen: v7x
topology: tpu7x:2x2x1
jax: 0.10.2.dev20260603
libtpu: 0.0.44.dev20260713+nightly
codegen_flags: <defaults>
</compile_context>

<pallas_src>
import functools

import jax
import jax.numpy as jnp
from jax import lax
from jax.experimental import pallas as pl
from jax.experimental.pallas import tpu as pltpu
from jax.experimental.pallas import tpu_sc as plsc

_N = 131072
_CIN = 64
_RES = 256
_NB = 16
_NCLS = 20

_ROWS = 128
_COLS = 1024
_BR = 8
_BN = _BR * _COLS
_GRID1 = _ROWS // _BR

_NW = 32
_PPW = _N // _NW
_WIN = 2048
_NCH = _WIN // 128

_CELLS = _RES * _RES
_CLSZ = _CELLS * _NCLS
_MSKZ = _CELLS * 2
_CPS = _CLSZ // 16
_MPS = _MSKZ // 16
_ZB = 8192


def _k1_body(t_s, bx_s, bm_s, bf_s, x_r, y_r, z_r, ft_r, w2_r,
             xt_o, yt_o, as_o, in_o, mf_o, mm_o):
    i = pl.program_id(0)
    f32 = jnp.float32
    bf16 = jnp.bfloat16
    x = x_r[...].astype(bf16).astype(f32)
    y = y_r[...].astype(bf16).astype(f32)
    z = z_r[...].astype(bf16).astype(f32)

    def _b(v):
        return v.astype(bf16).astype(f32)

    xt = x * _b(t_s[0, 0]) + y * _b(t_s[0, 1]) + z * _b(t_s[0, 2]) + t_s[0, 3]
    yt = x * _b(t_s[1, 0]) + y * _b(t_s[1, 1]) + z * _b(t_s[1, 2]) + t_s[1, 3]
    zt = x * _b(t_s[2, 0]) + y * _b(t_s[2, 1]) + z * _b(t_s[2, 2]) + t_s[2, 3]

    best = None
    asn = None
    ins = None
    for j in range(_NB):
        dx = xt - bx_s[j, 0]
        dy = yt - bx_s[j, 1]
        dz = zt - bx_s[j, 2]
        d = jnp.sqrt(dx * dx + dy * dy + dz * dz)
        hx = jnp.abs(bx_s[j, 3]) + 1e-3
        hy = jnp.abs(bx_s[j, 4]) + 1e-3
        hz = jnp.abs(bx_s[j, 5]) + 1e-3
        inj = jnp.where(
            (jnp.abs(dx) <= hx) & (jnp.abs(dy) <= hy) & (jnp.abs(dz) <= hz),
            jnp.float32(1.0), jnp.float32(0.0))
        if j == 0:
            best = d
            asn = jnp.zeros(d.shape, jnp.int32)
            ins = inj
        else:
            upd = d < best
            best = jnp.where(upd, d, best)
            asn = jnp.where(upd, j, asn)
            ins = jnp.where(upd, inj, ins)
    xt_o[...] = xt
    yt_o[...] = yt
    as_o[...] = asn
    in_o[...] = ins

    fb = ft_r[...].astype(bf16)
    res = lax.dot_general(w2_r[...].astype(bf16), fb, (((1,), (1,)), ((), ())),
                          preferred_element_type=jnp.float32)
    a0 = jax.nn.sigmoid(res[0:1, :] + bm_s[0])
    a1 = jax.nn.sigmoid(res[1:2, :] + bm_s[1])
    mf_o[0:1, :] = (res[2:3, :] + bf_s[0]) * a0
    mf_o[1:2, :] = (res[3:4, :] + bf_s[1]) * a1

    @pl.when(i == 0)
    def _init():
        mm_o[...] = jnp.zeros((8, 128), jnp.float32)
        mm_o[0:2, :] = jnp.full((2, 128), jnp.inf, jnp.float32)
        mm_o[2:4, :] = jnp.full((2, 128), -jnp.inf, jnp.float32)

    mm_o[0:1, :] = jnp.minimum(mm_o[0:1, :], jnp.min(xt))
    mm_o[1:2, :] = jnp.minimum(mm_o[1:2, :], jnp.min(yt))
    mm_o[2:3, :] = jnp.maximum(mm_o[2:3, :], jnp.max(xt))
    mm_o[3:4, :] = jnp.maximum(mm_o[3:4, :], jnp.max(yt))


def _k1(transform, boxes, b_matte, b_feat, x2, y2, z2, ftT, w2):
    f32 = jnp.float32
    return pl.pallas_call(
        _k1_body,
        grid=(_GRID1,),
        in_specs=[
            pl.BlockSpec(memory_space=pltpu.SMEM),
            pl.BlockSpec(memory_space=pltpu.SMEM),
            pl.BlockSpec(memory_space=pltpu.SMEM),
            pl.BlockSpec(memory_space=pltpu.SMEM),
            pl.BlockSpec((_BR, _COLS), lambda i: (i, 0)),
            pl.BlockSpec((_BR, _COLS), lambda i: (i, 0)),
            pl.BlockSpec((_BR, _COLS), lambda i: (i, 0)),
            pl.BlockSpec((_BN, _CIN), lambda i: (i, 0)),
            pl.BlockSpec((8, _CIN), lambda i: (0, 0)),
        ],
        out_specs=[
            pl.BlockSpec((_BR, _COLS), lambda i: (i, 0)),
            pl.BlockSpec((_BR, _COLS), lambda i: (i, 0)),
            pl.BlockSpec((_BR, _COLS), lambda i: (i, 0)),
            pl.BlockSpec((_BR, _COLS), lambda i: (i, 0)),
            pl.BlockSpec((2, _BN), lambda i: (0, i)),
            pl.BlockSpec((8, 128), lambda i: (0, 0)),
        ],
        out_shape=[
            jax.ShapeDtypeStruct((_ROWS, _COLS), f32),
            jax.ShapeDtypeStruct((_ROWS, _COLS), f32),
            jax.ShapeDtypeStruct((_ROWS, _COLS), jnp.int32),
            jax.ShapeDtypeStruct((_ROWS, _COLS), f32),
            jax.ShapeDtypeStruct((2, _N), f32),
            jax.ShapeDtypeStruct((8, 128), f32),
        ],
    )(transform, boxes, b_matte, b_feat, x2, y2, z2, ftT, w2)


def _sc_mesh():
    return plsc.VectorSubcoreMesh(core_axis_name="c", subcore_axis_name="s")


_SC_PARAMS = pltpu.CompilerParams(needs_layout_passes=False)


def _k2a(asn, pc, ins):
    @functools.partial(
        pl.kernel,
        mesh=_sc_mesh(),
        out_type=jax.ShapeDtypeStruct((_NW, _NCLS * _NB * 16), jnp.float32),
        compiler_params=_SC_PARAMS,
        scratch_types=[
            pltpu.VMEM((_WIN,), jnp.int32),
            pltpu.VMEM((_WIN,), jnp.int32),
            pltpu.VMEM((_WIN,), jnp.float32),
            pltpu.VMEM((_NCLS * _NB * 16,), jnp.float32),
        ],
    )
    def k(a_h, p_h, i_h, out_h, ab, pb, ib, hist):
        c = lax.axis_index("c")
        s = lax.axis_index("s")
        wid = s * 2 + c

        def zbody(t, _):
            hist[pl.ds(t * 16, 16)] = jnp.zeros((16,), jnp.float32)
            return 0

        lax.fori_loop(0, _NCLS * _NB, zbody, 0)
        lane = lax.iota(jnp.int32, 16)
        start = wid * _PPW
        for w in range(_PPW // _WIN):
            base = start + w * _WIN
            pltpu.sync_copy(a_h.at[pl.ds(base, _WIN)], ab)
            pltpu.sync_copy(p_h.at[pl.ds(base, _WIN)], pb)
            pltpu.sync_copy(i_h.at[pl.ds(base, _WIN)], ib)

            def body(t, _):
                o = t * 16
                av = ab[pl.ds(o, 16)]
                pv = pb[pl.ds(o, 16)]
                iv = ib[pl.ds(o, 16)]
                idx = (pv * _NB + av) * 16 + lane
                plsc.addupdate_scatter(hist, [idx], iv)
                return 0

            lax.fori_loop(0, _WIN // 16, body, 0)
        pltpu.sync_copy(hist, out_h.at[wid])

    return k(asn, pc, ins)


def _k2b_body(hp_r, mm_r, bc_o, pr_o):
    h = jnp.sum(jnp.sum(hp_r[...], axis=3), axis=0)
    m = jnp.max(h, axis=0, keepdims=True)
    io = lax.broadcasted_iota(jnp.int32, (_NCLS, _NB), 0)
    bc = jnp.min(jnp.where(h == m, io, jnp.int32(2 ** 30)), axis=0)
    bc_o[...] = bc.reshape(1, _NB)
    mm = mm_r[...]
    mnx = jnp.min(mm[0:1, :])
    mny = jnp.min(mm[1:2, :])
    mxx = jnp.max(mm[2:3, :])
    mxy = jnp.max(mm[3:4, :])
    dxv = mxx - mnx + jnp.float32(1e-6)
    dyv = mxy - mny + jnp.float32(1e-6)
    io2 = lax.broadcasted_iota(jnp.int32, (1, _NB), 1)
    p = jnp.where(io2 == 0, mnx,
                  jnp.where(io2 == 1, mny,
                            jnp.where(io2 == 2, dxv,
                                      jnp.where(io2 == 3, dyv, 0.0))))
    pr_o[...] = p.astype(jnp.float32)


def _k2b(hp, mm):
    return pl.pallas_call(
        _k2b_body,
        out_shape=[
            jax.ShapeDtypeStruct((1, _NB), jnp.int32),
            jax.ShapeDtypeStruct((1, _NB), jnp.float32),
        ],
    )(hp, mm)


def _k2c(xt, yt, asn, ins, mf, bc, prm):
    f32 = jnp.float32
    i32 = jnp.int32

    @functools.partial(
        pl.kernel,
        mesh=_sc_mesh(),
        out_type=[
            jax.ShapeDtypeStruct((2, _CLSZ), f32),
            jax.ShapeDtypeStruct((2, _MSKZ), f32),
        ],
        compiler_params=_SC_PARAMS,
        scratch_types=[
            pltpu.VMEM((_WIN,), f32),
            pltpu.VMEM((_WIN,), f32),
            pltpu.VMEM((_WIN,), i32),
            pltpu.VMEM((_WIN,), f32),
            pltpu.VMEM((_WIN,), f32),
            pltpu.VMEM((_WIN,), f32),
            pltpu.VMEM((_NCH, 128), i32),
            pltpu.VMEM((_NCH, 128), f32),
            pltpu.VMEM((_NCH, 128), i32),
            pltpu.VMEM((_NCH, 128), f32),
            pltpu.VMEM((_NCH, 128), i32),
            pltpu.VMEM((_NCH, 128), f32),
            pltpu.VMEM((_NB,), i32),
            pltpu.VMEM((_NB,), f32),
            pltpu.VMEM((_ZB,), f32),
            pltpu.VMEM_SHARED((_CLSZ,), f32),
            pltpu.VMEM_SHARED((_MSKZ,), f32),
        ],
    )
    def k(xt_h, yt_h, a_h, i_h, mf_h, bc_h, pr_h, outc_h, outm_h,
          xb, yb, ab, ib, m0b, m1b, ic, vc, i0, v0, i1, v1, bcv, prv, zb,
          shc, shm):
        c = lax.axis_index("c")
        s = lax.axis_index("s")
        wid = s * 2 + c
        pltpu.sync_copy(bc_h, bcv)
        pltpu.sync_copy(pr_h, prv)
        prvv = prv[...]
        mnx = prvv[0]
        mny = prvv[1]
        dxv = prvv[2]
        dyv = prvv[3]

        def zbody(t, _):
            zb[pl.ds(t * 16, 16)] = jnp.zeros((16,), f32)
            return 0

        lax.fori_loop(0, _ZB // 16, zbody, 0)
        for kk in range(_CPS // _ZB):
            pltpu.sync_copy(zb, shc.at[pl.ds(s * _CPS + kk * _ZB, _ZB)])
        pltpu.sync_copy(zb, shm.at[pl.ds(s * _MPS, _MPS)])
        plsc.subcore_barrier()

        start = wid * _PPW
        for w in range(_PPW // _WIN):
            base = start + w * _WIN
            pltpu.sync_copy(xt_h.at[pl.ds(base, _WIN)], xb)
            pltpu.sync_copy(yt_h.at[pl.ds(base, _WIN)], yb)
            pltpu.sync_copy(a_h.at[pl.ds(base, _WIN)], ab)
            pltpu.sync_copy(i_h.at[pl.ds(base, _WIN)], ib)
            pltpu.sync_copy(mf_h.at[0, pl.ds(base, _WIN)], m0b)
            pltpu.sync_copy(mf_h.at[1, pl.ds(base, _WIN)], m1b)

            def fill(t, _):
                for v in range(8):
                    oo = t * 128 + v * 16
                    xv = xb[pl.ds(oo, 16)]
                    yv = yb[pl.ds(oo, 16)]
                    nx = (xv - mnx) / dxv * 256.0
                    ny = (yv - mny) / dyv * 256.0
                    ix = jnp.minimum(jnp.maximum(nx.astype(i32), 0), _RES - 1)
                    iy = jnp.minimum(jnp.maximum(ny.astype(i32), 0), _RES - 1)
                    flat = ix * _RES + iy
                    av = ab[pl.ds(oo, 16)]
                    seg = plsc.load_gather(bcv, [av])
                    iv = ib[pl.ds(oo, 16)]
                    ic[t, pl.ds(v * 16, 16)] = seg * _CELLS + flat
                    vc[t, pl.ds(v * 16, 16)] = iv
                    f2 = flat * 2
                    i0[t, pl.ds(v * 16, 16)] = f2
                    i1[t, pl.ds(v * 16, 16)] = f2 + 1
                    v0[t, pl.ds(v * 16, 16)] = m0b[pl.ds(oo, 16)] * iv
                    v1[t, pl.ds(v * 16, 16)] = m1b[pl.ds(oo, 16)] * iv
                return 0

            lax.fori_loop(0, _NCH, fill, 0)

            def scat(t, _):
                pltpu.sync_copy(vc.at[t], shc.at[ic.at[t]], add=True)
                pltpu.sync_copy(v0.at[t], shm.at[i0.at[t]], add=True)
                pltpu.sync_copy(v1.at[t], shm.at[i1.at[t]], add=True)
                return 0

            lax.fori_loop(0, _NCH, scat, 0)

        plsc.subcore_barrier()
        pltpu.sync_copy(shc.at[pl.ds(s * _CPS, _CPS)],
                        outc_h.at[c, pl.ds(s * _CPS, _CPS)])
        pltpu.sync_copy(shm.at[pl.ds(s * _MPS, _MPS)],
                        outm_h.at[c, pl.ds(s * _MPS, _MPS)])

    return k(xt, yt, asn, ins, mf, bc, prm)


def _k3_body(cp_r, mp_r, ic_o, mk_o):
    cp = cp_r[...]
    sc = cp[0] + cp[1]
    m = jnp.max(sc, axis=0, keepdims=True)
    io = lax.broadcasted_iota(jnp.int32, sc.shape, 0)
    ic_o[...] = jnp.min(jnp.where(sc == m, io, jnp.int32(2 ** 30)), axis=0)
    mp = mp_r[...]
    mk_o[...] = mp[0] + mp[1]


def _k3(cls_parts, m_parts):
    bc = 4096
    g = _CELLS // bc
    bm = _MSKZ // g
    return pl.pallas_call(
        _k3_body,
        grid=(g,),
        in_specs=[
            pl.BlockSpec((2, _NCLS, bc), lambda i: (0, 0, i)),
            pl.BlockSpec((2, bm), lambda i: (0, i)),
        ],
        out_specs=[
            pl.BlockSpec((bc,), lambda i: (i,)),
            pl.BlockSpec((bm,), lambda i: (i,)),
        ],
        out_shape=[
            jax.ShapeDtypeStruct((_CELLS,), jnp.int32),
            jax.ShapeDtypeStruct((_MSKZ,), jnp.float32),
        ],
    )(cls_parts, m_parts)


def kernel(coords, feats, pseudo_class, boxes, transform,
           W_matte, b_matte, W_feat, b_feat):
    f32 = jnp.float32
    x2 = coords[:, 0].reshape(_ROWS, _COLS)
    y2 = coords[:, 1].reshape(_ROWS, _COLS)
    z2 = coords[:, 2].reshape(_ROWS, _COLS)
    w2 = jnp.concatenate(
        [W_matte.T.astype(f32), W_feat.T.astype(f32),
         jnp.zeros((4, _CIN), f32)], axis=0)
    pc = pseudo_class.astype(jnp.int32)

    xt2, yt2, as2, in2, mf, mm = _k1(
        transform.astype(f32), boxes.astype(f32),
        b_matte.astype(f32), b_feat.astype(f32), x2, y2, z2, feats, w2)
    xt = xt2.reshape(_N)
    yt = yt2.reshape(_N)
    asn = as2.reshape(_N)
    ins = in2.reshape(_N)

    hp = _k2a(asn, pc, ins).reshape(_NW, _NCLS, _NB, 16)
    bc, prm = _k2b(hp, mm)
    outc, outm = _k2c(xt, yt, asn, ins, mf, bc.reshape(_NB), prm.reshape(_NB))
    img_flat, masks_flat = _k3(outc.reshape(2, _NCLS, _CELLS), outm)
    return (masks_flat.reshape(_RES, _RES, 2),
            img_flat.reshape(_RES, _RES))

# --- scband reference (transcript-rebuilt; emitter-appended) ---
"""Pipeline reference for scband-projector-73194832658677 (READ-ONLY COPY).

The authoritative reference and input builder live on the scoring server;
editing this copy changes nothing except your own understanding.
"""

import jax, jax.numpy as jnp
import numpy as np

N = 131072
C_IN = 64
C_OUT = 2
RES = 256
NB = 16
NCLS = 20


def setup_inputs(seed: int = 0) -> dict:
    key = jax.random.key(seed)
    ks = jax.random.split(key, 8)
    coords = jax.random.uniform(ks[0], (N, 3), dtype=jnp.float32)
    feats = jax.random.normal(ks[1], (N, C_IN), dtype=jnp.float32)
    pseudo_class = jax.random.randint(ks[2], (N,), 0, NCLS)
    boxes = jax.random.uniform(ks[3], (NB, 6), dtype=jnp.float32)
    transform = jax.random.normal(ks[4], (4, 4), dtype=jnp.float32)
    W_matte = jax.random.normal(ks[5], (C_IN, C_OUT), dtype=jnp.float32) * 0.05
    b_matte = jnp.zeros((C_OUT,), dtype=jnp.float32)
    W_feat = jax.random.normal(ks[6], (C_IN, C_OUT), dtype=jnp.float32) * 0.05
    b_feat = jnp.zeros((C_OUT,), dtype=jnp.float32)
    return {"coords": coords, "feats": feats, "pseudo_class": pseudo_class,
            "boxes": boxes, "transform": transform,
            "W_matte": W_matte, "b_matte": b_matte,
            "W_feat": W_feat, "b_feat": b_feat}


def reference(coords, feats, pseudo_class, boxes, transform, W_matte, b_matte, W_feat, b_feat):
    # --- cropBox: rigid transform + assign each point to nearest box, inside test ---
    R3 = transform[:3, :3]
    t3 = transform[:3, 3]
    coords_t = coords @ R3.T + t3
    centers = boxes[:, :3]
    halves = jnp.abs(boxes[:, 3:]) + 1e-3
    d = jnp.linalg.norm(coords_t[:, None, :] - centers[None, :, :], axis=-1)  # [N, NB]
    assigned = jnp.argmin(d, axis=1)  # [N] box id per point
    c = centers[assigned]
    h = halves[assigned]
    inside = jnp.all(jnp.abs(coords_t - c) <= h, axis=-1).astype(jnp.float32)  # [N]
    # dominate class per box: scatter-add class histogram, argmax
    counts = jnp.zeros((NB, NCLS), dtype=jnp.float32).at[assigned, pseudo_class].add(inside)
    box_class = jnp.argmax(counts, axis=1)  # [NB]
    seg_cls = box_class[assigned]  # [N]
    # --- MattingModule: pointwise MLP producing matted features ---
    alpha = jax.nn.sigmoid(feats @ W_matte + b_matte)  # [N, C_OUT]
    seg_feats = (feats @ W_feat + b_feat) * alpha * inside[:, None]  # [N, C_OUT]
    # --- Voxelizer (view='HWZ'): project along Z onto HW grid via scatter-add ---
    lo = jnp.min(coords_t, axis=0)
    hi = jnp.max(coords_t, axis=0)
    norm = (coords_t - lo) / (hi - lo + 1e-6)
    ij = jnp.clip((norm[:, :2] * RES).astype(jnp.int32), 0, RES - 1)  # [N, 2]
    masks = jnp.zeros((RES, RES, C_OUT), dtype=jnp.float32).at[ij[:, 0], ij[:, 1]].add(seg_feats)
    cls_counts = jnp.zeros((RES, RES, NCLS), dtype=jnp.float32).at[ij[:, 0], ij[:, 1], seg_cls].add(inside)
    img_class = jnp.argmax(cls_counts, axis=-1)  # [RES, RES]
    return masks, img_class

if __name__ == "__main__":
    import jax
    _d = setup_inputs()
    print(jax.jit(kernel)(*tuple(_d.values())))

</pallas_src>

<mosaic_0001>
#map = affine_map<(d0, d1) -> (0)>
#map1 = affine_map<(d0, d1) -> (0, 0)>
module attributes {stable_mosaic.version = 14 : i64} {
  func.func @k(%arg0: i32, %arg1: i32, %arg2: memref<131072xf32, #tpu.memory_space<hbm>>, %arg3: memref<131072xf32, #tpu.memory_space<hbm>>, %arg4: memref<131072xi32, #tpu.memory_space<hbm>>, %arg5: memref<131072xf32, #tpu.memory_space<hbm>>, %arg6: memref<2x131072xf32, #tpu.memory_space<hbm>>, %arg7: memref<16xi32, #tpu.memory_space<hbm>>, %arg8: memref<16xf32, #tpu.memory_space<hbm>>, %arg9: memref<2x1310720xf32, #tpu.memory_space<hbm>>, %arg10: memref<2x131072xf32, #tpu.memory_space<hbm>>, %arg11: memref<2048xf32, #tpu.memory_space<vmem>>, %arg12: memref<2048xf32, #tpu.memory_space<vmem>>, %arg13: memref<2048xi32, #tpu.memory_space<vmem>>, %arg14: memref<2048xf32, #tpu.memory_space<vmem>>, %arg15: memref<2048xf32, #tpu.memory_space<vmem>>, %arg16: memref<2048xf32, #tpu.memory_space<vmem>>, %arg17: memref<16x128xi32, #tpu.memory_space<vmem>>, %arg18: memref<16x128xf32, #tpu.memory_space<vmem>>, %arg19: memref<16x128xi32, #tpu.memory_space<vmem>>, %arg20: memref<16x128xf32, #tpu.memory_space<vmem>>, %arg21: memref<16x128xi32, #tpu.memory_space<vmem>>, %arg22: memref<16x128xf32, #tpu.memory_space<vmem>>, %arg23: memref<16xi32, #tpu.memory_space<vmem>>, %arg24: memref<16xf32, #tpu.memory_space<vmem>>, %arg25: memref<8192xf32, #tpu.memory_space<vmem>>, %arg26: memref<1310720xf32, #tpu.memory_space<vmem_shared>>, %arg27: memref<131072xf32, #tpu.memory_space<vmem_shared>>) attributes {dimension_semantics = [#tpu.dimension_semantics<core_parallel>, #tpu.dimension_semantics<subcore_parallel>], iteration_bounds = array<i64: 2, 16>, scalar_prefetch = 0 : i64, scratch_operands = 17 : i64, tpu.core_type = #tpu.core_type<sc_vector_subcore>, window_params = [{transform_indices = #map}, {transform_indices = #map}, {transform_indices = #map}, {transform_indices = #map}, {transform_indices = #map1}, {transform_indices = #map}, {transform_indices = #map}, {transform_indices = #map1}, {transform_indices = #map1}]} {
    %mul3A = arith.constant 2 : i32
    %mul3A_0 = arith.muli %arg1, %mul3A : i32
    %add3A = arith.addi %mul3A_0, %arg0 : i32
    "tpu.region"() ({
      %run_scoped3A_102 = tpu.sem_alloc : memref<!tpu.dma_semaphore, #tpu.memory_space<semaphore_mem>>
      tpu.enqueue_dma source(%arg7 : memref<16xi32, #tpu.memory_space<hbm>>) target(%arg23 : memref<16xi32, #tpu.memory_space<vmem>>) target_semaphore(%run_scoped3A_102 : memref<!tpu.dma_semaphore, #tpu.memory_space<semaphore_mem>>)
      tpu.wait_dma2 semaphore(%run_scoped3A_102 : memref<!tpu.dma_semaphore, #tpu.memory_space<semaphore_mem>>) src(%arg7 : memref<16xi32, #tpu.memory_space<hbm>>) dst(%arg23 : memref<16xi32, #tpu.memory_space<vmem>>)
      tpu.yield
    }) : () -> ()
    "tpu.region"() ({
      %run_scoped3A_102 = tpu.sem_alloc : memref<!tpu.dma_semaphore, #tpu.memory_space<semaphore_mem>>
      tpu.enqueue_dma source(%arg8 : memref<16xf32, #tpu.memory_space<hbm>>) target(%arg24 : memref<16xf32, #tpu.memory_space<vmem>>) target_semaphore(%run_scoped3A_102 : memref<!tpu.dma_semaphore, #tpu.memory_space<semaphore_mem>>)
      tpu.wait_dma2 semaphore(%run_scoped3A_102 : memref<!tpu.dma_semaphore, #tpu.memory_space<semaphore_mem>>) src(%arg8 : memref<16xf32, #tpu.memory_space<hbm>>) dst(%arg24 : memref<16xf32, #tpu.memory_space<vmem>>)
      tpu.yield
    }) : () -> ()
    %get3A = arith.constant 0 : index
    %get3A_1 = tpu.vector_load %arg24[%get3A] {strides = array<i32>} : memref<16xf32, #tpu.memory_space<vmem>>, vector<16xf32>,
    %slice3A = vector.extract_strided_slice %get3A_1 {offsets = [0], sizes = [1], strides = [1]} : vector<16xf32> to vector<1xf32>
    %squeeze3A = vector.extract %slice3A[0] : f32 from vector<1xf32>
    %slice3A_2 = vector.extract_strided_slice %get3A_1 {offsets = [1], sizes = [1], strides = [1]} : vector<16xf32> to vector<1xf32>
    %squeeze3A_3 = vector.extract %slice3A_2[0] : f32 from vector<1xf32>
    %slice3A_4 = vector.extract_strided_slice %get3A_1 {offsets = [2], sizes = [1], strides = [1]} : vector<16xf32> to vector<1xf32>
    %squeeze3A_5 = vector.extract %slice3A_4[0] : f32 from vector<1xf32>
    %slice3A_6 = vector.extract_strided_slice %get3A_1 {offsets = [3], sizes = [1], strides = [1]} : vector<16xf32> to vector<1xf32>
    %squeeze3A_7 = vector.extract %slice3A_6[0] : f32 from vector<1xf32>
    %scan3A = arith.constant 0 : i32
    %scan3A_8 = arith.constant 0 : i32
    %scan3A_9 = arith.constant 512 : i32
    %scan3A_10 = arith.addi %scan3A_8, %scan3A_9 : i32
    %scan3A_11 = arith.constant 1 : i32
    %scan3A_12 = scf.for %scan3A_102 = %scan3A_8 to %scan3A_10 step %scan3A_11 iter_args(%scan3A_103 = %scan3A) -> (i32)  : i32 {
      %broadcast_in_dim3A = arith.constant 0.000000e+00 : f32
      %broadcast_in_dim3A_104 = vector.broadcast %broadcast_in_dim3A : f32 to vector<16xf32>
      %mul3A_105 = arith.constant 16 : i32
      %mul3A_106 = arith.muli %scan3A_102, %mul3A_105 : i32
      %swap3A = arith.index_cast %mul3A_106 : i32 to index
      %swap3A_107 = tpu.vector_load %arg25[%swap3A] {strides = array<i32>} : memref<8192xf32, #tpu.memory_space<vmem>>, vector<16xf32>,
      tpu.vector_store %arg25[%swap3A], %broadcast_in_dim3A_104 {strides = array<i32>} : memref<8192xf32, #tpu.memory_space<vmem>>, vector<16xf32>,
      %scan3A_108 = arith.constant 0 : i32
      scf.yield %scan3A_108 : i32
    }
    %scan3A_13 = arith.constant 512 : i32
    %mul3A_14 = arith.constant 81920 : i32
    %mul3A_15 = arith.muli %arg1, %mul3A_14 : i32
    %add3A_16 = arith.constant 0 : i32
    %add3A_17 = arith.addi %mul3A_15, %add3A_16 : i32
    "tpu.region"() ({
      %run_scoped3A_102 = tpu.sem_alloc : memref<!tpu.dma_semaphore, #tpu.memory_space<semaphore_mem>>
      %dma_start3A = tpu.memref_slice %arg26[%add3A_17] : memref<1310720xf32, #tpu.memory_space<vmem_shared>> -> memref<8192xf32, #tpu.memory_space<vmem_shared>>
      %dma_start3A_103 = tpu.memref_slice %arg26[%add3A_17] : memref<1310720xf32, #tpu.memory_space<vmem_shared>> -> memref<8192xf32, #tpu.memory_space<vmem_shared>>
      tpu.enqueue_dma source(%arg25 : memref<8192xf32, #tpu.memory_space<vmem>>) target(%dma_start3A_103 : memref<8192xf32, #tpu.memory_space<vmem_shared>>) target_semaphore(%run_scoped3A_102 : memref<!tpu.dma_semaphore, #tpu.memory_space<semaphore_mem>>)
      %dma_wait3A = tpu.memref_slice %arg26[%add3A_17] : memref<1310720xf32, #tpu.memory_space<vmem_shared>> -> memref<8192xf32, #tpu.memory_space<vmem_shared>>
      %dma_wait3A_104 = tpu.memref_slice %arg26[%add3A_17] : memref<1310720xf32, #tpu.memory_space<vmem_shared>> -> memref<8192xf32, #tpu.memory_space<vmem_shared>>
      tpu.wait_dma2 semaphore(%run_scoped3A_102 : memref<!tpu.dma_semaphore, #tpu.memory_space<semaphore_mem>>) src(%arg25 : memref<8192xf32, #tpu.memory_space<vmem>>) dst(%dma_wait3A_104 : memref<8192xf32, #tpu.memory_space<vmem_shared>>)
      tpu.yield
    }) : () -> ()
    %mul3A_18 = arith.constant 81920 : i32
    %mul3A_19 = arith.muli %arg1, %mul3A_18 : i32
    %add3A_20 = arith.constant 8192 : i32
    %add3A_21 = arith.addi %mul3A_19, %add3A_20 : i32
    "tpu.region"() ({
      %run_scoped3A_102 = tpu.sem_alloc : memref<!tpu.dma_semaphore, #tpu.memory_space<semaphore_mem>>
      %dma_start3A = tpu.memref_slice %arg26[%add3A_21] : memref<1310720xf32, #tpu.memory_space<vmem_shared>> -> memref<8192xf32, #tpu.memory_space<vmem_shared>>
      %dma_start3A_103 = tpu.memref_slice %arg26[%add3A_21] : memref<1310720xf32, #tpu.memory_space<vmem_shared>> -> memref<8192xf32, #tpu.memory_space<vmem_shared>>
      tpu.enqueue_dma source(%arg25 : memref<8192xf32, #tpu.memory_space<vmem>>) target(%dma_start3A_103 : memref<8192xf32, #tpu.memory_space<vmem_shared>>) target_semaphore(%run_scoped3A_102 : memref<!tpu.dma_semaphore, #tpu.memory_space<semaphore_mem>>)
      %dma_wait3A = tpu.memref_slice %arg26[%add3A_21] : memref<1310720xf32, #tpu.memory_space<vmem_shared>> -> memref<8192xf32, #tpu.memory_space<vmem_shared>>
      %dma_wait3A_104 = tpu.memref_slice %arg26[%add3A_21] : memref<1310720xf32, #tpu.memory_space<vmem_shared>> -> memref<8192xf32, #tpu.memory_space<vmem_shared>>
      tpu.wait_dma2 semaphore(%run_scoped3A_102 : memref<!tpu.dma_semaphore, #tpu.memory_space<semaphore_mem>>) src(%arg25 : memref<8192xf32, #tpu.memory_space<vmem>>) dst(%dma_wait3A_104 : memref<8192xf32, #tpu.memory_space<vmem_shared>>)
      tpu.yield
    }) : () -> ()
    %mul3A_22 = arith.constant 81920 : i32
    %mul3A_23 = arith.muli %arg1, %mul3A_22 : i32
    %add3A_24 = arith.constant 16384 : i32
    %add3A_25 = arith.addi %mul3A_23, %add3A_24 : i32
    "tpu.region"() ({
      %run_scoped3A_102 = tpu.sem_alloc : memref<!tpu.dma_semaphore, #tpu.memory_space<semaphore_mem>>
      %dma_start3A = tpu.memref_slice %arg26[%add3A_25] : memref<1310720xf32, #tpu.memory_space<vmem_shared>> -> memref<8192xf32, #tpu.memory_space<vmem_shared>>
      %dma_start3A_103 = tpu.memref_slice %arg26[%add3A_25] : memref<1310720xf32, #tpu.memory_space<vmem_shared>> -> memref<8192xf32, #tpu.memory_space<vmem_shared>>
      tpu.enqueue_dma source(%arg25 : memref<8192xf32, #tpu.memory_space<vmem>>) target(%dma_start3A_103 : memref<8192xf32, #tpu.memory_space<vmem_shared>>) target_semaphore(%run_scoped3A_102 : memref<!tpu.dma_semaphore, #tpu.memory_space<semaphore_mem>>)
      %dma_wait3A = tpu.memref_slice %arg26[%add3A_25] : memref<1310720xf32, #tpu.memory_space<vmem_shared>> -> memref<8192xf32, #tpu.memory_space<vmem_shared>>
      %dma_wait3A_104 = tpu.memref_slice %arg26[%add3A_25] : memref<1310720xf32, #tpu.memory_space<vmem_shared>> -> memref<8192xf32, #tpu.memory_space<vmem_shared>>
      tpu.wait_dma2 semaphore(%run_scoped3A_102 : memref<!tpu.dma_semaphore, #tpu.memory_space<semaphore_mem>>) src(%arg25 : memref<8192xf32, #tpu.memory_space<vmem>>) dst(%dma_wait3A_104 : memref<8192xf32, #tpu.memory_space<vmem_shared>>)
      tpu.yield
    }) : () -> ()
    %mul3A_26 = arith.constant 81920 : i32
    %mul3A_27 = arith.muli %arg1, %mul3A_26 : i32
    %add3A_28 = arith.constant 24576 : i32
    %add3A_29 = arith.addi %mul3A_27, %add3A_28 : i32
    "tpu.region"() ({
      %run_scoped3A_102 = tpu.sem_alloc : memref<!tpu.dma_semaphore, #tpu.memory_space<semaphore_mem>>
      %dma_start3A = tpu.memref_slice %arg26[%add3A_29] : memref<1310720xf32, #tpu.memory_space<vmem_shared>> -> memref<8192xf32, #tpu.memory_space<vmem_shared>>
      %dma_start3A_103 = tpu.memref_slice %arg26[%add3A_29] : memref<1310720xf32, #tpu.memory_space<vmem_shared>> -> memref<8192xf32, #tpu.memory_space<vmem_shared>>
      tpu.enqueue_dma source(%arg25 : memref<8192xf32, #tpu.memory_space<vmem>>) target(%dma_start3A_103 : memref<8192xf32, #tpu.memory_space<vmem_shared>>) target_semaphore(%run_scoped3A_102 : memref<!tpu.dma_semaphore, #tpu.memory_space<semaphore_mem>>)
      %dma_wait3A = tpu.memref_slice %arg26[%add3A_29] : memref<1310720xf32, #tpu.memory_space<vmem_shared>> -> memref<8192xf32, #tpu.memory_space<vmem_shared>>
      %dma_wait3A_104 = tpu.memref_slice %arg26[%add3A_29] : memref<1310720xf32, #tpu.memory_space<vmem_shared>> -> memref<8192xf32, #tpu.memory_space<vmem_shared>>
      tpu.wait_dma2 semaphore(%run_scoped3A_102 : memref<!tpu.dma_semaphore, #tpu.memory_space<semaphore_mem>>) src(%arg25 : memref<8192xf32, #tpu.memory_space<vmem>>) dst(%dma_wait3A_104 : memref<8192xf32, #tpu.memory_space<vmem_shared>>)
      tpu.yield
    }) : () -> ()
    %mul3A_30 = arith.constant 81920 : i32
    %mul3A_31 = arith.muli %arg1, %mul3A_30 : i32
    %add3A_32 = arith.constant 32768 : i32
    %add3A_33 = arith.addi %mul3A_31, %add3A_32 : i32
    "tpu.region"() ({
      %run_scoped3A_102 = tpu.sem_alloc : memref<!tpu.dma_semaphore, #tpu.memory_space<semaphore_mem>>
      %dma_start3A = tpu.memref_slice %arg26[%add3A_33] : memref<1310720xf32, #tpu.memory_space<vmem_shared>> -> memref<8192xf32, #tpu.memory_space<vmem_shared>>
      %dma_start3A_103 = tpu.memref_slice %arg26[%add3A_33] : memref<1310720xf32, #tpu.memory_space<vmem_shared>> -> memref<8192xf32, #tpu.memory_space<vmem_shared>>
      tpu.enqueue_dma source(%arg25 : memref<8192xf32, #tpu.memory_space<vmem>>) target(%dma_start3A_103 : memref<8192xf32, #tpu.memory_space<vmem_shared>>) target_semaphore(%run_scoped3A_102 : memref<!tpu.dma_semaphore, #tpu.memory_space<semaphore_mem>>)
      %dma_wait3A = tpu.memref_slice %arg26[%add3A_33] : memref<1310720xf32, #tpu.memory_space<vmem_shared>> -> memref<8192xf32, #tpu.memory_space<vmem_shared>>
      %dma_wait3A_104 = tpu.memref_slice %arg26[%add3A_33] : memref<1310720xf32, #tpu.memory_space<vmem_shared>> -> memref<8192xf32, #tpu.memory_space<vmem_shared>>
      tpu.wait_dma2 semaphore(%run_scoped3A_102 : memref<!tpu.dma_semaphore, #tpu.memory_space<semaphore_mem>>) src(%arg25 : memref<8192xf32, #tpu.memory_space<vmem>>) dst(%dma_wait3A_104 : memref<8192xf32, #tpu.memory_space<vmem_shared>>)
      tpu.yield
    }) : () -> ()
    %mul3A_34 = arith.constant 81920 : i32
    %mul3A_35 = arith.muli %arg1, %mul3A_34 : i32
    %add3A_36 = arith.constant 40960 : i32
    %add3A_37 = arith.addi %mul3A_35, %add3A_36 : i32
    "tpu.region"() ({
      %run_scoped3A_102 = tpu.sem_alloc : memref<!tpu.dma_semaphore, #tpu.memory_space<semaphore_mem>>
      %dma_start3A = tpu.memref_slice %arg26[%add3A_37] : memref<1310720xf32, #tpu.memory_space<vmem_shared>> -> memref<8192xf32, #tpu.memory_space<vmem_shared>>
      %dma_start3A_103 = tpu.memref_slice %arg26[%add3A_37] : memref<1310720xf32, #tpu.memory_space<vmem_shared>> -> memref<8192xf32, #tpu.memory_space<vmem_shared>>
      tpu.enqueue_dma source(%arg25 : memref<8192xf32, #tpu.memory_space<vmem>>) target(%dma_start3A_103 : memref<8192xf32, #tpu.memory_space<vmem_shared>>) target_semaphore(%run_scoped3A_102 : memref<!tpu.dma_semaphore, #tpu.memory_space<semaphore_mem>>)
      %dma_wait3A = tpu.memref_slice %arg26[%add3A_37] : memref<1310720xf32, #tpu.memory_space<vmem_shared>> -> memref<8192xf32, #tpu.memory_space<vmem_shared>>
      %dma_wait3A_104 = tpu.memref_slice %arg26[%add3A_37] : memref<1310720xf32, #tpu.memory_space<vmem_shared>> -> memref<8192xf32, #tpu.memory_space<vmem_shared>>
      tpu.wait_dma2 semaphore(%run_scoped3A_102 : memref<!tpu.dma_semaphore, #tpu.memory_space<semaphore_mem>>) src(%arg25 : memref<8192xf32, #tpu.memory_space<vmem>>) dst(%dma_wait3A_104 : memref<8192xf32, #tpu.memory_space<vmem_shared>>)
      tpu.yield
    }) : () -> ()
    %mul3A_38 = arith.constant 81920 : i32
    %mul3A_39 = arith.muli %arg1, %mul3A_38 : i32
    %add3A_40 = arith.constant 49152 : i32
    %add3A_41 = arith.addi %mul3A_39, %add3A_40 : i32
    "tpu.region"() ({
      %run_scoped3A_102 = tpu.sem_alloc : memref<!tpu.dma_semaphore, #tpu.memory_space<semaphore_mem>>
      %dma_start3A = tpu.memref_slice %arg26[%add3A_41] : memref<1310720xf32, #tpu.memory_space<vmem_shared>> -> memref<8192xf32, #tpu.memory_space<vmem_shared>>
      %dma_start3A_103 = tpu.memref_slice %arg26[%add3A_41] : memref<1310720xf32, #tpu.memory_space<vmem_shared>> -> memref<8192xf32, #tpu.memory_space<vmem_shared>>
      tpu.enqueue_dma source(%arg25 : memref<8192xf32, #tpu.memory_space<vmem>>) target(%dma_start3A_103 : memref<8192xf32, #tpu.memory_space<vmem_shared>>) target_semaphore(%run_scoped3A_102 : memref<!tpu.dma_semaphore, #tpu.memory_space<semaphore_mem>>)
      %dma_wait3A = tpu.memref_slice %arg26[%add3A_41] : memref<1310720xf32, #tpu.memory_space<vmem_shared>> -> memref<8192xf32, #tpu.memory_space<vmem_shared>>
      %dma_wait3A_104 = tpu.memref_slice %arg26[%add3A_41] : memref<1310720xf32, #tpu.memory_space<vmem_shared>> -> memref<8192xf32, #tpu.memory_space<vmem_shared>>
      tpu.wait_dma2 semaphore(%run_scoped3A_102 : memref<!tpu.dma_semaphore, #tpu.memory_space<semaphore_mem>>) src(%arg25 : memref<8192xf32, #tpu.memory_space<vmem>>) dst(%dma_wait3A_104 : memref<8192xf32, #tpu.memory_space<vmem_shared>>)
      tpu.yield
    }) : () -> ()
    %mul3A_42 = arith.constant 81920 : i32
    %mul3A_43 = arith.muli %arg1, %mul3A_42 : i32
    %add3A_44 = arith.constant 57344 : i32
    %add3A_45 = arith.addi %mul3A_43, %add3A_44 : i32
    "tpu.region"() ({
      %run_scoped3A_102 = tpu.sem_alloc : memref<!tpu.dma_semaphore, #tpu.memory_space<semaphore_mem>>
      %dma_start3A = tpu.memref_slice %arg26[%add3A_45] : memref<1310720xf32, #tpu.memory_space<vmem_shared>> -> memref<8192xf32, #tpu.memory_space<vmem_shared>>
      %dma_start3A_103 = tpu.memref_slice %arg26[%add3A_45] : memref<1310720xf32, #tpu.memory_space<vmem_shared>> -> memref<8192xf32, #tpu.memory_space<vmem_shared>>
      tpu.enqueue_dma source(%arg25 : memref<8192xf32, #tpu.memory_space<vmem>>) target(%dma_start3A_103 : memref<8192xf32, #tpu.memory_space<vmem_shared>>) target_semaphore(%run_scoped3A_102 : memref<!tpu.dma_semaphore, #tpu.memory_space<semaphore_mem>>)
      %dma_wait3A = tpu.memref_slice %arg26[%add3A_45] : memref<1310720xf32, #tpu.memory_space<vmem_shared>> -> memref<8192xf32, #tpu.memory_space<vmem_shared>>
      %dma_wait3A_104 = tpu.memref_slice %arg26[%add3A_45] : memref<1310720xf32, #tpu.memory_space<vmem_shared>> -> memref<8192xf32, #tpu.memory_space<vmem_shared>>
      tpu.wait_dma2 semaphore(%run_scoped3A_102 : memref<!tpu.dma_semaphore, #tpu.memory_space<semaphore_mem>>) src(%arg25 : memref<8192xf32, #tpu.memory_space<vmem>>) dst(%dma_wait3A_104 : memref<8192xf32, #tpu.memory_space<vmem_shared>>)
      tpu.yield
    }) : () -> ()
    %mul3A_46 = arith.constant 81920 : i32
    %mul3A_47 = arith.muli %arg1, %mul3A_46 : i32
    %add3A_48 = arith.constant 65536 : i32
    %add3A_49 = arith.addi %mul3A_47, %add3A_48 : i32
    "tpu.region"() ({
      %run_scoped3A_102 = tpu.sem_alloc : memref<!tpu.dma_semaphore, #tpu.memory_space<semaphore_mem>>
      %dma_start3A = tpu.memref_slice %arg26[%add3A_49] : memref<1310720xf32, #tpu.memory_space<vmem_shared>> -> memref<8192xf32, #tpu.memory_space<vmem_shared>>
      %dma_start3A_103 = tpu.memref_slice %arg26[%add3A_49] : memref<1310720xf32, #tpu.memory_space<vmem_shared>> -> memref<8192xf32, #tpu.memory_space<vmem_shared>>
      tpu.enqueue_dma source(%arg25 : memref<8192xf32, #tpu.memory_space<vmem>>) target(%dma_start3A_103 : memref<8192xf32, #tpu.memory_space<vmem_shared>>) target_semaphore(%run_scoped3A_102 : memref<!tpu.dma_semaphore, #tpu.memory_space<semaphore_mem>>)
      %dma_wait3A = tpu.memref_slice %arg26[%add3A_49] : memref<1310720xf32, #tpu.memory_space<vmem_shared>> -> memref<8192xf32, #tpu.memory_space<vmem_shared>>
      %dma_wait3A_104 = tpu.memref_slice %arg26[%add3A_49] : memref<1310720xf32, #tpu.memory_space<vmem_shared>> -> memref<8192xf32, #tpu.memory_space<vmem_shared>>
      tpu.wait_dma2 semaphore(%run_scoped3A_102 : memref<!tpu.dma_semaphore, #tpu.memory_space<semaphore_mem>>) src(%arg25 : memref<8192xf32, #tpu.memory_space<vmem>>) dst(%dma_wait3A_104 : memref<8192xf32, #tpu.memory_space<vmem_shared>>)
      tpu.yield
    }) : () -> ()
    %mul3A_50 = arith.constant 81920 : i32
    %mul3A_51 = arith.muli %arg1, %mul3A_50 : i32
    %add3A_52 = arith.constant 73728 : i32
    %add3A_53 = arith.addi %mul3A_51, %add3A_52 : i32
    "tpu.region"() ({
      %run_scoped3A_102 = tpu.sem_alloc : memref<!tpu.dma_semaphore, #tpu.memory_space<semaphore_mem>>
      %dma_start3A = tpu.memref_slice %arg26[%add3A_53] : memref<1310720xf32, #tpu.memory_space<vmem_shared>> -> memref<8192xf32, #tpu.memory_space<vmem_shared>>
      %dma_start3A_103 = tpu.memref_slice %arg26[%add3A_53] : memref<1310720xf32, #tpu.memory_space<vmem_shared>> -> memref<8192xf32, #tpu.memory_space<vmem_shared>>
      tpu.enqueue_dma source(%arg25 : memref<8192xf32, #tpu.memory_space<vmem>>) target(%dma_start3A_103 : memref<8192xf32, #tpu.memory_space<vmem_shared>>) target_semaphore(%run_scoped3A_102 : memref<!tpu.dma_semaphore, #tpu.memory_space<semaphore_mem>>)
      %dma_wait3A = tpu.memref_slice %arg26[%add3A_53] : memref<1310720xf32, #tpu.memory_space<vmem_shared>> -> memref<8192xf32, #tpu.memory_space<vmem_shared>>
      %dma_wait3A_104 = tpu.memref_slice %arg26[%add3A_53] : memref<1310720xf32, #tpu.memory_space<vmem_shared>> -> memref<8192xf32, #tpu.memory_space<vmem_shared>>
      tpu.wait_dma2 semaphore(%run_scoped3A_102 : memref<!tpu.dma_semaphore, #tpu.memory_space<semaphore_mem>>) src(%arg25 : memref<8192xf32, #tpu.memory_space<vmem>>) dst(%dma_wait3A_104 : memref<8192xf32, #tpu.memory_space<vmem_shared>>)
      tpu.yield
    }) : () -> ()
    %mul3A_54 = arith.constant 8192 : i32
    %mul3A_55 = arith.muli %arg1, %mul3A_54 : i32
    "tpu.region"() ({
      %run_scoped3A_102 = tpu.sem_alloc : memref<!tpu.dma_semaphore, #tpu.memory_space<semaphore_mem>>
      %dma_start3A = tpu.memref_slice %arg27[%mul3A_55] : memref<131072xf32, #tpu.memory_space<vmem_shared>> -> memref<8192xf32, #tpu.memory_space<vmem_shared>>
      %dma_start3A_103 = tpu.memref_slice %arg27[%mul3A_55] : memref<131072xf32, #tpu.memory_space<vmem_shared>> -> memref<8192xf32, #tpu.memory_space<vmem_shared>>
      tpu.enqueue_dma source(%arg25 : memref<8192xf32, #tpu.memory_space<vmem>>) target(%dma_start3A_103 : memref<8192xf32, #tpu.memory_space<vmem_shared>>) target_semaphore(%run_scoped3A_102 : memref<!tpu.dma_semaphore, #tpu.memory_space<semaphore_mem>>)
      %dma_wait3A = tpu.memref_slice %arg27[%mul3A_55] : memref<131072xf32, #tpu.memory_space<vmem_shared>> -> memref<8192xf32, #tpu.memory_space<vmem_shared>>
      %dma_wait3A_104 = tpu.memref_slice %arg27[%mul3A_55] : memref<131072xf32, #tpu.memory_space<vmem_shared>> -> memref<8192xf32, #tpu.memory_space<vmem_shared>>
      tpu.wait_dma2 semaphore(%run_scoped3A_102 : memref<!tpu.dma_semaphore, #tpu.memory_space<semaphore_mem>>) src(%arg25 : memref<8192xf32, #tpu.memory_space<vmem>>) dst(%dma_wait3A_104 : memref<8192xf32, #tpu.memory_space<vmem_shared>>)
      tpu.yield
    }) : () -> ()
    %barrier3A = arith.constant 0 : index
    tpu.barrier barrier_id(%barrier3A)
    %mul3A_56 = arith.constant 4096 : i32
    %mul3A_57 = arith.muli %add3A, %mul3A_56 : i32
    %add3A_58 = arith.constant 0 : i32
    %add3A_59 = arith.addi %mul3A_57, %add3A_58 : i32
    "tpu.region"() ({
      %run_scoped3A_102 = tpu.sem_alloc : memref<!tpu.dma_semaphore, #tpu.memory_space<semaphore_mem>>
      %dma_start3A = tpu.memref_slice %arg2[%add3A_59] : memref<131072xf32, #tpu.memory_space<hbm>> -> memref<2048xf32, #tpu.memory_space<hbm>>
      %dma_start3A_103 = tpu.memref_slice %arg2[%add3A_59] : memref<131072xf32, #tpu.memory_space<hbm>> -> memref<2048xf32, #tpu.memory_space<hbm>>
      tpu.enqueue_dma source(%dma_start3A_103 : memref<2048xf32, #tpu.memory_space<hbm>>) target(%arg11 : memref<2048xf32, #tpu.memory_space<vmem>>) target_semaphore(%run_scoped3A_102 : memref<!tpu.dma_semaphore, #tpu.memory_space<semaphore_mem>>)
      %dma_wait3A = tpu.memref_slice %arg2[%add3A_59] : memref<131072xf32, #tpu.memory_space<hbm>> -> memref<2048xf32, #tpu.memory_space<hbm>>
      %dma_wait3A_104 = tpu.memref_slice %arg2[%add3A_59] : memref<131072xf32, #tpu.memory_space<hbm>> -> memref<2048xf32, #tpu.memory_space<hbm>>
      tpu.wait_dma2 semaphore(%run_scoped3A_102 : memref<!tpu.dma_semaphore, #tpu.memory_space<semaphore_mem>>) src(%dma_wait3A_104 : memref<2048xf32, #tpu.memory_space<hbm>>) dst(%arg11 : memref<2048xf32, #tpu.memory_space<vmem>>)
      tpu.yield
    }) : () -> ()
    "tpu.region"() ({
      %run_scoped3A_102 = tpu.sem_alloc : memref<!tpu.dma_semaphore, #tpu.memory_space<semaphore_mem>>
      %dma_start3A = tpu.memref_slice %arg3[%add3A_59] : memref<131072xf32, #tpu.memory_space<hbm>> -> memref<2048xf32, #tpu.memory_space<hbm>>
      %dma_start3A_103 = tpu.memref_slice %arg3[%add3A_59] : memref<131072xf32, #tpu.memory_space<hbm>> -> memref<2048xf32, #tpu.memory_space<hbm>>
      tpu.enqueue_dma source(%dma_start3A_103 : memref<2048xf32, #tpu.memory_space<hbm>>) target(%arg12 : memref<2048xf32, #tpu.memory_space<vmem>>) target_semaphore(%run_scoped3A_102 : memref<!tpu.dma_semaphore, #tpu.memory_space<semaphore_mem>>)
      %dma_wait3A = tpu.memref_slice %arg3[%add3A_59] : memref<131072xf32, #tpu.memory_space<hbm>> -> memref<2048xf32, #tpu.memory_space<hbm>>
      %dma_wait3A_104 = tpu.memref_slice %arg3[%add3A_59] : memref<131072xf32, #tpu.memory_space<hbm>> -> memref<2048xf32, #tpu.memory_space<hbm>>
      tpu.wait_dma2 semaphore(%run_scoped3A_102 : memref<!tpu.dma_semaphore, #tpu.memory_space<semaphore_mem>>) src(%dma_wait3A_104 : memref<2048xf32, #tpu.memory_space<hbm>>) dst(%arg12 : memref<2048xf32, #tpu.memory_space<vmem>>)
      tpu.yield
    }) : () -> ()
    "tpu.region"() ({
      %run_scoped3A_102 = tpu.sem_alloc : memref<!tpu.dma_semaphore, #tpu.memory_space<semaphore_mem>>
      %dma_start3A = tpu.memref_slice %arg4[%add3A_59] : memref<131072xi32, #tpu.memory_space<hbm>> -> memref<2048xi32, #tpu.memory_space<hbm>>
      %dma_start3A_103 = tpu.memref_slice %arg4[%add3A_59] : memref<131072xi32, #tpu.memory_space<hbm>> -> memref<2048xi32, #tpu.memory_space<hbm>>
      tpu.enqueue_dma source(%dma_start3A_103 : memref<2048xi32, #tpu.memory_space<hbm>>) target(%arg13 : memref<2048xi32, #tpu.memory_space<vmem>>) target_semaphore(%run_scoped3A_102 : memref<!tpu.dma_semaphore, #tpu.memory_space<semaphore_mem>>)
      %dma_wait3A = tpu.memref_slice %arg4[%add3A_59] : memref<131072xi32, #tpu.memory_space<hbm>> -> memref<2048xi32, #tpu.memory_space<hbm>>
      %dma_wait3A_104 = tpu.memref_slice %arg4[%add3A_59] : memref<131072xi32, #tpu.memory_space<hbm>> -> memref<2048xi32, #tpu.memory_space<hbm>>
      tpu.wait_dma2 semaphore(%run_scoped3A_102 : memref<!tpu.dma_semaphore, #tpu.memory_space<semaphore_mem>>) src(%dma_wait3A_104 : memref<2048xi32, #tpu.memory_space<hbm>>) dst(%arg13 : memref<2048xi32, #tpu.memory_space<vmem>>)
      tpu.yield
    }) : () -> ()
    "tpu.region"() ({
      %run_scoped3A_102 = tpu.sem_alloc : memref<!tpu.dma_semaphore, #tpu.memory_space<semaphore_mem>>
      %dma_start3A = tpu.memref_slice %arg5[%add3A_59] : memref<131072xf32, #tpu.memory_space<hbm>> -> memref<2048xf32, #tpu.memory_space<hbm>>
      %dma_start3A_103 = tpu.memref_slice %arg5[%add3A_59] : memref<131072xf32, #tpu.memory_space<hbm>> -> memref<2048xf32, #tpu.memory_space<hbm>>
      tpu.enqueue_dma source(%dma_start3A_103 : memref<2048xf32, #tpu.memory_space<hbm>>) target(%arg14 : memref<2048xf32, #tpu.memory_space<vmem>>) target_semaphore(%run_scoped3A_102 : memref<!tpu.dma_semaphore, #tpu.memory_space<semaphore_mem>>)
      %dma_wait3A = tpu.memref_slice %arg5[%add3A_59] : memref<131072xf32, #tpu.memory_space<hbm>> -> memref<2048xf32, #tpu.memory_space<hbm>>
      %dma_wait3A_104 = tpu.memref_slice %arg5[%add3A_59] : memref<131072xf32, #tpu.memory_space<hbm>> -> memref<2048xf32, #tpu.memory_space<hbm>>
      tpu.wait_dma2 semaphore(%run_scoped3A_102 : memref<!tpu.dma_semaphore, #tpu.memory_space<semaphore_mem>>) src(%dma_wait3A_104 : memref<2048xf32, #tpu.memory_space<hbm>>) dst(%arg14 : memref<2048xf32, #tpu.memory_space<vmem>>)
      tpu.yield
    }) : () -> ()
    %run_scoped3A = arith.constant 0 : i32
    "tpu.region"() ({
      %run_scoped3A_102 = tpu.sem_alloc : memref<!tpu.dma_semaphore, #tpu.memory_space<semaphore_mem>>
      %dma_start3A = tpu.memref_slice %arg6[%run_scoped3A, %add3A_59] : memref<2x131072xf32, #tpu.memory_space<hbm>> -> memref<1x2048xf32, #tpu.memory_space<hbm>>
      %dma_start3A_103 = tpu.memref_squeeze %dma_start3A : memref<1x2048xf32, #tpu.memory_space<hbm>> -> memref<2048xf32, #tpu.memory_space<hbm>>
      %dma_start3A_104 = tpu.memref_slice %arg6[%run_scoped3A, %add3A_59] : memref<2x131072xf32, #tpu.memory_space<hbm>> -> memref<1x2048xf32, #tpu.memory_space<hbm>>
      %dma_start3A_105 = tpu.memref_squeeze %dma_start3A_104 : memref<1x2048xf32, #tpu.memory_space<hbm>> -> memref<2048xf32, #tpu.memory_space<hbm>>
      tpu.enqueue_dma source(%dma_start3A_105 : memref<2048xf32, #tpu.memory_space<hbm>>) target(%arg15 : memref<2048xf32, #tpu.memory_space<vmem>>) target_semaphore(%run_scoped3A_102 : memref<!tpu.dma_semaphore, #tpu.memory_space<semaphore_mem>>)
      %dma_wait3A = tpu.memref_slice %arg6[%run_scoped3A, %add3A_59] : memref<2x131072xf32, #tpu.memory_space<hbm>> -> memref<1x2048xf32, #tpu.memory_space<hbm>>
      %dma_wait3A_106 = tpu.memref_squeeze %dma_wait3A : memref<1x2048xf32, #tpu.memory_space<hbm>> -> memref<2048xf32, #tpu.memory_space<hbm>>
      %dma_wait3A_107 = tpu.memref_slice %arg6[%run_scoped3A, %add3A_59] : memref<2x131072xf32, #tpu.memory_space<hbm>> -> memref<1x2048xf32, #tpu.memory_space<hbm>>
      %dma_wait3A_108 = tpu.memref_squeeze %dma_wait3A_107 : memref<1x2048xf32, #tpu.memory_space<hbm>> -> memref<2048xf32, #tpu.memory_space<hbm>>
      tpu.wait_dma2 semaphore(%run_scoped3A_102 : memref<!tpu.dma_semaphore, #tpu.memory_space<semaphore_mem>>) src(%dma_wait3A_108 : memref<2048xf32, #tpu.memory_space<hbm>>) dst(%arg15 : memref<2048xf32, #tpu.memory_space<vmem>>)
      tpu.yield
    }) : () -> ()
    %run_scoped3A_60 = arith.constant 1 : i32
    "tpu.region"() ({
      %run_scoped3A_102 = tpu.sem_alloc : memref<!tpu.dma_semaphore, #tpu.memory_space<semaphore_mem>>
      %dma_start3A = tpu.memref_slice %arg6[%run_scoped3A_60, %add3A_59] : memref<2x131072xf32, #tpu.memory_space<hbm>> -> memref<1x2048xf32, #tpu.memory_space<hbm>>
      %dma_start3A_103 = tpu.memref_squeeze %dma_start3A : memref<1x2048xf32, #tpu.memory_space<hbm>> -> memref<2048xf32, #tpu.memory_space<hbm>>
      %dma_start3A_104 = tpu.memref_slice %arg6[%run_scoped3A_60, %add3A_59] : memref<2x131072xf32, #tpu.memory_space<hbm>> -> memref<1x2048xf32, #tpu.memory_space<hbm>>
      %dma_start3A_105 = tpu.memref_squeeze %dma_start3A_104 : memref<1x2048xf32, #tpu.memory_space<hbm>> -> memref<2048xf32, #tpu.memory_space<hbm>>
      tpu.enqueue_dma source(%dma_start3A_105 : memref<2048xf32, #tpu.memory_space<hbm>>) target(%arg16 : memref<2048xf32, #tpu.memory_space<vmem>>) target_semaphore(%run_scoped3A_102 : memref<!tpu.dma_semaphore, #tpu.memory_space<semaphore_mem>>)
      %dma_wait3A = tpu.memref_slice %arg6[%run_scoped3A_60, %add3A_59] : memref<2x131072xf32, #tpu.memory_space<hbm>> -> memref<1x2048xf32, #tpu.memory_space<hbm>>
      %dma_wait3A_106 = tpu.memref_squeeze %dma_wait3A : memref<1x2048xf32, #tpu.memory_space<hbm>> -> memref<2048xf32, #tpu.memory_space<hbm>>
      %dma_wait3A_107 = tpu.memref_slice %arg6[%run_scoped3A_60, %add3A_59] : memref<2x131072xf32, #tpu.memory_space<hbm>> -> memref<1x2048xf32, #tpu.memory_space<hbm>>
      %dma_wait3A_108 = tpu.memref_squeeze %dma_wait3A_107 : memref<1x2048xf32, #tpu.memory_space<hbm>> -> memref<2048xf32, #tpu.memory_space<hbm>>
      tpu.wait_dma2 semaphore(%run_scoped3A_102 : memref<!tpu.dma_semaphore, #tpu.memory_space<semaphore_mem>>) src(%dma_wait3A_108 : memref<2048xf32, #tpu.memory_space<hbm>>) dst(%arg16 : memref<2048xf32, #tpu.memory_space<vmem>>)
      tpu.yield
    }) : () -> ()
    %scan3A_61 = arith.constant 0 : i32
    %scan3A_62 = arith.constant 0 : i32
    %scan3A_63 = arith.constant 16 : i32
    %scan3A_64 = arith.addi %scan3A_62, %scan3A_63 : i32
    %scan3A_65 = arith.constant 1 : i32
    %scan3A_66 = scf.for %scan3A_102 = %scan3A_62 to %scan3A_64 step %scan3A_65 iter_args(%scan3A_103 = %scan3A_61) -> (i32)  : i32 {
      %mul3A_104 = arith.constant 128 : i32
      %mul3A_105 = arith.muli %scan3A_102, %mul3A_104 : i32
      %add3A_106 = arith.constant 0 : i32
      %add3A_107 = arith.addi %mul3A_105, %add3A_106 : i32
      %get3A_108 = arith.index_cast %add3A_107 : i32 to index
      %get3A_109 = tpu.vector_load %arg11[%get3A_108] {strides = array<i32>} : memref<2048xf32, #tpu.memory_space<vmem>>, vector<16xf32>,
      %get3A_110 = arith.index_cast %add3A_107 : i32 to index
      %get3A_111 = tpu.vector_load %arg12[%get3A_110] {strides = array<i32>} : memref<2048xf32, #tpu.memory_space<vmem>>, vector<16xf32>,
      %sub3A = vector.broadcast %squeeze3A : f32 to vector<16xf32>
      %sub3A_112 = arith.subf %get3A_109, %sub3A : vector<16xf32>
      %div3A = vector.broadcast %squeeze3A_5 : f32 to vector<16xf32>
      %div3A_113 = arith.divf %sub3A_112, %div3A : vector<16xf32>
      %mul3A_114 = arith.constant 2.560000e+02 : f32
      %mul3A_115 = vector.broadcast %mul3A_114 : f32 to vector<16xf32>
      %mul3A_116 = arith.mulf %div3A_113, %mul3A_115 : vector<16xf32>
      %sub3A_117 = vector.broadcast %squeeze3A_3 : f32 to vector<16xf32>
      %sub3A_118 = arith.subf %get3A_111, %sub3A_117 : vector<16xf32>
      %div3A_119 = vector.broadcast %squeeze3A_7 : f32 to vector<16xf32>
      %div3A_120 = arith.divf %sub3A_118, %div3A_119 : vector<16xf32>
      %mul3A_121 = arith.constant 2.560000e+02 : f32
      %mul3A_122 = vector.broadcast %mul3A_121 : f32 to vector<16xf32>
      %mul3A_123 = arith.mulf %div3A_120, %mul3A_122 : vector<16xf32>
      %convert_element_type3A = arith.fptosi %mul3A_116 : vector<16xf32> to vector<16xi32>
      %max3A = arith.constant 0 : i32
      %max3A_124 = vector.broadcast %max3A : i32 to vector<16xi32>
      %max3A_125 = arith.maxsi %convert_element_type3A, %max3A_124 : vector<16xi32>
      %min3A = arith.constant 255 : i32
      %min3A_126 = vector.broadcast %min3A : i32 to vector<16xi32>
      %min3A_127 = arith.minsi %max3A_125, %min3A_126 : vector<16xi32>
      %convert_element_type3A_128 = arith.fptosi %mul3A_123 : vector<16xf32> to vector<16xi32>
      %max3A_129 = arith.constant 0 : i32
      %max3A_130 = vector.broadcast %max3A_129 : i32 to vector<16xi32>
      %max3A_131 = arith.maxsi %convert_element_type3A_128, %max3A_130 : vector<16xi32>
      %min3A_132 = arith.constant 255 : i32
      %min3A_133 = vector.broadcast %min3A_132 : i32 to vector<16xi32>
      %min3A_134 = arith.minsi %max3A_131, %min3A_133 : vector<16xi32>
      %mul3A_135 = arith.constant 256 : i32
      %mul3A_136 = vector.broadcast %mul3A_135 : i32 to vector<16xi32>
      %mul3A_137 = arith.muli %min3A_127, %mul3A_136 : vector<16xi32>
      %add3A_138 = arith.addi %mul3A_137, %min3A_134 : vector<16xi32>
      %get3A_139 = arith.index_cast %add3A_107 : i32 to index
      %get3A_140 = tpu.vector_load %arg13[%get3A_139] {strides = array<i32>} : memref<2048xi32, #tpu.memory_space<vmem>>, vector<16xi32>,
      %gather3A = tpu.vector_load_idx %arg23[%get3A_140] : memref<16xi32, #tpu.memory_space<vmem>>[vector<16xi32>], vector<16xi32>,
      %get3A_141 = arith.index_cast %add3A_107 : i32 to index
      %get3A_142 = tpu.vector_load %arg14[%get3A_141] {strides = array<i32>} : memref<2048xf32, #tpu.memory_space<vmem>>, vector<16xf32>,
      %mul3A_143 = arith.constant 65536 : i32
      %mul3A_144 = vector.broadcast %mul3A_143 : i32 to vector<16xi32>
      %mul3A_145 = arith.muli %gather3A, %mul3A_144 : vector<16xi32>
      %add3A_146 = arith.addi %mul3A_145, %add3A_138 : vector<16xi32>
      %swap3A = arith.index_cast %scan3A_102 : i32 to index
      %swap3A_147 = arith.constant 0 : index
      %swap3A_148 = tpu.vector_load %arg17[%swap3A, %swap3A_147] {strides = array<i32>} : memref<16x128xi32, #tpu.memory_space<vmem>>, vector<16xi32>,
      tpu.vector_store %arg17[%swap3A, %swap3A_147], %add3A_146 {strides = array<i32>} : memref<16x128xi32, #tpu.memory_space<vmem>>, vector<16xi32>,
      %swap3A_149 = arith.index_cast %scan3A_102 : i32 to index
      %swap3A_150 = arith.constant 0 : index
      %swap3A_151 = tpu.vector_load %arg18[%swap3A_149, %swap3A_150] {strides = array<i32>} : memref<16x128xf32, #tpu.memory_space<vmem>>, vector<16xf32>,
      tpu.vector_store %arg18[%swap3A_149, %swap3A_150], %get3A_142 {strides = array<i32>} : memref<16x128xf32, #tpu.memory_space<vmem>>, vector<16xf32>,
      %mul3A_152 = arith.constant 2 : i32
      %mul3A_153 = vector.broadcast %mul3A_152 : i32 to vector<16xi32>
      %mul3A_154 = arith.muli %add3A_138, %mul3A_153 : vector<16xi32>
      %swap3A_155 = arith.index_cast %scan3A_102 : i32 to index
      %swap3A_156 = arith.constant 0 : index
      %swap3A_157 = tpu.vector_load %arg19[%swap3A_155, %swap3A_156] {strides = array<i32>} : memref<16x128xi32, #tpu.memory_space<vmem>>, vector<16xi32>,
      tpu.vector_store %arg19[%swap3A_155, %swap3A_156], %mul3A_154 {strides = array<i32>} : memref<16x128xi32, #tpu.memory_space<vmem>>, vector<16xi32>,
      %add3A_158 = arith.constant 1 : i32
      %add3A_159 = vector.broadcast %add3A_158 : i32 to vector<16xi32>
      %add3A_160 = arith.addi %mul3A_154, %add3A_159 : vector<16xi32>
      %swap3A_161 = arith.index_cast %scan3A_102 : i32 to index
      %swap3A_162 = arith.constant 0 : index
      %swap3A_163 = tpu.vector_load %arg21[%swap3A_161, %swap3A_162] {strides = array<i32>} : memref<16x128xi32, #tpu.memory_space<vmem>>, vector<16xi32>,
      tpu.vector_store %arg21[%swap3A_161, %swap3A_162], %add3A_160 {strides = array<i32>} : memref<16x128xi32, #tpu.memory_space<vmem>>, vector<16xi32>,
      %get3A_164 = arith.index_cast %add3A_107 : i32 to index
      %get3A_165 = tpu.vector_load %arg15[%get3A_164] {strides = array<i32>} : memref<2048xf32, #tpu.memory_space<vmem>>, vector<16xf32>,
      %mul3A_166 = arith.mulf %get3A_165, %get3A_142 : vector<16xf32>
      %swap3A_167 = arith.index_cast %scan3A_102 : i32 to index
      %swap3A_168 = arith.constant 0 : index
      %swap3A_169 = tpu.vector_load %arg20[%swap3A_167, %swap3A_168] {strides = array<i32>} : memref<16x128xf32, #tpu.memory_space<vmem>>, vector<16xf32>,
      tpu.vector_store %arg20[%swap3A_167, %swap3A_168], %mul3A_166 {strides = array<i32>} : memref<16x128xf32, #tpu.memory_space<vmem>>, vector<16xf32>,
      %get3A_170 = arith.index_cast %add3A_107 : i32 to index
      %get3A_171 = tpu.vector_load %arg16[%get3A_170] {strides = array<i32>} : memref<2048xf32, #tpu.memory_space<vmem>>, vector<16xf32>,
      %mul3A_172 = arith.mulf %get3A_171, %get3A_142 : vector<16xf32>
      %swap3A_173 = arith.index_cast %scan3A_102 : i32 to index
      %swap3A_174 = arith.constant 0 : index
      %swap3A_175 = tpu.vector_load %arg22[%swap3A_173, %swap3A_174] {strides = array<i32>} : memref<16x128xf32, #tpu.memory_space<vmem>>, vector<16xf32>,
      tpu.vector_store %arg22[%swap3A_173, %swap3A_174], %mul3A_172 {strides = array<i32>} : memref<16x128xf32, #tpu.memory_space<vmem>>, vector<16xf32>,
      %mul3A_176 = arith.constant 128 : i32
      %mul3A_177 = arith.muli %scan3A_102, %mul3A_176 : i32
      %add3A_178 = arith.constant 16 : i32
      %add3A_179 = arith.addi %mul3A_177, %add3A_178 : i32
      %get3A_180 = arith.index_cast %add3A_179 : i32 to index
      %get3A_181 = tpu.vector_load %arg11[%get3A_180] {strides = array<i32>} : memref<2048xf32, #tpu.memory_space<vmem>>, vector<16xf32>,
      %get3A_182 = arith.index_cast %add3A_179 : i32 to index
      %get3A_183 = tpu.vector_load %arg12[%get3A_182] {strides = array<i32>} : memref<2048xf32, #tpu.memory_space<vmem>>, vector<16xf32>,
      %sub3A_184 = vector.broadcast %squeeze3A : f32 to vector<16xf32>
      %sub3A_185 = arith.subf %get3A_181, %sub3A_184 : vector<16xf32>
      %div3A_186 = vector.broadcast %squeeze3A_5 : f32 to vector<16xf32>
      %div3A_187 = arith.divf %sub3A_185, %div3A_186 : vector<16xf32>
      %mul3A_188 = arith.constant 2.560000e+02 : f32
      %mul3A_189 = vector.broadcast %mul3A_188 : f32 to vector<16xf32>
      %mul3A_190 = arith.mulf %div3A_187, %mul3A_189 : vector<16xf32>
      %sub3A_191 = vector.broadcast %squeeze3A_3 : f32 to vector<16xf32>
      %sub3A_192 = arith.subf %get3A_183, %sub3A_191 : vector<16xf32>
      %div3A_193 = vector.broadcast %squeeze3A_7 : f32 to vector<16xf32>
      %div3A_194 = arith.divf %sub3A_192, %div3A_193 : vector<16xf32>
      %mul3A_195 = arith.constant 2.560000e+02 : f32
      %mul3A_196 = vector.broadcast %mul3A_195 : f32 to vector<16xf32>
      %mul3A_197 = arith.mulf %div3A_194, %mul3A_196 : vector<16xf32>
      %convert_element_type3A_198 = arith.fptosi %mul3A_190 : vector<16xf32> to vector<16xi32>
      %max3A_199 = arith.constant 0 : i32
      %max3A_200 = vector.broadcast %max3A_199 : i32 to vector<16xi32>
      %max3A_201 = arith.maxsi %convert_element_type3A_198, %max3A_200 : vector<16xi32>
      %min3A_202 = arith.constant 255 : i32
      %min3A_203 = vector.broadcast %min3A_202 : i32 to vector<16xi32>
      %min3A_204 = arith.minsi %max3A_201, %min3A_203 : vector<16xi32>
      %convert_element_type3A_205 = arith.fptosi %mul3A_197 : vector<16xf32> to vector<16xi32>
      %max3A_206 = arith.constant 0 : i32
      %max3A_207 = vector.broadcast %max3A_206 : i32 to vector<16xi32>
      %max3A_208 = arith.maxsi %convert_element_type3A_205, %max3A_207 : vector<16xi32>
      %min3A_209 = arith.constant 255 : i32
      %min3A_210 = vector.broadcast %min3A_209 : i32 to vector<16xi32>
      %min3A_211 = arith.minsi %max3A_208, %min3A_210 : vector<16xi32>
      %mul3A_212 = arith.constant 256 : i32
      %mul3A_213 = vector.broadcast %mul3A_212 : i32 to vector<16xi32>
      %mul3A_214 = arith.muli %min3A_204, %mul3A_213 : vector<16xi32>
      %add3A_215 = arith.addi %mul3A_214, %min3A_211 : vector<16xi32>
      %get3A_216 = arith.index_cast %add3A_179 : i32 to index
      %get3A_217 = tpu.vector_load %arg13[%get3A_216] {strides = array<i32>} : memref<2048xi32, #tpu.memory_space<vmem>>, vector<16xi32>,
      %gather3A_218 = tpu.vector_load_idx %arg23[%get3A_217] : memref<16xi32, #tpu.memory_space<vmem>>[vector<16xi32>], vector<16xi32>,
      %get3A_219 = arith.index_cast %add3A_179 : i32 to index
      %get3A_220 = tpu.vector_load %arg14[%get3A_219] {strides = array<i32>} : memref<2048xf32, #tpu.memory_space<vmem>>, vector<16xf32>,
      %mul3A_221 = arith.constant 65536 : i32
      %mul3A_222 = vector.broadcast %mul3A_221 : i32 to vector<16xi32>
      %mul3A_223 = arith.muli %gather3A_218, %mul3A_222 : vector<16xi32>
      %add3A_224 = arith.addi %mul3A_223, %add3A_215 : vector<16xi32>
      %swap3A_225 = arith.index_cast %scan3A_102 : i32 to index
      %swap3A_226 = arith.constant 16 : index
      %swap3A_227 = tpu.vector_load %arg17[%swap3A_225, %swap3A_226] {strides = array<i32>} : memref<16x128xi32, #tpu.memory_space<vmem>>, vector<16xi32>,
      tpu.vector_store %arg17[%swap3A_225, %swap3A_226], %add3A_224 {strides = array<i32>} : memref<16x128xi32, #tpu.memory_space<vmem>>, vector<16xi32>,
      %swap3A_228 = arith.index_cast %scan3A_102 : i32 to index
      %swap3A_229 = arith.constant 16 : index
      %swap3A_230 = tpu.vector_load %arg18[%swap3A_228, %swap3A_229] {strides = array<i32>} : memref<16x128xf32, #tpu.memory_space<vmem>>, vector<16xf32>,
      tpu.vector_store %arg18[%swap3A_228, %swap3A_229], %get3A_220 {strides = array<i32>} : memref<16x128xf32, #tpu.memory_space<vmem>>, vector<16xf32>,
      %mul3A_231 = arith.constant 2 : i32
      %mul3A_232 = vector.broadcast %mul3A_231 : i32 to vector<16xi32>
      %mul3A_233 = arith.muli %add3A_215, %mul3A_232 : vector<16xi32>
      %swap3A_234 = arith.index_cast %scan3A_102 : i32 to index
      %swap3A_235 = arith.constant 16 : index
      %swap3A_236 = tpu.vector_load %arg19[%swap3A_234, %swap3A_235] {strides = array<i32>} : memref<16x128xi32, #tpu.memory_space<vmem>>, vector<16xi32>,
      tpu.vector_store %arg19[%swap3A_234, %swap3A_235], %mul3A_233 {strides = array<i32>} : memref<16x128xi32, #tpu.memory_space<vmem>>, vector<16xi32>,
      %add3A_237 = arith.constant 1 : i32
      %add3A_238 = vector.broadcast %add3A_237 : i32 to vector<16xi32>
      %add3A_239 = arith.addi %mul3A_233, %add3A_238 : vector<16xi32>
      %swap3A_240 = arith.index_cast %scan3A_102 : i32 to index
      %swap3A_241 = arith.constant 16 : index
      %swap3A_242 = tpu.vector_load %arg21[%swap3A_240, %swap3A_241] {strides = array<i32>} : memref<16x128xi32, #tpu.memory_space<vmem>>, vector<16xi32>,
      tpu.vector_store %arg21[%swap3A_240, %swap3A_241], %add3A_239 {strides = array<i32>} : memref<16x128xi32, #tpu.memory_space<vmem>>, vector<16xi32>,
      %get3A_243 = arith.index_cast %add3A_179 : i32 to index
      %get3A_244 = tpu.vector_load %arg15[%get3A_243] {strides = array<i32>} : memref<2048xf32, #tpu.memory_space<vmem>>, vector<16xf32>,
      %mul3A_245 = arith.mulf %get3A_244, %get3A_220 : vector<16xf32>
      %swap3A_246 = arith.index_cast %scan3A_102 : i32 to index
      %swap3A_247 = arith.constant 16 : index
      %swap3A_248 = tpu.vector_load %arg20[%swap3A_246, %swap3A_247] {strides = array<i32>} : memref<16x128xf32, #tpu.memory_space<vmem>>, vector<16xf32>,
      tpu.vector_store %arg20[%swap3A_246, %swap3A_247], %mul3A_245 {strides = array<i32>} : memref<16x128xf32, #tpu.memory_space<vmem>>, vector<16xf32>,
      %get3A_249 = arith.index_cast %add3A_179 : i32 to index
      %get3A_250 = tpu.vector_load %arg16[%get3A_249] {strides = array<i32>} : memref<2048xf32, #tpu.memory_space<vmem>>, vector<16xf32>,
      %mul3A_251 = arith.mulf %get3A_250, %get3A_220 : vector<16xf32>
      %swap3A_252 = arith.index_cast %scan3A_102 : i32 to index
      %swap3A_253 = arith.constant 16 : index
      %swap3A_254 = tpu.vector_load %arg22[%swap3A_252, %swap3A_253] {strides = array<i32>} : memref<16x128xf32, #tpu.memory_space<vmem>>, vector<16xf32>,
      tpu.vector_store %arg22[%swap3A_252, %swap3A_253], %mul3A_251 {strides = array<i32>} : memref<16x128xf32, #tpu.memory_space<vmem>>, vector<16xf32>,
      %mul3A_255 = arith.constant 128 : i32
      %mul3A_256 = arith.muli %scan3A_102, %mul3A_255 : i32
      %add3A_257 = arith.constant 32 : i32
      %add3A_258 = arith.addi %mul3A_256, %add3A_257 : i32
      %get3A_259 = arith.index_cast %add3A_258 : i32 to index
      %get3A_260 = tpu.vector_load %arg11[%get3A_259] {strides = array<i32>} : memref<2048xf32, #tpu.memory_space<vmem>>, vector<16xf32>,
      %get3A_261 = arith.index_cast %add3A_258 : i32 to index
      %get3A_262 = tpu.vector_load %arg12[%get3A_261] {strides = array<i32>} : memref<2048xf32, #tpu.memory_space<vmem>>, vector<16xf32>,
      %sub3A_263 = vector.broadcast %squeeze3A : f32 to vector<16xf32>
      %sub3A_264 = arith.subf %get3A_260, %sub3A_263 : vector<16xf32>
      %div3A_265 = vector.broadcast %squeeze3A_5 : f32 to vector<16xf32>
      %div3A_266 = arith.divf %sub3A_264, %div3A_265 : vector<16xf32>
      %mul3A_267 = arith.constant 2.560000e+02 : f32
      %mul3A_268 = vector.broadcast %mul3A_267 : f32 to vector<16xf32>
      %mul3A_269 = arith.mulf %div3A_266, %mul3A_268 : vector<16xf32>
      %sub3A_270 = vector.broadcast %squeeze3A_3 : f32 to vector<16xf32>
      %sub3A_271 = arith.subf %get3A_262, %sub3A_270 : vector<16xf32>
      %div3A_272 = vector.broadcast %squeeze3A_7 : f32 to vector<16xf32>
      %div3A_273 = arith.divf %sub3A_271, %div3A_272 : vector<16xf32>
      %mul3A_274 = arith.constant 2.560000e+02 : f32
      %mul3A_275 = vector.broadcast %mul3A_274 : f32 to vector<16xf32>
      %mul3A_276 = arith.mulf %div3A_273, %mul3A_275 : vector<16xf32>
      %convert_element_type3A_277 = arith.fptosi %mul3A_269 : vector<16xf32> to vector<16xi32>
      %max3A_278 = arith.constant 0 : i32
      %max3A_279 = vector.broadcast %max3A_278 : i32 to vector<16xi32>
      %max3A_280 = arith.maxsi %convert_element_type3A_277, %max3A_279 : vector<16xi32>
      %min3A_281 = arith.constant 255 : i32
      %min3A_282 = vector.broadcast %min3A_281 : i32 to vector<16xi32>
      %min3A_283 = arith.minsi %max3A_280, %min3A_282 : vector<16xi32>
      %convert_element_type3A_284 = arith.fptosi %mul3A_276 : vector<16xf32> to vector<16xi32>
      %max3A_285 = arith.constant 0 : i32
      %max3A_286 = vector.broadcast %max3A_285 : i32 to vector<16xi32>
      %max3A_287 = arith.maxsi %convert_element_type3A_284, %max3A_286 : vector<16xi32>
      %min3A_288 = arith.constant 255 : i32
      %min3A_289 = vector.broadcast %min3A_288 : i32 to vector<16xi32>
      %min3A_290 = arith.minsi %max3A_287, %min3A_289 : vector<16xi32>
      %mul3A_291 = arith.constant 256 : i32
      %mul3A_292 = vector.broadcast %mul3A_291 : i32 to vector<16xi32>
      %mul3A_293 = arith.muli %min3A_283, %mul3A_292 : vector<16xi32>
      %add3A_294 = arith.addi %mul3A_293, %min3A_290 : vector<16xi32>
      %get3A_295 = arith.index_cast %add3A_258 : i32 to index
      %get3A_296 = tpu.vector_load %arg13[%get3A_295] {strides = array<i32>} : memref<2048xi32, #tpu.memory_space<vmem>>, vector<16xi32>,
      %gather3A_297 = tpu.vector_load_idx %arg23[%get3A_296] : memref<16xi32, #tpu.memory_space<vmem>>[vector<16xi32>], vector<16xi32>,
      %get3A_298 = arith.index_cast %add3A_258 : i32 to index
      %get3A_299 = tpu.vector_load %arg14[%get3A_298] {strides = array<i32>} : memref<2048xf32, #tpu.memory_space<vmem>>, vector<16xf32>,
      %mul3A_300 = arith.constant 65536 : i32
      %mul3A_301 = vector.broadcast %mul3A_300 : i32 to vector<16xi32>
      %mul3A_302 = arith.muli %gather3A_297, %mul3A_301 : vector<16xi32>
      %add3A_303 = arith.addi %mul3A_302, %add3A_294 : vector<16xi32>
      %swap3A_304 = arith.index_cast %scan3A_102 : i32 to index
      %swap3A_305 = arith.constant 32 : index
      %swap3A_306 = tpu.vector_load %arg17[%swap3A_304, %swap3A_305] {strides = array<i32>} : memref<16x128xi32, #tpu.memory_space<vmem>>, vector<16xi32>,
      tpu.vector_store %arg17[%swap3A_304, %swap3A_305], %add3A_303 {strides = array<i32>} : memref<16x128xi32, #tpu.memory_space<vmem>>, vector<16xi32>,
      %swap3A_307 = arith.index_cast %scan3A_102 : i32 to index
      %swap3A_308 = arith.constant 32 : index
      %swap3A_309 = tpu.vector_load %arg18[%swap3A_307, %swap3A_308] {strides = array<i32>} : memref<16x128xf32, #tpu.memory_space<vmem>>, vector<16xf32>,
      tpu.vector_store %arg18[%swap3A_307, %swap3A_308], %get3A_299 {strides = array<i32>} : memref<16x128xf32, #tpu.memory_space<vmem>>, vector<16xf32>,
      %mul3A_310 = arith.constant 2 : i32
      %mul3A_311 = vector.broadcast %mul3A_310 : i32 to vector<16xi32>
      %mul3A_312 = arith.muli %add3A_294, %mul3A_311 : vector<16xi32>
      %swap3A_313 = arith.index_cast %scan3A_102 : i32 to index
      %swap3A_314 = arith.constant 32 : index
      %swap3A_315 = tpu.vector_load %arg19[%swap3A_313, %swap3A_314] {strides = array<i32>} : memref<16x128xi32, #tpu.memory_space<vmem>>, vector<16xi32>,
      tpu.vector_store %arg19[%swap3A_313, %swap3A_314], %mul3A_312 {strides = array<i32>} : memref<16x128xi32, #tpu.memory_space<vmem>>, vector<16xi32>,
      %add3A_316 = arith.constant 1 : i32
      %add3A_317 = vector.broadcast %add3A_316 : i32 to vector<16xi32>
      %add3A_318 = arith.addi %mul3A_312, %add3A_317 : vector<16xi32>
      %swap3A_319 = arith.index_cast %scan3A_102 : i32 to index
      %swap3A_320 = arith.constant 32 : index
      %swap3A_321 = tpu.vector_load %arg21[%swap3A_319, %swap3A_320] {strides = array<i32>} : memref<16x128xi32, #tpu.memory_space<vmem>>, vector<16xi32>,
      tpu.vector_store %arg21[%swap3A_319, %swap3A_320], %add3A_318 {strides = array<i32>} : memref<16x128xi32, #tpu.memory_space<vmem>>, vector<16xi32>,
      %get3A_322 = arith.index_cast %add3A_258 : i32 to index
      %get3A_323 = tpu.vector_load %arg15[%get3A_322] {strides = array<i32>} : memref<2048xf32, #tpu.memory_space<vmem>>, vector<16xf32>,
      %mul3A_324 = arith.mulf %get3A_323, %get3A_299 : vector<16xf32>
      %swap3A_325 = arith.index_cast %scan3A_102 : i32 to index
      %swap3A_326 = arith.constant 32 : index
      %swap3A_327 = tpu.vector_load %arg20[%swap3A_325, %swap3A_326] {strides = array<i32>} : memref<16x128xf32, #tpu.memory_space<vmem>>, vector<16xf32>,
      tpu.vector_store %arg20[%swap3A_325, %swap3A_326], %mul3A_324 {strides = array<i32>} : memref<16x128xf32, #tpu.memory_space<vmem>>, vector<16xf32>,
      %get3A_328 = arith.index_cast %add3A_258 : i32 to index
      %get3A_329 = tpu.vector_load %arg16[%get3A_328] {strides = array<i32>} : memref<2048xf32, #tpu.memory_space<vmem>>, vector<16xf32>,
      %mul3A_330 = arith.mulf %get3A_329, %get3A_299 : vector<16xf32>
      %swap3A_331 = arith.index_cast %scan3A_102 : i32 to index
      %swap3A_332 = arith.constant 32 : index
      %swap3A_333 = tpu.vector_load %arg22[%swap3A_331, %swap3A_332] {strides = array<i32>} : memref<16x128xf32, #tpu.memory_space<vmem>>, vector<16xf32>,
      tpu.vector_store %arg22[%swap3A_331, %swap3A_332], %mul3A_330 {strides = array<i32>} : memref<16x128xf32, #tpu.memory_space<vmem>>, vector<16xf32>,
      %mul3A_334 = arith.constant 128 : i32
      %mul3A_335 = arith.muli %scan3A_102, %mul3A_334 : i32
      %add3A_336 = arith.constant 48 : i32
      %add3A_337 = arith.addi %mul3A_335, %add3A_336 : i32
      %get3A_338 = arith.index_cast %add3A_337 : i32 to index
      %get3A_339 = tpu.vector_load %arg11[%get3A_338] {strides = array<i32>} : memref<2048xf32, #tpu.memory_space<vmem>>, vector<16xf32>,
      %get3A_340 = arith.index_cast %add3A_337 : i32 to index
      %get3A_341 = tpu.vector_load %arg12[%get3A_340] {strides = array<i32>} : memref<2048xf32, #tpu.memory_space<vmem>>, vector<16xf32>,
      %sub3A_342 = vector.broadcast %squeeze3A : f32 to vector<16xf32>
      %sub3A_343 = arith.subf %get3A_339, %sub3A_342 : vector<16xf32>
      %div3A_344 = vector.broadcast %squeeze3A_5 : f32 to vector<16xf32>
      %div3A_345 = arith.divf %sub3A_343, %div3A_344 : vector<16xf32>
      %mul3A_346 = arith.constant 2.560000e+02 : f32
      %mul3A_347 = vector.broadcast %mul3A_346 : f32 to vector<16xf32>
      %mul3A_348 = arith.mulf %div3A_345, %mul3A_347 : vector<16xf32>
      %sub3A_349 = vector.broadcast %squeeze3A_3 : f32 to vector<16xf32>
      %sub3A_350 = arith.subf %get3A_341, %sub3A_349 : vector<16xf32>
      %div3A_351 = vector.broadcast %squeeze3A_7 : f32 to vector<16xf32>
      %div3A_352 = arith.divf %sub3A_350, %div3A_351 : vector<16xf32>
      %mul3A_353 = arith.constant 2.560000e+02 : f32
      %mul3A_354 = vector.broadcast %mul3A_353 : f32 to vector<16xf32>
      %mul3A_355 = arith.mulf %div3A_352, %mul3A_354 : vector<16xf32>
      %convert_element_type3A_356 = arith.fptosi %mul3A_348 : vector<16xf32> to vector<16xi32>
      %max3A_357 = arith.constant 0 : i32
      %max3A_358 = vector.broadcast %max3A_357 : i32 to vector<16xi32>
      %max3A_359 = arith.maxsi %convert_element_type3A_356, %max3A_358 : vector<16xi32>
      %min3A_360 = arith.constant 255 : i32
      %min3A_361 = vector.broadcast %min3A_360 : i32 to vector<16xi32>
      %min3A_362 = arith.minsi %max3A_359, %min3A_361 : vector<16xi32>
      %convert_element_type3A_363 = arith.fptosi %mul3A_355 : vector<16xf32> to vector<16xi32>
      %max3A_364 = arith.constant 0 : i32
      %max3A_365 = vector.broadcast %max3A_364 : i32 to vector<16xi32>
      %max3A_366 = arith.maxsi %convert_element_type3A_363, %max3A_365 : vector<16xi32>
      %min3A_367 = arith.constant 255 : i32
      %min3A_368 = vector.broadcast %min3A_367 : i32 to vector<16xi32>
      %min3A_369 = arith.minsi %max3A_366, %min3A_368 : vector<16xi32>
      %mul3A_370 = arith.constant 256 : i32
      %mul3A_371 = vector.broadcast %mul3A_370 : i32 to vector<16xi32>
      %mul3A_372 = arith.muli %min3A_362, %mul3A_371 : vector<16xi32>
      %add3A_373 = arith.addi %mul3A_372, %min3A_369 : vector<16xi32>
      %get3A_374 = arith.index_cast %add3A_337 : i32 to index
      %get3A_375 = tpu.vector_load %arg13[%get3A_374] {strides = array<i32>} : memref<2048xi32, #tpu.memory_space<vmem>>, vector<16xi32>,
      %gather3A_376 = tpu.vector_load_idx %arg23[%get3A_375] : memref<16xi32, #tpu.memory_space<vmem>>[vector<16xi32>], vector<16xi32>,
      %get3A_377 = arith.index_cast %add3A_337 : i32 to index
      %get3A_378 = tpu.vector_load %arg14[%get3A_377] {strides = array<i32>} : memref<2048xf32, #tpu.memory_space<vmem>>, vector<16xf32>,
      %mul3A_379 = arith.constant 65536 : i32
      %mul3A_380 = vector.broadcast %mul3A_379 : i32 to vector<16xi32>
      %mul3A_381 = arith.muli %gather3A_376, %mul3A_380 : vector<16xi32>
      %add3A_382 = arith.addi %mul3A_381, %add3A_373 : vector<16xi32>
      %swap3A_383 = arith.index_cast %scan3A_102 : i32 to index
      %swap3A_384 = arith.constant 48 : index
      %swap3A_385 = tpu.vector_load %arg17[%swap3A_383, %swap3A_384] {strides = array<i32>} : memref<16x128xi32, #tpu.memory_space<vmem>>, vector<16xi32>,
      tpu.vector_store %arg17[%swap3A_383, %swap3A_384], %add3A_382 {strides = array<i32>} : memref<16x128xi32, #tpu.memory_space<vmem>>, vector<16xi32>,
      %swap3A_386 = arith.index_cast %scan3A_102 : i32 to index
      %swap3A_387 = arith.constant 48 : index
      %swap3A_388 = tpu.vector_load %arg18[%swap3A_386, %swap3A_387] {strides = array<i32>} : memref<16x128xf32, #tpu.memory_space<vmem>>, vector<16xf32>,
      tpu.vector_store %arg18[%swap3A_386, %swap3A_387], %get3A_378 {strides = array<i32>} : memref<16x128xf32, #tpu.memory_space<vmem>>, vector<16xf32>,
      %mul3A_389 = arith.constant 2 : i32
      %mul3A_390 = vector.broadcast %mul3A_389 : i32 to vector<16xi32>
      %mul3A_391 = arith.muli %add3A_373, %mul3A_390 : vector<16xi32>
      %swap3A_392 = arith.index_cast %scan3A_102 : i32 to index
      %swap3A_393 = arith.constant 48 : index
      %swap3A_394 = tpu.vector_load %arg19[%swap3A_392, %swap3A_393] {strides = array<i32>} : memref<16x128xi32, #tpu.memory_space<vmem>>, vector<16xi32>,
      tpu.vector_store %arg19[%swap3A_392, %swap3A_393], %mul3A_391 {strides = array<i32>} : memref<16x128xi32, #tpu.memory_space<vmem>>, vector<16xi32>,
      %add3A_395 = arith.constant 1 : i32
      %add3A_396 = vector.broadcast %add3A_395 : i32 to vector<16xi32>
      %add3A_397 = arith.addi %mul3A_391, %add3A_396 : vector<16xi32>
      %swap3A_398 = arith.index_cast %scan3A_102 : i32 to index
      %swap3A_399 = arith.constant 48 : index
      %swap3A_400 = tpu.vector_load %arg21[%swap3A_398, %swap3A_399] {strides = array<i32>} : memref<16x128xi32, #tpu.memory_space<vmem>>, vector<16xi32>,
      tpu.vector_store %arg21[%swap3A_398, %swap3A_399], %add3A_397 {strides = array<i32>} : memref<16x128xi32, #tpu.memory_space<vmem>>, vector<16xi32>,
      %get3A_401 = arith.index_cast %add3A_337 : i32 to index
      %get3A_402 = tpu.vector_load %arg15[%get3A_401] {strides = array<i32>} : memref<2048xf32, #tpu.memory_space<vmem>>, vector<16xf32>,
      %mul3A_403 = arith.mulf %get3A_402, %get3A_378 : vector<16xf32>
      %swap3A_404 = arith.index_cast %scan3A_102 : i32 to index
      %swap3A_405 = arith.constant 48 : index
      %swap3A_406 = tpu.vector_load %arg20[%swap3A_404, %swap3A_405] {strides = array<i32>} : memref<16x128xf32, #tpu.memory_space<vmem>>, vector<16xf32>,
      tpu.vector_store %arg20[%swap3A_404, %swap3A_405], %mul3A_403 {strides = array<i32>} : memref<16x128xf32, #tpu.memory_space<vmem>>, vector<16xf32>,
      %get3A_407 = arith.index_cast %add3A_337 : i32 to index
      %get3A_408 = tpu.vector_load %arg16[%get3A_407] {strides = array<i32>} : memref<2048xf32, #tpu.memory_space<vmem>>, vector<16xf32>,
      %mul3A_409 = arith.mulf %get3A_408, %get3A_378 : vector<16xf32>
      %swap3A_410 = arith.index_cast %scan3A_102 : i32 to index
      %swap3A_411 = arith.constant 48 : index
      %swap3A_412 = tpu.vector_load %arg22[%swap3A_410, %swap3A_411] {strides = array<i32>} : memref<16x128xf32, #tpu.memory_space<vmem>>, vector<16xf32>,
      tpu.vector_store %arg22[%swap3A_410, %swap3A_411], %mul3A_409 {strides = array<i32>} : memref<16x128xf32, #tpu.memory_space<vmem>>, vector<16xf32>,
      %mul3A_413 = arith.constant 128 : i32
      %mul3A_414 = arith.muli %scan3A_102, %mul3A_413 : i32
      %add3A_415 = arith.constant 64 : i32
      %add3A_416 = arith.addi %mul3A_414, %add3A_415 : i32
      %get3A_417 = arith.index_cast %add3A_416 : i32 to index
      %get3A_418 = tpu.vector_load %arg11[%get3A_417] {strides = array<i32>} : memref<2048xf32, #tpu.memory_space<vmem>>, vector<16xf32>,
      %get3A_419 = arith.index_cast %add3A_416 : i32 to index
      %get3A_420 = tpu.vector_load %arg12[%get3A_419] {strides = array<i32>} : memref<2048xf32, #tpu.memory_space<vmem>>, vector<16xf32>,
      %sub3A_421 = vector.broadcast %squeeze3A : f32 to vector<16xf32>
      %sub3A_422 = arith.subf %get3A_418, %sub3A_421 : vector<16xf32>
      %div3A_423 = vector.broadcast %squeeze3A_5 : f32 to vector<16xf32>
      %div3A_424 = arith.divf %sub3A_422, %div3A_423 : vector<16xf32>
      %mul3A_425 = arith.constant 2.560000e+02 : f32
      %mul3A_426 = vector.broadcast %mul3A_425 : f32 to vector<16xf32>
      %mul3A_427 = arith.mulf %div3A_424, %mul3A_426 : vector<16xf32>
      %sub3A_428 = vector.broadcast %squeeze3A_3 : f32 to vector<16xf32>
      %sub3A_429 = arith.subf %get3A_420, %sub3A_428 : vector<16xf32>
      %div3A_430 = vector.broadcast %squeeze3A_7 : f32 to vector<16xf32>
      %div3A_431 = arith.divf %sub3A_429, %div3A_430 : vector<16xf32>
      %mul3A_432 = arith.constant 2.560000e+02 : f32
      %mul3A_433 = vector.broadcast %mul3A_432 : f32 to vector<16xf32>
      %mul3A_434 = arith.mulf %div3A_431, %mul3A_433 : vector<16xf32>
      %convert_element_type3A_435 = arith.fptosi %mul3A_427 : vector<16xf32> to vector<16xi32>
      %max3A_436 = arith.constant 0 : i32
      %max3A_437 = vector.broadcast %max3A_436 : i32 to vector<16xi32>
      %max3A_438 = arith.maxsi %convert_element_type3A_435, %max3A_437 : vector<16xi32>
      %min3A_439 = arith.constant 255 : i32
      %min3A_440 = vector.broadcast %min3A_439 : i32 to vector<16xi32>
      %min3A_441 = arith.minsi %max3A_438, %min3A_440 : vector<16xi32>
      %convert_element_type3A_442 = arith.fptosi %mul3A_434 : vector<16xf32> to vector<16xi32>
      %max3A_443 = arith.constant 0 : i32
      %max3A_444 = vector.broadcast %max3A_443 : i32 to vector<16xi32>
      %max3A_445 = arith.maxsi %convert_element_type3A_442, %max3A_444 : vector<16xi32>
      %min3A_446 = arith.constant 255 : i32
      %min3A_447 = vector.broadcast %min3A_446 : i32 to vector<16xi32>
      %min3A_448 = arith.minsi %max3A_445, %min3A_447 : vector<16xi32>
      %mul3A_449 = arith.constant 256 : i32
      %mul3A_450 = vector.broadcast %mul3A_449 : i32 to vector<16xi32>
      %mul3A_451 = arith.muli %min3A_441, %mul3A_450 : vector<16xi32>
      %add3A_452 = arith.addi %mul3A_451, %min3A_448 : vector<16xi32>
      %get3A_453 = arith.index_cast %add3A_416 : i32 to index
      %get3A_454 = tpu.vector_load %arg13[%get3A_453] {strides = array<i32>} : memref<2048xi32, #tpu.memory_space<vmem>>, vector<16xi32>,
      %gather3A_455 = tpu.vector_load_idx %arg23[%get3A_454] : memref<16xi32, #tpu.memory_space<vmem>>[vector<16xi32>], vector<16xi32>,
      %get3A_456 = arith.index_cast %add3A_416 : i32 to index
      %get3A_457 = tpu.vector_load %arg14[%get3A_456] {strides = array<i32>} : memref<2048xf32, #tpu.memory_space<vmem>>, vector<16xf32>,
      %mul3A_458 = arith.constant 65536 : i32
      %mul3A_459 = vector.broadcast %mul3A_458 : i32 to vector<16xi32>
      %mul3A_460 = arith.muli %gather3A_455, %mul3A_459 : vector<16xi32>
      %add3A_461 = arith.addi %mul3A_460, %add3A_452 : vector<16xi32>
      %swap3A_462 = arith.index_cast %scan3A_102 : i32 to index
      %swap3A_463 = arith.constant 64 : index
      %swap3A_464 = tpu.vector_load %arg17[%swap3A_462, %swap3A_463] {strides = array<i32>} : memref<16x128xi32, #tpu.memory_space<vmem>>, vector<16xi32>,
      tpu.vector_store %arg17[%swap3A_462, %swap3A_463], %add3A_461 {strides = array<i32>} : memref<16x128xi32, #tpu.memory_space<vmem>>, vector<16xi32>,
      %swap3A_465 = arith.index_cast %scan3A_102 : i32 to index
      %swap3A_466 = arith.constant 64 : index
      %swap3A_467 = tpu.vector_load %arg18[%swap3A_465, %swap3A_466] {strides = array<i32>} : memref<16x128xf32, #tpu.memory_space<vmem>>, vector<16xf32>,
      tpu.vector_store %arg18[%swap3A_465, %swap3A_466], %get3A_457 {strides = array<i32>} : memref<16x128xf32, #tpu.memory_space<vmem>>, vector<16xf32>,
      %mul3A_468 = arith.constant 2 : i32
      %mul3A_469 = vector.broadcast %mul3A_468 : i32 to vector<16xi32>
      %mul3A_470 = arith.muli %add3A_452, %mul3A_469 : vector<16xi32>
      %swap3A_471 = arith.index_cast %scan3A_102 : i32 to index
      %swap3A_472 = arith.constant 64 : index
      %swap3A_473 = tpu.vector_load %arg19[%swap3A_471, %swap3A_472] {strides = array<i32>} : memref<16x128xi32, #tpu.memory_space<vmem>>, vector<16xi32>,
      tpu.vector_store %arg19[%swap3A_471, %swap3A_472], %mul3A_470 {strides = array<i32>} : memref<16x128xi32, #tpu.memory_space<vmem>>, vector<16xi32>,
      %add3A_474 = arith.constant 1 : i32
      %add3A_475 = vector.broadcast %add3A_474 : i32 to vector<16xi32>
      %add3A_476 = arith.addi %mul3A_470, %add3A_475 : vector<16xi32>
      %swap3A_477 = arith.index_cast %scan3A_102 : i32 to index
      %swap3A_478 = arith.constant 64 : index
      %swap3A_479 = tpu.vector_load %arg21[%swap3A_477, %swap3A_478] {strides = array<i32>} : memref<16x128xi32, #tpu.memory_space<vmem>>, vector<16xi32>,
      tpu.vector_store %arg21[%swap3A_477, %swap3A_478], %add3A_476 {strides = array<i32>} : memref<16x128xi32, #tpu.memory_space<vmem>>, vector<16xi32>,
      %get3A_480 = arith.index_cast %add3A_416 : i32 to index
      %get3A_481 = tpu.vector_load %arg15[%get3A_480] {strides = array<i32>} : memref<2048xf32, #tpu.memory_space<vmem>>, vector<16xf32>,
      %mul3A_482 = arith.mulf %get3A_481, %get3A_457 : vector<16xf32>
      %swap3A_483 = arith.index_cast %scan3A_102 : i32 to index
      %swap3A_484 = arith.constant 64 : index
      %swap3A_485 = tpu.vector_load %arg20[%swap3A_483, %swap3A_484] {strides = array<i32>} : memref<16x128xf32, #tpu.memory_space<vmem>>, vector<16xf32>,
      tpu.vector_store %arg20[%swap3A_483, %swap3A_484], %mul3A_482 {strides = array<i32>} : memref<16x128xf32, #tpu.memory_space<vmem>>, vector<16xf32>,
      %get3A_486 = arith.index_cast %add3A_416 : i32 to index
      %get3A_487 = tpu.vector_load %arg16[%get3A_486] {strides = array<i32>} : memref<2048xf32, #tpu.memory_space<vmem>>, vector<16xf32>,
      %mul3A_488 = arith.mulf %get3A_487, %get3A_457 : vector<16xf32>
      %swap3A_489 = arith.index_cast %scan3A_102 : i32 to index
      %swap3A_490 = arith.constant 64 : index
      %swap3A_491 = tpu.vector_load %arg22[%swap3A_489, %swap3A_490] {strides = array<i32>} : memref<16x128xf32, #tpu.memory_space<vmem>>, vector<16xf32>,
      tpu.vector_store %arg22[%swap3A_489, %swap3A_490], %mul3A_488 {strides = array<i32>} : memref<16x128xf32, #tpu.memory_space<vmem>>, vector<16xf32>,
      %mul3A_492 = arith.constant 128 : i32
      %mul3A_493 = arith.muli %scan3A_102, %mul3A_492 : i32
      %add3A_494 = arith.constant 80 : i32
      %add3A_495 = arith.addi %mul3A_493, %add3A_494 : i32
      %get3A_496 = arith.index_cast %add3A_495 : i32 to index
      %get3A_497 = tpu.vector_load %arg11[%get3A_496] {strides = array<i32>} : memref<2048xf32, #tpu.memory_space<vmem>>, vector<16xf32>,
      %get3A_498 = arith.index_cast %add3A_495 : i32 to index
      %get3A_499 = tpu.vector_load %arg12[%get3A_498] {strides = array<i32>} : memref<2048xf32, #tpu.memory_space<vmem>>, vector<16xf32>,
      %sub3A_500 = vector.broadcast %squeeze3A : f32 to vector<16xf32>
      %sub3A_501 = arith.subf %get3A_497, %sub3A_500 : vector<16xf32>
      %div3A_502 = vector.broadcast %squeeze3A_5 : f32 to vector<16xf32>
      %div3A_503 = arith.divf %sub3A_501, %div3A_502 : vector<16xf32>
      %mul3A_504 = arith.constant 2.560000e+02 : f32
      %mul3A_505 = vector.broadcast %mul3A_504 : f32 to vector<16xf32>
      %mul3A_506 = arith.mulf %div3A_503, %mul3A_505 : vector<16xf32>
      %sub3A_507 = vector.broadcast %squeeze3A_3 : f32 to vector<16xf32>
      %sub3A_508 = arith.subf %get3A_499, %sub3A_507 : vector<16xf32>
      %div3A_509 = vector.broadcast %squeeze3A_7 : f32 to vector<16xf32>
      %div3A_510 = arith.divf %sub3A_508, %div3A_509 : vector<16xf32>
      %mul3A_511 = arith.constant 2.560000e+02 : f32
      %mul3A_512 = vector.broadcast %mul3A_511 : f32 to vector<16xf32>
      %mul3A_513 = arith.mulf %div3A_510, %mul3A_512 : vector<16xf32>
      %convert_element_type3A_514 = arith.fptosi %mul3A_506 : vector<16xf32> to vector<16xi32>
      %max3A_515 = arith.constant 0 : i32
      %max3A_516 = vector.broadcast %max3A_515 : i32 to vector<16xi32>
      %max3A_517 = arith.maxsi %convert_element_type3A_514, %max3A_516 : vector<16xi32>
      %min3A_518 = arith.constant 255 : i32
      %min3A_519 = vector.broadcast %min3A_518 : i32 to vector<16xi32>
      %min3A_520 = arith.minsi %max3A_517, %min3A_519 : vector<16xi32>
      %convert_element_type3A_521 = arith.fptosi %mul3A_513 : vector<16xf32> to vector<16xi32>
      %max3A_522 = arith.constant 0 : i32
      %max3A_523 = vector.broadcast %max3A_522 : i32 to vector<16xi32>
      %max3A_524 = arith.maxsi %convert_element_type3A_521, %max3A_523 : vector<16xi32>
      %min3A_525 = arith.constant 255 : i32
      %min3A_526 = vector.broadcast %min3A_525 : i32 to vector<16xi32>
      %min3A_527 = arith.minsi %max3A_524, %min3A_526 : vector<16xi32>
      %mul3A_528 = arith.constant 256 : i32
      %mul3A_529 = vector.broadcast %mul3A_528 : i32 to vector<16xi32>
      %mul3A_530 = arith.muli %min3A_520, %mul3A_529 : vector<16xi32>
      %add3A_531 = arith.addi %mul3A_530, %min3A_527 : vector<16xi32>
      %get3A_532 = arith.index_cast %add3A_495 : i32 to index
      %get3A_533 = tpu.vector_load %arg13[%get3A_532] {strides = array<i32>} : memref<2048xi32, #tpu.memory_space<vmem>>, vector<16xi32>,
      %gather3A_534 = tpu.vector_load_idx %arg23[%get3A_533] : memref<16xi32, #tpu.memory_space<vmem>>[vector<16xi32>], vector<16xi32>,
      %get3A_535 = arith.index_cast %add3A_495 : i32 to index
      %get3A_536 = tpu.vector_load %arg14[%get3A_535] {strides = array<i32>} : memref<2048xf32, #tpu.memory_space<vmem>>, vector<16xf32>,
      %mul3A_537 = arith.constant 65536 : i32
      %mul3A_538 = vector.broadcast %mul3A_537 : i32 to vector<16xi32>
      %mul3A_539 = arith.muli %gather3A_534, %mul3A_538 : vector<16xi32>
      %add3A_540 = arith.addi %mul3A_539, %add3A_531 : vector<16xi32>
      %swap3A_541 = arith.index_cast %scan3A_102 : i32 to index
      %swap3A_542 = arith.constant 80 : index
      %swap3A_543 = tpu.vector_load %arg17[%swap3A_541, %swap3A_542] {strides = array<i32>} : memref<16x128xi32, #tpu.memory_space<vmem>>, vector<16xi32>,
      tpu.vector_store %arg17[%swap3A_541, %swap3A_542], %add3A_540 {strides = array<i32>} : memref<16x128xi32, #tpu.memory_space<vmem>>, vector<16xi32>,
      %swap3A_544 = arith.index_cast %scan3A_102 : i32 to index
      %swap3A_545 = arith.constant 80 : index
      %swap3A_546 = tpu.vector_load %arg18[%swap3A_544, %swap3A_545] {strides = array<i32>} : memref<16x128xf32, #tpu.memory_space<vmem>>, vector<16xf32>,
      tpu.vector_store %arg18[%swap3A_544, %swap3A_545], %get3A_536 {strides = array<i32>} : memref<16x128xf32, #tpu.memory_space<vmem>>, vector<16xf32>,
      %mul3A_547 = arith.constant 2 : i32
      %mul3A_548 = vector.broadcast %mul3A_547 : i32 to vector<16xi32>
      %mul3A_549 = arith.muli %add3A_531, %mul3A_548 : vector<16xi32>
      %swap3A_550 = arith.index_cast %scan3A_102 : i32 to index
      %swap3A_551 = arith.constant 80 : index
      %swap3A_552 = tpu.vector_load %arg19[%swap3A_550, %swap3A_551] {strides = array<i32>} : memref<16x128xi32, #tpu.memory_space<vmem>>, vector<16xi32>,
      tpu.vector_store %arg19[%swap3A_550, %swap3A_551], %mul3A_549 {strides = array<i32>} : memref<16x128xi32, #tpu.memory_space<vmem>>, vector<16xi32>,
      %add3A_553 = arith.constant 1 : i32
      %add3A_554 = vector.broadcast %add3A_553 : i32 to vector<16xi32>
      %add3A_555 = arith.addi %mul3A_549, %add3A_554 : vector<16xi32>
      %swap3A_556 = arith.index_cast %scan3A_102 : i32 to index
      %swap3A_557 = arith.constant 80 : index
      %swap3A_558 = tpu.vector_load %arg21[%swap3A_556, %swap3A_557] {strides = array<i32>} : memref<16x128xi32, #tpu.memory_space<vmem>>, vector<16xi32>,
      tpu.vector_store %arg21[%swap3A_556, %swap3A_557], %add3A_555 {strides = array<i32>} : memref<16x128xi32, #tpu.memory_space<vmem>>, vector<16xi32>,
      %get3A_559 = arith.index_cast %add3A_495 : i32 to index
      %get3A_560 = tpu.vector_load %arg15[%get3A_559] {strides = array<i32>} : memref<2048xf32, #tpu.memory_space<vmem>>, vector<16xf32>,
      %mul3A_561 = arith.mulf %get3A_560, %get3A_536 : vector<16xf32>
      %swap3A_562 = arith.index_cast %scan3A_102 : i32 to index
      %swap3A_563 = arith.constant 80 : index
      %swap3A_564 = tpu.vector_load %arg20[%swap3A_562, %swap3A_563] {strides = array<i32>} : memref<16x128xf32, #tpu.memory_space<vmem>>, vector<16xf32>,
      tpu.vector_store %arg20[%swap3A_562, %swap3A_563], %mul3A_561 {strides = array<i32>} : memref<16x128xf32, #tpu.memory_space<vmem>>, vector<16xf32>,
      %get3A_565 = arith.index_cast %add3A_495 : i32 to index
      %get3A_566 = tpu.vector_load %arg16[%get3A_565] {strides = array<i32>} : memref<2048xf32, #tpu.memory_space<vmem>>, vector<16xf32>,
      %mul3A_567 = arith.mulf %get3A_566, %get3A_536 : vector<16xf32>
      %swap3A_568 = arith.index_cast %scan3A_102 : i32 to index
      %swap3A_569 = arith.constant 80 : index
      %swap3A_570 = tpu.vector_load %arg22[%swap3A_568, %swap3A_569] {strides = array<i32>} : memref<16x128xf32, #tpu.memory_space<vmem>>, vector<16xf32>,
      tpu.vector_store %arg22[%swap3A_568, %swap3A_569], %mul3A_567 {strides = array<i32>} : memref<16x128xf32, #tpu.memory_space<vmem>>, vector<16xf32>,
      %mul3A_571 = arith.constant 128 : i32
      %mul3A_572 = arith.muli %scan3A_102, %mul3A_571 : i32
      %add3A_573 = arith.constant 96 : i32
      %add3A_574 = arith.addi %mul3A_572, %add3A_573 : i32
      %get3A_575 = arith.index_cast %add3A_574 : i32 to index
      %get3A_576 = tpu.vector_load %arg11[%get3A_575] {strides = array<i32>} : memref<2048xf32, #tpu.memory_space<vmem>>, vector<16xf32>,
      %get3A_577 = arith.index_cast %add3A_574 : i32 to index
      %get3A_578 = tpu.vector_load %arg12[%get3A_577] {strides = array<i32>} : memref<2048xf32, #tpu.memory_space<vmem>>, vector<16xf32>,
      %sub3A_579 = vector.broadcast %squeeze3A : f32 to vector<16xf32>
      %sub3A_580 = arith.subf %get3A_576, %sub3A_579 : vector<16xf32>
      %div3A_581 = vector.broadcast %squeeze3A_5 : f32 to vector<16xf32>
      %div3A_582 = arith.divf %sub3A_580, %div3A_581 : vector<16xf32>
      %mul3A_583 = arith.constant 2.560000e+02 : f32
      %mul3A_584 = vector.broadcast %mul3A_583 : f32 to vector<16xf32>
      %mul3A_585 = arith.mulf %div3A_582, %mul3A_584 : vector<16xf32>
      %sub3A_586 = vector.broadcast %squeeze3A_3 : f32 to vector<16xf32>
      %sub3A_587 = arith.subf %get3A_578, %sub3A_586 : vector<16xf32>
      %div3A_588 = vector.broadcast %squeeze3A_7 : f32 to vector<16xf32>
      %div3A_589 = arith.divf %sub3A_587, %div3A_588 : vector<16xf32>
      %mul3A_590 = arith.constant 2.560000e+02 : f32
      %mul3A_591 = vector.broadcast %mul3A_590 : f32 to vector<16xf32>
      %mul3A_592 = arith.mulf %div3A_589, %mul3A_591 : vector<16xf32>
      %convert_element_type3A_593 = arith.fptosi %mul3A_585 : vector<16xf32> to vector<16xi32>
      %max3A_594 = arith.constant 0 : i32
      %max3A_595 = vector.broadcast %max3A_594 : i32 to vector<16xi32>
      %max3A_596 = arith.maxsi %convert_element_type3A_593, %max3A_595 : vector<16xi32>
      %min3A_597 = arith.constant 255 : i32
      %min3A_598 = vector.broadcast %min3A_597 : i32 to vector<16xi32>
      %min3A_599 = arith.minsi %max3A_596, %min3A_598 : vector<16xi32>
      %convert_element_type3A_600 = arith.fptosi %mul3A_592 : vector<16xf32> to vector<16xi32>
      %max3A_601 = arith.constant 0 : i32
      %max3A_602 = vector.broadcast %max3A_601 : i32 to vector<16xi32>
      %max3A_603 = arith.maxsi %convert_element_type3A_600, %max3A_602 : vector<16xi32>
      %min3A_604 = arith.constant 255 : i32
      %min3A_605 = vector.broadcast %min3A_604 : i32 to vector<16xi32>
      %min3A_606 = arith.minsi %max3A_603, %min3A_605 : vector<16xi32>
      %mul3A_607 = arith.constant 256 : i32
      %mul3A_608 = vector.broadcast %mul3A_607 : i32 to vector<16xi32>
      %mul3A_609 = arith.muli %min3A_599, %mul3A_608 : vector<16xi32>
      %add3A_610 = arith.addi %mul3A_609, %min3A_606 : vector<16xi32>
      %get3A_611 = arith.index_cast %add3A_574 : i32 to index
      %get3A_612 = tpu.vector_load %arg13[%get3A_611] {strides = array<i32>} : memref<2048xi32, #tpu.memory_space<vmem>>, vector<16xi32>,
      %gather3A_613 = tpu.vector_load_idx %arg23[%get3A_612] : memref<16xi32, #tpu.memory_space<vmem>>[vector<16xi32>], vector<16xi32>,
      %get3A_614 = arith.index_cast %add3A_574 : i32 to index
      %get3A_615 = tpu.vector_load %arg14[%get3A_614] {strides = array<i32>} : memref<2048xf32, #tpu.memory_space<vmem>>, vector<16xf32>,
      %mul3A_616 = arith.constant 65536 : i32
      %mul3A_617 = vector.broadcast %mul3A_616 : i32 to vector<16xi32>
      %mul3A_618 = arith.muli %gather3A_613, %mul3A_617 : vector<16xi32>
      %add3A_619 = arith.addi %mul3A_618, %add3A_610 : vector<16xi32>
      %swap3A_620 = arith.index_cast %scan3A_102 : i32 to index
      %swap3A_621 = arith.constant 96 : index
      %swap3A_622 = tpu.vector_load %arg17[%swap3A_620, %swap3A_621] {strides = array<i32>} : memref<16x128xi32, #tpu.memory_space<vmem>>, vector<16xi32>,
      tpu.vector_store %arg17[%swap3A_620, %swap3A_621], %add3A_619 {strides = array<i32>} : memref<16x128xi32, #tpu.memory_space<vmem>>, vector<16xi32>,
      %swap3A_623 = arith.index_cast %scan3A_102 : i32 to index
      %swap3A_624 = arith.constant 96 : index
      %swap3A_625 = tpu.vector_load %arg18[%swap3A_623, %swap3A_624] {strides = array<i32>} : memref<16x128xf32, #tpu.memory_space<vmem>>, vector<16xf32>,
      tpu.vector_store %arg18[%swap3A_623, %swap3A_624], %get3A_615 {strides = array<i32>} : memref<16x128xf32, #tpu.memory_space<vmem>>, vector<16xf32>,
      %mul3A_626 = arith.constant 2 : i32
      %mul3A_627 = vector.broadcast %mul3A_626 : i32 to vector<16xi32>
      %mul3A_628 = arith.muli %add3A_610, %mul3A_627 : vector<16xi32>
      %swap3A_629 = arith.index_cast %scan3A_102 : i32 to index
      %swap3A_630 = arith.constant 96 : index
      %swap3A_631 = tpu.vector_load %arg19[%swap3A_629, %swap3A_630] {strides = array<i32>} : memref<16x128xi32, #tpu.memory_space<vmem>>, vector<16xi32>,
      tpu.vector_store %arg19[%swap3A_629, %swap3A_630], %mul3A_628 {strides = array<i32>} : memref<16x128xi32, #tpu.memory_space<vmem>>, vector<16xi32>,
      %add3A_632 = arith.constant 1 : i32
      %add3A_633 = vector.broadcast %add3A_632 : i32 to vector<16xi32>
      %add3A_634 = arith.addi %mul3A_628, %add3A_633 : vector<16xi32>
      %swap3A_635 = arith.index_cast %scan3A_102 : i32 to index
      %swap3A_636 = arith.constant 96 : index
      %swap3A_637 = tpu.vector_load %arg21[%swap3A_635, %swap3A_636] {strides = array<i32>} : memref<16x128xi32, #tpu.memory_space<vmem>>, vector<16xi32>,
      tpu.vector_store %arg21[%swap3A_635, %swap3A_636], %add3A_634 {strides = array<i32>} : memref<16x128xi32, #tpu.memory_space<vmem>>, vector<16xi32>,
      %get3A_638 = arith.index_cast %add3A_574 : i32 to index
      %get3A_639 = tpu.vector_load %arg15[%get3A_638] {strides = array<i32>} : memref<2048xf32, #tpu.memory_space<vmem>>, vector<16xf32>,
      %mul3A_640 = arith.mulf %get3A_639, %get3A_615 : vector<16xf32>
      %swap3A_641 = arith.index_cast %scan3A_102 : i32 to index
      %swap3A_642 = arith.constant 96 : index
      %swap3A_643 = tpu.vector_load %arg20[%swap3A_641, %swap3A_642] {strides = array<i32>} : memref<16x128xf32, #tpu.memory_space<vmem>>, vector<16xf32>,
      tpu.vector_store %arg20[%swap3A_641, %swap3A_642], %mul3A_640 {strides = array<i32>} : memref<16x128xf32, #tpu.memory_space<vmem>>, vector<16xf32>,
      %get3A_644 = arith.index_cast %add3A_574 : i32 to index
      %get3A_645 = tpu.vector_load %arg16[%get3A_644] {strides = array<i32>} : memref<2048xf32, #tpu.memory_space<vmem>>, vector<16xf32>,
      %mul3A_646 = arith.mulf %get3A_645, %get3A_615 : vector<16xf32>
      %swap3A_647 = arith.index_cast %scan3A_102 : i32 to index
      %swap3A_648 = arith.constant 96 : index
      %swap3A_649 = tpu.vector_load %arg22[%swap3A_647, %swap3A_648] {strides = array<i32>} : memref<16x128xf32, #tpu.memory_space<vmem>>, vector<16xf32>,
      tpu.vector_store %arg22[%swap3A_647, %swap3A_648], %mul3A_646 {strides = array<i32>} : memref<16x128xf32, #tpu.memory_space<vmem>>, vector<16xf32>,
      %mul3A_650 = arith.constant 128 : i32
      %mul3A_651 = arith.muli %scan3A_102, %mul3A_650 : i32
      %add3A_652 = arith.constant 112 : i32
      %add3A_653 = arith.addi %mul3A_651, %add3A_652 : i32
      %get3A_654 = arith.index_cast %add3A_653 : i32 to index
      %get3A_655 = tpu.vector_load %arg11[%get3A_654] {strides = array<i32>} : memref<2048xf32, #tpu.memory_space<vmem>>, vector<16xf32>,
      %get3A_656 = arith.index_cast %add3A_653 : i32 to index
      %get3A_657 = tpu.vector_load %arg12[%get3A_656] {strides = array<i32>} : memref<2048xf32, #tpu.memory_space<vmem>>, vector<16xf32>,
      %sub3A_658 = vector.broadcast %squeeze3A : f32 to vector<16xf32>
      %sub3A_659 = arith.subf %get3A_655, %sub3A_658 : vector<16xf32>
      %div3A_660 = vector.broadcast %squeeze3A_5 : f32 to vector<16xf32>
      %div3A_661 = arith.divf %sub3A_659, %div3A_660 : vector<16xf32>
      %mul3A_662 = arith.constant 2.560000e+02 : f32
      %mul3A_663 = vector.broadcast %mul3A_662 : f32 to vector<16xf32>
      %mul3A_664 = arith.mulf %div3A_661, %mul3A_663 : vector<16xf32>
      %sub3A_665 = vector.broadcast %squeeze3A_3 : f32 to vector<16xf32>
      %sub3A_666 = arith.subf %get3A_657, %sub3A_665 : vector<16xf32>
      %div3A_667 = vector.broadcast %squeeze3A_7 : f32 to vector<16xf32>
      %div3A_668 = arith.divf %sub3A_666, %div3A_667 : vector<16xf32>
      %mul3A_669 = arith.constant 2.560000e+02 : f32
      %mul3A_670 = vector.broadcast %mul3A_669 : f32 to vector<16xf32>
      %mul3A_671 = arith.mulf %div3A_668, %mul3A_670 : vector<16xf32>
      %convert_element_type3A_672 = arith.fptosi %mul3A_664 : vector<16xf32> to vector<16xi32>
      %max3A_673 = arith.constant 0 : i32
      %max3A_674 = vector.broadcast %max3A_673 : i32 to vector<16xi32>
      %max3A_675 = arith.maxsi %convert_element_type3A_672, %max3A_674 : vector<16xi32>
      %min3A_676 = arith.constant 255 : i32
      %min3A_677 = vector.broadcast %min3A_676 : i32 to vector<16xi32>
      %min3A_678 = arith.minsi %max3A_675, %min3A_677 : vector<16xi32>
      %convert_element_type3A_679 = arith.fptosi %mul3A_671 : vector<16xf32> to vector<16xi32>
      %max3A_680 = arith.constant 0 : i32
      %max3A_681 = vector.broadcast %max3A_680 : i32 to vector<16xi32>
      %max3A_682 = arith.maxsi %convert_element_type3A_679, %max3A_681 : vector<16xi32>
      %min3A_683 = arith.constant 255 : i32
      %min3A_684 = vector.broadcast %min3A_683 : i32 to vector<16xi32>
      %min3A_685 = arith.minsi %max3A_682, %min3A_684 : vector<16xi32>
      %mul3A_686 = arith.constant 256 : i32
      %mul3A_687 = vector.broadcast %mul3A_686 : i32 to vector<16xi32>
      %mul3A_688 = arith.muli %min3A_678, %mul3A_687 : vector<16xi32>
      %add3A_689 = arith.addi %mul3A_688, %min3A_685 : vector<16xi32>
      %get3A_690 = arith.index_cast %add3A_653 : i32 to index
      %get3A_691 = tpu.vector_load %arg13[%get3A_690] {strides = array<i32>} : memref<2048xi32, #tpu.memory_space<vmem>>, vector<16xi32>,
      %gather3A_692 = tpu.vector_load_idx %arg23[%get3A_691] : memref<16xi32, #tpu.memory_space<vmem>>[vector<16xi32>], vector<16xi32>,
      %get3A_693 = arith.index_cast %add3A_653 : i32 to index
      %get3A_694 = tpu.vector_load %arg14[%get3A_693] {strides = array<i32>} : memref<2048xf32, #tpu.memory_space<vmem>>, vector<16xf32>,
      %mul3A_695 = arith.constant 65536 : i32
      %mul3A_696 = vector.broadcast %mul3A_695 : i32 to vector<16xi32>
      %mul3A_697 = arith.muli %gather3A_692, %mul3A_696 : vector<16xi32>
      %add3A_698 = arith.addi %mul3A_697, %add3A_689 : vector<16xi32>
      %swap3A_699 = arith.index_cast %scan3A_102 : i32 to index
      %swap3A_700 = arith.constant 112 : index
      %swap3A_701 = tpu.vector_load %arg17[%swap3A_699, %swap3A_700] {strides = array<i32>} : memref<16x128xi32, #tpu.memory_space<vmem>>, vector<16xi32>,
      tpu.vector_store %arg17[%swap3A_699, %swap3A_700], %add3A_698 {strides = array<i32>} : memref<16x128xi32, #tpu.memory_space<vmem>>, vector<16xi32>,
      %swap3A_702 = arith.index_cast %scan3A_102 : i32 to index
      %swap3A_703 = arith.constant 112 : index
      %swap3A_704 = tpu.vector_load %arg18[%swap3A_702, %swap3A_703] {strides = array<i32>} : memref<16x128xf32, #tpu.memory_space<vmem>>, vector<16xf32>,
      tpu.vector_store %arg18[%swap3A_702, %swap3A_703], %get3A_694 {strides = array<i32>} : memref<16x128xf32, #tpu.memory_space<vmem>>, vector<16xf32>,
      %mul3A_705 = arith.constant 2 : i32
      %mul3A_706 = vector.broadcast %mul3A_705 : i32 to vector<16xi32>
      %mul3A_707 = arith.muli %add3A_689, %mul3A_706 : vector<16xi32>
      %swap3A_708 = arith.index_cast %scan3A_102 : i32 to index
      %swap3A_709 = arith.constant 112 : index
      %swap3A_710 = tpu.vector_load %arg19[%swap3A_708, %swap3A_709] {strides = array<i32>} : memref<16x128xi32, #tpu.memory_space<vmem>>, vector<16xi32>,
      tpu.vector_store %arg19[%swap3A_708, %swap3A_709], %mul3A_707 {strides = array<i32>} : memref<16x128xi32, #tpu.memory_space<vmem>>, vector<16xi32>,
      %add3A_711 = arith.constant 1 : i32
      %add3A_712 = vector.broadcast %add3A_711 : i32 to vector<16xi32>
      %add3A_713 = arith.addi %mul3A_707, %add3A_712 : vector<16xi32>
      %swap3A_714 = arith.index_cast %scan3A_102 : i32 to index
      %swap3A_715 = arith.constant 112 : index
      %swap3A_716 = tpu.vector_load %arg21[%swap3A_714, %swap3A_715] {strides = array<i32>} : memref<16x128xi32, #tpu.memory_space<vmem>>, vector<16xi32>,
      tpu.vector_store %arg21[%swap3A_714, %swap3A_715], %add3A_713 {strides = array<i32>} : memref<16x128xi32, #tpu.memory_space<vmem>>, vector<16xi32>,
      %get3A_717 = arith.index_cast %add3A_653 : i32 to index
      %get3A_718 = tpu.vector_load %arg15[%get3A_717] {strides = array<i32>} : memref<2048xf32, #tpu.memory_space<vmem>>, vector<16xf32>,
      %mul3A_719 = arith.mulf %get3A_718, %get3A_694 : vector<16xf32>
      %swap3A_720 = arith.index_cast %scan3A_102 : i32 to index
      %swap3A_721 = arith.constant 112 : index
      %swap3A_722 = tpu.vector_load %arg20[%swap3A_720, %swap3A_721] {strides = array<i32>} : memref<16x128xf32, #tpu.memory_space<vmem>>, vector<16xf32>,
      tpu.vector_store %arg20[%swap3A_720, %swap3A_721], %mul3A_719 {strides = array<i32>} : memref<16x128xf32, #tpu.memory_space<vmem>>, vector<16xf32>,
      %get3A_723 = arith.index_cast %add3A_653 : i32 to index
      %get3A_724 = tpu.vector_load %arg16[%get3A_723] {strides = array<i32>} : memref<2048xf32, #tpu.memory_space<vmem>>, vector<16xf32>,
      %mul3A_725 = arith.mulf %get3A_724, %get3A_694 : vector<16xf32>
      %swap3A_726 = arith.index_cast %scan3A_102 : i32 to index
      %swap3A_727 = arith.constant 112 : index
      %swap3A_728 = tpu.vector_load %arg22[%swap3A_726, %swap3A_727] {strides = array<i32>} : memref<16x128xf32, #tpu.memory_space<vmem>>, vector<16xf32>,
      tpu.vector_store %arg22[%swap3A_726, %swap3A_727], %mul3A_725 {strides = array<i32>} : memref<16x128xf32, #tpu.memory_space<vmem>>, vector<16xf32>,
      %scan3A_729 = arith.constant 0 : i32
      scf.yield %scan3A_729 : i32
    }
    %scan3A_67 = arith.constant 16 : i32
    %scan3A_68 = arith.constant 0 : i32
    %scan3A_69 = arith.constant 0 : i32
    %scan3A_70 = arith.constant 16 : i32
    %scan3A_71 = arith.addi %scan3A_69, %scan3A_70 : i32
    %scan3A_72 = arith.constant 1 : i32
    %scan3A_73 = scf.for %scan3A_102 = %scan3A_69 to %scan3A_71 step %scan3A_72 iter_args(%scan3A_103 = %scan3A_68) -> (i32)  : i32 {
      "tpu.region"() ({
        %run_scoped3A_105 = tpu.sem_alloc : memref<!tpu.dma_semaphore, #tpu.memory_space<semaphore_mem>>
        %dma_start3A = arith.constant 0 : i32
        %dma_start3A_106 = tpu.memref_slice %arg18[%scan3A_102, %dma_start3A] : memref<16x128xf32, #tpu.memory_space<vmem>> -> memref<1x128xf32, #tpu.memory_space<vmem>>
        %dma_start3A_107 = tpu.memref_squeeze %dma_start3A_106 : memref<1x128xf32, #tpu.memory_space<vmem>> -> memref<128xf32, #tpu.memory_space<vmem>>
        %dma_start3A_108 = arith.constant 0 : i32
        %dma_start3A_109 = tpu.memref_slice %arg17[%scan3A_102, %dma_start3A_108] : memref<16x128xi32, #tpu.memory_space<vmem>> -> memref<1x128xi32, #tpu.memory_space<vmem>>
        %dma_start3A_110 = tpu.memref_squeeze %dma_start3A_109 : memref<1x128xi32, #tpu.memory_space<vmem>> -> memref<128xi32, #tpu.memory_space<vmem>>
        %dma_start3A_111 = arith.constant 0 : i32
        %dma_start3A_112 = tpu.memref_slice %arg26[%dma_start3A_111] : memref<1310720xf32, #tpu.memory_space<vmem_shared>> -> memref<1310720xf32, #tpu.memory_space<vmem_shared>>
        tpu.enqueue_indirect_dma source(%dma_start3A_107 : memref<128xf32, #tpu.memory_space<vmem>>) target(%dma_start3A_112 : memref<1310720xf32, #tpu.memory_space<vmem_shared>>) offsets(%dma_start3A_110 : memref<128xi32, #tpu.memory_space<vmem>>) semaphore(%run_scoped3A_105 : memref<!tpu.dma_semaphore, #tpu.memory_space<semaphore_mem>>) {add = true}
        %dma_wait3A = arith.constant 0 : i32
        %dma_wait3A_113 = tpu.memref_slice %arg18[%scan3A_102, %dma_wait3A] : memref<16x128xf32, #tpu.memory_space<vmem>> -> memref<1x128xf32, #tpu.memory_space<vmem>>
        %dma_wait3A_114 = tpu.memref_squeeze %dma_wait3A_113 : memref<1x128xf32, #tpu.memory_space<vmem>> -> memref<128xf32, #tpu.memory_space<vmem>>
        %dma_wait3A_115 = arith.constant 0 : i32
        %dma_wait3A_116 = tpu.memref_slice %arg17[%scan3A_102, %dma_wait3A_115] : memref<16x128xi32, #tpu.memory_space<vmem>> -> memref<1x128xi32, #tpu.memory_space<vmem>>
        %dma_wait3A_117 = tpu.memref_squeeze %dma_wait3A_116 : memref<1x128xi32, #tpu.memory_space<vmem>> -> memref<128xi32, #tpu.memory_space<vmem>>
        %dma_wait3A_118 = arith.constant 0 : i32
        %dma_wait3A_119 = tpu.memref_slice %arg26[%dma_wait3A_118] : memref<1310720xf32, #tpu.memory_space<vmem_shared>> -> memref<1310720xf32, #tpu.memory_space<vmem_shared>>
        tpu.wait_indirect_dma semaphore(%run_scoped3A_105 : memref<!tpu.dma_semaphore, #tpu.memory_space<semaphore_mem>>) src(%dma_wait3A_114 : memref<128xf32, #tpu.memory_space<vmem>>) dst(%dma_wait3A_119 : memref<1310720xf32, #tpu.memory_space<vmem_shared>>)
        tpu.yield
      }) : () -> ()
      "tpu.region"() ({
        %run_scoped3A_105 = tpu.sem_alloc : memref<!tpu.dma_semaphore, #tpu.memory_space<semaphore_mem>>
        %dma_start3A = arith.constant 0 : i32
        %dma_start3A_106 = tpu.memref_slice %arg20[%scan3A_102, %dma_start3A] : memref<16x128xf32, #tpu.memory_space<vmem>> -> memref<1x128xf32, #tpu.memory_space<vmem>>
        %dma_start3A_107 = tpu.memref_squeeze %dma_start3A_106 : memref<1x128xf32, #tpu.memory_space<vmem>> -> memref<128xf32, #tpu.memory_space<vmem>>
        %dma_start3A_108 = arith.constant 0 : i32
        %dma_start3A_109 = tpu.memref_slice %arg19[%scan3A_102, %dma_start3A_108] : memref<16x128xi32, #tpu.memory_space<vmem>> -> memref<1x128xi32, #tpu.memory_space<vmem>>
        %dma_start3A_110 = tpu.memref_squeeze %dma_start3A_109 : memref<1x128xi32, #tpu.memory_space<vmem>> -> memref<128xi32, #tpu.memory_space<vmem>>
        %dma_start3A_111 = arith.constant 0 : i32
        %dma_start3A_112 = tpu.memref_slice %arg27[%dma_start3A_111] : memref<131072xf32, #tpu.memory_space<vmem_shared>> -> memref<131072xf32, #tpu.memory_space<vmem_shared>>
        tpu.enqueue_indirect_dma source(%dma_start3A_107 : memref<128xf32, #tpu.memory_space<vmem>>) target(%dma_start3A_112 : memref<131072xf32, #tpu.memory_space<vmem_shared>>) offsets(%dma_start3A_110 : memref<128xi32, #tpu.memory_space<vmem>>) semaphore(%run_scoped3A_105 : memref<!tpu.dma_semaphore, #tpu.memory_space<semaphore_mem>>) {add = true}
        %dma_wait3A = arith.constant 0 : i32
        %dma_wait3A_113 = tpu.memref_slice %arg20[%scan3A_102, %dma_wait3A] : memref<16x128xf32, #tpu.memory_space<vmem>> -> memref<1x128xf32, #tpu.memory_space<vmem>>
        %dma_wait3A_114 = tpu.memref_squeeze %dma_wait3A_113 : memref<1x128xf32, #tpu.memory_space<vmem>> -> memref<128xf32, #tpu.memory_space<vmem>>
        %dma_wait3A_115 = arith.constant 0 : i32
        %dma_wait3A_116 = tpu.memref_slice %arg19[%scan3A_102, %dma_wait3A_115] : memref<16x128xi32, #tpu.memory_space<vmem>> -> memref<1x128xi32, #tpu.memory_space<vmem>>
        %dma_wait3A_117 = tpu.memref_squeeze %dma_wait3A_116 : memref<1x128xi32, #tpu.memory_space<vmem>> -> memref<128xi32, #tpu.memory_space<vmem>>
        %dma_wait3A_118 = arith.constant 0 : i32
        %dma_wait3A_119 = tpu.memref_slice %arg27[%dma_wait3A_118] : memref<131072xf32, #tpu.memory_space<vmem_shared>> -> memref<131072xf32, #tpu.memory_space<vmem_shared>>
        tpu.wait_indirect_dma semaphore(%run_scoped3A_105 : memref<!tpu.dma_semaphore, #tpu.memory_space<semaphore_mem>>) src(%dma_wait3A_114 : memref<128xf32, #tpu.memory_space<vmem>>) dst(%dma_wait3A_119 : memref<131072xf32, #tpu.memory_space<vmem_shared>>)
        tpu.yield
      }) : () -> ()
      "tpu.region"() ({
        %run_scoped3A_105 = tpu.sem_alloc : memref<!tpu.dma_semaphore, #tpu.memory_space<semaphore_mem>>
        %dma_start3A = arith.constant 0 : i32
        %dma_start3A_106 = tpu.memref_slice %arg22[%scan3A_102, %dma_start3A] : memref<16x128xf32, #tpu.memory_space<vmem>> -> memref<1x128xf32, #tpu.memory_space<vmem>>
        %dma_start3A_107 = tpu.memref_squeeze %dma_start3A_106 : memref<1x128xf32, #tpu.memory_space<vmem>> -> memref<128xf32, #tpu.memory_space<vmem>>
        %dma_start3A_108 = arith.constant 0 : i32
        %dma_start3A_109 = tpu.memref_slice %arg21[%scan3A_102, %dma_start3A_108] : memref<16x128xi32, #tpu.memory_space<vmem>> -> memref<1x128xi32, #tpu.memory_space<vmem>>
        %dma_start3A_110 = tpu.memref_squeeze %dma_start3A_109 : memref<1x128xi32, #tpu.memory_space<vmem>> -> memref<128xi32, #tpu.memory_space<vmem>>
        %dma_start3A_111 = arith.constant 0 : i32
        %dma_start3A_112 = tpu.memref_slice %arg27[%dma_start3A_111] : memref<131072xf32, #tpu.memory_space<vmem_shared>> -> memref<131072xf32, #tpu.memory_space<vmem_shared>>
        tpu.enqueue_indirect_dma source(%dma_start3A_107 : memref<128xf32, #tpu.memory_space<vmem>>) target(%dma_start3A_112 : memref<131072xf32, #tpu.memory_space<vmem_shared>>) offsets(%dma_start3A_110 : memref<128xi32, #tpu.memory_space<vmem>>) semaphore(%run_scoped3A_105 : memref<!tpu.dma_semaphore, #tpu.memory_space<semaphore_mem>>) {add = true}
        %dma_wait3A = arith.constant 0 : i32
        %dma_wait3A_113 = tpu.memref_slice %arg22[%scan3A_102, %dma_wait3A] : memref<16x128xf32, #tpu.memory_space<vmem>> -> memref<1x128xf32, #tpu.memory_space<vmem>>
        %dma_wait3A_114 = tpu.memref_squeeze %dma_wait3A_113 : memref<1x128xf32, #tpu.memory_space<vmem>> -> memref<128xf32, #tpu.memory_space<vmem>>
        %dma_wait3A_115 = arith.constant 0 : i32
        %dma_wait3A_116 = tpu.memref_slice %arg21[%scan3A_102, %dma_wait3A_115] : memref<16x128xi32, #tpu.memory_space<vmem>> -> memref<1x128xi32, #tpu.memory_space<vmem>>
        %dma_wait3A_117 = tpu.memref_squeeze %dma_wait3A_116 : memref<1x128xi32, #tpu.memory_space<vmem>> -> memref<128xi32, #tpu.memory_space<vmem>>
        %dma_wait3A_118 = arith.constant 0 : i32
        %dma_wait3A_119 = tpu.memref_slice %arg27[%dma_wait3A_118] : memref<131072xf32, #tpu.memory_space<vmem_shared>> -> memref<131072xf32, #tpu.memory_space<vmem_shared>>
        tpu.wait_indirect_dma semaphore(%run_scoped3A_105 : memref<!tpu.dma_semaphore, #tpu.memory_space<semaphore_mem>>) src(%dma_wait3A_114 : memref<128xf32, #tpu.memory_space<vmem>>) dst(%dma_wait3A_119 : memref<131072xf32, #tpu.memory_space<vmem_shared>>)
        tpu.yield
      }) : () -> ()
      %scan3A_104 = arith.constant 0 : i32
      scf.yield %scan3A_104 : i32
    }
    %scan3A_74 = arith.constant 16 : i32
    %add3A_75 = arith.constant 2048 : i32
    %add3A_76 = arith.addi %mul3A_57, %add3A_75 : i32
    "tpu.region"() ({
      %run_scoped3A_102 = tpu.sem_alloc : memref<!tpu.dma_semaphore, #tpu.memory_space<semaphore_mem>>
      %dma_start3A = tpu.memref_slice %arg2[%add3A_76] : memref<131072xf32, #tpu.memory_space<hbm>> -> memref<2048xf32, #tpu.memory_space<hbm>>
      %dma_start3A_103 = tpu.memref_slice %arg2[%add3A_76] : memref<131072xf32, #tpu.memory_space<hbm>> -> memref<2048xf32, #tpu.memory_space<hbm>>
      tpu.enqueue_dma source(%dma_start3A_103 : memref<2048xf32, #tpu.memory_space<hbm>>) target(%arg11 : memref<2048xf32, #tpu.memory_space<vmem>>) target_semaphore(%run_scoped3A_102 : memref<!tpu.dma_semaphore, #tpu.memory_space<semaphore_mem>>)
      %dma_wait3A = tpu.memref_slice %arg2[%add3A_76] : memref<131072xf32, #tpu.memory_space<hbm>> -> memref<2048xf32, #tpu.memory_space<hbm>>
      %dma_wait3A_104 = tpu.memref_slice %arg2[%add3A_76] : memref<131072xf32, #tpu.memory_space<hbm>> -> memref<2048xf32, #tpu.memory_space<hbm>>
      tpu.wait_dma2 semaphore(%run_scoped3A_102 : memref<!tpu.dma_semaphore, #tpu.memory_space<semaphore_mem>>) src(%dma_wait3A_104 : memref<2048xf32, #tpu.memory_space<hbm>>) dst(%arg11 : memref<2048xf32, #tpu.memory_space<vmem>>)
      tpu.yield
    }) : () -> ()
    "tpu.region"() ({
      %run_scoped3A_102 = tpu.sem_alloc : memref<!tpu.dma_semaphore, #tpu.memory_space<semaphore_mem>>
      %dma_start3A = tpu.memref_slice %arg3[%add3A_76] : memref<131072xf32, #tpu.memory_space<hbm>> -> memref<2048xf32, #tpu.memory_space<hbm>>
      %dma_start3A_103 = tpu.memref_slice %arg3[%add3A_76] : memref<131072xf32, #tpu.memory_space<hbm>> -> memref<2048xf32, #tpu.memory_space<hbm>>
      tpu.enqueue_dma source(%dma_start3A_103 : memref<2048xf32, #tpu.memory_space<hbm>>) target(%arg12 : memref<2048xf32, #tpu.memory_space<vmem>>) target_semaphore(%run_scoped3A_102 : memref<!tpu.dma_semaphore, #tpu.memory_space<semaphore_mem>>)
      %dma_wait3A = tpu.memref_slice %arg3[%add3A_76] : memref<131072xf32, #tpu.memory_space<hbm>> -> memref<2048xf32, #tpu.memory_space<hbm>>
      %dma_wait3A_104 = tpu.memref_slice %arg3[%add3A_76] : memref<131072xf32, #tpu.memory_space<hbm>> -> memref<2048xf32, #tpu.memory_space<hbm>>
      tpu.wait_dma2 semaphore(%run_scoped3A_102 : memref<!tpu.dma_semaphore, #tpu.memory_space<semaphore_mem>>) src(%dma_wait3A_104 : memref<2048xf32, #tpu.memory_space<hbm>>) dst(%arg12 : memref<2048xf32, #tpu.memory_space<vmem>>)
      tpu.yield
    }) : () -> ()
    "tpu.region"() ({
      %run_scoped3A_102 = tpu.sem_alloc : memref<!tpu.dma_semaphore, #tpu.memory_space<semaphore_mem>>
      %dma_start3A = tpu.memref_slice %arg4[%add3A_76] : memref<131072xi32, #tpu.memory_space<hbm>> -> memref<2048xi32, #tpu.memory_space<hbm>>
      %dma_start3A_103 = tpu.memref_slice %arg4[%add3A_76] : memref<131072xi32, #tpu.memory_space<hbm>> -> memref<2048xi32, #tpu.memory_space<hbm>>
      tpu.enqueue_dma source(%dma_start3A_103 : memref<2048xi32, #tpu.memory_space<hbm>>) target(%arg13 : memref<2048xi32, #tpu.memory_space<vmem>>) target_semaphore(%run_scoped3A_102 : memref<!tpu.dma_semaphore, #tpu.memory_space<semaphore_mem>>)
      %dma_wait3A = tpu.memref_slice %arg4[%add3A_76] : memref<131072xi32, #tpu.memory_space<hbm>> -> memref<2048xi32, #tpu.memory_space<hbm>>
      %dma_wait3A_104 = tpu.memref_slice %arg4[%add3A_76] : memref<131072xi32, #tpu.memory_space<hbm>> -> memref<2048xi32, #tpu.memory_space<hbm>>
      tpu.wait_dma2 semaphore(%run_scoped3A_102 : memref<!tpu.dma_semaphore, #tpu.memory_space<semaphore_mem>>) src(%dma_wait3A_104 : memref<2048xi32, #tpu.memory_space<hbm>>) dst(%arg13 : memref<2048xi32, #tpu.memory_space<vmem>>)
      tpu.yield
    }) : () -> ()
    "tpu.region"() ({
      %run_scoped3A_102 = tpu.sem_alloc : memref<!tpu.dma_semaphore, #tpu.memory_space<semaphore_mem>>
      %dma_start3A = tpu.memref_slice %arg5[%add3A_76] : memref<131072xf32, #tpu.memory_space<hbm>> -> memref<2048xf32, #tpu.memory_space<hbm>>
      %dma_start3A_103 = tpu.memref_slice %arg5[%add3A_76] : memref<131072xf32, #tpu.memory_space<hbm>> -> memref<2048xf32, #tpu.memory_space<hbm>>
      tpu.enqueue_dma source(%dma_start3A_103 : memref<2048xf32, #tpu.memory_space<hbm>>) target(%arg14 : memref<2048xf32, #tpu.memory_space<vmem>>) target_semaphore(%run_scoped3A_102 : memref<!tpu.dma_semaphore, #tpu.memory_space<semaphore_mem>>)
      %dma_wait3A = tpu.memref_slice %arg5[%add3A_76] : memref<131072xf32, #tpu.memory_space<hbm>> -> memref<2048xf32, #tpu.memory_space<hbm>>
      %dma_wait3A_104 = tpu.memref_slice %arg5[%add3A_76] : memref<131072xf32, #tpu.memory_space<hbm>> -> memref<2048xf32, #tpu.memory_space<hbm>>
      tpu.wait_dma2 semaphore(%run_scoped3A_102 : memref<!tpu.dma_semaphore, #tpu.memory_space<semaphore_mem>>) src(%dma_wait3A_104 : memref<2048xf32, #tpu.memory_space<hbm>>) dst(%arg14 : memref<2048xf32, #tpu.memory_space<vmem>>)
      tpu.yield
    }) : () -> ()
    %run_scoped3A_77 = arith.constant 0 : i32
    "tpu.region"() ({
      %run_scoped3A_102 = tpu.sem_alloc : memref<!tpu.dma_semaphore, #tpu.memory_space<semaphore_mem>>
      %dma_start3A = tpu.memref_slice %arg6[%run_scoped3A_77, %add3A_76] : memref<2x131072xf32, #tpu.memory_space<hbm>> -> memref<1x2048xf32, #tpu.memory_space<hbm>>
      %dma_start3A_103 = tpu.memref_squeeze %dma_start3A : memref<1x2048xf32, #tpu.memory_space<hbm>> -> memref<2048xf32, #tpu.memory_space<hbm>>
      %dma_start3A_104 = tpu.memref_slice %arg6[%run_scoped3A_77, %add3A_76] : memref<2x131072xf32, #tpu.memory_space<hbm>> -> memref<1x2048xf32, #tpu.memory_space<hbm>>
      %dma_start3A_105 = tpu.memref_squeeze %dma_start3A_104 : memref<1x2048xf32, #tpu.memory_space<hbm>> -> memref<2048xf32, #tpu.memory_space<hbm>>
      tpu.enqueue_dma source(%dma_start3A_105 : memref<2048xf32, #tpu.memory_space<hbm>>) target(%arg15 : memref<2048xf32, #tpu.memory_space<vmem>>) target_semaphore(%run_scoped3A_102 : memref<!tpu.dma_semaphore, #tpu.memory_space<semaphore_mem>>)
      %dma_wait3A = tpu.memref_slice %arg6[%run_scoped3A_77, %add3A_76] : memref<2x131072xf32, #tpu.memory_space<hbm>> -> memref<1x2048xf32, #tpu.memory_space<hbm>>
      %dma_wait3A_106 = tpu.memref_squeeze %dma_wait3A : memref<1x2048xf32, #tpu.memory_space<hbm>> -> memref<2048xf32, #tpu.memory_space<hbm>>
      %dma_wait3A_107 = tpu.memref_slice %arg6[%run_scoped3A_77, %add3A_76] : memref<2x131072xf32, #tpu.memory_space<hbm>> -> memref<1x2048xf32, #tpu.memory_space<hbm>>
      %dma_wait3A_108 = tpu.memref_squeeze %dma_wait3A_107 : memref<1x2048xf32, #tpu.memory_space<hbm>> -> memref<2048xf32, #tpu.memory_space<hbm>>
      tpu.wait_dma2 semaphore(%run_scoped3A_102 : memref<!tpu.dma_semaphore, #tpu.memory_space<semaphore_mem>>) src(%dma_wait3A_108 : memref<2048xf32, #tpu.memory_space<hbm>>) dst(%arg15 : memref<2048xf32, #tpu.memory_space<vmem>>)
      tpu.yield
    }) : () -> ()
    %run_scoped3A_78 = arith.constant 1 : i32
    "tpu.region"() ({
      %run_scoped3A_102 = tpu.sem_alloc : memref<!tpu.dma_semaphore, #tpu.memory_space<semaphore_mem>>
      %dma_start3A = tpu.memref_slice %arg6[%run_scoped3A_78, %add3A_76] : memref<2x131072xf32, #tpu.memory_space<hbm>> -> memref<1x2048xf32, #tpu.memory_space<hbm>>
      %dma_start3A_103 = tpu.memref_squeeze %dma_start3A : memref<1x2048xf32, #tpu.memory_space<hbm>> -> memref<2048xf32, #tpu.memory_space<hbm>>
      %dma_start3A_104 = tpu.memref_slice %arg6[%run_scoped3A_78, %add3A_76] : memref<2x131072xf32, #tpu.memory_space<hbm>> -> memref<1x2048xf32, #tpu.memory_space<hbm>>
      %dma_start3A_105 = tpu.memref_squeeze %dma_start3A_104 : memref<1x2048xf32, #tpu.memory_space<hbm>> -> memref<2048xf32, #tpu.memory_space<hbm>>
      tpu.enqueue_dma source(%dma_start3A_105 : memref<2048xf32, #tpu.memory_space<hbm>>) target(%arg16 : memref<2048xf32, #tpu.memory_space<vmem>>) target_semaphore(%run_scoped3A_102 : memref<!tpu.dma_semaphore, #tpu.memory_space<semaphore_mem>>)
      %dma_wait3A = tpu.memref_slice %arg6[%run_scoped3A_78, %add3A_76] : memref<2x131072xf32, #tpu.memory_space<hbm>> -> memref<1x2048xf32, #tpu.memory_space<hbm>>
      %dma_wait3A_106 = tpu.memref_squeeze %dma_wait3A : memref<1x2048xf32, #tpu.memory_space<hbm>> -> memref<2048xf32, #tpu.memory_space<hbm>>
      %dma_wait3A_107 = tpu.memref_slice %arg6[%run_scoped3A_78, %add3A_76] : memref<2x131072xf32, #tpu.memory_space<hbm>> -> memref<1x2048xf32, #tpu.memory_space<hbm>>
      %dma_wait3A_108 = tpu.memref_squeeze %dma_wait3A_107 : memref<1x2048xf32, #tpu.memory_space<hbm>> -> memref<2048xf32, #tpu.memory_space<hbm>>
      tpu.wait_dma2 semaphore(%run_scoped3A_102 : memref<!tpu.dma_semaphore, #tpu.memory_space<semaphore_mem>>) src(%dma_wait3A_108 : memref<2048xf32, #tpu.memory_space<hbm>>) dst(%arg16 : memref<2048xf32, #tpu.memory_space<vmem>>)
      tpu.yield
    }) : () -> ()
    %scan3A_79 = arith.constant 0 : i32
    %scan3A_80 = arith.constant 0 : i32
    %scan3A_81 = arith.constant 16 : i32
    %scan3A_82 = arith.addi %scan3A_80, %scan3A_81 : i32
    %scan3A_83 = arith.constant 1 : i32
    %scan3A_84 = scf.for %scan3A_102 = %scan3A_80 to %scan3A_82 step %scan3A_83 iter_args(%scan3A_103 = %scan3A_79) -> (i32)  : i32 {
      %mul3A_104 = arith.constant 128 : i32
      %mul3A_105 = arith.muli %scan3A_102, %mul3A_104 : i32
      %add3A_106 = arith.constant 0 : i32
      %add3A_107 = arith.addi %mul3A_105, %add3A_106 : i32
      %get3A_108 = arith.index_cast %add3A_107 : i32 to index
      %get3A_109 = tpu.vector_load %arg11[%get3A_108] {strides = array<i32>} : memref<2048xf32, #tpu.memory_space<vmem>>, vector<16xf32>,
      %get3A_110 = arith.index_cast %add3A_107 : i32 to index
      %get3A_111 = tpu.vector_load %arg12[%get3A_110] {strides = array<i32>} : memref<2048xf32, #tpu.memory_space<vmem>>, vector<16xf32>,
      %sub3A = vector.broadcast %squeeze3A : f32 to vector<16xf32>
      %sub3A_112 = arith.subf %get3A_109, %sub3A : vector<16xf32>
      %div3A = vector.broadcast %squeeze3A_5 : f32 to vector<16xf32>
      %div3A_113 = arith.divf %sub3A_112, %div3A : vector<16xf32>
      %mul3A_114 = arith.constant 2.560000e+02 : f32
      %mul3A_115 = vector.broadcast %mul3A_114 : f32 to vector<16xf32>
      %mul3A_116 = arith.mulf %div3A_113, %mul3A_115 : vector<16xf32>
      %sub3A_117 = vector.broadcast %squeeze3A_3 : f32 to vector<16xf32>
      %sub3A_118 = arith.subf %get3A_111, %sub3A_117 : vector<16xf32>
      %div3A_119 = vector.broadcast %squeeze3A_7 : f32 to vector<16xf32>
      %div3A_120 = arith.divf %sub3A_118, %div3A_119 : vector<16xf32>
      %mul3A_121 = arith.constant 2.560000e+02 : f32
      %mul3A_122 = vector.broadcast %mul3A_121 : f32 to vector<16xf32>
      %mul3A_123 = arith.mulf %div3A_120, %mul3A_122 : vector<16xf32>
      %convert_element_type3A = arith.fptosi %mul3A_116 : vector<16xf32> to vector<16xi32>
      %max3A = arith.constant 0 : i32
      %max3A_124 = vector.broadcast %max3A : i32 to vector<16xi32>
      %max3A_125 = arith.maxsi %convert_element_type3A, %max3A_124 : vector<16xi32>
      %min3A = arith.constant 255 : i32
      %min3A_126 = vector.broadcast %min3A : i32 to vector<16xi32>
      %min3A_127 = arith.minsi %max3A_125, %min3A_126 : vector<16xi32>
      %convert_element_type3A_128 = arith.fptosi %mul3A_123 : vector<16xf32> to vector<16xi32>
      %max3A_129 = arith.constant 0 : i32
      %max3A_130 = vector.broadcast %max3A_129 : i32 to vector<16xi32>
      %max3A_131 = arith.maxsi %convert_element_type3A_128, %max3A_130 : vector<16xi32>
      %min3A_132 = arith.constant 255 : i32
      %min3A_133 = vector.broadcast %min3A_132 : i32 to vector<16xi32>
      %min3A_134 = arith.minsi %max3A_131, %min3A_133 : vector<16xi32>
      %mul3A_135 = arith.constant 256 : i32
      %mul3A_136 = vector.broadcast %mul3A_135 : i32 to vector<16xi32>
      %mul3A_137 = arith.muli %min3A_127, %mul3A_136 : vector<16xi32>
      %add3A_138 = arith.addi %mul3A_137, %min3A_134 : vector<16xi32>
      %get3A_139 = arith.index_cast %add3A_107 : i32 to index
      %get3A_140 = tpu.vector_load %arg13[%get3A_139] {strides = array<i32>} : memref<2048xi32, #tpu.memory_space<vmem>>, vector<16xi32>,
      %gather3A = tpu.vector_load_idx %arg23[%get3A_140] : memref<16xi32, #tpu.memory_space<vmem>>[vector<16xi32>], vector<16xi32>,
      %get3A_141 = arith.index_cast %add3A_107 : i32 to index
      %get3A_142 = tpu.vector_load %arg14[%get3A_141] {strides = array<i32>} : memref<2048xf32, #tpu.memory_space<vmem>>, vector<16xf32>,
      %mul3A_143 = arith.constant 65536 : i32
      %mul3A_144 = vector.broadcast %mul3A_143 : i32 to vector<16xi32>
      %mul3A_145 = arith.muli %gather3A, %mul3A_144 : vector<16xi32>
      %add3A_146 = arith.addi %mul3A_145, %add3A_138 : vector<16xi32>
      %swap3A = arith.index_cast %scan3A_102 : i32 to index
      %swap3A_147 = arith.constant 0 : index
      %swap3A_148 = tpu.vector_load %arg17[%swap3A, %swap3A_147] {strides = array<i32>} : memref<16x128xi32, #tpu.memory_space<vmem>>, vector<16xi32>,
      tpu.vector_store %arg17[%swap3A, %swap3A_147], %add3A_146 {strides = array<i32>} : memref<16x128xi32, #tpu.memory_space<vmem>>, vector<16xi32>,
      %swap3A_149 = arith.index_cast %scan3A_102 : i32 to index
      %swap3A_150 = arith.constant 0 : index
      %swap3A_151 = tpu.vector_load %arg18[%swap3A_149, %swap3A_150] {strides = array<i32>} : memref<16x128xf32, #tpu.memory_space<vmem>>, vector<16xf32>,
      tpu.vector_store %arg18[%swap3A_149, %swap3A_150], %get3A_142 {strides = array<i32>} : memref<16x128xf32, #tpu.memory_space<vmem>>, vector<16xf32>,
      %mul3A_152 = arith.constant 2 : i32
      %mul3A_153 = vector.broadcast %mul3A_152 : i32 to vector<16xi32>
      %mul3A_154 = arith.muli %add3A_138, %mul3A_153 : vector<16xi32>
      %swap3A_155 = arith.index_cast %scan3A_102 : i32 to index
      %swap3A_156 = arith.constant 0 : index
      %swap3A_157 = tpu.vector_load %arg19[%swap3A_155, %swap3A_156] {strides = array<i32>} : memref<16x128xi32, #tpu.memory_space<vmem>>, vector<16xi32>,
      tpu.vector_store %arg19[%swap3A_155, %swap3A_156], %mul3A_154 {strides = array<i32>} : memref<16x128xi32, #tpu.memory_space<vmem>>, vector<16xi32>,
      %add3A_158 = arith.constant 1 : i32
      %add3A_159 = vector.broadcast %add3A_158 : i32 to vector<16xi32>
      %add3A_160 = arith.addi %mul3A_154, %add3A_159 : vector<16xi32>
      %swap3A_161 = arith.index_cast %scan3A_102 : i32 to index
      %swap3A_162 = arith.constant 0 : index
      %swap3A_163 = tpu.vector_load %arg21[%swap3A_161, %swap3A_162] {strides = array<i32>} : memref<16x128xi32, #tpu.memory_space<vmem>>, vector<16xi32>,
      tpu.vector_store %arg21[%swap3A_161, %swap3A_162], %add3A_160 {strides = array<i32>} : memref<16x128xi32, #tpu.memory_space<vmem>>, vector<16xi32>,
      %get3A_164 = arith.index_cast %add3A_107 : i32 to index
      %get3A_165 = tpu.vector_load %arg15[%get3A_164] {strides = array<i32>} : memref<2048xf32, #tpu.memory_space<vmem>>, vector<16xf32>,
      %mul3A_166 = arith.mulf %get3A_165, %get3A_142 : vector<16xf32>
      %swap3A_167 = arith.index_cast %scan3A_102 : i32 to index
      %swap3A_168 = arith.constant 0 : index
      %swap3A_169 = tpu.vector_load %arg20[%swap3A_167, %swap3A_168] {strides = array<i32>} : memref<16x128xf32, #tpu.memory_space<vmem>>, vector<16xf32>,
      tpu.vector_store %arg20[%swap3A_167, %swap3A_168], %mul3A_166 {strides = array<i32>} : memref<16x128xf32, #tpu.memory_space<vmem>>, vector<16xf32>,
      %get3A_170 = arith.index_cast %add3A_107 : i32 to index
      %get3A_171 = tpu.vector_load %arg16[%get3A_170] {strides = array<i32>} : memref<2048xf32, #tpu.memory_space<vmem>>, vector<16xf32>,
      %mul3A_172 = arith.mulf %get3A_171, %get3A_142 : vector<16xf32>
      %swap3A_173 = arith.index_cast %scan3A_102 : i32 to index
      %swap3A_174 = arith.constant 0 : index
      %swap3A_175 = tpu.vector_load %arg22[%swap3A_173, %swap3A_174] {strides = array<i32>} : memref<16x128xf32, #tpu.memory_space<vmem>>, vector<16xf32>,
      tpu.vector_store %arg22[%swap3A_173, %swap3A_174], %mul3A_172 {strides = array<i32>} : memref<16x128xf32, #tpu.memory_space<vmem>>, vector<16xf32>,
      %mul3A_176 = arith.constant 128 : i32
      %mul3A_177 = arith.muli %scan3A_102, %mul3A_176 : i32
      %add3A_178 = arith.constant 16 : i32
      %add3A_179 = arith.addi %mul3A_177, %add3A_178 : i32
      %get3A_180 = arith.index_cast %add3A_179 : i32 to index
      %get3A_181 = tpu.vector_load %arg11[%get3A_180] {strides = array<i32>} : memref<2048xf32, #tpu.memory_space<vmem>>, vector<16xf32>,
      %get3A_182 = arith.index_cast %add3A_179 : i32 to index
      %get3A_183 = tpu.vector_load %arg12[%get3A_182] {strides = array<i32>} : memref<2048xf32, #tpu.memory_space<vmem>>, vector<16xf32>,
      %sub3A_184 = vector.broadcast %squeeze3A : f32 to vector<16xf32>
      %sub3A_185 = arith.subf %get3A_181, %sub3A_184 : vector<16xf32>
      %div3A_186 = vector.broadcast %squeeze3A_5 : f32 to vector<16xf32>
      %div3A_187 = arith.divf %sub3A_185, %div3A_186 : vector<16xf32>
      %mul3A_188 = arith.constant 2.560000e+02 : f32
      %mul3A_189 = vector.broadcast %mul3A_188 : f32 to vector<16xf32>
      %mul3A_190 = arith.mulf %div3A_187, %mul3A_189 : vector<16xf32>
      %sub3A_191 = vector.broadcast %squeeze3A_3 : f32 to vector<16xf32>
      %sub3A_192 = arith.subf %get3A_183, %sub3A_191 : vector<16xf32>
      %div3A_193 = vector.broadcast %squeeze3A_7 : f32 to vector<16xf32>
      %div3A_194 = arith.divf %sub3A_192, %div3A_193 : vector<16xf32>
      %mul3A_195 = arith.constant 2.560000e+02 : f32
      %mul3A_196 = vector.broadcast %mul3A_195 : f32 to vector<16xf32>
      %mul3A_197 = arith.mulf %div3A_194, %mul3A_196 : vector<16xf32>
      %convert_element_type3A_198 = arith.fptosi %mul3A_190 : vector<16xf32> to vector<16xi32>
      %max3A_199 = arith.constant 0 : i32
      %max3A_200 = vector.broadcast %max3A_199 : i32 to vector<16xi32>
      %max3A_201 = arith.maxsi %convert_element_type3A_198, %max3A_200 : vector<16xi32>
      %min3A_202 = arith.constant 255 : i32
      %min3A_203 = vector.broadcast %min3A_202 : i32 to vector<16xi32>
      %min3A_204 = arith.minsi %max3A_201, %min3A_203 : vector<16xi32>
      %convert_element_type3A_205 = arith.fptosi %mul3A_197 : vector<16xf32> to vector<16xi32>
      %max3A_206 = arith.constant 0 : i32
      %max3A_207 = vector.broadcast %max3A_206 : i32 to vector<16xi32>
      %max3A_208 = arith.maxsi %convert_element_type3A_205, %max3A_207 : vector<16xi32>
      %min3A_209 = arith.constant 255 : i32
      %min3A_210 = vector.broadcast %min3A_209 : i32 to vector<16xi32>
      %min3A_211 = arith.minsi %max3A_208, %min3A_210 : vector<16xi32>
      %mul3A_212 = arith.constant 256 : i32
      %mul3A_213 = vector.broadcast %mul3A_212 : i32 to vector<16xi32>
      %mul3A_214 = arith.muli %min3A_204, %mul3A_213 : vector<16xi32>
      %add3A_215 = arith.addi %mul3A_214, %min3A_211 : vector<16xi32>
      %get3A_216 = arith.index_cast %add3A_179 : i32 to index
      %get3A_217 = tpu.vector_load %arg13[%get3A_216] {strides = array<i32>} : memref<2048xi32, #tpu.memory_space<vmem>>, vector<16xi32>,
      %gather3A_218 = tpu.vector_load_idx %arg23[%get3A_217] : memref<16xi32, #tpu.memory_space<vmem>>[vector<16xi32>], vector<16xi32>,
      %get3A_219 = arith.index_cast %add3A_179 : i32 to index
      %get3A_220 = tpu.vector_load %arg14[%get3A_219] {strides = array<i32>} : memref<2048xf32, #tpu.memory_space<vmem>>, vector<16xf32>,
      %mul3A_221 = arith.constant 65536 : i32
      %mul3A_222 = vector.broadcast %mul3A_221 : i32 to vector<16xi32>
      %mul3A_223 = arith.muli %gather3A_218, %mul3A_222 : vector<16xi32>
      %add3A_224 = arith.addi %mul3A_223, %add3A_215 : vector<16xi32>
      %swap3A_225 = arith.index_cast %scan3A_102 : i32 to index
      %swap3A_226 = arith.constant 16 : index
      %swap3A_227 = tpu.vector_load %arg17[%swap3A_225, %swap3A_226] {strides = array<i32>} : memref<16x128xi32, #tpu.memory_space<vmem>>, vector<16xi32>,
      tpu.vector_store %arg17[%swap3A_225, %swap3A_226], %add3A_224 {strides = array<i32>} : memref<16x128xi32, #tpu.memory_space<vmem>>, vector<16xi32>,
      %swap3A_228 = arith.index_cast %scan3A_102 : i32 to index
      %swap3A_229 = arith.constant 16 : index
      %swap3A_230 = tpu.vector_load %arg18[%swap3A_228, %swap3A_229] {strides = array<i32>} : memref<16x128xf32, #tpu.memory_space<vmem>>, vector<16xf32>,
      tpu.vector_store %arg18[%swap3A_228, %swap3A_229], %get3A_220 {strides = array<i32>} : memref<16x128xf32, #tpu.memory_space<vmem>>, vector<16xf32>,
      %mul3A_231 = arith.constant 2 : i32
      %mul3A_232 = vector.broadcast %mul3A_231 : i32 to vector<16xi32>
      %mul3A_233 = arith.muli %add3A_215, %mul3A_232 : vector<16xi32>
      %swap3A_234 = arith.index_cast %scan3A_102 : i32 to index
      %swap3A_235 = arith.constant 16 : index
      %swap3A_236 = tpu.vector_load %arg19[%swap3A_234, %swap3A_235] {strides = array<i32>} : memref<16x128xi32, #tpu.memory_space<vmem>>, vector<16xi32>,
      tpu.vector_store %arg19[%swap3A_234, %swap3A_235], %mul3A_233 {strides = array<i32>} : memref<16x128xi32, #tpu.memory_space<vmem>>, vector<16xi32>,
      %add3A_237 = arith.constant 1 : i32
      %add3A_238 = vector.broadcast %add3A_237 : i32 to vector<16xi32>
      %add3A_239 = arith.addi %mul3A_233, %add3A_238 : vector<16xi32>
      %swap3A_240 = arith.index_cast %scan3A_102 : i32 to index
      %swap3A_241 = arith.constant 16 : index
      %swap3A_242 = tpu.vector_load %arg21[%swap3A_240, %swap3A_241] {strides = array<i32>} : memref<16x128xi32, #tpu.memory_space<vmem>>, vector<16xi32>,
      tpu.vector_store %arg21[%swap3A_240, %swap3A_241], %add3A_239 {strides = array<i32>} : memref<16x128xi32, #tpu.memory_space<vmem>>, vector<16xi32>,
      %get3A_243 = arith.index_cast %add3A_179 : i32 to index
      %get3A_244 = tpu.vector_load %arg15[%get3A_243] {strides = array<i32>} : memref<2048xf32, #tpu.memory_space<vmem>>, vector<16xf32>,
      %mul3A_245 = arith.mulf %get3A_244, %get3A_220 : vector<16xf32>
      %swap3A_246 = arith.index_cast %scan3A_102 : i32 to index
      %swap3A_247 = arith.constant 16 : index
      %swap3A_248 = tpu.vector_load %arg20[%swap3A_246, %swap3A_247] {strides = array<i32>} : memref<16x128xf32, #tpu.memory_space<vmem>>, vector<16xf32>,
      tpu.vector_store %arg20[%swap3A_246, %swap3A_247], %mul3A_245 {strides = array<i32>} : memref<16x128xf32, #tpu.memory_space<vmem>>, vector<16xf32>,
      %get3A_249 = arith.index_cast %add3A_179 : i32 to index
      %get3A_250 = tpu.vector_load %arg16[%get3A_249] {strides = array<i32>} : memref<2048xf32, #tpu.memory_space<vmem>>, vector<16xf32>,
      %mul3A_251 = arith.mulf %get3A_250, %get3A_220 : vector<16xf32>
      %swap3A_252 = arith.index_cast %scan3A_102 : i32 to index
      %swap3A_253 = arith.constant 16 : index
      %swap3A_254 = tpu.vector_load %arg22[%swap3A_252, %swap3A_253] {strides = array<i32>} : memref<16x128xf32, #tpu.memory_space<vmem>>, vector<16xf32>,
      tpu.vector_store %arg22[%swap3A_252, %swap3A_253], %mul3A_251 {strides = array<i32>} : memref<16x128xf32, #tpu.memory_space<vmem>>, vector<16xf32>,
      %mul3A_255 = arith.constant 128 : i32
      %mul3A_256 = arith.muli %scan3A_102, %mul3A_255 : i32
      %add3A_257 = arith.constant 32 : i32
      %add3A_258 = arith.addi %mul3A_256, %add3A_257 : i32
      %get3A_259 = arith.index_cast %add3A_258 : i32 to index
      %get3A_260 = tpu.vector_load %arg11[%get3A_259] {strides = array<i32>} : memref<2048xf32, #tpu.memory_space<vmem>>, vector<16xf32>,
      %get3A_261 = arith.index_cast %add3A_258 : i32 to index
      %get3A_262 = tpu.vector_load %arg12[%get3A_261] {strides = array<i32>} : memref<2048xf32, #tpu.memory_space<vmem>>, vector<16xf32>,
      %sub3A_263 = vector.broadcast %squeeze3A : f32 to vector<16xf32>
      %sub3A_264 = arith.subf %get3A_260, %sub3A_263 : vector<16xf32>
      %div3A_265 = vector.broadcast %squeeze3A_5 : f32 to vector<16xf32>
      %div3A_266 = arith.divf %sub3A_264, %div3A_265 : vector<16xf32>
      %mul3A_267 = arith.constant 2.560000e+02 : f32
      %mul3A_268 = vector.broadcast %mul3A_267 : f32 to vector<16xf32>
      %mul3A_269 = arith.mulf %div3A_266, %mul3A_268 : vector<16xf32>
      %sub3A_270 = vector.broadcast %squeeze3A_3 : f32 to vector<16xf32>
      %sub3A_271 = arith.subf %get3A_262, %sub3A_270 : vector<16xf32>
      %div3A_272 = vector.broadcast %squeeze3A_7 : f32 to vector<16xf32>
      %div3A_273 = arith.divf %sub3A_271, %div3A_272 : vector<16xf32>
      %mul3A_274 = arith.constant 2.560000e+02 : f32
      %mul3A_275 = vector.broadcast %mul3A_274 : f32 to vector<16xf32>
      %mul3A_276 = arith.mulf %div3A_273, %mul3A_275 : vector<16xf32>
      %convert_element_type3A_277 = arith.fptosi %mul3A_269 : vector<16xf32> to vector<16xi32>
      %max3A_278 = arith.constant 0 : i32
      %max3A_279 = vector.broadcast %max3A_278 : i32 to vector<16xi32>
      %max3A_280 = arith.maxsi %convert_element_type3A_277, %max3A_279 : vector<16xi32>
      %min3A_281 = arith.constant 255 : i32
      %min3A_282 = vector.broadcast %min3A_281 : i32 to vector<16xi32>
      %min3A_283 = arith.minsi %max3A_280, %min3A_282 : vector<16xi32>
      %convert_element_type3A_284 = arith.fptosi %mul3A_276 : vector<16xf32> to vector<16xi32>
      %max3A_285 = arith.constant 0 : i32
      %max3A_286 = vector.broadcast %max3A_285 : i32 to vector<16xi32>
      %max3A_287 = arith.maxsi %convert_element_type3A_284, %max3A_286 : vector<16xi32>
      %min3A_288 = arith.constant 255 : i32
      %min3A_289 = vector.broadcast %min3A_288 : i32 to vector<16xi32>
      %min3A_290 = arith.minsi %max3A_287, %min3A_289 : vector<16xi32>
      %mul3A_291 = arith.constant 256 : i32
      %mul3A_292 = vector.broadcast %mul3A_291 : i32 to vector<16xi32>
      %mul3A_293 = arith.muli %min3A_283, %mul3A_292 : vector<16xi32>
      %add3A_294 = arith.addi %mul3A_293, %min3A_290 : vector<16xi32>
      %get3A_295 = arith.index_cast %add3A_258 : i32 to index
      %get3A_296 = tpu.vector_load %arg13[%get3A_295] {strides = array<i32>} : memref<2048xi32, #tpu.memory_space<vmem>>, vector<16xi32>,
      %gather3A_297 = tpu.vector_load_idx %arg23[%get3A_296] : memref<16xi32, #tpu.memory_space<vmem>>[vector<16xi32>], vector<16xi32>,
      %get3A_298 = arith.index_cast %add3A_258 : i32 to index
      %get3A_299 = tpu.vector_load %arg14[%get3A_298] {strides = array<i32>} : memref<2048xf32, #tpu.memory_space<vmem>>, vector<16xf32>,
      %mul3A_300 = arith.constant 65536 : i32
      %mul3A_301 = vector.broadcast %mul3A_300 : i32 to vector<16xi32>
      %mul3A_302 = arith.muli %gather3A_297, %mul3A_301 : vector<16xi32>
      %add3A_303 = arith.addi %mul3A_302, %add3A_294 : vector<16xi32>
      %swap3A_304 = arith.index_cast %scan3A_102 : i32 to index
      %swap3A_305 = arith.constant 32 : index
      %swap3A_306 = tpu.vector_load %arg17[%swap3A_304, %swap3A_305] {strides = array<i32>} : memref<16x128xi32, #tpu.memory_space<vmem>>, vector<16xi32>,
      tpu.vector_store %arg17[%swap3A_304, %swap3A_305], %add3A_303 {strides = array<i32>} : memref<16x128xi32, #tpu.memory_space<vmem>>, vector<16xi32>,
      %swap3A_307 = arith.index_cast %scan3A_102 : i32 to index
      %swap3A_308 = arith.constant 32 : index
      %swap3A_309 = tpu.vector_load %arg18[%swap3A_307, %swap3A_308] {strides = array<i32>} : memref<16x128xf32, #tpu.memory_space<vmem>>, vector<16xf32>,
      tpu.vector_store %arg18[%swap3A_307, %swap3A_308], %get3A_299 {strides = array<i32>} : memref<16x128xf32, #tpu.memory_space<vmem>>, vector<16xf32>,
      %mul3A_310 = arith.constant 2 : i32
      %mul3A_311 = vector.broadcast %mul3A_310 : i32 to vector<16xi32>
      %mul3A_312 = arith.muli %add3A_294, %mul3A_311 : vector<16xi32>
      %swap3A_313 = arith.index_cast %scan3A_102 : i32 to index
      %swap3A_314 = arith.constant 32 : index
      %swap3A_315 = tpu.vector_load %arg19[%swap3A_313, %swap3A_314] {strides = array<i32>} : memref<16x128xi32, #tpu.memory_space<vmem>>, vector<16xi32>,
      tpu.vector_store %arg19[%swap3A_313, %swap3A_314], %mul3A_312 {strides = array<i32>} : memref<16x128xi32, #tpu.memory_space<vmem>>, vector<16xi32>,
      %add3A_316 = arith.constant 1 : i32
      %add3A_317 = vector.broadcast %add3A_316 : i32 to vector<16xi32>
      %add3A_318 = arith.addi %mul3A_312, %add3A_317 : vector<16xi32>
      %swap3A_319 = arith.index_cast %scan3A_102 : i32 to index
      %swap3A_320 = arith.constant 32 : index
      %swap3A_321 = tpu.vector_load %arg21[%swap3A_319, %swap3A_320] {strides = array<i32>} : memref<16x128xi32, #tpu.memory_space<vmem>>, vector<16xi32>,
      tpu.vector_store %arg21[%swap3A_319, %swap3A_320], %add3A_318 {strides = array<i32>} : memref<16x128xi32, #tpu.memory_space<vmem>>, vector<16xi32>,
      %get3A_322 = arith.index_cast %add3A_258 : i32 to index
      %get3A_323 = tpu.vector_load %arg15[%get3A_322] {strides = array<i32>} : memref<2048xf32, #tpu.memory_space<vmem>>, vector<16xf32>,
      %mul3A_324 = arith.mulf %get3A_323, %get3A_299 : vector<16xf32>
      %swap3A_325 = arith.index_cast %scan3A_102 : i32 to index
      %swap3A_326 = arith.constant 32 : index
      %swap3A_327 = tpu.vector_load %arg20[%swap3A_325, %swap3A_326] {strides = array<i32>} : memref<16x128xf32, #tpu.memory_space<vmem>>, vector<16xf32>,
      tpu.vector_store %arg20[%swap3A_325, %swap3A_326], %mul3A_324 {strides = array<i32>} : memref<16x128xf32, #tpu.memory_space<vmem>>, vector<16xf32>,
      %get3A_328 = arith.index_cast %add3A_258 : i32 to index
      %get3A_329 = tpu.vector_load %arg16[%get3A_328] {strides = array<i32>} : memref<2048xf32, #tpu.memory_space<vmem>>, vector<16xf32>,
      %mul3A_330 = arith.mulf %get3A_329, %get3A_299 : vector<16xf32>
      %swap3A_331 = arith.index_cast %scan3A_102 : i32 to index
      %swap3A_332 = arith.constant 32 : index
      %swap3A_333 = tpu.vector_load %arg22[%swap3A_331, %swap3A_332] {strides = array<i32>} : memref<16x128xf32, #tpu.memory_space<vmem>>, vector<16xf32>,
      tpu.vector_store %arg22[%swap3A_331, %swap3A_332], %mul3A_330 {strides = array<i32>} : memref<16x128xf32, #tpu.memory_space<vmem>>, vector<16xf32>,
      %mul3A_334 = arith.constant 128 : i32
      %mul3A_335 = arith.muli %scan3A_102, %mul3A_334 : i32
      %add3A_336 = arith.constant 48 : i32
      %add3A_337 = arith.addi %mul3A_335, %add3A_336 : i32
      %get3A_338 = arith.index_cast %add3A_337 : i32 to index
      %get3A_339 = tpu.vector_load %arg11[%get3A_338] {strides = array<i32>} : memref<2048xf32, #tpu.memory_space<vmem>>, vector<16xf32>,
      %get3A_340 = arith.index_cast %add3A_337 : i32 to index
      %get3A_341 = tpu.vector_load %arg12[%get3A_340] {strides = array<i32>} : memref<2048xf32, #tpu.memory_space<vmem>>, vector<16xf32>,
      %sub3A_342 = vector.broadcast %squeeze3A : f32 to vector<16xf32>
      %sub3A_343 = arith.subf %get3A_339, %sub3A_342 : vector<16xf32>
      %div3A_344 = vector.broadcast %squeeze3A_5 : f32 to vector<16xf32>
      %div3A_345 = arith.divf %sub3A_343, %div3A_344 : vector<16xf32>
      %mul3A_346 = arith.constant 2.560000e+02 : f32
      %mul3A_347 = vector.broadcast %mul3A_346 : f32 to vector<16xf32>
      %mul3A_348 = arith.mulf %div3A_345, %mul3A_347 : vector<16xf32>
      %sub3A_349 = vector.broadcast %squeeze3A_3 : f32 to vector<16xf32>
      %sub3A_350 = arith.subf %get3A_341, %sub3A_349 : vector<16xf32>
      %div3A_351 = vector.broadcast %squeeze3A_7 : f32 to vector<16xf32>
      %div3A_352 = arith.divf %sub3A_350, %div3A_351 : vector<16xf32>
      %mul3A_353 = arith.constant 2.560000e+02 : f32
      %mul3A_354 = vector.broadcast %mul3A_353 : f32 to vector<16xf32>
      %mul3A_355 = arith.mulf %div3A_352, %mul3A_354 : vector<16xf32>
      %convert_element_type3A_356 = arith.fptosi %mul3A_348 : vector<16xf32> to vector<16xi32>
      %max3A_357 = arith.constant 0 : i32
      %max3A_358 = vector.broadcast %max3A_357 : i32 to vector<16xi32>
      %max3A_359 = arith.maxsi %convert_element_type3A_356, %max3A_358 : vector<16xi32>
      %min3A_360 = arith.constant 255 : i32
      %min3A_361 = vector.broadcast %min3A_360 : i32 to vector<16xi32>
      %min3A_362 = arith.minsi %max3A_359, %min3A_361 : vector<16xi32>
      %convert_element_type3A_363 = arith.fptosi %mul3A_355 : vector<16xf32> to vector<16xi32>
      %max3A_364 = arith.constant 0 : i32
      %max3A_365 = vector.broadcast %max3A_364 : i32 to vector<16xi32>
      %max3A_366 = arith.maxsi %convert_element_type3A_363, %max3A_365 : vector<16xi32>
      %min3A_367 = arith.constant 255 : i32
      %min3A_368 = vector.broadcast %min3A_367 : i32 to vector<16xi32>
      %min3A_369 = arith.minsi %max3A_366, %min3A_368 : vector<16xi32>
      %mul3A_370 = arith.constant 256 : i32
      %mul3A_371 = vector.broadcast %mul3A_370 : i32 to vector<16xi32>
      %mul3A_372 = arith.muli %min3A_362, %mul3A_371 : vector<16xi32>
      %add3A_373 = arith.addi %mul3A_372, %min3A_369 : vector<16xi32>
      %get3A_374 = arith.index_cast %add3A_337 : i32 to index
      %get3A_375 = tpu.vector_load %arg13[%get3A_374] {strides = array<i32>} : memref<2048xi32, #tpu.memory_space<vmem>>, vector<16xi32>,
      %gather3A_376 = tpu.vector_load_idx %arg23[%get3A_375] : memref<16xi32, #tpu.memory_space<vmem>>[vector<16xi32>], vector<16xi32>,
      %get3A_377 = arith.index_cast %add3A_337 : i32 to index
      %get3A_378 = tpu.vector_load %arg14[%get3A_377] {strides = array<i32>} : memref<2048xf32, #tpu.memory_space<vmem>>, vector<16xf32>,
      %mul3A_379 = arith.constant 65536 : i32
      %mul3A_380 = vector.broadcast %mul3A_379 : i32 to vector<16xi32>
      %mul3A_381 = arith.muli %gather3A_376, %mul3A_380 : vector<16xi32>
      %add3A_382 = arith.addi %mul3A_381, %add3A_373 : vector<16xi32>
      %swap3A_383 = arith.index_cast %scan3A_102 : i32 to index
      %swap3A_384 = arith.constant 48 : index
      %swap3A_385 = tpu.vector_load %arg17[%swap3A_383, %swap3A_384] {strides = array<i32>} : memref<16x128xi32, #tpu.memory_space<vmem>>, vector<16xi32>,
      tpu.vector_store %arg17[%swap3A_383, %swap3A_384], %add3A_382 {strides = array<i32>} : memref<16x128xi32, #tpu.memory_space<vmem>>, vector<16xi32>,
      %swap3A_386 = arith.index_cast %scan3A_102 : i32 to index
      %swap3A_387 = arith.constant 48 : index
      %swap3A_388 = tpu.vector_load %arg18[%swap3A_386, %swap3A_387] {strides = array<i32>} : memref<16x128xf32, #tpu.memory_space<vmem>>, vector<16xf32>,
      tpu.vector_store %arg18[%swap3A_386, %swap3A_387], %get3A_378 {strides = array<i32>} : memref<16x128xf32, #tpu.memory_space<vmem>>, vector<16xf32>,
      %mul3A_389 = arith.constant 2 : i32
      %mul3A_390 = vector.broadcast %mul3A_389 : i32 to vector<16xi32>
      %mul3A_391 = arith.muli %add3A_373, %mul3A_390 : vector<16xi32>
      %swap3A_392 = arith.index_cast %scan3A_102 : i32 to index
      %swap3A_393 = arith.constant 48 : index
      %swap3A_394 = tpu.vector_load %arg19[%swap3A_392, %swap3A_393] {strides = array<i32>} : memref<16x128xi32, #tpu.memory_space<vmem>>, vector<16xi32>,
      tpu.vector_store %arg19[%swap3A_392, %swap3A_393], %mul3A_391 {strides = array<i32>} : memref<16x128xi32, #tpu.memory_space<vmem>>, vector<16xi32>,
      %add3A_395 = arith.constant 1 : i32
      %add3A_396 = vector.broadcast %add3A_395 : i32 to vector<16xi32>
      %add3A_397 = arith.addi %mul3A_391, %add3A_396 : vector<16xi32>
      %swap3A_398 = arith.index_cast %scan3A_102 : i32 to index
      %swap3A_399 = arith.constant 48 : index
      %swap3A_400 = tpu.vector_load %arg21[%swap3A_398, %swap3A_399] {strides = array<i32>} : memref<16x128xi32, #tpu.memory_space<vmem>>, vector<16xi32>,
      tpu.vector_store %arg21[%swap3A_398, %swap3A_399], %add3A_397 {strides = array<i32>} : memref<16x128xi32, #tpu.memory_space<vmem>>, vector<16xi32>,
      %get3A_401 = arith.index_cast %add3A_337 : i32 to index
      %get3A_402 = tpu.vector_load %arg15[%get3A_401] {strides = array<i32>} : memref<2048xf32, #tpu.memory_space<vmem>>, vector<16xf32>,
      %mul3A_403 = arith.mulf %get3A_402, %get3A_378 : vector<16xf32>
      %swap3A_404 = arith.index_cast %scan3A_102 : i32 to index
      %swap3A_405 = arith.constant 48 : index
      %swap3A_406 = tpu.vector_load %arg20[%swap3A_404, %swap3A_405] {strides = array<i32>} : memref<16x128xf32, #tpu.memory_space<vmem>>, vector<16xf32>,
      tpu.vector_store %arg20[%swap3A_404, %swap3A_405], %mul3A_403 {strides = array<i32>} : memref<16x128xf32, #tpu.memory_space<vmem>>, vector<16xf32>,
      %get3A_407 = arith.index_cast %add3A_337 : i32 to index
      %get3A_408 = tpu.vector_load %arg16[%get3A_407] {strides = array<i32>} : memref<2048xf32, #tpu.memory_space<vmem>>, vector<16xf32>,
      %mul3A_409 = arith.mulf %get3A_408, %get3A_378 : vector<16xf32>
      %swap3A_410 = arith.index_cast %scan3A_102 : i32 to index
      %swap3A_411 = arith.constant 48 : index
      %swap3A_412 = tpu.vector_load %arg22[%swap3A_410, %swap3A_411] {strides = array<i32>} : memref<16x128xf32, #tpu.memory_space<vmem>>, vector<16xf32>,
      tpu.vector_store %arg22[%swap3A_410, %swap3A_411], %mul3A_409 {strides = array<i32>} : memref<16x128xf32, #tpu.memory_space<vmem>>, vector<16xf32>,
      %mul3A_413 = arith.constant 128 : i32
      %mul3A_414 = arith.muli %scan3A_102, %mul3A_413 : i32
      %add3A_415 = arith.constant 64 : i32
      %add3A_416 = arith.addi %mul3A_414, %add3A_415 : i32
      %get3A_417 = arith.index_cast %add3A_416 : i32 to index
      %get3A_418 = tpu.vector_load %arg11[%get3A_417] {strides = array<i32>} : memref<2048xf32, #tpu.memory_space<vmem>>, vector<16xf32>,
      %get3A_419 = arith.index_cast %add3A_416 : i32 to index
      %get3A_420 = tpu.vector_load %arg12[%get3A_419] {strides = array<i32>} : memref<2048xf32, #tpu.memory_space<vmem>>, vector<16xf32>,
      %sub3A_421 = vector.broadcast %squeeze3A : f32 to vector<16xf32>
      %sub3A_422 = arith.subf %get3A_418, %sub3A_421 : vector<16xf32>
      %div3A_423 = vector.broadcast %squeeze3A_5 : f32 to vector<16xf32>
      %div3A_424 = arith.divf %sub3A_422, %div3A_423 : vector<16xf32>
      %mul3A_425 = arith.constant 2.560000e+02 : f32
      %mul3A_426 = vector.broadcast %mul3A_425 : f32 to vector<16xf32>
      %mul3A_427 = arith.mulf %div3A_424, %mul3A_426 : vector<16xf32>
      %sub3A_428 = vector.broadcast %squeeze3A_3 : f32 to vector<16xf32>
      %sub3A_429 = arith.subf %get3A_420, %sub3A_428 : vector<16xf32>
      %div3A_430 = vector.broadcast %squeeze3A_7 : f32 to vector<16xf32>
      %div3A_431 = arith.divf %sub3A_429, %div3A_430 : vector<16xf32>
      %mul3A_432 = arith.constant 2.560000e+02 : f32
      %mul3A_433 = vector.broadcast %mul3A_432 : f32 to vector<16xf32>
      %mul3A_434 = arith.mulf %div3A_431, %mul3A_433 : vector<16xf32>
      %convert_element_type3A_435 = arith.fptosi %mul3A_427 : vector<16xf32> to vector<16xi32>
      %max3A_436 = arith.constant 0 : i32
      %max3A_437 = vector.broadcast %max3A_436 : i32 to vector<16xi32>
      %max3A_438 = arith.maxsi %convert_element_type3A_435, %max3A_437 : vector<16xi32>
      %min3A_439 = arith.constant 255 : i32
      %min3A_440 = vector.broadcast %min3A_439 : i32 to vector<16xi32>
      %min3A_441 = arith.minsi %max3A_438, %min3A_440 : vector<16xi32>
      %convert_element_type3A_442 = arith.fptosi %mul3A_434 : vector<16xf32> to vector<16xi32>
      %max3A_443 = arith.constant 0 : i32
      %max3A_444 = vector.broadcast %max3A_443 : i32 to vector<16xi32>
      %max3A_445 = arith.maxsi %convert_element_type3A_442, %max3A_444 : vector<16xi32>
      %min3A_446 = arith.constant 255 : i32
      %min3A_447 = vector.broadcast %min3A_446 : i32 to vector<16xi32>
      %min3A_448 = arith.minsi %max3A_445, %min3A_447 : vector<16xi32>
      %mul3A_449 = arith.constant 256 : i32
      %mul3A_450 = vector.broadcast %mul3A_449 : i32 to vector<16xi32>
      %mul3A_451 = arith.muli %min3A_441, %mul3A_450 : vector<16xi32>
      %add3A_452 = arith.addi %mul3A_451, %min3A_448 : vector<16xi32>
      %get3A_453 = arith.index_cast %add3A_416 : i32 to index
      %get3A_454 = tpu.vector_load %arg13[%get3A_453] {strides = array<i32>} : memref<2048xi32, #tpu.memory_space<vmem>>, vector<16xi32>,
      %gather3A_455 = tpu.vector_load_idx %arg23[%get3A_454] : memref<16xi32, #tpu.memory_space<vmem>>[vector<16xi32>], vector<16xi32>,
      %get3A_456 = arith.index_cast %add3A_416 : i32 to index
      %get3A_457 = tpu.vector_load %arg14[%get3A_456] {strides = array<i32>} : memref<2048xf32, #tpu.memory_space<vmem>>, vector<16xf32>,
      %mul3A_458 = arith.constant 65536 : i32
      %mul3A_459 = vector.broadcast %mul3A_458 : i32 to vector<16xi32>
      %mul3A_460 = arith.muli %gather3A_455, %mul3A_459 : vector<16xi32>
      %add3A_461 = arith.addi %mul3A_460, %add3A_452 : vector<16xi32>
      %swap3A_462 = arith.index_cast %scan3A_102 : i32 to index
      %swap3A_463 = arith.constant 64 : index
      %swap3A_464 = tpu.vector_load %arg17[%swap3A_462, %swap3A_463] {strides = array<i32>} : memref<16x128xi32, #tpu.memory_space<vmem>>, vector<16xi32>,
      tpu.vector_store %arg17[%swap3A_462, %swap3A_463], %add3A_461 {strides = array<i32>} : memref<16x128xi32, #tpu.memory_space<vmem>>, vector<16xi32>,
      %swap3A_465 = arith.index_cast %scan3A_102 : i32 to index
      %swap3A_466 = arith.constant 64 : index
      %swap3A_467 = tpu.vector_load %arg18[%swap3A_465, %swap3A_466] {strides = array<i32>} : memref<16x128xf32, #tpu.memory_space<vmem>>, vector<16xf32>,
      tpu.vector_store %arg18[%swap3A_465, %swap3A_466], %get3A_457 {strides = array<i32>} : memref<16x128xf32, #tpu.memory_space<vmem>>, vector<16xf32>,
      %mul3A_468 = arith.constant 2 : i32
      %mul3A_469 = vector.broadcast %mul3A_468 : i32 to vector<16xi32>
      %mul3A_470 = arith.muli %add3A_452, %mul3A_469 : vector<16xi32>
      %swap3A_471 = arith.index_cast %scan3A_102 : i32 to index
      %swap3A_472 = arith.constant 64 : index
      %swap3A_473 = tpu.vector_load %arg19[%swap3A_471, %swap3A_472] {strides = array<i32>} : memref<16x128xi32, #tpu.memory_space<vmem>>, vector<16xi32>,
      tpu.vector_store %arg19[%swap3A_471, %swap3A_472], %mul3A_470 {strides = array<i32>} : memref<16x128xi32, #tpu.memory_space<vmem>>, vector<16xi32>,
      %add3A_474 = arith.constant 1 : i32
      %add3A_475 = vector.broadcast %add3A_474 : i32 to vector<16xi32>
      %add3A_476 = arith.addi %mul3A_470, %add3A_475 : vector<16xi32>
      %swap3A_477 = arith.index_cast %scan3A_102 : i32 to index
      %swap3A_478 = arith.constant 64 : index
      %swap3A_479 = tpu.vector_load %arg21[%swap3A_477, %swap3A_478] {strides = array<i32>} : memref<16x128xi32, #tpu.memory_space<vmem>>, vector<16xi32>,
      tpu.vector_store %arg21[%swap3A_477, %swap3A_478], %add3A_476 {strides = array<i32>} : memref<16x128xi32, #tpu.memory_space<vmem>>, vector<16xi32>,
      %get3A_480 = arith.index_cast %add3A_416 : i32 to index
      %get3A_481 = tpu.vector_load %arg15[%get3A_480] {strides = array<i32>} : memref<2048xf32, #tpu.memory_space<vmem>>, vector<16xf32>,
      %mul3A_482 = arith.mulf %get3A_481, %get3A_457 : vector<16xf32>
      %swap3A_483 = arith.index_cast %scan3A_102 : i32 to index
      %swap3A_484 = arith.constant 64 : index
      %swap3A_485 = tpu.vector_load %arg20[%swap3A_483, %swap3A_484] {strides = array<i32>} : memref<16x128xf32, #tpu.memory_space<vmem>>, vector<16xf32>,
      tpu.vector_store %arg20[%swap3A_483, %swap3A_484], %mul3A_482 {strides = array<i32>} : memref<16x128xf32, #tpu.memory_space<vmem>>, vector<16xf32>,
      %get3A_486 = arith.index_cast %add3A_416 : i32 to index
      %get3A_487 = tpu.vector_load %arg16[%get3A_486] {strides = array<i32>} : memref<2048xf32, #tpu.memory_space<vmem>>, vector<16xf32>,
      %mul3A_488 = arith.mulf %get3A_487, %get3A_457 : vector<16xf32>
      %swap3A_489 = arith.index_cast %scan3A_102 : i32 to index
      %swap3A_490 = arith.constant 64 : index
      %swap3A_491 = tpu.vector_load %arg22[%swap3A_489, %swap3A_490] {strides = array<i32>} : memref<16x128xf32, #tpu.memory_space<vmem>>, vector<16xf32>,
      tpu.vector_store %arg22[%swap3A_489, %swap3A_490], %mul3A_488 {strides = array<i32>} : memref<16x128xf32, #tpu.memory_space<vmem>>, vector<16xf32>,
      %mul3A_492 = arith.constant 128 : i32
      %mul3A_493 = arith.muli %scan3A_102, %mul3A_492 : i32
      %add3A_494 = arith.constant 80 : i32
      %add3A_495 = arith.addi %mul3A_493, %add3A_494 : i32
      %get3A_496 = arith.index_cast %add3A_495 : i32 to index
      %get3A_497 = tpu.vector_load %arg11[%get3A_496] {strides = array<i32>} : memref<2048xf32, #tpu.memory_space<vmem>>, vector<16xf32>,
      %get3A_498 = arith.index_cast %add3A_495 : i32 to index
      %get3A_499 = tpu.vector_load %arg12[%get3A_498] {strides = array<i32>} : memref<2048xf32, #tpu.memory_space<vmem>>, vector<16xf32>,
      %sub3A_500 = vector.broadcast %squeeze3A : f32 to vector<16xf32>
      %sub3A_501 = arith.subf %get3A_497, %sub3A_500 : vector<16xf32>
      %div3A_502 = vector.broadcast %squeeze3A_5 : f32 to vector<16xf32>
      %div3A_503 = arith.divf %sub3A_501, %div3A_502 : vector<16xf32>
      %mul3A_504 = arith.constant 2.560000e+02 : f32
      %mul3A_505 = vector.broadcast %mul3A_504 : f32 to vector<16xf32>
      %mul3A_506 = arith.mulf %div3A_503, %mul3A_505 : vector<16xf32>
      %sub3A_507 = vector.broadcast %squeeze3A_3 : f32 to vector<16xf32>
      %sub3A_508 = arith.subf %get3A_499, %sub3A_507 : vector<16xf32>
      %div3A_509 = vector.broadcast %squeeze3A_7 : f32 to vector<16xf32>
      %div3A_510 = arith.divf %sub3A_508, %div3A_509 : vector<16xf32>
      %mul3A_511 = arith.constant 2.560000e+02 : f32
      %mul3A_512 = vector.broadcast %mul3A_511 : f32 to vector<16xf32>
      %mul3A_513 = arith.mulf %div3A_510, %mul3A_512 : vector<16xf32>
      %convert_element_type3A_514 = arith.fptosi %mul3A_506 : vector<16xf32> to vector<16xi32>
      %max3A_515 = arith.constant 0 : i32
      %max3A_516 = vector.broadcast %max3A_515 : i32 to vector<16xi32>
      %max3A_517 = arith.maxsi %convert_element_type3A_514, %max3A_516 : vector<16xi32>
      %min3A_518 = arith.constant 255 : i32
      %min3A_519 = vector.broadcast %min3A_518 : i32 to vector<16xi32>
      %min3A_520 = arith.minsi %max3A_517, %min3A_519 : vector<16xi32>
      %convert_element_type3A_521 = arith.fptosi %mul3A_513 : vector<16xf32> to vector<16xi32>
      %max3A_522 = arith.constant 0 : i32
      %max3A_523 = vector.broadcast %max3A_522 : i32 to vector<16xi32>
      %max3A_524 = arith.maxsi %convert_element_type3A_521, %max3A_523 : vector<16xi32>
      %min3A_525 = arith.constant 255 : i32
      %min3A_526 = vector.broadcast %min3A_525 : i32 to vector<16xi32>
      %min3A_527 = arith.minsi %max3A_524, %min3A_526 : vector<16xi32>
      %mul3A_528 = arith.constant 256 : i32
      %mul3A_529 = vector.broadcast %mul3A_528 : i32 to vector<16xi32>
      %mul3A_530 = arith.muli %min3A_520, %mul3A_529 : vector<16xi32>
      %add3A_531 = arith.addi %mul3A_530, %min3A_527 : vector<16xi32>
      %get3A_532 = arith.index_cast %add3A_495 : i32 to index
      %get3A_533 = tpu.vector_load %arg13[%get3A_532] {strides = array<i32>} : memref<2048xi32, #tpu.memory_space<vmem>>, vector<16xi32>,
      %gather3A_534 = tpu.vector_load_idx %arg23[%get3A_533] : memref<16xi32, #tpu.memory_space<vmem>>[vector<16xi32>], vector<16xi32>,
      %get3A_535 = arith.index_cast %add3A_495 : i32 to index
      %get3A_536 = tpu.vector_load %arg14[%get3A_535] {strides = array<i32>} : memref<2048xf32, #tpu.memory_space<vmem>>, vector<16xf32>,
      %mul3A_537 = arith.constant 65536 : i32
      %mul3A_538 = vector.broadcast %mul3A_537 : i32 to vector<16xi32>
      %mul3A_539 = arith.muli %gather3A_534, %mul3A_538 : vector<16xi32>
      %add3A_540 = arith.addi %mul3A_539, %add3A_531 : vector<16xi32>
      %swap3A_541 = arith.index_cast %scan3A_102 : i32 to index
      %swap3A_542 = arith.constant 80 : index
      %swap3A_543 = tpu.vector_load %arg17[%swap3A_541, %swap3A_542] {strides = array<i32>} : memref<16x128xi32, #tpu.memory_space<vmem>>, vector<16xi32>,
      tpu.vector_store %arg17[%swap3A_541, %swap3A_542], %add3A_540 {strides = array<i32>} : memref<16x128xi32, #tpu.memory_space<vmem>>, vector<16xi32>,
      %swap3A_544 = arith.index_cast %scan3A_102 : i32 to index
      %swap3A_545 = arith.constant 80 : index
      %swap3A_546 = tpu.vector_load %arg18[%swap3A_544, %swap3A_545] {strides = array<i32>} : memref<16x128xf32, #tpu.memory_space<vmem>>, vector<16xf32>,
      tpu.vector_store %arg18[%swap3A_544, %swap3A_545], %get3A_536 {strides = array<i32>} : memref<16x128xf32, #tpu.memory_space<vmem>>, vector<16xf32>,
      %mul3A_547 = arith.constant 2 : i32
      %mul3A_548 = vector.broadcast %mul3A_547 : i32 to vector<16xi32>
      %mul3A_549 = arith.muli %add3A_531, %mul3A_548 : vector<16xi32>
      %swap3A_550 = arith.index_cast %scan3A_102 : i32 to index
      %swap3A_551 = arith.constant 80 : index
      %swap3A_552 = tpu.vector_load %arg19[%swap3A_550, %swap3A_551] {strides = array<i32>} : memref<16x128xi32, #tpu.memory_space<vmem>>, vector<16xi32>,
      tpu.vector_store %arg19[%swap3A_550, %swap3A_551], %mul3A_549 {strides = array<i32>} : memref<16x128xi32, #tpu.memory_space<vmem>>, vector<16xi32>,
      %add3A_553 = arith.constant 1 : i32
      %add3A_554 = vector.broadcast %add3A_553 : i32 to vector<16xi32>
      %add3A_555 = arith.addi %mul3A_549, %add3A_554 : vector<16xi32>
      %swap3A_556 = arith.index_cast %scan3A_102 : i32 to index
      %swap3A_557 = arith.constant 80 : index
      %swap3A_558 = tpu.vector_load %arg21[%swap3A_556, %swap3A_557] {strides = array<i32>} : memref<16x128xi32, #tpu.memory_space<vmem>>, vector<16xi32>,
      tpu.vector_store %arg21[%swap3A_556, %swap3A_557], %add3A_555 {strides = array<i32>} : memref<16x128xi32, #tpu.memory_space<vmem>>, vector<16xi32>,
      %get3A_559 = arith.index_cast %add3A_495 : i32 to index
      %get3A_560 = tpu.vector_load %arg15[%get3A_559] {strides = array<i32>} : memref<2048xf32, #tpu.memory_space<vmem>>, vector<16xf32>,
      %mul3A_561 = arith.mulf %get3A_560, %get3A_536 : vector<16xf32>
      %swap3A_562 = arith.index_cast %scan3A_102 : i32 to index
      %swap3A_563 = arith.constant 80 : index
      %swap3A_564 = tpu.vector_load %arg20[%swap3A_562, %swap3A_563] {strides = array<i32>} : memref<16x128xf32, #tpu.memory_space<vmem>>, vector<16xf32>,
      tpu.vector_store %arg20[%swap3A_562, %swap3A_563], %mul3A_561 {strides = array<i32>} : memref<16x128xf32, #tpu.memory_space<vmem>>, vector<16xf32>,
      %get3A_565 = arith.index_cast %add3A_495 : i32 to index
      %get3A_566 = tpu.vector_load %arg16[%get3A_565] {strides = array<i32>} : memref<2048xf32, #tpu.memory_space<vmem>>, vector<16xf32>,
      %mul3A_567 = arith.mulf %get3A_566, %get3A_536 : vector<16xf32>
      %swap3A_568 = arith.index_cast %scan3A_102 : i32 to index
      %swap3A_569 = arith.constant 80 : index
      %swap3A_570 = tpu.vector_load %arg22[%swap3A_568, %swap3A_569] {strides = array<i32>} : memref<16x128xf32, #tpu.memory_space<vmem>>, vector<16xf32>,
      tpu.vector_store %arg22[%swap3A_568, %swap3A_569], %mul3A_567 {strides = array<i32>} : memref<16x128xf32, #tpu.memory_space<vmem>>, vector<16xf32>,
      %mul3A_571 = arith.constant 128 : i32
      %mul3A_572 = arith.muli %scan3A_102, %mul3A_571 : i32
      %add3A_573 = arith.constant 96 : i32
      %add3A_574 = arith.addi %mul3A_572, %add3A_573 : i32
      %get3A_575 = arith.index_cast %add3A_574 : i32 to index
      %get3A_576 = tpu.vector_load %arg11[%get3A_575] {strides = array<i32>} : memref<2048xf32, #tpu.memory_space<vmem>>, vector<16xf32>,
      %get3A_577 = arith.index_cast %add3A_574 : i32 to index
      %get3A_578 = tpu.vector_load %arg12[%get3A_577] {strides = array<i32>} : memref<2048xf32, #tpu.memory_space<vmem>>, vector<16xf32>,
      %sub3A_579 = vector.broadcast %squeeze3A : f32 to vector<16xf32>
      %sub3A_580 = arith.subf %get3A_576, %sub3A_579 : vector<16xf32>
      %div3A_581 = vector.broadcast %squeeze3A_5 : f32 to vector<16xf32>
      %div3A_582 = arith.divf %sub3A_580, %div3A_581 : vector<16xf32>
      %mul3A_583 = arith.constant 2.560000e+02 : f32
      %mul3A_584 = vector.broadcast %mul3A_583 : f32 to vector<16xf32>
      %mul3A_585 = arith.mulf %div3A_582, %mul3A_584 : vector<16xf32>
      %sub3A_586 = vector.broadcast %squeeze3A_3 : f32 to vector<16xf32>
      %sub3A_587 = arith.subf %get3A_578, %sub3A_586 : vector<16xf32>
      %div3A_588 = vector.broadcast %squeeze3A_7 : f32 to vector<16xf32>
      %div3A_589 = arith.divf %sub3A_587, %div3A_588 : vector<16xf32>
      %mul3A_590 = arith.constant 2.560000e+02 : f32
      %mul3A_591 = vector.broadcast %mul3A_590 : f32 to vector<16xf32>
      %mul3A_592 = arith.mulf %div3A_589, %mul3A_591 : vector<16xf32>
      %convert_element_type3A_593 = arith.fptosi %mul3A_585 : vector<16xf32> to vector<16xi32>
      %max3A_594 = arith.constant 0 : i32
      %max3A_595 = vector.broadcast %max3A_594 : i32 to vector<16xi32>
      %max3A_596 = arith.maxsi %convert_element_type3A_593, %max3A_595 : vector<16xi32>
      %min3A_597 = arith.constant 255 : i32
      %min3A_598 = vector.broadcast %min3A_597 : i32 to vector<16xi32>
      %min3A_599 = arith.minsi %max3A_596, %min3A_598 : vector<16xi32>
      %convert_element_type3A_600 = arith.fptosi %mul3A_592 : vector<16xf32> to vector<16xi32>
      %max3A_601 = arith.constant 0 : i32
      %max3A_602 = vector.broadcast %max3A_601 : i32 to vector<16xi32>
      %max3A_603 = arith.maxsi %convert_element_type3A_600, %max3A_602 : vector<16xi32>
      %min3A_604 = arith.constant 255 : i32
      %min3A_605 = vector.broadcast %min3A_604 : i32 to vector<16xi32>
      %min3A_606 = arith.minsi %max3A_603, %min3A_605 : vector<16xi32>
      %mul3A_607 = arith.constant 256 : i32
      %mul3A_608 = vector.broadcast %mul3A_607 : i32 to vector<16xi32>
      %mul3A_609 = arith.muli %min3A_599, %mul3A_608 : vector<16xi32>
      %add3A_610 = arith.addi %mul3A_609, %min3A_606 : vector<16xi32>
      %get3A_611 = arith.index_cast %add3A_574 : i32 to index
      %get3A_612 = tpu.vector_load %arg13[%get3A_611] {strides = array<i32>} : memref<2048xi32, #tpu.memory_space<vmem>>, vector<16xi32>,
      %gather3A_613 = tpu.vector_load_idx %arg23[%get3A_612] : memref<16xi32, #tpu.memory_space<vmem>>[vector<16xi32>], vector<16xi32>,
      %get3A_614 = arith.index_cast %add3A_574 : i32 to index
      %get3A_615 = tpu.vector_load %arg14[%get3A_614] {strides = array<i32>} : memref<2048xf32, #tpu.memory_space<vmem>>, vector<16xf32>,
      %mul3A_616 = arith.constant 65536 : i32
      %mul3A_617 = vector.broadcast %mul3A_616 : i32 to vector<16xi32>
      %mul3A_618 = arith.muli %gather3A_613, %mul3A_617 : vector<16xi32>
      %add3A_619 = arith.addi %mul3A_618, %add3A_610 : vector<16xi32>
      %swap3A_620 = arith.index_cast %scan3A_102 : i32 to index
      %swap3A_621 = arith.constant 96 : index
      %swap3A_622 = tpu.vector_load %arg17[%swap3A_620, %swap3A_621] {strides = array<i32>} : memref<16x128xi32, #tpu.memory_space<vmem>>, vector<16xi32>,
      tpu.vector_store %arg17[%swap3A_620, %swap3A_621], %add3A_619 {strides = array<i32>} : memref<16x128xi32, #tpu.memory_space<vmem>>, vector<16xi32>,
      %swap3A_623 = arith.index_cast %scan3A_102 : i32 to index
      %swap3A_624 = arith.constant 96 : index
      %swap3A_625 = tpu.vector_load %arg18[%swap3A_623, %swap3A_624] {strides = array<i32>} : memref<16x128xf32, #tpu.memory_space<vmem>>, vector<16xf32>,
      tpu.vector_store %arg18[%swap3A_623, %swap3A_624], %get3A_615 {strides = array<i32>} : memref<16x128xf32, #tpu.memory_space<vmem>>, vector<16xf32>,
      %mul3A_626 = arith.constant 2 : i32
      %mul3A_627 = vector.broadcast %mul3A_626 : i32 to vector<16xi32>
      %mul3A_628 = arith.muli %add3A_610, %mul3A_627 : vector<16xi32>
      %swap3A_629 = arith.index_cast %scan3A_102 : i32 to index
      %swap3A_630 = arith.constant 96 : index
      %swap3A_631 = tpu.vector_load %arg19[%swap3A_629, %swap3A_630] {strides = array<i32>} : memref<16x128xi32, #tpu.memory_space<vmem>>, vector<16xi32>,
      tpu.vector_store %arg19[%swap3A_629, %swap3A_630], %mul3A_628 {strides = array<i32>} : memref<16x128xi32, #tpu.memory_space<vmem>>, vector<16xi32>,
      %add3A_632 = arith.constant 1 : i32
      %add3A_633 = vector.broadcast %add3A_632 : i32 to vector<16xi32>
      %add3A_634 = arith.addi %mul3A_628, %add3A_633 : vector<16xi32>
      %swap3A_635 = arith.index_cast %scan3A_102 : i32 to index
      %swap3A_636 = arith.constant 96 : index
      %swap3A_637 = tpu.vector_load %arg21[%swap3A_635, %swap3A_636] {strides = array<i32>} : memref<16x128xi32, #tpu.memory_space<vmem>>, vector<16xi32>,
      tpu.vector_store %arg21[%swap3A_635, %swap3A_636], %add3A_634 {strides = array<i32>} : memref<16x128xi32, #tpu.memory_space<vmem>>, vector<16xi32>,
      %get3A_638 = arith.index_cast %add3A_574 : i32 to index
      %get3A_639 = tpu.vector_load %arg15[%get3A_638] {strides = array<i32>} : memref<2048xf32, #tpu.memory_space<vmem>>, vector<16xf32>,
      %mul3A_640 = arith.mulf %get3A_639, %get3A_615 : vector<16xf32>
      %swap3A_641 = arith.index_cast %scan3A_102 : i32 to index
      %swap3A_642 = arith.constant 96 : index
      %swap3A_643 = tpu.vector_load %arg20[%swap3A_641, %swap3A_642] {strides = array<i32>} : memref<16x128xf32, #tpu.memory_space<vmem>>, vector<16xf32>,
      tpu.vector_store %arg20[%swap3A_641, %swap3A_642], %mul3A_640 {strides = array<i32>} : memref<16x128xf32, #tpu.memory_space<vmem>>, vector<16xf32>,
      %get3A_644 = arith.index_cast %add3A_574 : i32 to index
      %get3A_645 = tpu.vector_load %arg16[%get3A_644] {strides = array<i32>} : memref<2048xf32, #tpu.memory_space<vmem>>, vector<16xf32>,
      %mul3A_646 = arith.mulf %get3A_645, %get3A_615 : vector<16xf32>
      %swap3A_647 = arith.index_cast %scan3A_102 : i32 to index
      %swap3A_648 = arith.constant 96 : index
      %swap3A_649 = tpu.vector_load %arg22[%swap3A_647, %swap3A_648] {strides = array<i32>} : memref<16x128xf32, #tpu.memory_space<vmem>>, vector<16xf32>,
      tpu.vector_store %arg22[%swap3A_647, %swap3A_648], %mul3A_646 {strides = array<i32>} : memref<16x128xf32, #tpu.memory_space<vmem>>, vector<16xf32>,
      %mul3A_650 = arith.constant 128 : i32
      %mul3A_651 = arith.muli %scan3A_102, %mul3A_650 : i32
      %add3A_652 = arith.constant 112 : i32
      %add3A_653 = arith.addi %mul3A_651, %add3A_652 : i32
      %get3A_654 = arith.index_cast %add3A_653 : i32 to index
      %get3A_655 = tpu.vector_load %arg11[%get3A_654] {strides = array<i32>} : memref<2048xf32, #tpu.memory_space<vmem>>, vector<16xf32>,
      %get3A_656 = arith.index_cast %add3A_653 : i32 to index
      %get3A_657 = tpu.vector_load %arg12[%get3A_656] {strides = array<i32>} : memref<2048xf32, #tpu.memory_space<vmem>>, vector<16xf32>,
      %sub3A_658 = vector.broadcast %squeeze3A : f32 to vector<16xf32>
      %sub3A_659 = arith.subf %get3A_655, %sub3A_658 : vector<16xf32>
      %div3A_660 = vector.broadcast %squeeze3A_5 : f32 to vector<16xf32>
      %div3A_661 = arith.divf %sub3A_659, %div3A_660 : vector<16xf32>
      %mul3A_662 = arith.constant 2.560000e+02 : f32
      %mul3A_663 = vector.broadcast %mul3A_662 : f32 to vector<16xf32>
      %mul3A_664 = arith.mulf %div3A_661, %mul3A_663 : vector<16xf32>
      %sub3A_665 = vector.broadcast %squeeze3A_3 : f32 to vector<16xf32>
      %sub3A_666 = arith.subf %get3A_657, %sub3A_665 : vector<16xf32>
      %div3A_667 = vector.broadcast %squeeze3A_7 : f32 to vector<16xf32>
      %div3A_668 = arith.divf %sub3A_666, %div3A_667 : vector<16xf32>
      %mul3A_669 = arith.constant 2.560000e+02 : f32
      %mul3A_670 = vector.broadcast %mul3A_669 : f32 to vector<16xf32>
      %mul3A_671 = arith.mulf %div3A_668, %mul3A_670 : vector<16xf32>
      %convert_element_type3A_672 = arith.fptosi %mul3A_664 : vector<16xf32> to vector<16xi32>
      %max3A_673 = arith.constant 0 : i32
      %max3A_674 = vector.broadcast %max3A_673 : i32 to vector<16xi32>
      %max3A_675 = arith.maxsi %convert_element_type3A_672, %max3A_674 : vector<16xi32>
      %min3A_676 = arith.constant 255 : i32
      %min3A_677 = vector.broadcast %min3A_676 : i32 to vector<16xi32>
      %min3A_678 = arith.minsi %max3A_675, %min3A_677 : vector<16xi32>
      %convert_element_type3A_679 = arith.fptosi %mul3A_671 : vector<16xf32> to vector<16xi32>
      %max3A_680 = arith.constant 0 : i32
      %max3A_681 = vector.broadcast %max3A_680 : i32 to vector<16xi32>
      %max3A_682 = arith.maxsi %convert_element_type3A_679, %max3A_681 : vector<16xi32>
      %min3A_683 = arith.constant 255 : i32
      %min3A_684 = vector.broadcast %min3A_683 : i32 to vector<16xi32>
      %min3A_685 = arith.minsi %max3A_682, %min3A_684 : vector<16xi32>
      %mul3A_686 = arith.constant 256 : i32
      %mul3A_687 = vector.broadcast %mul3A_686 : i32 to vector<16xi32>
      %mul3A_688 = arith.muli %min3A_678, %mul3A_687 : vector<16xi32>
      %add3A_689 = arith.addi %mul3A_688, %min3A_685 : vector<16xi32>
      %get3A_690 = arith.index_cast %add3A_653 : i32 to index
      %get3A_691 = tpu.vector_load %arg13[%get3A_690] {strides = array<i32>} : memref<2048xi32, #tpu.memory_space<vmem>>, vector<16xi32>,
      %gather3A_692 = tpu.vector_load_idx %arg23[%get3A_691] : memref<16xi32, #tpu.memory_space<vmem>>[vector<16xi32>], vector<16xi32>,
      %get3A_693 = arith.index_cast %add3A_653 : i32 to index
      %get3A_694 = tpu.vector_load %arg14[%get3A_693] {strides = array<i32>} : memref<2048xf32, #tpu.memory_space<vmem>>, vector<16xf32>,
      %mul3A_695 = arith.constant 65536 : i32
      %mul3A_696 = vector.broadcast %mul3A_695 : i32 to vector<16xi32>
      %mul3A_697 = arith.muli %gather3A_692, %mul3A_696 : vector<16xi32>
      %add3A_698 = arith.addi %mul3A_697, %add3A_689 : vector<16xi32>
      %swap3A_699 = arith.index_cast %scan3A_102 : i32 to index
      %swap3A_700 = arith.constant 112 : index
      %swap3A_701 = tpu.vector_load %arg17[%swap3A_699, %swap3A_700] {strides = array<i32>} : memref<16x128xi32, #tpu.memory_space<vmem>>, vector<16xi32>,
      tpu.vector_store %arg17[%swap3A_699, %swap3A_700], %add3A_698 {strides = array<i32>} : memref<16x128xi32, #tpu.memory_space<vmem>>, vector<16xi32>,
      %swap3A_702 = arith.index_cast %scan3A_102 : i32 to index
      %swap3A_703 = arith.constant 112 : index
      %swap3A_704 = tpu.vector_load %arg18[%swap3A_702, %swap3A_703] {strides = array<i32>} : memref<16x128xf32, #tpu.memory_space<vmem>>, vector<16xf32>,
      tpu.vector_store %arg18[%swap3A_702, %swap3A_703], %get3A_694 {strides = array<i32>} : memref<16x128xf32, #tpu.memory_space<vmem>>, vector<16xf32>,
      %mul3A_705 = arith.constant 2 : i32
      %mul3A_706 = vector.broadcast %mul3A_705 : i32 to vector<16xi32>
      %mul3A_707 = arith.muli %add3A_689, %mul3A_706 : vector<16xi32>
      %swap3A_708 = arith.index_cast %scan3A_102 : i32 to index
      %swap3A_709 = arith.constant 112 : index
      %swap3A_710 = tpu.vector_load %arg19[%swap3A_708, %swap3A_709] {strides = array<i32>} : memref<16x128xi32, #tpu.memory_space<vmem>>, vector<16xi32>,
      tpu.vector_store %arg19[%swap3A_708, %swap3A_709], %mul3A_707 {strides = array<i32>} : memref<16x128xi32, #tpu.memory_space<vmem>>, vector<16xi32>,
      %add3A_711 = arith.constant 1 : i32
      %add3A_712 = vector.broadcast %add3A_711 : i32 to vector<16xi32>
      %add3A_713 = arith.addi %mul3A_707, %add3A_712 : vector<16xi32>
      %swap3A_714 = arith.index_cast %scan3A_102 : i32 to index
      %swap3A_715 = arith.constant 112 : index
      %swap3A_716 = tpu.vector_load %arg21[%swap3A_714, %swap3A_715] {strides = array<i32>} : memref<16x128xi32, #tpu.memory_space<vmem>>, vector<16xi32>,
      tpu.vector_store %arg21[%swap3A_714, %swap3A_715], %add3A_713 {strides = array<i32>} : memref<16x128xi32, #tpu.memory_space<vmem>>, vector<16xi32>,
      %get3A_717 = arith.index_cast %add3A_653 : i32 to index
      %get3A_718 = tpu.vector_load %arg15[%get3A_717] {strides = array<i32>} : memref<2048xf32, #tpu.memory_space<vmem>>, vector<16xf32>,
      %mul3A_719 = arith.mulf %get3A_718, %get3A_694 : vector<16xf32>
      %swap3A_720 = arith.index_cast %scan3A_102 : i32 to index
      %swap3A_721 = arith.constant 112 : index
      %swap3A_722 = tpu.vector_load %arg20[%swap3A_720, %swap3A_721] {strides = array<i32>} : memref<16x128xf32, #tpu.memory_space<vmem>>, vector<16xf32>,
      tpu.vector_store %arg20[%swap3A_720, %swap3A_721], %mul3A_719 {strides = array<i32>} : memref<16x128xf32, #tpu.memory_space<vmem>>, vector<16xf32>,
      %get3A_723 = arith.index_cast %add3A_653 : i32 to index
      %get3A_724 = tpu.vector_load %arg16[%get3A_723] {strides = array<i32>} : memref<2048xf32, #tpu.memory_space<vmem>>, vector<16xf32>,
      %mul3A_725 = arith.mulf %get3A_724, %get3A_694 : vector<16xf32>
      %swap3A_726 = arith.index_cast %scan3A_102 : i32 to index
      %swap3A_727 = arith.constant 112 : index
      %swap3A_728 = tpu.vector_load %arg22[%swap3A_726, %swap3A_727] {strides = array<i32>} : memref<16x128xf32, #tpu.memory_space<vmem>>, vector<16xf32>,
      tpu.vector_store %arg22[%swap3A_726, %swap3A_727], %mul3A_725 {strides = array<i32>} : memref<16x128xf32, #tpu.memory_space<vmem>>, vector<16xf32>,
      %scan3A_729 = arith.constant 0 : i32
      scf.yield %scan3A_729 : i32
    }
    %scan3A_85 = arith.constant 16 : i32
    %scan3A_86 = arith.constant 0 : i32
    %scan3A_87 = arith.constant 0 : i32
    %scan3A_88 = arith.constant 16 : i32
    %scan3A_89 = arith.addi %scan3A_87, %scan3A_88 : i32
    %scan3A_90 = arith.constant 1 : i32
    %scan3A_91 = scf.for %scan3A_102 = %scan3A_87 to %scan3A_89 step %scan3A_90 iter_args(%scan3A_103 = %scan3A_86) -> (i32)  : i32 {
      "tpu.region"() ({
        %run_scoped3A_105 = tpu.sem_alloc : memref<!tpu.dma_semaphore, #tpu.memory_space<semaphore_mem>>
        %dma_start3A = arith.constant 0 : i32
        %dma_start3A_106 = tpu.memref_slice %arg18[%scan3A_102, %dma_start3A] : memref<16x128xf32, #tpu.memory_space<vmem>> -> memref<1x128xf32, #tpu.memory_space<vmem>>
        %dma_start3A_107 = tpu.memref_squeeze %dma_start3A_106 : memref<1x128xf32, #tpu.memory_space<vmem>> -> memref<128xf32, #tpu.memory_space<vmem>>
        %dma_start3A_108 = arith.constant 0 : i32
        %dma_start3A_109 = tpu.memref_slice %arg17[%scan3A_102, %dma_start3A_108] : memref<16x128xi32, #tpu.memory_space<vmem>> -> memref<1x128xi32, #tpu.memory_space<vmem>>
        %dma_start3A_110 = tpu.memref_squeeze %dma_start3A_109 : memref<1x128xi32, #tpu.memory_space<vmem>> -> memref<128xi32, #tpu.memory_space<vmem>>
        %dma_start3A_111 = arith.constant 0 : i32
        %dma_start3A_112 = tpu.memref_slice %arg26[%dma_start3A_111] : memref<1310720xf32, #tpu.memory_space<vmem_shared>> -> memref<1310720xf32, #tpu.memory_space<vmem_shared>>
        tpu.enqueue_indirect_dma source(%dma_start3A_107 : memref<128xf32, #tpu.memory_space<vmem>>) target(%dma_start3A_112 : memref<1310720xf32, #tpu.memory_space<vmem_shared>>) offsets(%dma_start3A_110 : memref<128xi32, #tpu.memory_space<vmem>>) semaphore(%run_scoped3A_105 : memref<!tpu.dma_semaphore, #tpu.memory_space<semaphore_mem>>) {add = true}
        %dma_wait3A = arith.constant 0 : i32
        %dma_wait3A_113 = tpu.memref_slice %arg18[%scan3A_102, %dma_wait3A] : memref<16x128xf32, #tpu.memory_space<vmem>> -> memref<1x128xf32, #tpu.memory_space<vmem>>
        %dma_wait3A_114 = tpu.memref_squeeze %dma_wait3A_113 : memref<1x128xf32, #tpu.memory_space<vmem>> -> memref<128xf32, #tpu.memory_space<vmem>>
        %dma_wait3A_115 = arith.constant 0 : i32
        %dma_wait3A_116 = tpu.memref_slice %arg17[%scan3A_102, %dma_wait3A_115] : memref<16x128xi32, #tpu.memory_space<vmem>> -> memref<1x128xi32, #tpu.memory_space<vmem>>
        %dma_wait3A_117 = tpu.memref_squeeze %dma_wait3A_116 : memref<1x128xi32, #tpu.memory_space<vmem>> -> memref<128xi32, #tpu.memory_space<vmem>>
        %dma_wait3A_118 = arith.constant 0 : i32
        %dma_wait3A_119 = tpu.memref_slice %arg26[%dma_wait3A_118] : memref<1310720xf32, #tpu.memory_space<vmem_shared>> -> memref<1310720xf32, #tpu.memory_space<vmem_shared>>
        tpu.wait_indirect_dma semaphore(%run_scoped3A_105 : memref<!tpu.dma_semaphore, #tpu.memory_space<semaphore_mem>>) src(%dma_wait3A_114 : memref<128xf32, #tpu.memory_space<vmem>>) dst(%dma_wait3A_119 : memref<1310720xf32, #tpu.memory_space<vmem_shared>>)
        tpu.yield
      }) : () -> ()
      "tpu.region"() ({
        %run_scoped3A_105 = tpu.sem_alloc : memref<!tpu.dma_semaphore, #tpu.memory_space<semaphore_mem>>
        %dma_start3A = arith.constant 0 : i32
        %dma_start3A_106 = tpu.memref_slice %arg20[%scan3A_102, %dma_start3A] : memref<16x128xf32, #tpu.memory_space<vmem>> -> memref<1x128xf32, #tpu.memory_space<vmem>>
        %dma_start3A_107 = tpu.memref_squeeze %dma_start3A_106 : memref<1x128xf32, #tpu.memory_space<vmem>> -> memref<128xf32, #tpu.memory_space<vmem>>
        %dma_start3A_108 = arith.constant 0 : i32
        %dma_start3A_109 = tpu.memref_slice %arg19[%scan3A_102, %dma_start3A_108] : memref<16x128xi32, #tpu.memory_space<vmem>> -> memref<1x128xi32, #tpu.memory_space<vmem>>
        %dma_start3A_110 = tpu.memref_squeeze %dma_start3A_109 : memref<1x128xi32, #tpu.memory_space<vmem>> -> memref<128xi32, #tpu.memory_space<vmem>>
        %dma_start3A_111 = arith.constant 0 : i32
        %dma_start3A_112 = tpu.memref_slice %arg27[%dma_start3A_111] : memref<131072xf32, #tpu.memory_space<vmem_shared>> -> memref<131072xf32, #tpu.memory_space<vmem_shared>>
        tpu.enqueue_indirect_dma source(%dma_start3A_107 : memref<128xf32, #tpu.memory_space<vmem>>) target(%dma_start3A_112 : memref<131072xf32, #tpu.memory_space<vmem_shared>>) offsets(%dma_start3A_110 : memref<128xi32, #tpu.memory_space<vmem>>) semaphore(%run_scoped3A_105 : memref<!tpu.dma_semaphore, #tpu.memory_space<semaphore_mem>>) {add = true}
        %dma_wait3A = arith.constant 0 : i32
        %dma_wait3A_113 = tpu.memref_slice %arg20[%scan3A_102, %dma_wait3A] : memref<16x128xf32, #tpu.memory_space<vmem>> -> memref<1x128xf32, #tpu.memory_space<vmem>>
        %dma_wait3A_114 = tpu.memref_squeeze %dma_wait3A_113 : memref<1x128xf32, #tpu.memory_space<vmem>> -> memref<128xf32, #tpu.memory_space<vmem>>
        %dma_wait3A_115 = arith.constant 0 : i32
        %dma_wait3A_116 = tpu.memref_slice %arg19[%scan3A_102, %dma_wait3A_115] : memref<16x128xi32, #tpu.memory_space<vmem>> -> memref<1x128xi32, #tpu.memory_space<vmem>>
        %dma_wait3A_117 = tpu.memref_squeeze %dma_wait3A_116 : memref<1x128xi32, #tpu.memory_space<vmem>> -> memref<128xi32, #tpu.memory_space<vmem>>
        %dma_wait3A_118 = arith.constant 0 : i32
        %dma_wait3A_119 = tpu.memref_slice %arg27[%dma_wait3A_118] : memref<131072xf32, #tpu.memory_space<vmem_shared>> -> memref<131072xf32, #tpu.memory_space<vmem_shared>>
        tpu.wait_indirect_dma semaphore(%run_scoped3A_105 : memref<!tpu.dma_semaphore, #tpu.memory_space<semaphore_mem>>) src(%dma_wait3A_114 : memref<128xf32, #tpu.memory_space<vmem>>) dst(%dma_wait3A_119 : memref<131072xf32, #tpu.memory_space<vmem_shared>>)
        tpu.yield
      }) : () -> ()
      "tpu.region"() ({
        %run_scoped3A_105 = tpu.sem_alloc : memref<!tpu.dma_semaphore, #tpu.memory_space<semaphore_mem>>
        %dma_start3A = arith.constant 0 : i32
        %dma_start3A_106 = tpu.memref_slice %arg22[%scan3A_102, %dma_start3A] : memref<16x128xf32, #tpu.memory_space<vmem>> -> memref<1x128xf32, #tpu.memory_space<vmem>>
        %dma_start3A_107 = tpu.memref_squeeze %dma_start3A_106 : memref<1x128xf32, #tpu.memory_space<vmem>> -> memref<128xf32, #tpu.memory_space<vmem>>
        %dma_start3A_108 = arith.constant 0 : i32
        %dma_start3A_109 = tpu.memref_slice %arg21[%scan3A_102, %dma_start3A_108] : memref<16x128xi32, #tpu.memory_space<vmem>> -> memref<1x128xi32, #tpu.memory_space<vmem>>
        %dma_start3A_110 = tpu.memref_squeeze %dma_start3A_109 : memref<1x128xi32, #tpu.memory_space<vmem>> -> memref<128xi32, #tpu.memory_space<vmem>>
        %dma_start3A_111 = arith.constant 0 : i32
        %dma_start3A_112 = tpu.memref_slice %arg27[%dma_start3A_111] : memref<131072xf32, #tpu.memory_space<vmem_shared>> -> memref<131072xf32, #tpu.memory_space<vmem_shared>>
        tpu.enqueue_indirect_dma source(%dma_start3A_107 : memref<128xf32, #tpu.memory_space<vmem>>) target(%dma_start3A_112 : memref<131072xf32, #tpu.memory_space<vmem_shared>>) offsets(%dma_start3A_110 : memref<128xi32, #tpu.memory_space<vmem>>) semaphore(%run_scoped3A_105 : memref<!tpu.dma_semaphore, #tpu.memory_space<semaphore_mem>>) {add = true}
        %dma_wait3A = arith.constant 0 : i32
        %dma_wait3A_113 = tpu.memref_slice %arg22[%scan3A_102, %dma_wait3A] : memref<16x128xf32, #tpu.memory_space<vmem>> -> memref<1x128xf32, #tpu.memory_space<vmem>>
        %dma_wait3A_114 = tpu.memref_squeeze %dma_wait3A_113 : memref<1x128xf32, #tpu.memory_space<vmem>> -> memref<128xf32, #tpu.memory_space<vmem>>
        %dma_wait3A_115 = arith.constant 0 : i32
        %dma_wait3A_116 = tpu.memref_slice %arg21[%scan3A_102, %dma_wait3A_115] : memref<16x128xi32, #tpu.memory_space<vmem>> -> memref<1x128xi32, #tpu.memory_space<vmem>>
        %dma_wait3A_117 = tpu.memref_squeeze %dma_wait3A_116 : memref<1x128xi32, #tpu.memory_space<vmem>> -> memref<128xi32, #tpu.memory_space<vmem>>
        %dma_wait3A_118 = arith.constant 0 : i32
        %dma_wait3A_119 = tpu.memref_slice %arg27[%dma_wait3A_118] : memref<131072xf32, #tpu.memory_space<vmem_shared>> -> memref<131072xf32, #tpu.memory_space<vmem_shared>>
        tpu.wait_indirect_dma semaphore(%run_scoped3A_105 : memref<!tpu.dma_semaphore, #tpu.memory_space<semaphore_mem>>) src(%dma_wait3A_114 : memref<128xf32, #tpu.memory_space<vmem>>) dst(%dma_wait3A_119 : memref<131072xf32, #tpu.memory_space<vmem_shared>>)
        tpu.yield
      }) : () -> ()
      %scan3A_104 = arith.constant 0 : i32
      scf.yield %scan3A_104 : i32
    }
    %scan3A_92 = arith.constant 16 : i32
    %barrier3A_93 = arith.constant 0 : index
    tpu.barrier barrier_id(%barrier3A_93)
    %mul3A_94 = arith.constant 81920 : i32
    %mul3A_95 = arith.muli %arg1, %mul3A_94 : i32
    %mul3A_96 = arith.constant 81920 : i32
    %mul3A_97 = arith.muli %arg1, %mul3A_96 : i32
    "tpu.region"() ({
      %run_scoped3A_102 = tpu.sem_alloc : memref<!tpu.dma_semaphore, #tpu.memory_space<semaphore_mem>>
      %dma_start3A = tpu.memref_slice %arg9[%arg0, %mul3A_97] : memref<2x1310720xf32, #tpu.memory_space<hbm>> -> memref<1x81920xf32, #tpu.memory_space<hbm>>
      %dma_start3A_103 = tpu.memref_squeeze %dma_start3A : memref<1x81920xf32, #tpu.memory_space<hbm>> -> memref<81920xf32, #tpu.memory_space<hbm>>
      %dma_start3A_104 = tpu.memref_slice %arg26[%mul3A_95] : memref<1310720xf32, #tpu.memory_space<vmem_shared>> -> memref<81920xf32, #tpu.memory_space<vmem_shared>>
      tpu.enqueue_dma source(%dma_start3A_104 : memref<81920xf32, #tpu.memory_space<vmem_shared>>) target(%dma_start3A_103 : memref<81920xf32, #tpu.memory_space<hbm>>) target_semaphore(%run_scoped3A_102 : memref<!tpu.dma_semaphore, #tpu.memory_space<semaphore_mem>>)
      %dma_wait3A = tpu.memref_slice %arg9[%arg0, %mul3A_97] : memref<2x1310720xf32, #tpu.memory_space<hbm>> -> memref<1x81920xf32, #tpu.memory_space<hbm>>
      %dma_wait3A_105 = tpu.memref_squeeze %dma_wait3A : memref<1x81920xf32, #tpu.memory_space<hbm>> -> memref<81920xf32, #tpu.memory_space<hbm>>
      %dma_wait3A_106 = tpu.memref_slice %arg26[%mul3A_95] : memref<1310720xf32, #tpu.memory_space<vmem_shared>> -> memref<81920xf32, #tpu.memory_space<vmem_shared>>
      tpu.wait_dma2 semaphore(%run_scoped3A_102 : memref<!tpu.dma_semaphore, #tpu.memory_space<semaphore_mem>>) src(%dma_wait3A_106 : memref<81920xf32, #tpu.memory_space<vmem_shared>>) dst(%dma_wait3A_105 : memref<81920xf32, #tpu.memory_space<hbm>>)
      tpu.yield
    }) : () -> ()
    %mul3A_98 = arith.constant 8192 : i32
    %mul3A_99 = arith.muli %arg1, %mul3A_98 : i32
    %mul3A_100 = arith.constant 8192 : i32
    %mul3A_101 = arith.muli %arg1, %mul3A_100 : i32
    "tpu.region"() ({
      %run_scoped3A_102 = tpu.sem_alloc : memref<!tpu.dma_semaphore, #tpu.memory_space<semaphore_mem>>
      %dma_start3A = tpu.memref_slice %arg10[%arg0, %mul3A_101] : memref<2x131072xf32, #tpu.memory_space<hbm>> -> memref<1x8192xf32, #tpu.memory_space<hbm>>
      %dma_start3A_103 = tpu.memref_squeeze %dma_start3A : memref<1x8192xf32, #tpu.memory_space<hbm>> -> memref<8192xf32, #tpu.memory_space<hbm>>
      %dma_start3A_104 = tpu.memref_slice %arg27[%mul3A_99] : memref<131072xf32, #tpu.memory_space<vmem_shared>> -> memref<8192xf32, #tpu.memory_space<vmem_shared>>
      tpu.enqueue_dma source(%dma_start3A_104 : memref<8192xf32, #tpu.memory_space<vmem_shared>>) target(%dma_start3A_103 : memref<8192xf32, #tpu.memory_space<hbm>>) target_semaphore(%run_scoped3A_102 : memref<!tpu.dma_semaphore, #tpu.memory_space<semaphore_mem>>)
      %dma_wait3A = tpu.memref_slice %arg10[%arg0, %mul3A_101] : memref<2x131072xf32, #tpu.memory_space<hbm>> -> memref<1x8192xf32, #tpu.memory_space<hbm>>
      %dma_wait3A_105 = tpu.memref_squeeze %dma_wait3A : memref<1x8192xf32, #tpu.memory_space<hbm>> -> memref<8192xf32, #tpu.memory_space<hbm>>
      %dma_wait3A_106 = tpu.memref_slice %arg27[%mul3A_99] : memref<131072xf32, #tpu.memory_space<vmem_shared>> -> memref<8192xf32, #tpu.memory_space<vmem_shared>>
      tpu.wait_dma2 semaphore(%run_scoped3A_102 : memref<!tpu.dma_semaphore, #tpu.memory_space<semaphore_mem>>) src(%dma_wait3A_106 : memref<8192xf32, #tpu.memory_space<vmem_shared>>) dst(%dma_wait3A_105 : memref<8192xf32, #tpu.memory_space<hbm>>)
      tpu.yield
    }) : () -> ()
    return
  }
}

#map = affine_map<(d0, d1) -> (0)>
#map1 = affine_map<(d0, d1) -> (0, 0)>
module attributes {stable_mosaic.version = 14 : i64} {
  func.func @k(%arg0: i32, %arg1: i32, %arg2: memref<131072xi32, #tpu.memory_space<hbm>>, %arg3: memref<131072xi32, #tpu.memory_space<hbm>>, %arg4: memref<131072xf32, #tpu.memory_space<hbm>>, %arg5: memref<32x5120xf32, #tpu.memory_space<hbm>>, %arg6: memref<2048xi32, #tpu.memory_space<vmem>>, %arg7: memref<2048xi32, #tpu.memory_space<vmem>>, %arg8: memref<2048xf32, #tpu.memory_space<vmem>>, %arg9: memref<5120xf32, #tpu.memory_space<vmem>>) attributes {dimension_semantics = [#tpu.dimension_semantics<core_parallel>, #tpu.dimension_semantics<subcore_parallel>], iteration_bounds = array<i64: 2, 16>, scalar_prefetch = 0 : i64, scratch_operands = 4 : i64, tpu.core_type = #tpu.core_type<sc_vector_subcore>, window_params = [{transform_indices = #map}, {transform_indices = #map}, {transform_indices = #map}, {transform_indices = #map1}]} {
    %mul3A = arith.constant 2 : i32
    %mul3A_0 = arith.muli %arg1, %mul3A : i32
    %add3A = arith.addi %mul3A_0, %arg0 : i32
    %scan3A = arith.constant 0 : i32
    %scan3A_1 = arith.constant 0 : i32
    %scan3A_2 = arith.constant 320 : i32
    %scan3A_3 = arith.addi %scan3A_1, %scan3A_2 : i32
    %scan3A_4 = arith.constant 1 : i32
    %scan3A_5 = scf.for %scan3A_27 = %scan3A_1 to %scan3A_3 step %scan3A_4 iter_args(%scan3A_28 = %scan3A) -> (i32)  : i32 {
      %broadcast_in_dim3A = arith.constant 0.000000e+00 : f32
      %broadcast_in_dim3A_29 = vector.broadcast %broadcast_in_dim3A : f32 to vector<16xf32>
      %mul3A_30 = arith.constant 16 : i32
      %mul3A_31 = arith.muli %scan3A_27, %mul3A_30 : i32
      %swap3A = arith.index_cast %mul3A_31 : i32 to index
      %swap3A_32 = tpu.vector_load %arg9[%swap3A] {strides = array<i32>} : memref<5120xf32, #tpu.memory_space<vmem>>, vector<16xf32>,
      tpu.vector_store %arg9[%swap3A], %broadcast_in_dim3A_29 {strides = array<i32>} : memref<5120xf32, #tpu.memory_space<vmem>>, vector<16xf32>,
      %scan3A_33 = arith.constant 0 : i32
      scf.yield %scan3A_33 : i32
    }
    %scan3A_6 = arith.constant 320 : i32
    %iota3A = tpu.iota {dimensions = array<i32: 0>} : vector<16xi32>
    %mul3A_7 = arith.constant 4096 : i32
    %mul3A_8 = arith.muli %add3A, %mul3A_7 : i32
    %add3A_9 = arith.constant 0 : i32
    %add3A_10 = arith.addi %mul3A_8, %add3A_9 : i32
    "tpu.region"() ({
      %run_scoped3A = tpu.sem_alloc : memref<!tpu.dma_semaphore, #tpu.memory_space<semaphore_mem>>
      %dma_start3A = tpu.memref_slice %arg2[%add3A_10] : memref<131072xi32, #tpu.memory_space<hbm>> -> memref<2048xi32, #tpu.memory_space<hbm>>
      %dma_start3A_27 = tpu.memref_slice %arg2[%add3A_10] : memref<131072xi32, #tpu.memory_space<hbm>> -> memref<2048xi32, #tpu.memory_space<hbm>>
      tpu.enqueue_dma source(%dma_start3A_27 : memref<2048xi32, #tpu.memory_space<hbm>>) target(%arg6 : memref<2048xi32, #tpu.memory_space<vmem>>) target_semaphore(%run_scoped3A : memref<!tpu.dma_semaphore, #tpu.memory_space<semaphore_mem>>)
      %dma_wait3A = tpu.memref_slice %arg2[%add3A_10] : memref<131072xi32, #tpu.memory_space<hbm>> -> memref<2048xi32, #tpu.memory_space<hbm>>
      %dma_wait3A_28 = tpu.memref_slice %arg2[%add3A_10] : memref<131072xi32, #tpu.memory_space<hbm>> -> memref<2048xi32, #tpu.memory_space<hbm>>
      tpu.wait_dma2 semaphore(%run_scoped3A : memref<!tpu.dma_semaphore, #tpu.memory_space<semaphore_mem>>) src(%dma_wait3A_28 : memref<2048xi32, #tpu.memory_space<hbm>>) dst(%arg6 : memref<2048xi32, #tpu.memory_space<vmem>>)
      tpu.yield
    }) : () -> ()
    "tpu.region"() ({
      %run_scoped3A = tpu.sem_alloc : memref<!tpu.dma_semaphore, #tpu.memory_space<semaphore_mem>>
      %dma_start3A = tpu.memref_slice %arg3[%add3A_10] : memref<131072xi32, #tpu.memory_space<hbm>> -> memref<2048xi32, #tpu.memory_space<hbm>>
      %dma_start3A_27 = tpu.memref_slice %arg3[%add3A_10] : memref<131072xi32, #tpu.memory_space<hbm>> -> memref<2048xi32, #tpu.memory_space<hbm>>
      tpu.enqueue_dma source(%dma_start3A_27 : memref<2048xi32, #tpu.memory_space<hbm>>) target(%arg7 : memref<2048xi32, #tpu.memory_space<vmem>>) target_semaphore(%run_scoped3A : memref<!tpu.dma_semaphore, #tpu.memory_space<semaphore_mem>>)
      %dma_wait3A = tpu.memref_slice %arg3[%add3A_10] : memref<131072xi32, #tpu.memory_space<hbm>> -> memref<2048xi32, #tpu.memory_space<hbm>>
      %dma_wait3A_28 = tpu.memref_slice %arg3[%add3A_10] : memref<131072xi32, #tpu.memory_space<hbm>> -> memref<2048xi32, #tpu.memory_space<hbm>>
      tpu.wait_dma2 semaphore(%run_scoped3A : memref<!tpu.dma_semaphore, #tpu.memory_space<semaphore_mem>>) src(%dma_wait3A_28 : memref<2048xi32, #tpu.memory_space<hbm>>) dst(%arg7 : memref<2048xi32, #tpu.memory_space<vmem>>)
      tpu.yield
    }) : () -> ()
    "tpu.region"() ({
      %run_scoped3A = tpu.sem_alloc : memref<!tpu.dma_semaphore, #tpu.memory_space<semaphore_mem>>
      %dma_start3A = tpu.memref_slice %arg4[%add3A_10] : memref<131072xf32, #tpu.memory_space<hbm>> -> memref<2048xf32, #tpu.memory_space<hbm>>
      %dma_start3A_27 = tpu.memref_slice %arg4[%add3A_10] : memref<131072xf32, #tpu.memory_space<hbm>> -> memref<2048xf32, #tpu.memory_space<hbm>>
      tpu.enqueue_dma source(%dma_start3A_27 : memref<2048xf32, #tpu.memory_space<hbm>>) target(%arg8 : memref<2048xf32, #tpu.memory_space<vmem>>) target_semaphore(%run_scoped3A : memref<!tpu.dma_semaphore, #tpu.memory_space<semaphore_mem>>)
      %dma_wait3A = tpu.memref_slice %arg4[%add3A_10] : memref<131072xf32, #tpu.memory_space<hbm>> -> memref<2048xf32, #tpu.memory_space<hbm>>
      %dma_wait3A_28 = tpu.memref_slice %arg4[%add3A_10] : memref<131072xf32, #tpu.memory_space<hbm>> -> memref<2048xf32, #tpu.memory_space<hbm>>
      tpu.wait_dma2 semaphore(%run_scoped3A : memref<!tpu.dma_semaphore, #tpu.memory_space<semaphore_mem>>) src(%dma_wait3A_28 : memref<2048xf32, #tpu.memory_space<hbm>>) dst(%arg8 : memref<2048xf32, #tpu.memory_space<vmem>>)
      tpu.yield
    }) : () -> ()
    %scan3A_11 = arith.constant 0 : i32
    %scan3A_12 = arith.constant 0 : i32
    %scan3A_13 = arith.constant 128 : i32
    %scan3A_14 = arith.addi %scan3A_12, %scan3A_13 : i32
    %scan3A_15 = arith.constant 1 : i32
    %scan3A_16 = scf.for %scan3A_27 = %scan3A_12 to %scan3A_14 step %scan3A_15 iter_args(%scan3A_28 = %scan3A_11) -> (i32)  : i32 {
      %mul3A_29 = arith.constant 16 : i32
      %mul3A_30 = arith.muli %scan3A_27, %mul3A_29 : i32
      %get3A = arith.index_cast %mul3A_30 : i32 to index
      %get3A_31 = tpu.vector_load %arg6[%get3A] {strides = array<i32>} : memref<2048xi32, #tpu.memory_space<vmem>>, vector<16xi32>,
      %get3A_32 = arith.index_cast %mul3A_30 : i32 to index
      %get3A_33 = tpu.vector_load %arg7[%get3A_32] {strides = array<i32>} : memref<2048xi32, #tpu.memory_space<vmem>>, vector<16xi32>,
      %get3A_34 = arith.index_cast %mul3A_30 : i32 to index
      %get3A_35 = tpu.vector_load %arg8[%get3A_34] {strides = array<i32>} : memref<2048xf32, #tpu.memory_space<vmem>>, vector<16xf32>,
      %mul3A_36 = arith.constant 16 : i32
      %mul3A_37 = vector.broadcast %mul3A_36 : i32 to vector<16xi32>
      %mul3A_38 = arith.muli %get3A_33, %mul3A_37 : vector<16xi32>
      %add3A_39 = arith.addi %mul3A_38, %get3A_31 : vector<16xi32>
      %mul3A_40 = arith.constant 16 : i32
      %mul3A_41 = vector.broadcast %mul3A_40 : i32 to vector<16xi32>
      %mul3A_42 = arith.muli %add3A_39, %mul3A_41 : vector<16xi32>
      %add3A_43 = arith.addi %mul3A_42, %iota3A : vector<16xi32>
      tpu.vector_store_idx %arg9[%add3A_43], %get3A_35 {add = true} : memref<5120xf32, #tpu.memory_space<vmem>>[vector<16xi32>], vector<16xf32>,
      %scan3A_44 = arith.constant 0 : i32
      scf.yield %scan3A_44 : i32
    }
    %scan3A_17 = arith.constant 128 : i32
    %add3A_18 = arith.constant 2048 : i32
    %add3A_19 = arith.addi %mul3A_8, %add3A_18 : i32
    "tpu.region"() ({
      %run_scoped3A = tpu.sem_alloc : memref<!tpu.dma_semaphore, #tpu.memory_space<semaphore_mem>>
      %dma_start3A = tpu.memref_slice %arg2[%add3A_19] : memref<131072xi32, #tpu.memory_space<hbm>> -> memref<2048xi32, #tpu.memory_space<hbm>>
      %dma_start3A_27 = tpu.memref_slice %arg2[%add3A_19] : memref<131072xi32, #tpu.memory_space<hbm>> -> memref<2048xi32, #tpu.memory_space<hbm>>
      tpu.enqueue_dma source(%dma_start3A_27 : memref<2048xi32, #tpu.memory_space<hbm>>) target(%arg6 : memref<2048xi32, #tpu.memory_space<vmem>>) target_semaphore(%run_scoped3A : memref<!tpu.dma_semaphore, #tpu.memory_space<semaphore_mem>>)
      %dma_wait3A = tpu.memref_slice %arg2[%add3A_19] : memref<131072xi32, #tpu.memory_space<hbm>> -> memref<2048xi32, #tpu.memory_space<hbm>>
      %dma_wait3A_28 = tpu.memref_slice %arg2[%add3A_19] : memref<131072xi32, #tpu.memory_space<hbm>> -> memref<2048xi32, #tpu.memory_space<hbm>>
      tpu.wait_dma2 semaphore(%run_scoped3A : memref<!tpu.dma_semaphore, #tpu.memory_space<semaphore_mem>>) src(%dma_wait3A_28 : memref<2048xi32, #tpu.memory_space<hbm>>) dst(%arg6 : memref<2048xi32, #tpu.memory_space<vmem>>)
      tpu.yield
    }) : () -> ()
    "tpu.region"() ({
      %run_scoped3A = tpu.sem_alloc : memref<!tpu.dma_semaphore, #tpu.memory_space<semaphore_mem>>
      %dma_start3A = tpu.memref_slice %arg3[%add3A_19] : memref<131072xi32, #tpu.memory_space<hbm>> -> memref<2048xi32, #tpu.memory_space<hbm>>
      %dma_start3A_27 = tpu.memref_slice %arg3[%add3A_19] : memref<131072xi32, #tpu.memory_space<hbm>> -> memref<2048xi32, #tpu.memory_space<hbm>>
      tpu.enqueue_dma source(%dma_start3A_27 : memref<2048xi32, #tpu.memory_space<hbm>>) target(%arg7 : memref<2048xi32, #tpu.memory_space<vmem>>) target_semaphore(%run_scoped3A : memref<!tpu.dma_semaphore, #tpu.memory_space<semaphore_mem>>)
      %dma_wait3A = tpu.memref_slice %arg3[%add3A_19] : memref<131072xi32, #tpu.memory_space<hbm>> -> memref<2048xi32, #tpu.memory_space<hbm>>
      %dma_wait3A_28 = tpu.memref_slice %arg3[%add3A_19] : memref<131072xi32, #tpu.memory_space<hbm>> -> memref<2048xi32, #tpu.memory_space<hbm>>
      tpu.wait_dma2 semaphore(%run_scoped3A : memref<!tpu.dma_semaphore, #tpu.memory_space<semaphore_mem>>) src(%dma_wait3A_28 : memref<2048xi32, #tpu.memory_space<hbm>>) dst(%arg7 : memref<2048xi32, #tpu.memory_space<vmem>>)
      tpu.yield
    }) : () -> ()
    "tpu.region"() ({
      %run_scoped3A = tpu.sem_alloc : memref<!tpu.dma_semaphore, #tpu.memory_space<semaphore_mem>>
      %dma_start3A = tpu.memref_slice %arg4[%add3A_19] : memref<131072xf32, #tpu.memory_space<hbm>> -> memref<2048xf32, #tpu.memory_space<hbm>>
      %dma_start3A_27 = tpu.memref_slice %arg4[%add3A_19] : memref<131072xf32, #tpu.memory_space<hbm>> -> memref<2048xf32, #tpu.memory_space<hbm>>
      tpu.enqueue_dma source(%dma_start3A_27 : memref<2048xf32, #tpu.memory_space<hbm>>) target(%arg8 : memref<2048xf32, #tpu.memory_space<vmem>>) target_semaphore(%run_scoped3A : memref<!tpu.dma_semaphore, #tpu.memory_space<semaphore_mem>>)
      %dma_wait3A = tpu.memref_slice %arg4[%add3A_19] : memref<131072xf32, #tpu.memory_space<hbm>> -> memref<2048xf32, #tpu.memory_space<hbm>>
      %dma_wait3A_28 = tpu.memref_slice %arg4[%add3A_19] : memref<131072xf32, #tpu.memory_space<hbm>> -> memref<2048xf32, #tpu.memory_space<hbm>>
      tpu.wait_dma2 semaphore(%run_scoped3A : memref<!tpu.dma_semaphore, #tpu.memory_space<semaphore_mem>>) src(%dma_wait3A_28 : memref<2048xf32, #tpu.memory_space<hbm>>) dst(%arg8 : memref<2048xf32, #tpu.memory_space<vmem>>)
      tpu.yield
    }) : () -> ()
    %scan3A_20 = arith.constant 0 : i32
    %scan3A_21 = arith.constant 0 : i32
    %scan3A_22 = arith.constant 128 : i32
    %scan3A_23 = arith.addi %scan3A_21, %scan3A_22 : i32
    %scan3A_24 = arith.constant 1 : i32
    %scan3A_25 = scf.for %scan3A_27 = %scan3A_21 to %scan3A_23 step %scan3A_24 iter_args(%scan3A_28 = %scan3A_20) -> (i32)  : i32 {
      %mul3A_29 = arith.constant 16 : i32
      %mul3A_30 = arith.muli %scan3A_27, %mul3A_29 : i32
      %get3A = arith.index_cast %mul3A_30 : i32 to index
      %get3A_31 = tpu.vector_load %arg6[%get3A] {strides = array<i32>} : memref<2048xi32, #tpu.memory_space<vmem>>, vector<16xi32>,
      %get3A_32 = arith.index_cast %mul3A_30 : i32 to index
      %get3A_33 = tpu.vector_load %arg7[%get3A_32] {strides = array<i32>} : memref<2048xi32, #tpu.memory_space<vmem>>, vector<16xi32>,
      %get3A_34 = arith.index_cast %mul3A_30 : i32 to index
      %get3A_35 = tpu.vector_load %arg8[%get3A_34] {strides = array<i32>} : memref<2048xf32, #tpu.memory_space<vmem>>, vector<16xf32>,
      %mul3A_36 = arith.constant 16 : i32
      %mul3A_37 = vector.broadcast %mul3A_36 : i32 to vector<16xi32>
      %mul3A_38 = arith.muli %get3A_33, %mul3A_37 : vector<16xi32>
      %add3A_39 = arith.addi %mul3A_38, %get3A_31 : vector<16xi32>
      %mul3A_40 = arith.constant 16 : i32
      %mul3A_41 = vector.broadcast %mul3A_40 : i32 to vector<16xi32>
      %mul3A_42 = arith.muli %add3A_39, %mul3A_41 : vector<16xi32>
      %add3A_43 = arith.addi %mul3A_42, %iota3A : vector<16xi32>
      tpu.vector_store_idx %arg9[%add3A_43], %get3A_35 {add = true} : memref<5120xf32, #tpu.memory_space<vmem>>[vector<16xi32>], vector<16xf32>,
      %scan3A_44 = arith.constant 0 : i32
      scf.yield %scan3A_44 : i32
    }
    %scan3A_26 = arith.constant 128 : i32
    "tpu.region"() ({
      %run_scoped3A = tpu.sem_alloc : memref<!tpu.dma_semaphore, #tpu.memory_space<semaphore_mem>>
      %dma_start3A = arith.constant 0 : i32
      %dma_start3A_27 = tpu.memref_slice %arg5[%add3A, %dma_start3A] : memref<32x5120xf32, #tpu.memory_space<hbm>> -> memref<1x5120xf32, #tpu.memory_space<hbm>>
      %dma_start3A_28 = tpu.memref_squeeze %dma_start3A_27 : memref<1x5120xf32, #tpu.memory_space<hbm>> -> memref<5120xf32, #tpu.memory_space<hbm>>
      %dma_start3A_29 = arith.constant 0 : i32
      %dma_start3A_30 = tpu.memref_slice %arg5[%add3A, %dma_start3A_29] : memref<32x5120xf32, #tpu.memory_space<hbm>> -> memref<1x5120xf32, #tpu.memory_space<hbm>>
      %dma_start3A_31 = tpu.memref_squeeze %dma_start3A_30 : memref<1x5120xf32, #tpu.memory_space<hbm>> -> memref<5120xf32, #tpu.memory_space<hbm>>
      tpu.enqueue_dma source(%arg9 : memref<5120xf32, #tpu.memory_space<vmem>>) target(%dma_start3A_31 : memref<5120xf32, #tpu.memory_space<hbm>>) target_semaphore(%run_scoped3A : memref<!tpu.dma_semaphore, #tpu.memory_space<semaphore_mem>>)
      %dma_wait3A = arith.constant 0 : i32
      %dma_wait3A_32 = tpu.memref_slice %arg5[%add3A, %dma_wait3A] : memref<32x5120xf32, #tpu.memory_space<hbm>> -> memref<1x5120xf32, #tpu.memory_space<hbm>>
      %dma_wait3A_33 = tpu.memref_squeeze %dma_wait3A_32 : memref<1x5120xf32, #tpu.memory_space<hbm>> -> memref<5120xf32, #tpu.memory_space<hbm>>
      %dma_wait3A_34 = arith.constant 0 : i32
      %dma_wait3A_35 = tpu.memref_slice %arg5[%add3A, %dma_wait3A_34] : memref<32x5120xf32, #tpu.memory_space<hbm>> -> memref<1x5120xf32, #tpu.memory_space<hbm>>
      %dma_wait3A_36 = tpu.memref_squeeze %dma_wait3A_35 : memref<1x5120xf32, #tpu.memory_space<hbm>> -> memref<5120xf32, #tpu.memory_space<hbm>>
      tpu.wait_dma2 semaphore(%run_scoped3A : memref<!tpu.dma_semaphore, #tpu.memory_space<semaphore_mem>>) src(%arg9 : memref<5120xf32, #tpu.memory_space<vmem>>) dst(%dma_wait3A_36 : memref<5120xf32, #tpu.memory_space<hbm>>)
      tpu.yield
    }) : () -> ()
    return
  }
}

module attributes {stable_mosaic.version = 14 : i64} {
  func.func @_k1_body(%arg0: i32, %arg1: memref<4x4xf32, #tpu.memory_space<smem>>, %arg2: memref<16x6xf32, #tpu.memory_space<smem>>, %arg3: memref<2xf32, #tpu.memory_space<smem>>, %arg4: memref<2xf32, #tpu.memory_space<smem>>, %arg5: memref<8x1024xf32, #tpu.memory_space<vmem>>, %arg6: memref<8x1024xf32, #tpu.memory_space<vmem>>, %arg7: memref<8x1024xf32, #tpu.memory_space<vmem>>, %arg8: memref<8192x64xf32, #tpu.memory_space<vmem>>, %arg9: memref<8x64xf32, #tpu.memory_space<vmem>>, %arg10: memref<8x1024xf32, #tpu.memory_space<vmem>>, %arg11: memref<8x1024xf32, #tpu.memory_space<vmem>>, %arg12: memref<8x1024xi32, #tpu.memory_space<vmem>>, %arg13: memref<8x1024xf32, #tpu.memory_space<vmem>>, %arg14: memref<2x8192xf32, #tpu.memory_space<vmem>>, %arg15: memref<8x128xf32, #tpu.memory_space<vmem>>) attributes {dimension_semantics = [#tpu.dimension_semantics<arbitrary>], iteration_bounds = array<i64: 16>, scalar_prefetch = 0 : i64, scratch_operands = 0 : i64, tpu.core_type = #tpu.core_type<tc>, window_params = [{transform_indices = @transform_0, window_bounds = array<i64: 4, 4>}, {transform_indices = @transform_1, window_bounds = array<i64: 16, 6>}, {transform_indices = @transform_2, window_bounds = array<i64: 2>}, {transform_indices = @transform_3, window_bounds = array<i64: 2>}, {transform_indices = @transform_4, window_bounds = array<i64: 8, 1024>}, {transform_indices = @transform_5, window_bounds = array<i64: 8, 1024>}, {transform_indices = @transform_6, window_bounds = array<i64: 8, 1024>}, {transform_indices = @transform_7, window_bounds = array<i64: 8192, 64>}, {pipeline_mode = #tpu.pipeline_mode<synchronous>, transform_indices = @transform_8, window_bounds = array<i64: 8, 64>}, {transform_indices = @transform_9, window_bounds = array<i64: 8, 1024>}, {transform_indices = @transform_10, window_bounds = array<i64: 8, 1024>}, {transform_indices = @transform_11, window_bounds = array<i64: 8, 1024>}, {transform_indices = @transform_12, window_bounds = array<i64: 8, 1024>}, {transform_indices = @transform_13, window_bounds = array<i64: 2, 8192>}, {pipeline_mode = #tpu.pipeline_mode<synchronous>, transform_indices = @transform_14, window_bounds = array<i64: 8, 128>}]} {
    %get3A = arith.constant 0 : index
    %get3A_0 = arith.constant 0 : index
    %get3A_1 = vector.load %arg5[%get3A, %get3A_0] : memref<8x1024xf32, #tpu.memory_space<vmem>>, vector<8x1024xf32>
    %convert_element_type3A = arith.truncf %get3A_1 : vector<8x1024xf32> to vector<8x1024xbf16>
    %convert_element_type3A_2 = arith.extf %convert_element_type3A : vector<8x1024xbf16> to vector<8x1024xf32>
    %get3A_3 = arith.constant 0 : index
    %get3A_4 = arith.constant 0 : index
    %get3A_5 = vector.load %arg6[%get3A_3, %get3A_4] : memref<8x1024xf32, #tpu.memory_space<vmem>>, vector<8x1024xf32>
    %convert_element_type3A_6 = arith.truncf %get3A_5 : vector<8x1024xf32> to vector<8x1024xbf16>
    %convert_element_type3A_7 = arith.extf %convert_element_type3A_6 : vector<8x1024xbf16> to vector<8x1024xf32>
    %get3A_8 = arith.constant 0 : index
    %get3A_9 = arith.constant 0 : index
    %get3A_10 = vector.load %arg7[%get3A_8, %get3A_9] : memref<8x1024xf32, #tpu.memory_space<vmem>>, vector<8x1024xf32>
    %convert_element_type3A_11 = arith.truncf %get3A_10 : vector<8x1024xf32> to vector<8x1024xbf16>
    %convert_element_type3A_12 = arith.extf %convert_element_type3A_11 : vector<8x1024xbf16> to vector<8x1024xf32>
    %get3A_13 = arith.constant 0 : index
    %get3A_14 = arith.constant 0 : index
    %get3A_15 = memref.load %arg1[%get3A_13, %get3A_14] : memref<4x4xf32, #tpu.memory_space<smem>>
    %convert_element_type3A_16 = arith.truncf %get3A_15 : f32 to bf16
    %convert_element_type3A_17 = arith.extf %convert_element_type3A_16 : bf16 to f32
    %mul3A = vector.broadcast %convert_element_type3A_17 : f32 to vector<8x1024xf32>
    %mul3A_18 = arith.mulf %convert_element_type3A_2, %mul3A : vector<8x1024xf32>
    %get3A_19 = arith.constant 0 : index
    %get3A_20 = arith.constant 1 : index
    %get3A_21 = memref.load %arg1[%get3A_19, %get3A_20] : memref<4x4xf32, #tpu.memory_space<smem>>
    %convert_element_type3A_22 = arith.truncf %get3A_21 : f32 to bf16
    %convert_element_type3A_23 = arith.extf %convert_element_type3A_22 : bf16 to f32
    %mul3A_24 = vector.broadcast %convert_element_type3A_23 : f32 to vector<8x1024xf32>
    %mul3A_25 = arith.mulf %convert_element_type3A_7, %mul3A_24 : vector<8x1024xf32>
    %add3A = arith.addf %mul3A_18, %mul3A_25 : vector<8x1024xf32>
    %get3A_26 = arith.constant 0 : index
    %get3A_27 = arith.constant 2 : index
    %get3A_28 = memref.load %arg1[%get3A_26, %get3A_27] : memref<4x4xf32, #tpu.memory_space<smem>>
    %convert_element_type3A_29 = arith.truncf %get3A_28 : f32 to bf16
    %convert_element_type3A_30 = arith.extf %convert_element_type3A_29 : bf16 to f32
    %mul3A_31 = vector.broadcast %convert_element_type3A_30 : f32 to vector<8x1024xf32>
    %mul3A_32 = arith.mulf %convert_element_type3A_12, %mul3A_31 : vector<8x1024xf32>
    %add3A_33 = arith.addf %add3A, %mul3A_32 : vector<8x1024xf32>
    %get3A_34 = arith.constant 0 : index
    %get3A_35 = arith.constant 3 : index
    %get3A_36 = memref.load %arg1[%get3A_34, %get3A_35] : memref<4x4xf32, #tpu.memory_space<smem>>
    %add3A_37 = vector.broadcast %get3A_36 : f32 to vector<8x1024xf32>
    %add3A_38 = arith.addf %add3A_33, %add3A_37 : vector<8x1024xf32>
    %get3A_39 = arith.constant 1 : index
    %get3A_40 = arith.constant 0 : index
    %get3A_41 = memref.load %arg1[%get3A_39, %get3A_40] : memref<4x4xf32, #tpu.memory_space<smem>>
    %convert_element_type3A_42 = arith.truncf %get3A_41 : f32 to bf16
    %convert_element_type3A_43 = arith.extf %convert_element_type3A_42 : bf16 to f32
    %mul3A_44 = vector.broadcast %convert_element_type3A_43 : f32 to vector<8x1024xf32>
    %mul3A_45 = arith.mulf %convert_element_type3A_2, %mul3A_44 : vector<8x1024xf32>
    %get3A_46 = arith.constant 1 : index
    %get3A_47 = arith.constant 1 : index
    %get3A_48 = memref.load %arg1[%get3A_46, %get3A_47] : memref<4x4xf32, #tpu.memory_space<smem>>
    %convert_element_type3A_49 = arith.truncf %get3A_48 : f32 to bf16
    %convert_element_type3A_50 = arith.extf %convert_element_type3A_49 : bf16 to f32
    %mul3A_51 = vector.broadcast %convert_element_type3A_50 : f32 to vector<8x1024xf32>
    %mul3A_52 = arith.mulf %convert_element_type3A_7, %mul3A_51 : vector<8x1024xf32>
    %add3A_53 = arith.addf %mul3A_45, %mul3A_52 : vector<8x1024xf32>
    %get3A_54 = arith.constant 1 : index
    %get3A_55 = arith.constant 2 : index
    %get3A_56 = memref.load %arg1[%get3A_54, %get3A_55] : memref<4x4xf32, #tpu.memory_space<smem>>
    %convert_element_type3A_57 = arith.truncf %get3A_56 : f32 to bf16
    %convert_element_type3A_58 = arith.extf %convert_element_type3A_57 : bf16 to f32
    %mul3A_59 = vector.broadcast %convert_element_type3A_58 : f32 to vector<8x1024xf32>
    %mul3A_60 = arith.mulf %convert_element_type3A_12, %mul3A_59 : vector<8x1024xf32>
    %add3A_61 = arith.addf %add3A_53, %mul3A_60 : vector<8x1024xf32>
    %get3A_62 = arith.constant 1 : index
    %get3A_63 = arith.constant 3 : index
    %get3A_64 = memref.load %arg1[%get3A_62, %get3A_63] : memref<4x4xf32, #tpu.memory_space<smem>>
    %add3A_65 = vector.broadcast %get3A_64 : f32 to vector<8x1024xf32>
    %add3A_66 = arith.addf %add3A_61, %add3A_65 : vector<8x1024xf32>
    %get3A_67 = arith.constant 2 : index
    %get3A_68 = arith.constant 0 : index
    %get3A_69 = memref.load %arg1[%get3A_67, %get3A_68] : memref<4x4xf32, #tpu.memory_space<smem>>
    %convert_element_type3A_70 = arith.truncf %get3A_69 : f32 to bf16
    %convert_element_type3A_71 = arith.extf %convert_element_type3A_70 : bf16 to f32
    %mul3A_72 = vector.broadcast %convert_element_type3A_71 : f32 to vector<8x1024xf32>
    %mul3A_73 = arith.mulf %convert_element_type3A_2, %mul3A_72 : vector<8x1024xf32>
    %get3A_74 = arith.constant 2 : index
    %get3A_75 = arith.constant 1 : index
    %get3A_76 = memref.load %arg1[%get3A_74, %get3A_75] : memref<4x4xf32, #tpu.memory_space<smem>>
    %convert_element_type3A_77 = arith.truncf %get3A_76 : f32 to bf16
    %convert_element_type3A_78 = arith.extf %convert_element_type3A_77 : bf16 to f32
    %mul3A_79 = vector.broadcast %convert_element_type3A_78 : f32 to vector<8x1024xf32>
    %mul3A_80 = arith.mulf %convert_element_type3A_7, %mul3A_79 : vector<8x1024xf32>
    %add3A_81 = arith.addf %mul3A_73, %mul3A_80 : vector<8x1024xf32>
    %get3A_82 = arith.constant 2 : index
    %get3A_83 = arith.constant 2 : index
    %get3A_84 = memref.load %arg1[%get3A_82, %get3A_83] : memref<4x4xf32, #tpu.memory_space<smem>>
    %convert_element_type3A_85 = arith.truncf %get3A_84 : f32 to bf16
    %convert_element_type3A_86 = arith.extf %convert_element_type3A_85 : bf16 to f32
    %mul3A_87 = vector.broadcast %convert_element_type3A_86 : f32 to vector<8x1024xf32>
    %mul3A_88 = arith.mulf %convert_element_type3A_12, %mul3A_87 : vector<8x1024xf32>
    %add3A_89 = arith.addf %add3A_81, %mul3A_88 : vector<8x1024xf32>
    %get3A_90 = arith.constant 2 : index
    %get3A_91 = arith.constant 3 : index
    %get3A_92 = memref.load %arg1[%get3A_90, %get3A_91] : memref<4x4xf32, #tpu.memory_space<smem>>
    %add3A_93 = vector.broadcast %get3A_92 : f32 to vector<8x1024xf32>
    %add3A_94 = arith.addf %add3A_89, %add3A_93 : vector<8x1024xf32>
    %get3A_95 = arith.constant 0 : index
    %get3A_96 = arith.constant 0 : index
    %get3A_97 = memref.load %arg2[%get3A_95, %get3A_96] : memref<16x6xf32, #tpu.memory_space<smem>>
    %sub3A = vector.broadcast %get3A_97 : f32 to vector<8x1024xf32>
    %sub3A_98 = arith.subf %add3A_38, %sub3A : vector<8x1024xf32>
    %get3A_99 = arith.constant 0 : index
    %get3A_100 = arith.constant 1 : index
    %get3A_101 = memref.load %arg2[%get3A_99, %get3A_100] : memref<16x6xf32, #tpu.memory_space<smem>>
    %sub3A_102 = vector.broadcast %get3A_101 : f32 to vector<8x1024xf32>
    %sub3A_103 = arith.subf %add3A_66, %sub3A_102 : vector<8x1024xf32>
    %get3A_104 = arith.constant 0 : index
    %get3A_105 = arith.constant 2 : index
    %get3A_106 = memref.load %arg2[%get3A_104, %get3A_105] : memref<16x6xf32, #tpu.memory_space<smem>>
    %sub3A_107 = vector.broadcast %get3A_106 : f32 to vector<8x1024xf32>
    %sub3A_108 = arith.subf %add3A_94, %sub3A_107 : vector<8x1024xf32>
    %mul3A_109 = arith.mulf %sub3A_98, %sub3A_98 : vector<8x1024xf32>
    %mul3A_110 = arith.mulf %sub3A_103, %sub3A_103 : vector<8x1024xf32>
    %add3A_111 = arith.addf %mul3A_109, %mul3A_110 : vector<8x1024xf32>
    %mul3A_112 = arith.mulf %sub3A_108, %sub3A_108 : vector<8x1024xf32>
    %add3A_113 = arith.addf %add3A_111, %mul3A_112 : vector<8x1024xf32>
    %sqrt3A = math.sqrt %add3A_113 : vector<8x1024xf32>
    %get3A_114 = arith.constant 0 : index
    %get3A_115 = arith.constant 3 : index
    %get3A_116 = memref.load %arg2[%get3A_114, %get3A_115] : memref<16x6xf32, #tpu.memory_space<smem>>
    %abs3A = math.absf %get3A_116 : f32
    %add3A_117 = arith.constant 1.000000e-03 : f32
    %add3A_118 = arith.addf %abs3A, %add3A_117 : f32
    %get3A_119 = arith.constant 0 : index
    %get3A_120 = arith.constant 4 : index
    %get3A_121 = memref.load %arg2[%get3A_119, %get3A_120] : memref<16x6xf32, #tpu.memory_space<smem>>
    %abs3A_122 = math.absf %get3A_121 : f32
    %add3A_123 = arith.constant 1.000000e-03 : f32
    %add3A_124 = arith.addf %abs3A_122, %add3A_123 : f32
    %get3A_125 = arith.constant 0 : index
    %get3A_126 = arith.constant 5 : index
    %get3A_127 = memref.load %arg2[%get3A_125, %get3A_126] : memref<16x6xf32, #tpu.memory_space<smem>>
    %abs3A_128 = math.absf %get3A_127 : f32
    %add3A_129 = arith.constant 1.000000e-03 : f32
    %add3A_130 = arith.addf %abs3A_128, %add3A_129 : f32
    %abs3A_131 = math.absf %sub3A_98 : vector<8x1024xf32>
    %le3A = vector.broadcast %add3A_118 : f32 to vector<8x1024xf32>
    %le3A_132 = arith.cmpf ole, %abs3A_131, %le3A : vector<8x1024xf32>
    %abs3A_133 = math.absf %sub3A_103 : vector<8x1024xf32>
    %le3A_134 = vector.broadcast %add3A_124 : f32 to vector<8x1024xf32>
    %le3A_135 = arith.cmpf ole, %abs3A_133, %le3A_134 : vector<8x1024xf32>
    %and3A = arith.andi %le3A_132, %le3A_135 : vector<8x1024xi1>
    %abs3A_136 = math.absf %sub3A_108 : vector<8x1024xf32>
    %le3A_137 = vector.broadcast %add3A_130 : f32 to vector<8x1024xf32>
    %le3A_138 = arith.cmpf ole, %abs3A_136, %le3A_137 : vector<8x1024xf32>
    %and3A_139 = arith.andi %and3A, %le3A_138 : vector<8x1024xi1>
    %jit3A = arith.constant 1.000000e+00 : f32
    %jit3A_140 = arith.constant 0.000000e+00 : f32
    %broadcast_in_dim3A = vector.broadcast %jit3A : f32 to vector<8x1024xf32>
    %broadcast_in_dim3A_141 = vector.broadcast %jit3A_140 : f32 to vector<8x1024xf32>
    %select_n3A = arith.select %and3A_139, %broadcast_in_dim3A, %broadcast_in_dim3A_141 : vector<8x1024xi1>, vector<8x1024xf32>
    %broadcast_in_dim3A_142 = arith.constant 0 : i32
    %broadcast_in_dim3A_143 = vector.broadcast %broadcast_in_dim3A_142 : i32 to vector<8x1024xi32>
    %get3A_144 = arith.constant 1 : index
    %get3A_145 = arith.constant 0 : index
    %get3A_146 = memref.load %arg2[%get3A_144, %get3A_145] : memref<16x6xf32, #tpu.memory_space<smem>>
    %sub3A_147 = vector.broadcast %get3A_146 : f32 to vector<8x1024xf32>
    %sub3A_148 = arith.subf %add3A_38, %sub3A_147 : vector<8x1024xf32>
    %get3A_149 = arith.constant 1 : index
    %get3A_150 = arith.constant 1 : index
    %get3A_151 = memref.load %arg2[%get3A_149, %get3A_150] : memref<16x6xf32, #tpu.memory_space<smem>>
    %sub3A_152 = vector.broadcast %get3A_151 : f32 to vector<8x1024xf32>
    %sub3A_153 = arith.subf %add3A_66, %sub3A_152 : vector<8x1024xf32>
    %get3A_154 = arith.constant 1 : index
    %get3A_155 = arith.constant 2 : index
    %get3A_156 = memref.load %arg2[%get3A_154, %get3A_155] : memref<16x6xf32, #tpu.memory_space<smem>>
    %sub3A_157 = vector.broadcast %get3A_156 : f32 to vector<8x1024xf32>
    %sub3A_158 = arith.subf %add3A_94, %sub3A_157 : vector<8x1024xf32>
    %mul3A_159 = arith.mulf %sub3A_148, %sub3A_148 : vector<8x1024xf32>
    %mul3A_160 = arith.mulf %sub3A_153, %sub3A_153 : vector<8x1024xf32>
    %add3A_161 = arith.addf %mul3A_159, %mul3A_160 : vector<8x1024xf32>
    %mul3A_162 = arith.mulf %sub3A_158, %sub3A_158 : vector<8x1024xf32>
    %add3A_163 = arith.addf %add3A_161, %mul3A_162 : vector<8x1024xf32>
    %sqrt3A_164 = math.sqrt %add3A_163 : vector<8x1024xf32>
    %get3A_165 = arith.constant 1 : index
    %get3A_166 = arith.constant 3 : index
    %get3A_167 = memref.load %arg2[%get3A_165, %get3A_166] : memref<16x6xf32, #tpu.memory_space<smem>>
    %abs3A_168 = math.absf %get3A_167 : f32
    %add3A_169 = arith.constant 1.000000e-03 : f32
    %add3A_170 = arith.addf %abs3A_168, %add3A_169 : f32
    %get3A_171 = arith.constant 1 : index
    %get3A_172 = arith.constant 4 : index
    %get3A_173 = memref.load %arg2[%get3A_171, %get3A_172] : memref<16x6xf32, #tpu.memory_space<smem>>
    %abs3A_174 = math.absf %get3A_173 : f32
    %add3A_175 = arith.constant 1.000000e-03 : f32
    %add3A_176 = arith.addf %abs3A_174, %add3A_175 : f32
    %get3A_177 = arith.constant 1 : index
    %get3A_178 = arith.constant 5 : index
    %get3A_179 = memref.load %arg2[%get3A_177, %get3A_178] : memref<16x6xf32, #tpu.memory_space<smem>>
    %abs3A_180 = math.absf %get3A_179 : f32
    %add3A_181 = arith.constant 1.000000e-03 : f32
    %add3A_182 = arith.addf %abs3A_180, %add3A_181 : f32
    %abs3A_183 = math.absf %sub3A_148 : vector<8x1024xf32>
    %le3A_184 = vector.broadcast %add3A_170 : f32 to vector<8x1024xf32>
    %le3A_185 = arith.cmpf ole, %abs3A_183, %le3A_184 : vector<8x1024xf32>
    %abs3A_186 = math.absf %sub3A_153 : vector<8x1024xf32>
    %le3A_187 = vector.broadcast %add3A_176 : f32 to vector<8x1024xf32>
    %le3A_188 = arith.cmpf ole, %abs3A_186, %le3A_187 : vector<8x1024xf32>
    %and3A_189 = arith.andi %le3A_185, %le3A_188 : vector<8x1024xi1>
    %abs3A_190 = math.absf %sub3A_158 : vector<8x1024xf32>
    %le3A_191 = vector.broadcast %add3A_182 : f32 to vector<8x1024xf32>
    %le3A_192 = arith.cmpf ole, %abs3A_190, %le3A_191 : vector<8x1024xf32>
    %and3A_193 = arith.andi %and3A_189, %le3A_192 : vector<8x1024xi1>
    %jit3A_194 = arith.constant 1.000000e+00 : f32
    %jit3A_195 = arith.constant 0.000000e+00 : f32
    %broadcast_in_dim3A_196 = vector.broadcast %jit3A_194 : f32 to vector<8x1024xf32>
    %broadcast_in_dim3A_197 = vector.broadcast %jit3A_195 : f32 to vector<8x1024xf32>
    %select_n3A_198 = arith.select %and3A_193, %broadcast_in_dim3A_196, %broadcast_in_dim3A_197 : vector<8x1024xi1>, vector<8x1024xf32>
    %lt3A = arith.cmpf olt, %sqrt3A_164, %sqrt3A : vector<8x1024xf32>
    %select_n3A_199 = arith.select %lt3A, %sqrt3A_164, %sqrt3A : vector<8x1024xi1>, vector<8x1024xf32>
    %jit3A_200 = arith.constant 1 : i32
    %broadcast_in_dim3A_201 = vector.broadcast %jit3A_200 : i32 to vector<8x1024xi32>
    %select_n3A_202 = arith.select %lt3A, %broadcast_in_dim3A_201, %broadcast_in_dim3A_143 : vector<8x1024xi1>, vector<8x1024xi32>
    %select_n3A_203 = arith.select %lt3A, %select_n3A_198, %select_n3A : vector<8x1024xi1>, vector<8x1024xf32>
    %get3A_204 = arith.constant 2 : index
    %get3A_205 = arith.constant 0 : index
    %get3A_206 = memref.load %arg2[%get3A_204, %get3A_205] : memref<16x6xf32, #tpu.memory_space<smem>>
    %sub3A_207 = vector.broadcast %get3A_206 : f32 to vector<8x1024xf32>
    %sub3A_208 = arith.subf %add3A_38, %sub3A_207 : vector<8x1024xf32>
    %get3A_209 = arith.constant 2 : index
    %get3A_210 = arith.constant 1 : index
    %get3A_211 = memref.load %arg2[%get3A_209, %get3A_210] : memref<16x6xf32, #tpu.memory_space<smem>>
    %sub3A_212 = vector.broadcast %get3A_211 : f32 to vector<8x1024xf32>
    %sub3A_213 = arith.subf %add3A_66, %sub3A_212 : vector<8x1024xf32>
    %get3A_214 = arith.constant 2 : index
    %get3A_215 = arith.constant 2 : index
    %get3A_216 = memref.load %arg2[%get3A_214, %get3A_215] : memref<16x6xf32, #tpu.memory_space<smem>>
    %sub3A_217 = vector.broadcast %get3A_216 : f32 to vector<8x1024xf32>
    %sub3A_218 = arith.subf %add3A_94, %sub3A_217 : vector<8x1024xf32>
    %mul3A_219 = arith.mulf %sub3A_208, %sub3A_208 : vector<8x1024xf32>
    %mul3A_220 = arith.mulf %sub3A_213, %sub3A_213 : vector<8x1024xf32>
    %add3A_221 = arith.addf %mul3A_219, %mul3A_220 : vector<8x1024xf32>
    %mul3A_222 = arith.mulf %sub3A_218, %sub3A_218 : vector<8x1024xf32>
    %add3A_223 = arith.addf %add3A_221, %mul3A_222 : vector<8x1024xf32>
    %sqrt3A_224 = math.sqrt %add3A_223 : vector<8x1024xf32>
    %get3A_225 = arith.constant 2 : index
    %get3A_226 = arith.constant 3 : index
    %get3A_227 = memref.load %arg2[%get3A_225, %get3A_226] : memref<16x6xf32, #tpu.memory_space<smem>>
    %abs3A_228 = math.absf %get3A_227 : f32
    %add3A_229 = arith.constant 1.000000e-03 : f32
    %add3A_230 = arith.addf %abs3A_228, %add3A_229 : f32
    %get3A_231 = arith.constant 2 : index
    %get3A_232 = arith.constant 4 : index
    %get3A_233 = memref.load %arg2[%get3A_231, %get3A_232] : memref<16x6xf32, #tpu.memory_space<smem>>
    %abs3A_234 = math.absf %get3A_233 : f32
    %add3A_235 = arith.constant 1.000000e-03 : f32
    %add3A_236 = arith.addf %abs3A_234, %add3A_235 : f32
    %get3A_237 = arith.constant 2 : index
    %get3A_238 = arith.constant 5 : index
    %get3A_239 = memref.load %arg2[%get3A_237, %get3A_238] : memref<16x6xf32, #tpu.memory_space<smem>>
    %abs3A_240 = math.absf %get3A_239 : f32
    %add3A_241 = arith.constant 1.000000e-03 : f32
    %add3A_242 = arith.addf %abs3A_240, %add3A_241 : f32
    %abs3A_243 = math.absf %sub3A_208 : vector<8x1024xf32>
    %le3A_244 = vector.broadcast %add3A_230 : f32 to vector<8x1024xf32>
    %le3A_245 = arith.cmpf ole, %abs3A_243, %le3A_244 : vector<8x1024xf32>
    %abs3A_246 = math.absf %sub3A_213 : vector<8x1024xf32>
    %le3A_247 = vector.broadcast %add3A_236 : f32 to vector<8x1024xf32>
    %le3A_248 = arith.cmpf ole, %abs3A_246, %le3A_247 : vector<8x1024xf32>
    %and3A_249 = arith.andi %le3A_245, %le3A_248 : vector<8x1024xi1>
    %abs3A_250 = math.absf %sub3A_218 : vector<8x1024xf32>
    %le3A_251 = vector.broadcast %add3A_242 : f32 to vector<8x1024xf32>
    %le3A_252 = arith.cmpf ole, %abs3A_250, %le3A_251 : vector<8x1024xf32>
    %and3A_253 = arith.andi %and3A_249, %le3A_252 : vector<8x1024xi1>
    %jit3A_254 = arith.constant 1.000000e+00 : f32
    %jit3A_255 = arith.constant 0.000000e+00 : f32
    %broadcast_in_dim3A_256 = vector.broadcast %jit3A_254 : f32 to vector<8x1024xf32>
    %broadcast_in_dim3A_257 = vector.broadcast %jit3A_255 : f32 to vector<8x1024xf32>
    %select_n3A_258 = arith.select %and3A_253, %broadcast_in_dim3A_256, %broadcast_in_dim3A_257 : vector<8x1024xi1>, vector<8x1024xf32>
    %lt3A_259 = arith.cmpf olt, %sqrt3A_224, %select_n3A_199 : vector<8x1024xf32>
    %select_n3A_260 = arith.select %lt3A_259, %sqrt3A_224, %select_n3A_199 : vector<8x1024xi1>, vector<8x1024xf32>
    %jit3A_261 = arith.constant 2 : i32
    %broadcast_in_dim3A_262 = vector.broadcast %jit3A_261 : i32 to vector<8x1024xi32>
    %select_n3A_263 = arith.select %lt3A_259, %broadcast_in_dim3A_262, %select_n3A_202 : vector<8x1024xi1>, vector<8x1024xi32>
    %select_n3A_264 = arith.select %lt3A_259, %select_n3A_258, %select_n3A_203 : vector<8x1024xi1>, vector<8x1024xf32>
    %get3A_265 = arith.constant 3 : index
    %get3A_266 = arith.constant 0 : index
    %get3A_267 = memref.load %arg2[%get3A_265, %get3A_266] : memref<16x6xf32, #tpu.memory_space<smem>>
    %sub3A_268 = vector.broadcast %get3A_267 : f32 to vector<8x1024xf32>
    %sub3A_269 = arith.subf %add3A_38, %sub3A_268 : vector<8x1024xf32>
    %get3A_270 = arith.constant 3 : index
    %get3A_271 = arith.constant 1 : index
    %get3A_272 = memref.load %arg2[%get3A_270, %get3A_271] : memref<16x6xf32, #tpu.memory_space<smem>>
    %sub3A_273 = vector.broadcast %get3A_272 : f32 to vector<8x1024xf32>
    %sub3A_274 = arith.subf %add3A_66, %sub3A_273 : vector<8x1024xf32>
    %get3A_275 = arith.constant 3 : index
    %get3A_276 = arith.constant 2 : index
    %get3A_277 = memref.load %arg2[%get3A_275, %get3A_276] : memref<16x6xf32, #tpu.memory_space<smem>>
    %sub3A_278 = vector.broadcast %get3A_277 : f32 to vector<8x1024xf32>
    %sub3A_279 = arith.subf %add3A_94, %sub3A_278 : vector<8x1024xf32>
    %mul3A_280 = arith.mulf %sub3A_269, %sub3A_269 : vector<8x1024xf32>
    %mul3A_281 = arith.mulf %sub3A_274, %sub3A_274 : vector<8x1024xf32>
    %add3A_282 = arith.addf %mul3A_280, %mul3A_281 : vector<8x1024xf32>
    %mul3A_283 = arith.mulf %sub3A_279, %sub3A_279 : vector<8x1024xf32>
    %add3A_284 = arith.addf %add3A_282, %mul3A_283 : vector<8x1024xf32>
    %sqrt3A_285 = math.sqrt %add3A_284 : vector<8x1024xf32>
    %get3A_286 = arith.constant 3 : index
    %get3A_287 = arith.constant 3 : index
    %get3A_288 = memref.load %arg2[%get3A_286, %get3A_287] : memref<16x6xf32, #tpu.memory_space<smem>>
    %abs3A_289 = math.absf %get3A_288 : f32
    %add3A_290 = arith.constant 1.000000e-03 : f32
    %add3A_291 = arith.addf %abs3A_289, %add3A_290 : f32
    %get3A_292 = arith.constant 3 : index
    %get3A_293 = arith.constant 4 : index
    %get3A_294 = memref.load %arg2[%get3A_292, %get3A_293] : memref<16x6xf32, #tpu.memory_space<smem>>
    %abs3A_295 = math.absf %get3A_294 : f32
    %add3A_296 = arith.constant 1.000000e-03 : f32
    %add3A_297 = arith.addf %abs3A_295, %add3A_296 : f32
    %get3A_298 = arith.constant 3 : index
    %get3A_299 = arith.constant 5 : index
    %get3A_300 = memref.load %arg2[%get3A_298, %get3A_299] : memref<16x6xf32, #tpu.memory_space<smem>>
    %abs3A_301 = math.absf %get3A_300 : f32
    %add3A_302 = arith.constant 1.000000e-03 : f32
    %add3A_303 = arith.addf %abs3A_301, %add3A_302 : f32
    %abs3A_304 = math.absf %sub3A_269 : vector<8x1024xf32>
    %le3A_305 = vector.broadcast %add3A_291 : f32 to vector<8x1024xf32>
    %le3A_306 = arith.cmpf ole, %abs3A_304, %le3A_305 : vector<8x1024xf32>
    %abs3A_307 = math.absf %sub3A_274 : vector<8x1024xf32>
    %le3A_308 = vector.broadcast %add3A_297 : f32 to vector<8x1024xf32>
    %le3A_309 = arith.cmpf ole, %abs3A_307, %le3A_308 : vector<8x1024xf32>
    %and3A_310 = arith.andi %le3A_306, %le3A_309 : vector<8x1024xi1>
    %abs3A_311 = math.absf %sub3A_279 : vector<8x1024xf32>
    %le3A_312 = vector.broadcast %add3A_303 : f32 to vector<8x1024xf32>
    %le3A_313 = arith.cmpf ole, %abs3A_311, %le3A_312 : vector<8x1024xf32>
    %and3A_314 = arith.andi %and3A_310, %le3A_313 : vector<8x1024xi1>
    %jit3A_315 = arith.constant 1.000000e+00 : f32
    %jit3A_316 = arith.constant 0.000000e+00 : f32
    %broadcast_in_dim3A_317 = vector.broadcast %jit3A_315 : f32 to vector<8x1024xf32>
    %broadcast_in_dim3A_318 = vector.broadcast %jit3A_316 : f32 to vector<8x1024xf32>
    %select_n3A_319 = arith.select %and3A_314, %broadcast_in_dim3A_317, %broadcast_in_dim3A_318 : vector<8x1024xi1>, vector<8x1024xf32>
    %lt3A_320 = arith.cmpf olt, %sqrt3A_285, %select_n3A_260 : vector<8x1024xf32>
    %select_n3A_321 = arith.select %lt3A_320, %sqrt3A_285, %select_n3A_260 : vector<8x1024xi1>, vector<8x1024xf32>
    %jit3A_322 = arith.constant 3 : i32
    %broadcast_in_dim3A_323 = vector.broadcast %jit3A_322 : i32 to vector<8x1024xi32>
    %select_n3A_324 = arith.select %lt3A_320, %broadcast_in_dim3A_323, %select_n3A_263 : vector<8x1024xi1>, vector<8x1024xi32>
    %select_n3A_325 = arith.select %lt3A_320, %select_n3A_319, %select_n3A_264 : vector<8x1024xi1>, vector<8x1024xf32>
    %get3A_326 = arith.constant 4 : index
    %get3A_327 = arith.constant 0 : index
    %get3A_328 = memref.load %arg2[%get3A_326, %get3A_327] : memref<16x6xf32, #tpu.memory_space<smem>>
    %sub3A_329 = vector.broadcast %get3A_328 : f32 to vector<8x1024xf32>
    %sub3A_330 = arith.subf %add3A_38, %sub3A_329 : vector<8x1024xf32>
    %get3A_331 = arith.constant 4 : index
    %get3A_332 = arith.constant 1 : index
    %get3A_333 = memref.load %arg2[%get3A_331, %get3A_332] : memref<16x6xf32, #tpu.memory_space<smem>>
    %sub3A_334 = vector.broadcast %get3A_333 : f32 to vector<8x1024xf32>
    %sub3A_335 = arith.subf %add3A_66, %sub3A_334 : vector<8x1024xf32>
    %get3A_336 = arith.constant 4 : index
    %get3A_337 = arith.constant 2 : index
    %get3A_338 = memref.load %arg2[%get3A_336, %get3A_337] : memref<16x6xf32, #tpu.memory_space<smem>>
    %sub3A_339 = vector.broadcast %get3A_338 : f32 to vector<8x1024xf32>
    %sub3A_340 = arith.subf %add3A_94, %sub3A_339 : vector<8x1024xf32>
    %mul3A_341 = arith.mulf %sub3A_330, %sub3A_330 : vector<8x1024xf32>
    %mul3A_342 = arith.mulf %sub3A_335, %sub3A_335 : vector<8x1024xf32>
    %add3A_343 = arith.addf %mul3A_341, %mul3A_342 : vector<8x1024xf32>
    %mul3A_344 = arith.mulf %sub3A_340, %sub3A_340 : vector<8x1024xf32>
    %add3A_345 = arith.addf %add3A_343, %mul3A_344 : vector<8x1024xf32>
    %sqrt3A_346 = math.sqrt %add3A_345 : vector<8x1024xf32>
    %get3A_347 = arith.constant 4 : index
    %get3A_348 = arith.constant 3 : index
    %get3A_349 = memref.load %arg2[%get3A_347, %get3A_348] : memref<16x6xf32, #tpu.memory_space<smem>>
    %abs3A_350 = math.absf %get3A_349 : f32
    %add3A_351 = arith.constant 1.000000e-03 : f32
    %add3A_352 = arith.addf %abs3A_350, %add3A_351 : f32
    %get3A_353 = arith.constant 4 : index
    %get3A_354 = arith.constant 4 : index
    %get3A_355 = memref.load %arg2[%get3A_353, %get3A_354] : memref<16x6xf32, #tpu.memory_space<smem>>
    %abs3A_356 = math.absf %get3A_355 : f32
    %add3A_357 = arith.constant 1.000000e-03 : f32
    %add3A_358 = arith.addf %abs3A_356, %add3A_357 : f32
    %get3A_359 = arith.constant 4 : index
    %get3A_360 = arith.constant 5 : index
    %get3A_361 = memref.load %arg2[%get3A_359, %get3A_360] : memref<16x6xf32, #tpu.memory_space<smem>>
    %abs3A_362 = math.absf %get3A_361 : f32
    %add3A_363 = arith.constant 1.000000e-03 : f32
    %add3A_364 = arith.addf %abs3A_362, %add3A_363 : f32
    %abs3A_365 = math.absf %sub3A_330 : vector<8x1024xf32>
    %le3A_366 = vector.broadcast %add3A_352 : f32 to vector<8x1024xf32>
    %le3A_367 = arith.cmpf ole, %abs3A_365, %le3A_366 : vector<8x1024xf32>
    %abs3A_368 = math.absf %sub3A_335 : vector<8x1024xf32>
    %le3A_369 = vector.broadcast %add3A_358 : f32 to vector<8x1024xf32>
    %le3A_370 = arith.cmpf ole, %abs3A_368, %le3A_369 : vector<8x1024xf32>
    %and3A_371 = arith.andi %le3A_367, %le3A_370 : vector<8x1024xi1>
    %abs3A_372 = math.absf %sub3A_340 : vector<8x1024xf32>
    %le3A_373 = vector.broadcast %add3A_364 : f32 to vector<8x1024xf32>
    %le3A_374 = arith.cmpf ole, %abs3A_372, %le3A_373 : vector<8x1024xf32>
    %and3A_375 = arith.andi %and3A_371, %le3A_374 : vector<8x1024xi1>
    %jit3A_376 = arith.constant 1.000000e+00 : f32
    %jit3A_377 = arith.constant 0.000000e+00 : f32
    %broadcast_in_dim3A_378 = vector.broadcast %jit3A_376 : f32 to vector<8x1024xf32>
    %broadcast_in_dim3A_379 = vector.broadcast %jit3A_377 : f32 to vector<8x1024xf32>
    %select_n3A_380 = arith.select %and3A_375, %broadcast_in_dim3A_378, %broadcast_in_dim3A_379 : vector<8x1024xi1>, vector<8x1024xf32>
    %lt3A_381 = arith.cmpf olt, %sqrt3A_346, %select_n3A_321 : vector<8x1024xf32>
    %select_n3A_382 = arith.select %lt3A_381, %sqrt3A_346, %select_n3A_321 : vector<8x1024xi1>, vector<8x1024xf32>
    %jit3A_383 = arith.constant 4 : i32
    %broadcast_in_dim3A_384 = vector.broadcast %jit3A_383 : i32 to vector<8x1024xi32>
    %select_n3A_385 = arith.select %lt3A_381, %broadcast_in_dim3A_384, %select_n3A_324 : vector<8x1024xi1>, vector<8x1024xi32>
    %select_n3A_386 = arith.select %lt3A_381, %select_n3A_380, %select_n3A_325 : vector<8x1024xi1>, vector<8x1024xf32>
    %get3A_387 = arith.constant 5 : index
    %get3A_388 = arith.constant 0 : index
    %get3A_389 = memref.load %arg2[%get3A_387, %get3A_388] : memref<16x6xf32, #tpu.memory_space<smem>>
    %sub3A_390 = vector.broadcast %get3A_389 : f32 to vector<8x1024xf32>
    %sub3A_391 = arith.subf %add3A_38, %sub3A_390 : vector<8x1024xf32>
    %get3A_392 = arith.constant 5 : index
    %get3A_393 = arith.constant 1 : index
    %get3A_394 = memref.load %arg2[%get3A_392, %get3A_393] : memref<16x6xf32, #tpu.memory_space<smem>>
    %sub3A_395 = vector.broadcast %get3A_394 : f32 to vector<8x1024xf32>
    %sub3A_396 = arith.subf %add3A_66, %sub3A_395 : vector<8x1024xf32>
    %get3A_397 = arith.constant 5 : index
    %get3A_398 = arith.constant 2 : index
    %get3A_399 = memref.load %arg2[%get3A_397, %get3A_398] : memref<16x6xf32, #tpu.memory_space<smem>>
    %sub3A_400 = vector.broadcast %get3A_399 : f32 to vector<8x1024xf32>
    %sub3A_401 = arith.subf %add3A_94, %sub3A_400 : vector<8x1024xf32>
    %mul3A_402 = arith.mulf %sub3A_391, %sub3A_391 : vector<8x1024xf32>
    %mul3A_403 = arith.mulf %sub3A_396, %sub3A_396 : vector<8x1024xf32>
    %add3A_404 = arith.addf %mul3A_402, %mul3A_403 : vector<8x1024xf32>
    %mul3A_405 = arith.mulf %sub3A_401, %sub3A_401 : vector<8x1024xf32>
    %add3A_406 = arith.addf %add3A_404, %mul3A_405 : vector<8x1024xf32>
    %sqrt3A_407 = math.sqrt %add3A_406 : vector<8x1024xf32>
    %get3A_408 = arith.constant 5 : index
    %get3A_409 = arith.constant 3 : index
    %get3A_410 = memref.load %arg2[%get3A_408, %get3A_409] : memref<16x6xf32, #tpu.memory_space<smem>>
    %abs3A_411 = math.absf %get3A_410 : f32
    %add3A_412 = arith.constant 1.000000e-03 : f32
    %add3A_413 = arith.addf %abs3A_411, %add3A_412 : f32
    %get3A_414 = arith.constant 5 : index
    %get3A_415 = arith.constant 4 : index
    %get3A_416 = memref.load %arg2[%get3A_414, %get3A_415] : memref<16x6xf32, #tpu.memory_space<smem>>
    %abs3A_417 = math.absf %get3A_416 : f32
    %add3A_418 = arith.constant 1.000000e-03 : f32
    %add3A_419 = arith.addf %abs3A_417, %add3A_418 : f32
    %get3A_420 = arith.constant 5 : index
    %get3A_421 = arith.constant 5 : index
    %get3A_422 = memref.load %arg2[%get3A_420, %get3A_421] : memref<16x6xf32, #tpu.memory_space<smem>>
    %abs3A_423 = math.absf %get3A_422 : f32
    %add3A_424 = arith.constant 1.000000e-03 : f32
    %add3A_425 = arith.addf %abs3A_423, %add3A_424 : f32
    %abs3A_426 = math.absf %sub3A_391 : vector<8x1024xf32>
    %le3A_427 = vector.broadcast %add3A_413 : f32 to vector<8x1024xf32>
    %le3A_428 = arith.cmpf ole, %abs3A_426, %le3A_427 : vector<8x1024xf32>
    %abs3A_429 = math.absf %sub3A_396 : vector<8x1024xf32>
    %le3A_430 = vector.broadcast %add3A_419 : f32 to vector<8x1024xf32>
    %le3A_431 = arith.cmpf ole, %abs3A_429, %le3A_430 : vector<8x1024xf32>
    %and3A_432 = arith.andi %le3A_428, %le3A_431 : vector<8x1024xi1>
    %abs3A_433 = math.absf %sub3A_401 : vector<8x1024xf32>
    %le3A_434 = vector.broadcast %add3A_425 : f32 to vector<8x1024xf32>
    %le3A_435 = arith.cmpf ole, %abs3A_433, %le3A_434 : vector<8x1024xf32>
    %and3A_436 = arith.andi %and3A_432, %le3A_435 : vector<8x1024xi1>
    %jit3A_437 = arith.constant 1.000000e+00 : f32
    %jit3A_438 = arith.constant 0.000000e+00 : f32
    %broadcast_in_dim3A_439 = vector.broadcast %jit3A_437 : f32 to vector<8x1024xf32>
    %broadcast_in_dim3A_440 = vector.broadcast %jit3A_438 : f32 to vector<8x1024xf32>
    %select_n3A_441 = arith.select %and3A_436, %broadcast_in_dim3A_439, %broadcast_in_dim3A_440 : vector<8x1024xi1>, vector<8x1024xf32>
    %lt3A_442 = arith.cmpf olt, %sqrt3A_407, %select_n3A_382 : vector<8x1024xf32>
    %select_n3A_443 = arith.select %lt3A_442, %sqrt3A_407, %select_n3A_382 : vector<8x1024xi1>, vector<8x1024xf32>
    %jit3A_444 = arith.constant 5 : i32
    %broadcast_in_dim3A_445 = vector.broadcast %jit3A_444 : i32 to vector<8x1024xi32>
    %select_n3A_446 = arith.select %lt3A_442, %broadcast_in_dim3A_445, %select_n3A_385 : vector<8x1024xi1>, vector<8x1024xi32>
    %select_n3A_447 = arith.select %lt3A_442, %select_n3A_441, %select_n3A_386 : vector<8x1024xi1>, vector<8x1024xf32>
    %get3A_448 = arith.constant 6 : index
    %get3A_449 = arith.constant 0 : index
    %get3A_450 = memref.load %arg2[%get3A_448, %get3A_449] : memref<16x6xf32, #tpu.memory_space<smem>>
    %sub3A_451 = vector.broadcast %get3A_450 : f32 to vector<8x1024xf32>
    %sub3A_452 = arith.subf %add3A_38, %sub3A_451 : vector<8x1024xf32>
    %get3A_453 = arith.constant 6 : index
    %get3A_454 = arith.constant 1 : index
    %get3A_455 = memref.load %arg2[%get3A_453, %get3A_454] : memref<16x6xf32, #tpu.memory_space<smem>>
    %sub3A_456 = vector.broadcast %get3A_455 : f32 to vector<8x1024xf32>
    %sub3A_457 = arith.subf %add3A_66, %sub3A_456 : vector<8x1024xf32>
    %get3A_458 = arith.constant 6 : index
    %get3A_459 = arith.constant 2 : index
    %get3A_460 = memref.load %arg2[%get3A_458, %get3A_459] : memref<16x6xf32, #tpu.memory_space<smem>>
    %sub3A_461 = vector.broadcast %get3A_460 : f32 to vector<8x1024xf32>
    %sub3A_462 = arith.subf %add3A_94, %sub3A_461 : vector<8x1024xf32>
    %mul3A_463 = arith.mulf %sub3A_452, %sub3A_452 : vector<8x1024xf32>
    %mul3A_464 = arith.mulf %sub3A_457, %sub3A_457 : vector<8x1024xf32>
    %add3A_465 = arith.addf %mul3A_463, %mul3A_464 : vector<8x1024xf32>
    %mul3A_466 = arith.mulf %sub3A_462, %sub3A_462 : vector<8x1024xf32>
    %add3A_467 = arith.addf %add3A_465, %mul3A_466 : vector<8x1024xf32>
    %sqrt3A_468 = math.sqrt %add3A_467 : vector<8x1024xf32>
    %get3A_469 = arith.constant 6 : index
    %get3A_470 = arith.constant 3 : index
    %get3A_471 = memref.load %arg2[%get3A_469, %get3A_470] : memref<16x6xf32, #tpu.memory_space<smem>>
    %abs3A_472 = math.absf %get3A_471 : f32
    %add3A_473 = arith.constant 1.000000e-03 : f32
    %add3A_474 = arith.addf %abs3A_472, %add3A_473 : f32
    %get3A_475 = arith.constant 6 : index
    %get3A_476 = arith.constant 4 : index
    %get3A_477 = memref.load %arg2[%get3A_475, %get3A_476] : memref<16x6xf32, #tpu.memory_space<smem>>
    %abs3A_478 = math.absf %get3A_477 : f32
    %add3A_479 = arith.constant 1.000000e-03 : f32
    %add3A_480 = arith.addf %abs3A_478, %add3A_479 : f32
    %get3A_481 = arith.constant 6 : index
    %get3A_482 = arith.constant 5 : index
    %get3A_483 = memref.load %arg2[%get3A_481, %get3A_482] : memref<16x6xf32, #tpu.memory_space<smem>>
    %abs3A_484 = math.absf %get3A_483 : f32
    %add3A_485 = arith.constant 1.000000e-03 : f32
    %add3A_486 = arith.addf %abs3A_484, %add3A_485 : f32
    %abs3A_487 = math.absf %sub3A_452 : vector<8x1024xf32>
    %le3A_488 = vector.broadcast %add3A_474 : f32 to vector<8x1024xf32>
    %le3A_489 = arith.cmpf ole, %abs3A_487, %le3A_488 : vector<8x1024xf32>
    %abs3A_490 = math.absf %sub3A_457 : vector<8x1024xf32>
    %le3A_491 = vector.broadcast %add3A_480 : f32 to vector<8x1024xf32>
    %le3A_492 = arith.cmpf ole, %abs3A_490, %le3A_491 : vector<8x1024xf32>
    %and3A_493 = arith.andi %le3A_489, %le3A_492 : vector<8x1024xi1>
    %abs3A_494 = math.absf %sub3A_462 : vector<8x1024xf32>
    %le3A_495 = vector.broadcast %add3A_486 : f32 to vector<8x1024xf32>
    %le3A_496 = arith.cmpf ole, %abs3A_494, %le3A_495 : vector<8x1024xf32>
    %and3A_497 = arith.andi %and3A_493, %le3A_496 : vector<8x1024xi1>
    %jit3A_498 = arith.constant 1.000000e+00 : f32
    %jit3A_499 = arith.constant 0.000000e+00 : f32
    %broadcast_in_dim3A_500 = vector.broadcast %jit3A_498 : f32 to vector<8x1024xf32>
    %broadcast_in_dim3A_501 = vector.broadcast %jit3A_499 : f32 to vector<8x1024xf32>
    %select_n3A_502 = arith.select %and3A_497, %broadcast_in_dim3A_500, %broadcast_in_dim3A_501 : vector<8x1024xi1>, vector<8x1024xf32>
    %lt3A_503 = arith.cmpf olt, %sqrt3A_468, %select_n3A_443 : vector<8x1024xf32>
    %select_n3A_504 = arith.select %lt3A_503, %sqrt3A_468, %select_n3A_443 : vector<8x1024xi1>, vector<8x1024xf32>
    %jit3A_505 = arith.constant 6 : i32
    %broadcast_in_dim3A_506 = vector.broadcast %jit3A_505 : i32 to vector<8x1024xi32>
    %select_n3A_507 = arith.select %lt3A_503, %broadcast_in_dim3A_506, %select_n3A_446 : vector<8x1024xi1>, vector<8x1024xi32>
    %select_n3A_508 = arith.select %lt3A_503, %select_n3A_502, %select_n3A_447 : vector<8x1024xi1>, vector<8x1024xf32>
    %get3A_509 = arith.constant 7 : index
    %get3A_510 = arith.constant 0 : index
    %get3A_511 = memref.load %arg2[%get3A_509, %get3A_510] : memref<16x6xf32, #tpu.memory_space<smem>>
    %sub3A_512 = vector.broadcast %get3A_511 : f32 to vector<8x1024xf32>
    %sub3A_513 = arith.subf %add3A_38, %sub3A_512 : vector<8x1024xf32>
    %get3A_514 = arith.constant 7 : index
    %get3A_515 = arith.constant 1 : index
    %get3A_516 = memref.load %arg2[%get3A_514, %get3A_515] : memref<16x6xf32, #tpu.memory_space<smem>>
    %sub3A_517 = vector.broadcast %get3A_516 : f32 to vector<8x1024xf32>
    %sub3A_518 = arith.subf %add3A_66, %sub3A_517 : vector<8x1024xf32>
    %get3A_519 = arith.constant 7 : index
    %get3A_520 = arith.constant 2 : index
    %get3A_521 = memref.load %arg2[%get3A_519, %get3A_520] : memref<16x6xf32, #tpu.memory_space<smem>>
    %sub3A_522 = vector.broadcast %get3A_521 : f32 to vector<8x1024xf32>
    %sub3A_523 = arith.subf %add3A_94, %sub3A_522 : vector<8x1024xf32>
    %mul3A_524 = arith.mulf %sub3A_513, %sub3A_513 : vector<8x1024xf32>
    %mul3A_525 = arith.mulf %sub3A_518, %sub3A_518 : vector<8x1024xf32>
    %add3A_526 = arith.addf %mul3A_524, %mul3A_525 : vector<8x1024xf32>
    %mul3A_527 = arith.mulf %sub3A_523, %sub3A_523 : vector<8x1024xf32>
    %add3A_528 = arith.addf %add3A_526, %mul3A_527 : vector<8x1024xf32>
    %sqrt3A_529 = math.sqrt %add3A_528 : vector<8x1024xf32>
    %get3A_530 = arith.constant 7 : index
    %get3A_531 = arith.constant 3 : index
    %get3A_532 = memref.load %arg2[%get3A_530, %get3A_531] : memref<16x6xf32, #tpu.memory_space<smem>>
    %abs3A_533 = math.absf %get3A_532 : f32
    %add3A_534 = arith.constant 1.000000e-03 : f32
    %add3A_535 = arith.addf %abs3A_533, %add3A_534 : f32
    %get3A_536 = arith.constant 7 : index
    %get3A_537 = arith.constant 4 : index
    %get3A_538 = memref.load %arg2[%get3A_536, %get3A_537] : memref<16x6xf32, #tpu.memory_space<smem>>
    %abs3A_539 = math.absf %get3A_538 : f32
    %add3A_540 = arith.constant 1.000000e-03 : f32
    %add3A_541 = arith.addf %abs3A_539, %add3A_540 : f32
    %get3A_542 = arith.constant 7 : index
    %get3A_543 = arith.constant 5 : index
    %get3A_544 = memref.load %arg2[%get3A_542, %get3A_543] : memref<16x6xf32, #tpu.memory_space<smem>>
    %abs3A_545 = math.absf %get3A_544 : f32
    %add3A_546 = arith.constant 1.000000e-03 : f32
    %add3A_547 = arith.addf %abs3A_545, %add3A_546 : f32
    %abs3A_548 = math.absf %sub3A_513 : vector<8x1024xf32>
    %le3A_549 = vector.broadcast %add3A_535 : f32 to vector<8x1024xf32>
    %le3A_550 = arith.cmpf ole, %abs3A_548, %le3A_549 : vector<8x1024xf32>
    %abs3A_551 = math.absf %sub3A_518 : vector<8x1024xf32>
    %le3A_552 = vector.broadcast %add3A_541 : f32 to vector<8x1024xf32>
    %le3A_553 = arith.cmpf ole, %abs3A_551, %le3A_552 : vector<8x1024xf32>
    %and3A_554 = arith.andi %le3A_550, %le3A_553 : vector<8x1024xi1>
    %abs3A_555 = math.absf %sub3A_523 : vector<8x1024xf32>
    %le3A_556 = vector.broadcast %add3A_547 : f32 to vector<8x1024xf32>
    %le3A_557 = arith.cmpf ole, %abs3A_555, %le3A_556 : vector<8x1024xf32>
    %and3A_558 = arith.andi %and3A_554, %le3A_557 : vector<8x1024xi1>
    %jit3A_559 = arith.constant 1.000000e+00 : f32
    %jit3A_560 = arith.constant 0.000000e+00 : f32
    %broadcast_in_dim3A_561 = vector.broadcast %jit3A_559 : f32 to vector<8x1024xf32>
    %broadcast_in_dim3A_562 = vector.broadcast %jit3A_560 : f32 to vector<8x1024xf32>
    %select_n3A_563 = arith.select %and3A_558, %broadcast_in_dim3A_561, %broadcast_in_dim3A_562 : vector<8x1024xi1>, vector<8x1024xf32>
    %lt3A_564 = arith.cmpf olt, %sqrt3A_529, %select_n3A_504 : vector<8x1024xf32>
    %select_n3A_565 = arith.select %lt3A_564, %sqrt3A_529, %select_n3A_504 : vector<8x1024xi1>, vector<8x1024xf32>
    %jit3A_566 = arith.constant 7 : i32
    %broadcast_in_dim3A_567 = vector.broadcast %jit3A_566 : i32 to vector<8x1024xi32>
    %select_n3A_568 = arith.select %lt3A_564, %broadcast_in_dim3A_567, %select_n3A_507 : vector<8x1024xi1>, vector<8x1024xi32>
    %select_n3A_569 = arith.select %lt3A_564, %select_n3A_563, %select_n3A_508 : vector<8x1024xi1>, vector<8x1024xf32>
    %get3A_570 = arith.constant 8 : index
    %get3A_571 = arith.constant 0 : index
    %get3A_572 = memref.load %arg2[%get3A_570, %get3A_571] : memref<16x6xf32, #tpu.memory_space<smem>>
    %sub3A_573 = vector.broadcast %get3A_572 : f32 to vector<8x1024xf32>
    %sub3A_574 = arith.subf %add3A_38, %sub3A_573 : vector<8x1024xf32>
    %get3A_575 = arith.constant 8 : index
    %get3A_576 = arith.constant 1 : index
    %get3A_577 = memref.load %arg2[%get3A_575, %get3A_576] : memref<16x6xf32, #tpu.memory_space<smem>>
    %sub3A_578 = vector.broadcast %get3A_577 : f32 to vector<8x1024xf32>
    %sub3A_579 = arith.subf %add3A_66, %sub3A_578 : vector<8x1024xf32>
    %get3A_580 = arith.constant 8 : index
    %get3A_581 = arith.constant 2 : index
    %get3A_582 = memref.load %arg2[%get3A_580, %get3A_581] : memref<16x6xf32, #tpu.memory_space<smem>>
    %sub3A_583 = vector.broadcast %get3A_582 : f32 to vector<8x1024xf32>
    %sub3A_584 = arith.subf %add3A_94, %sub3A_583 : vector<8x1024xf32>
    %mul3A_585 = arith.mulf %sub3A_574, %sub3A_574 : vector<8x1024xf32>
    %mul3A_586 = arith.mulf %sub3A_579, %sub3A_579 : vector<8x1024xf32>
    %add3A_587 = arith.addf %mul3A_585, %mul3A_586 : vector<8x1024xf32>
    %mul3A_588 = arith.mulf %sub3A_584, %sub3A_584 : vector<8x1024xf32>
    %add3A_589 = arith.addf %add3A_587, %mul3A_588 : vector<8x1024xf32>
    %sqrt3A_590 = math.sqrt %add3A_589 : vector<8x1024xf32>
    %get3A_591 = arith.constant 8 : index
    %get3A_592 = arith.constant 3 : index
    %get3A_593 = memref.load %arg2[%get3A_591, %get3A_592] : memref<16x6xf32, #tpu.memory_space<smem>>
    %abs3A_594 = math.absf %get3A_593 : f32
    %add3A_595 = arith.constant 1.000000e-03 : f32
    %add3A_596 = arith.addf %abs3A_594, %add3A_595 : f32
    %get3A_597 = arith.constant 8 : index
    %get3A_598 = arith.constant 4 : index
    %get3A_599 = memref.load %arg2[%get3A_597, %get3A_598] : memref<16x6xf32, #tpu.memory_space<smem>>
    %abs3A_600 = math.absf %get3A_599 : f32
    %add3A_601 = arith.constant 1.000000e-03 : f32
    %add3A_602 = arith.addf %abs3A_600, %add3A_601 : f32
    %get3A_603 = arith.constant 8 : index
    %get3A_604 = arith.constant 5 : index
    %get3A_605 = memref.load %arg2[%get3A_603, %get3A_604] : memref<16x6xf32, #tpu.memory_space<smem>>
    %abs3A_606 = math.absf %get3A_605 : f32
    %add3A_607 = arith.constant 1.000000e-03 : f32
    %add3A_608 = arith.addf %abs3A_606, %add3A_607 : f32
    %abs3A_609 = math.absf %sub3A_574 : vector<8x1024xf32>
    %le3A_610 = vector.broadcast %add3A_596 : f32 to vector<8x1024xf32>
    %le3A_611 = arith.cmpf ole, %abs3A_609, %le3A_610 : vector<8x1024xf32>
    %abs3A_612 = math.absf %sub3A_579 : vector<8x1024xf32>
    %le3A_613 = vector.broadcast %add3A_602 : f32 to vector<8x1024xf32>
    %le3A_614 = arith.cmpf ole, %abs3A_612, %le3A_613 : vector<8x1024xf32>
    %and3A_615 = arith.andi %le3A_611, %le3A_614 : vector<8x1024xi1>
    %abs3A_616 = math.absf %sub3A_584 : vector<8x1024xf32>
    %le3A_617 = vector.broadcast %add3A_608 : f32 to vector<8x1024xf32>
    %le3A_618 = arith.cmpf ole, %abs3A_616, %le3A_617 : vector<8x1024xf32>
    %and3A_619 = arith.andi %and3A_615, %le3A_618 : vector<8x1024xi1>
    %jit3A_620 = arith.constant 1.000000e+00 : f32
    %jit3A_621 = arith.constant 0.000000e+00 : f32
    %broadcast_in_dim3A_622 = vector.broadcast %jit3A_620 : f32 to vector<8x1024xf32>
    %broadcast_in_dim3A_623 = vector.broadcast %jit3A_621 : f32 to vector<8x1024xf32>
    %select_n3A_624 = arith.select %and3A_619, %broadcast_in_dim3A_622, %broadcast_in_dim3A_623 : vector<8x1024xi1>, vector<8x1024xf32>
    %lt3A_625 = arith.cmpf olt, %sqrt3A_590, %select_n3A_565 : vector<8x1024xf32>
    %select_n3A_626 = arith.select %lt3A_625, %sqrt3A_590, %select_n3A_565 : vector<8x1024xi1>, vector<8x1024xf32>
    %jit3A_627 = arith.constant 8 : i32
    %broadcast_in_dim3A_628 = vector.broadcast %jit3A_627 : i32 to vector<8x1024xi32>
    %select_n3A_629 = arith.select %lt3A_625, %broadcast_in_dim3A_628, %select_n3A_568 : vector<8x1024xi1>, vector<8x1024xi32>
    %select_n3A_630 = arith.select %lt3A_625, %select_n3A_624, %select_n3A_569 : vector<8x1024xi1>, vector<8x1024xf32>
    %get3A_631 = arith.constant 9 : index
    %get3A_632 = arith.constant 0 : index
    %get3A_633 = memref.load %arg2[%get3A_631, %get3A_632] : memref<16x6xf32, #tpu.memory_space<smem>>
    %sub3A_634 = vector.broadcast %get3A_633 : f32 to vector<8x1024xf32>
    %sub3A_635 = arith.subf %add3A_38, %sub3A_634 : vector<8x1024xf32>
    %get3A_636 = arith.constant 9 : index
    %get3A_637 = arith.constant 1 : index
    %get3A_638 = memref.load %arg2[%get3A_636, %get3A_637] : memref<16x6xf32, #tpu.memory_space<smem>>
    %sub3A_639 = vector.broadcast %get3A_638 : f32 to vector<8x1024xf32>
    %sub3A_640 = arith.subf %add3A_66, %sub3A_639 : vector<8x1024xf32>
    %get3A_641 = arith.constant 9 : index
    %get3A_642 = arith.constant 2 : index
    %get3A_643 = memref.load %arg2[%get3A_641, %get3A_642] : memref<16x6xf32, #tpu.memory_space<smem>>
    %sub3A_644 = vector.broadcast %get3A_643 : f32 to vector<8x1024xf32>
    %sub3A_645 = arith.subf %add3A_94, %sub3A_644 : vector<8x1024xf32>
    %mul3A_646 = arith.mulf %sub3A_635, %sub3A_635 : vector<8x1024xf32>
    %mul3A_647 = arith.mulf %sub3A_640, %sub3A_640 : vector<8x1024xf32>
    %add3A_648 = arith.addf %mul3A_646, %mul3A_647 : vector<8x1024xf32>
    %mul3A_649 = arith.mulf %sub3A_645, %sub3A_645 : vector<8x1024xf32>
    %add3A_650 = arith.addf %add3A_648, %mul3A_649 : vector<8x1024xf32>
    %sqrt3A_651 = math.sqrt %add3A_650 : vector<8x1024xf32>
    %get3A_652 = arith.constant 9 : index
    %get3A_653 = arith.constant 3 : index
    %get3A_654 = memref.load %arg2[%get3A_652, %get3A_653] : memref<16x6xf32, #tpu.memory_space<smem>>
    %abs3A_655 = math.absf %get3A_654 : f32
    %add3A_656 = arith.constant 1.000000e-03 : f32
    %add3A_657 = arith.addf %abs3A_655, %add3A_656 : f32
    %get3A_658 = arith.constant 9 : index
    %get3A_659 = arith.constant 4 : index
    %get3A_660 = memref.load %arg2[%get3A_658, %get3A_659] : memref<16x6xf32, #tpu.memory_space<smem>>
    %abs3A_661 = math.absf %get3A_660 : f32
    %add3A_662 = arith.constant 1.000000e-03 : f32
    %add3A_663 = arith.addf %abs3A_661, %add3A_662 : f32
    %get3A_664 = arith.constant 9 : index
    %get3A_665 = arith.constant 5 : index
    %get3A_666 = memref.load %arg2[%get3A_664, %get3A_665] : memref<16x6xf32, #tpu.memory_space<smem>>
    %abs3A_667 = math.absf %get3A_666 : f32
    %add3A_668 = arith.constant 1.000000e-03 : f32
    %add3A_669 = arith.addf %abs3A_667, %add3A_668 : f32
    %abs3A_670 = math.absf %sub3A_635 : vector<8x1024xf32>
    %le3A_671 = vector.broadcast %add3A_657 : f32 to vector<8x1024xf32>
    %le3A_672 = arith.cmpf ole, %abs3A_670, %le3A_671 : vector<8x1024xf32>
    %abs3A_673 = math.absf %sub3A_640 : vector<8x1024xf32>
    %le3A_674 = vector.broadcast %add3A_663 : f32 to vector<8x1024xf32>
    %le3A_675 = arith.cmpf ole, %abs3A_673, %le3A_674 : vector<8x1024xf32>
    %and3A_676 = arith.andi %le3A_672, %le3A_675 : vector<8x1024xi1>
    %abs3A_677 = math.absf %sub3A_645 : vector<8x1024xf32>
    %le3A_678 = vector.broadcast %add3A_669 : f32 to vector<8x1024xf32>
    %le3A_679 = arith.cmpf ole, %abs3A_677, %le3A_678 : vector<8x1024xf32>
    %and3A_680 = arith.andi %and3A_676, %le3A_679 : vector<8x1024xi1>
    %jit3A_681 = arith.constant 1.000000e+00 : f32
    %jit3A_682 = arith.constant 0.000000e+00 : f32
    %broadcast_in_dim3A_683 = vector.broadcast %jit3A_681 : f32 to vector<8x1024xf32>
    %broadcast_in_dim3A_684 = vector.broadcast %jit3A_682 : f32 to vector<8x1024xf32>
    %select_n3A_685 = arith.select %and3A_680, %broadcast_in_dim3A_683, %broadcast_in_dim3A_684 : vector<8x1024xi1>, vector<8x1024xf32>
    %lt3A_686 = arith.cmpf olt, %sqrt3A_651, %select_n3A_626 : vector<8x1024xf32>
    %select_n3A_687 = arith.select %lt3A_686, %sqrt3A_651, %select_n3A_626 : vector<8x1024xi1>, vector<8x1024xf32>
    %jit3A_688 = arith.constant 9 : i32
    %broadcast_in_dim3A_689 = vector.broadcast %jit3A_688 : i32 to vector<8x1024xi32>
    %select_n3A_690 = arith.select %lt3A_686, %broadcast_in_dim3A_689, %select_n3A_629 : vector<8x1024xi1>, vector<8x1024xi32>
    %select_n3A_691 = arith.select %lt3A_686, %select_n3A_685, %select_n3A_630 : vector<8x1024xi1>, vector<8x1024xf32>
    %get3A_692 = arith.constant 10 : index
    %get3A_693 = arith.constant 0 : index
    %get3A_694 = memref.load %arg2[%get3A_692, %get3A_693] : memref<16x6xf32, #tpu.memory_space<smem>>
    %sub3A_695 = vector.broadcast %get3A_694 : f32 to vector<8x1024xf32>
    %sub3A_696 = arith.subf %add3A_38, %sub3A_695 : vector<8x1024xf32>
    %get3A_697 = arith.constant 10 : index
    %get3A_698 = arith.constant 1 : index
    %get3A_699 = memref.load %arg2[%get3A_697, %get3A_698] : memref<16x6xf32, #tpu.memory_space<smem>>
    %sub3A_700 = vector.broadcast %get3A_699 : f32 to vector<8x1024xf32>
    %sub3A_701 = arith.subf %add3A_66, %sub3A_700 : vector<8x1024xf32>
    %get3A_702 = arith.constant 10 : index
    %get3A_703 = arith.constant 2 : index
    %get3A_704 = memref.load %arg2[%get3A_702, %get3A_703] : memref<16x6xf32, #tpu.memory_space<smem>>
    %sub3A_705 = vector.broadcast %get3A_704 : f32 to vector<8x1024xf32>
    %sub3A_706 = arith.subf %add3A_94, %sub3A_705 : vector<8x1024xf32>
    %mul3A_707 = arith.mulf %sub3A_696, %sub3A_696 : vector<8x1024xf32>
    %mul3A_708 = arith.mulf %sub3A_701, %sub3A_701 : vector<8x1024xf32>
    %add3A_709 = arith.addf %mul3A_707, %mul3A_708 : vector<8x1024xf32>
    %mul3A_710 = arith.mulf %sub3A_706, %sub3A_706 : vector<8x1024xf32>
    %add3A_711 = arith.addf %add3A_709, %mul3A_710 : vector<8x1024xf32>
    %sqrt3A_712 = math.sqrt %add3A_711 : vector<8x1024xf32>
    %get3A_713 = arith.constant 10 : index
    %get3A_714 = arith.constant 3 : index
    %get3A_715 = memref.load %arg2[%get3A_713, %get3A_714] : memref<16x6xf32, #tpu.memory_space<smem>>
    %abs3A_716 = math.absf %get3A_715 : f32
    %add3A_717 = arith.constant 1.000000e-03 : f32
    %add3A_718 = arith.addf %abs3A_716, %add3A_717 : f32
    %get3A_719 = arith.constant 10 : index
    %get3A_720 = arith.constant 4 : index
    %get3A_721 = memref.load %arg2[%get3A_719, %get3A_720] : memref<16x6xf32, #tpu.memory_space<smem>>
    %abs3A_722 = math.absf %get3A_721 : f32
    %add3A_723 = arith.constant 1.000000e-03 : f32
    %add3A_724 = arith.addf %abs3A_722, %add3A_723 : f32
    %get3A_725 = arith.constant 10 : index
    %get3A_726 = arith.constant 5 : index
    %get3A_727 = memref.load %arg2[%get3A_725, %get3A_726] : memref<16x6xf32, #tpu.memory_space<smem>>
    %abs3A_728 = math.absf %get3A_727 : f32
    %add3A_729 = arith.constant 1.000000e-03 : f32
    %add3A_730 = arith.addf %abs3A_728, %add3A_729 : f32
    %abs3A_731 = math.absf %sub3A_696 : vector<8x1024xf32>
    %le3A_732 = vector.broadcast %add3A_718 : f32 to vector<8x1024xf32>
    %le3A_733 = arith.cmpf ole, %abs3A_731, %le3A_732 : vector<8x1024xf32>
    %abs3A_734 = math.absf %sub3A_701 : vector<8x1024xf32>
    %le3A_735 = vector.broadcast %add3A_724 : f32 to vector<8x1024xf32>
    %le3A_736 = arith.cmpf ole, %abs3A_734, %le3A_735 : vector<8x1024xf32>
    %and3A_737 = arith.andi %le3A_733, %le3A_736 : vector<8x1024xi1>
    %abs3A_738 = math.absf %sub3A_706 : vector<8x1024xf32>
    %le3A_739 = vector.broadcast %add3A_730 : f32 to vector<8x1024xf32>
    %le3A_740 = arith.cmpf ole, %abs3A_738, %le3A_739 : vector<8x1024xf32>
    %and3A_741 = arith.andi %and3A_737, %le3A_740 : vector<8x1024xi1>
    %jit3A_742 = arith.constant 1.000000e+00 : f32
    %jit3A_743 = arith.constant 0.000000e+00 : f32
    %broadcast_in_dim3A_744 = vector.broadcast %jit3A_742 : f32 to vector<8x1024xf32>
    %broadcast_in_dim3A_745 = vector.broadcast %jit3A_743 : f32 to vector<8x1024xf32>
    %select_n3A_746 = arith.select %and3A_741, %broadcast_in_dim3A_744, %broadcast_in_dim3A_745 : vector<8x1024xi1>, vector<8x1024xf32>
    %lt3A_747 = arith.cmpf olt, %sqrt3A_712, %select_n3A_687 : vector<8x1024xf32>
    %select_n3A_748 = arith.select %lt3A_747, %sqrt3A_712, %select_n3A_687 : vector<8x1024xi1>, vector<8x1024xf32>
    %jit3A_749 = arith.constant 10 : i32
    %broadcast_in_dim3A_750 = vector.broadcast %jit3A_749 : i32 to vector<8x1024xi32>
    %select_n3A_751 = arith.select %lt3A_747, %broadcast_in_dim3A_750, %select_n3A_690 : vector<8x1024xi1>, vector<8x1024xi32>
    %select_n3A_752 = arith.select %lt3A_747, %select_n3A_746, %select_n3A_691 : vector<8x1024xi1>, vector<8x1024xf32>
    %get3A_753 = arith.constant 11 : index
    %get3A_754 = arith.constant 0 : index
    %get3A_755 = memref.load %arg2[%get3A_753, %get3A_754] : memref<16x6xf32, #tpu.memory_space<smem>>
    %sub3A_756 = vector.broadcast %get3A_755 : f32 to vector<8x1024xf32>
    %sub3A_757 = arith.subf %add3A_38, %sub3A_756 : vector<8x1024xf32>
    %get3A_758 = arith.constant 11 : index
    %get3A_759 = arith.constant 1 : index
    %get3A_760 = memref.load %arg2[%get3A_758, %get3A_759] : memref<16x6xf32, #tpu.memory_space<smem>>
    %sub3A_761 = vector.broadcast %get3A_760 : f32 to vector<8x1024xf32>
    %sub3A_762 = arith.subf %add3A_66, %sub3A_761 : vector<8x1024xf32>
    %get3A_763 = arith.constant 11 : index
    %get3A_764 = arith.constant 2 : index
    %get3A_765 = memref.load %arg2[%get3A_763, %get3A_764] : memref<16x6xf32, #tpu.memory_space<smem>>
    %sub3A_766 = vector.broadcast %get3A_765 : f32 to vector<8x1024xf32>
    %sub3A_767 = arith.subf %add3A_94, %sub3A_766 : vector<8x1024xf32>
    %mul3A_768 = arith.mulf %sub3A_757, %sub3A_757 : vector<8x1024xf32>
    %mul3A_769 = arith.mulf %sub3A_762, %sub3A_762 : vector<8x1024xf32>
    %add3A_770 = arith.addf %mul3A_768, %mul3A_769 : vector<8x1024xf32>
    %mul3A_771 = arith.mulf %sub3A_767, %sub3A_767 : vector<8x1024xf32>
    %add3A_772 = arith.addf %add3A_770, %mul3A_771 : vector<8x1024xf32>
    %sqrt3A_773 = math.sqrt %add3A_772 : vector<8x1024xf32>
    %get3A_774 = arith.constant 11 : index
    %get3A_775 = arith.constant 3 : index
    %get3A_776 = memref.load %arg2[%get3A_774, %get3A_775] : memref<16x6xf32, #tpu.memory_space<smem>>
    %abs3A_777 = math.absf %get3A_776 : f32
    %add3A_778 = arith.constant 1.000000e-03 : f32
    %add3A_779 = arith.addf %abs3A_777, %add3A_778 : f32
    %get3A_780 = arith.constant 11 : index
    %get3A_781 = arith.constant 4 : index
    %get3A_782 = memref.load %arg2[%get3A_780, %get3A_781] : memref<16x6xf32, #tpu.memory_space<smem>>
    %abs3A_783 = math.absf %get3A_782 : f32
    %add3A_784 = arith.constant 1.000000e-03 : f32
    %add3A_785 = arith.addf %abs3A_783, %add3A_784 : f32
    %get3A_786 = arith.constant 11 : index
    %get3A_787 = arith.constant 5 : index
    %get3A_788 = memref.load %arg2[%get3A_786, %get3A_787] : memref<16x6xf32, #tpu.memory_space<smem>>
    %abs3A_789 = math.absf %get3A_788 : f32
    %add3A_790 = arith.constant 1.000000e-03 : f32
    %add3A_791 = arith.addf %abs3A_789, %add3A_790 : f32
    %abs3A_792 = math.absf %sub3A_757 : vector<8x1024xf32>
    %le3A_793 = vector.broadcast %add3A_779 : f32 to vector<8x1024xf32>
    %le3A_794 = arith.cmpf ole, %abs3A_792, %le3A_793 : vector<8x1024xf32>
    %abs3A_795 = math.absf %sub3A_762 : vector<8x1024xf32>
    %le3A_796 = vector.broadcast %add3A_785 : f32 to vector<8x1024xf32>
    %le3A_797 = arith.cmpf ole, %abs3A_795, %le3A_796 : vector<8x1024xf32>
    %and3A_798 = arith.andi %le3A_794, %le3A_797 : vector<8x1024xi1>
    %abs3A_799 = math.absf %sub3A_767 : vector<8x1024xf32>
    %le3A_800 = vector.broadcast %add3A_791 : f32 to vector<8x1024xf32>
    %le3A_801 = arith.cmpf ole, %abs3A_799, %le3A_800 : vector<8x1024xf32>
    %and3A_802 = arith.andi %and3A_798, %le3A_801 : vector<8x1024xi1>
    %jit3A_803 = arith.constant 1.000000e+00 : f32
    %jit3A_804 = arith.constant 0.000000e+00 : f32
    %broadcast_in_dim3A_805 = vector.broadcast %jit3A_803 : f32 to vector<8x1024xf32>
    %broadcast_in_dim3A_806 = vector.broadcast %jit3A_804 : f32 to vector<8x1024xf32>
    %select_n3A_807 = arith.select %and3A_802, %broadcast_in_dim3A_805, %broadcast_in_dim3A_806 : vector<8x1024xi1>, vector<8x1024xf32>
    %lt3A_808 = arith.cmpf olt, %sqrt3A_773, %select_n3A_748 : vector<8x1024xf32>
    %select_n3A_809 = arith.select %lt3A_808, %sqrt3A_773, %select_n3A_748 : vector<8x1024xi1>, vector<8x1024xf32>
    %jit3A_810 = arith.constant 11 : i32
    %broadcast_in_dim3A_811 = vector.broadcast %jit3A_810 : i32 to vector<8x1024xi32>
    %select_n3A_812 = arith.select %lt3A_808, %broadcast_in_dim3A_811, %select_n3A_751 : vector<8x1024xi1>, vector<8x1024xi32>
    %select_n3A_813 = arith.select %lt3A_808, %select_n3A_807, %select_n3A_752 : vector<8x1024xi1>, vector<8x1024xf32>
    %get3A_814 = arith.constant 12 : index
    %get3A_815 = arith.constant 0 : index
    %get3A_816 = memref.load %arg2[%get3A_814, %get3A_815] : memref<16x6xf32, #tpu.memory_space<smem>>
    %sub3A_817 = vector.broadcast %get3A_816 : f32 to vector<8x1024xf32>
    %sub3A_818 = arith.subf %add3A_38, %sub3A_817 : vector<8x1024xf32>
    %get3A_819 = arith.constant 12 : index
    %get3A_820 = arith.constant 1 : index
    %get3A_821 = memref.load %arg2[%get3A_819, %get3A_820] : memref<16x6xf32, #tpu.memory_space<smem>>
    %sub3A_822 = vector.broadcast %get3A_821 : f32 to vector<8x1024xf32>
    %sub3A_823 = arith.subf %add3A_66, %sub3A_822 : vector<8x1024xf32>
    %get3A_824 = arith.constant 12 : index
    %get3A_825 = arith.constant 2 : index
    %get3A_826 = memref.load %arg2[%get3A_824, %get3A_825] : memref<16x6xf32, #tpu.memory_space<smem>>
    %sub3A_827 = vector.broadcast %get3A_826 : f32 to vector<8x1024xf32>
    %sub3A_828 = arith.subf %add3A_94, %sub3A_827 : vector<8x1024xf32>
    %mul3A_829 = arith.mulf %sub3A_818, %sub3A_818 : vector<8x1024xf32>
    %mul3A_830 = arith.mulf %sub3A_823, %sub3A_823 : vector<8x1024xf32>
    %add3A_831 = arith.addf %mul3A_829, %mul3A_830 : vector<8x1024xf32>
    %mul3A_832 = arith.mulf %sub3A_828, %sub3A_828 : vector<8x1024xf32>
    %add3A_833 = arith.addf %add3A_831, %mul3A_832 : vector<8x1024xf32>
    %sqrt3A_834 = math.sqrt %add3A_833 : vector<8x1024xf32>
    %get3A_835 = arith.constant 12 : index
    %get3A_836 = arith.constant 3 : index
    %get3A_837 = memref.load %arg2[%get3A_835, %get3A_836] : memref<16x6xf32, #tpu.memory_space<smem>>
    %abs3A_838 = math.absf %get3A_837 : f32
    %add3A_839 = arith.constant 1.000000e-03 : f32
    %add3A_840 = arith.addf %abs3A_838, %add3A_839 : f32
    %get3A_841 = arith.constant 12 : index
    %get3A_842 = arith.constant 4 : index
    %get3A_843 = memref.load %arg2[%get3A_841, %get3A_842] : memref<16x6xf32, #tpu.memory_space<smem>>
    %abs3A_844 = math.absf %get3A_843 : f32
    %add3A_845 = arith.constant 1.000000e-03 : f32
    %add3A_846 = arith.addf %abs3A_844, %add3A_845 : f32
    %get3A_847 = arith.constant 12 : index
    %get3A_848 = arith.constant 5 : index
    %get3A_849 = memref.load %arg2[%get3A_847, %get3A_848] : memref<16x6xf32, #tpu.memory_space<smem>>
    %abs3A_850 = math.absf %get3A_849 : f32
    %add3A_851 = arith.constant 1.000000e-03 : f32
    %add3A_852 = arith.addf %abs3A_850, %add3A_851 : f32
    %abs3A_853 = math.absf %sub3A_818 : vector<8x1024xf32>
    %le3A_854 = vector.broadcast %add3A_840 : f32 to vector<8x1024xf32>
    %le3A_855 = arith.cmpf ole, %abs3A_853, %le3A_854 : vector<8x1024xf32>
    %abs3A_856 = math.absf %sub3A_823 : vector<8x1024xf32>
    %le3A_857 = vector.broadcast %add3A_846 : f32 to vector<8x1024xf32>
    %le3A_858 = arith.cmpf ole, %abs3A_856, %le3A_857 : vector<8x1024xf32>
    %and3A_859 = arith.andi %le3A_855, %le3A_858 : vector<8x1024xi1>
    %abs3A_860 = math.absf %sub3A_828 : vector<8x1024xf32>
    %le3A_861 = vector.broadcast %add3A_852 : f32 to vector<8x1024xf32>
    %le3A_862 = arith.cmpf ole, %abs3A_860, %le3A_861 : vector<8x1024xf32>
    %and3A_863 = arith.andi %and3A_859, %le3A_862 : vector<8x1024xi1>
    %jit3A_864 = arith.constant 1.000000e+00 : f32
    %jit3A_865 = arith.constant 0.000000e+00 : f32
    %broadcast_in_dim3A_866 = vector.broadcast %jit3A_864 : f32 to vector<8x1024xf32>
    %broadcast_in_dim3A_867 = vector.broadcast %jit3A_865 : f32 to vector<8x1024xf32>
    %select_n3A_868 = arith.select %and3A_863, %broadcast_in_dim3A_866, %broadcast_in_dim3A_867 : vector<8x1024xi1>, vector<8x1024xf32>
    %lt3A_869 = arith.cmpf olt, %sqrt3A_834, %select_n3A_809 : vector<8x1024xf32>
    %select_n3A_870 = arith.select %lt3A_869, %sqrt3A_834, %select_n3A_809 : vector<8x1024xi1>, vector<8x1024xf32>
    %jit3A_871 = arith.constant 12 : i32
    %broadcast_in_dim3A_872 = vector.broadcast %jit3A_871 : i32 to vector<8x1024xi32>
    %select_n3A_873 = arith.select %lt3A_869, %broadcast_in_dim3A_872, %select_n3A_812 : vector<8x1024xi1>, vector<8x1024xi32>
    %select_n3A_874 = arith.select %lt3A_869, %select_n3A_868, %select_n3A_813 : vector<8x1024xi1>, vector<8x1024xf32>
    %get3A_875 = arith.constant 13 : index
    %get3A_876 = arith.constant 0 : index
    %get3A_877 = memref.load %arg2[%get3A_875, %get3A_876] : memref<16x6xf32, #tpu.memory_space<smem>>
    %sub3A_878 = vector.broadcast %get3A_877 : f32 to vector<8x1024xf32>
    %sub3A_879 = arith.subf %add3A_38, %sub3A_878 : vector<8x1024xf32>
    %get3A_880 = arith.constant 13 : index
    %get3A_881 = arith.constant 1 : index
    %get3A_882 = memref.load %arg2[%get3A_880, %get3A_881] : memref<16x6xf32, #tpu.memory_space<smem>>
    %sub3A_883 = vector.broadcast %get3A_882 : f32 to vector<8x1024xf32>
    %sub3A_884 = arith.subf %add3A_66, %sub3A_883 : vector<8x1024xf32>
    %get3A_885 = arith.constant 13 : index
    %get3A_886 = arith.constant 2 : index
    %get3A_887 = memref.load %arg2[%get3A_885, %get3A_886] : memref<16x6xf32, #tpu.memory_space<smem>>
    %sub3A_888 = vector.broadcast %get3A_887 : f32 to vector<8x1024xf32>
    %sub3A_889 = arith.subf %add3A_94, %sub3A_888 : vector<8x1024xf32>
    %mul3A_890 = arith.mulf %sub3A_879, %sub3A_879 : vector<8x1024xf32>
    %mul3A_891 = arith.mulf %sub3A_884, %sub3A_884 : vector<8x1024xf32>
    %add3A_892 = arith.addf %mul3A_890, %mul3A_891 : vector<8x1024xf32>
    %mul3A_893 = arith.mulf %sub3A_889, %sub3A_889 : vector<8x1024xf32>
    %add3A_894 = arith.addf %add3A_892, %mul3A_893 : vector<8x1024xf32>
    %sqrt3A_895 = math.sqrt %add3A_894 : vector<8x1024xf32>
    %get3A_896 = arith.constant 13 : index
    %get3A_897 = arith.constant 3 : index
    %get3A_898 = memref.load %arg2[%get3A_896, %get3A_897] : memref<16x6xf32, #tpu.memory_space<smem>>
    %abs3A_899 = math.absf %get3A_898 : f32
    %add3A_900 = arith.constant 1.000000e-03 : f32
    %add3A_901 = arith.addf %abs3A_899, %add3A_900 : f32
    %get3A_902 = arith.constant 13 : index
    %get3A_903 = arith.constant 4 : index
    %get3A_904 = memref.load %arg2[%get3A_902, %get3A_903] : memref<16x6xf32, #tpu.memory_space<smem>>
    %abs3A_905 = math.absf %get3A_904 : f32
    %add3A_906 = arith.constant 1.000000e-03 : f32
    %add3A_907 = arith.addf %abs3A_905, %add3A_906 : f32
    %get3A_908 = arith.constant 13 : index
    %get3A_909 = arith.constant 5 : index
    %get3A_910 = memref.load %arg2[%get3A_908, %get3A_909] : memref<16x6xf32, #tpu.memory_space<smem>>
    %abs3A_911 = math.absf %get3A_910 : f32
    %add3A_912 = arith.constant 1.000000e-03 : f32
    %add3A_913 = arith.addf %abs3A_911, %add3A_912 : f32
    %abs3A_914 = math.absf %sub3A_879 : vector<8x1024xf32>
    %le3A_915 = vector.broadcast %add3A_901 : f32 to vector<8x1024xf32>
    %le3A_916 = arith.cmpf ole, %abs3A_914, %le3A_915 : vector<8x1024xf32>
    %abs3A_917 = math.absf %sub3A_884 : vector<8x1024xf32>
    %le3A_918 = vector.broadcast %add3A_907 : f32 to vector<8x1024xf32>
    %le3A_919 = arith.cmpf ole, %abs3A_917, %le3A_918 : vector<8x1024xf32>
    %and3A_920 = arith.andi %le3A_916, %le3A_919 : vector<8x1024xi1>
    %abs3A_921 = math.absf %sub3A_889 : vector<8x1024xf32>
    %le3A_922 = vector.broadcast %add3A_913 : f32 to vector<8x1024xf32>
    %le3A_923 = arith.cmpf ole, %abs3A_921, %le3A_922 : vector<8x1024xf32>
    %and3A_924 = arith.andi %and3A_920, %le3A_923 : vector<8x1024xi1>
    %jit3A_925 = arith.constant 1.000000e+00 : f32
    %jit3A_926 = arith.constant 0.000000e+00 : f32
    %broadcast_in_dim3A_927 = vector.broadcast %jit3A_925 : f32 to vector<8x1024xf32>
    %broadcast_in_dim3A_928 = vector.broadcast %jit3A_926 : f32 to vector<8x1024xf32>
    %select_n3A_929 = arith.select %and3A_924, %broadcast_in_dim3A_927, %broadcast_in_dim3A_928 : vector<8x1024xi1>, vector<8x1024xf32>
    %lt3A_930 = arith.cmpf olt, %sqrt3A_895, %select_n3A_870 : vector<8x1024xf32>
    %select_n3A_931 = arith.select %lt3A_930, %sqrt3A_895, %select_n3A_870 : vector<8x1024xi1>, vector<8x1024xf32>
    %jit3A_932 = arith.constant 13 : i32
    %broadcast_in_dim3A_933 = vector.broadcast %jit3A_932 : i32 to vector<8x1024xi32>
    %select_n3A_934 = arith.select %lt3A_930, %broadcast_in_dim3A_933, %select_n3A_873 : vector<8x1024xi1>, vector<8x1024xi32>
    %select_n3A_935 = arith.select %lt3A_930, %select_n3A_929, %select_n3A_874 : vector<8x1024xi1>, vector<8x1024xf32>
    %get3A_936 = arith.constant 14 : index
    %get3A_937 = arith.constant 0 : index
    %get3A_938 = memref.load %arg2[%get3A_936, %get3A_937] : memref<16x6xf32, #tpu.memory_space<smem>>
    %sub3A_939 = vector.broadcast %get3A_938 : f32 to vector<8x1024xf32>
    %sub3A_940 = arith.subf %add3A_38, %sub3A_939 : vector<8x1024xf32>
    %get3A_941 = arith.constant 14 : index
    %get3A_942 = arith.constant 1 : index
    %get3A_943 = memref.load %arg2[%get3A_941, %get3A_942] : memref<16x6xf32, #tpu.memory_space<smem>>
    %sub3A_944 = vector.broadcast %get3A_943 : f32 to vector<8x1024xf32>
    %sub3A_945 = arith.subf %add3A_66, %sub3A_944 : vector<8x1024xf32>
    %get3A_946 = arith.constant 14 : index
    %get3A_947 = arith.constant 2 : index
    %get3A_948 = memref.load %arg2[%get3A_946, %get3A_947] : memref<16x6xf32, #tpu.memory_space<smem>>
    %sub3A_949 = vector.broadcast %get3A_948 : f32 to vector<8x1024xf32>
    %sub3A_950 = arith.subf %add3A_94, %sub3A_949 : vector<8x1024xf32>
    %mul3A_951 = arith.mulf %sub3A_940, %sub3A_940 : vector<8x1024xf32>
    %mul3A_952 = arith.mulf %sub3A_945, %sub3A_945 : vector<8x1024xf32>
    %add3A_953 = arith.addf %mul3A_951, %mul3A_952 : vector<8x1024xf32>
    %mul3A_954 = arith.mulf %sub3A_950, %sub3A_950 : vector<8x1024xf32>
    %add3A_955 = arith.addf %add3A_953, %mul3A_954 : vector<8x1024xf32>
    %sqrt3A_956 = math.sqrt %add3A_955 : vector<8x1024xf32>
    %get3A_957 = arith.constant 14 : index
    %get3A_958 = arith.constant 3 : index
    %get3A_959 = memref.load %arg2[%get3A_957, %get3A_958] : memref<16x6xf32, #tpu.memory_space<smem>>
    %abs3A_960 = math.absf %get3A_959 : f32
    %add3A_961 = arith.constant 1.000000e-03 : f32
    %add3A_962 = arith.addf %abs3A_960, %add3A_961 : f32
    %get3A_963 = arith.constant 14 : index
    %get3A_964 = arith.constant 4 : index
    %get3A_965 = memref.load %arg2[%get3A_963, %get3A_964] : memref<16x6xf32, #tpu.memory_space<smem>>
    %abs3A_966 = math.absf %get3A_965 : f32
    %add3A_967 = arith.constant 1.000000e-03 : f32
    %add3A_968 = arith.addf %abs3A_966, %add3A_967 : f32
    %get3A_969 = arith.constant 14 : index
    %get3A_970 = arith.constant 5 : index
    %get3A_971 = memref.load %arg2[%get3A_969, %get3A_970] : memref<16x6xf32, #tpu.memory_space<smem>>
    %abs3A_972 = math.absf %get3A_971 : f32
    %add3A_973 = arith.constant 1.000000e-03 : f32
    %add3A_974 = arith.addf %abs3A_972, %add3A_973 : f32
    %abs3A_975 = math.absf %sub3A_940 : vector<8x1024xf32>
    %le3A_976 = vector.broadcast %add3A_962 : f32 to vector<8x1024xf32>
    %le3A_977 = arith.cmpf ole, %abs3A_975, %le3A_976 : vector<8x1024xf32>
    %abs3A_978 = math.absf %sub3A_945 : vector<8x1024xf32>
    %le3A_979 = vector.broadcast %add3A_968 : f32 to vector<8x1024xf32>
    %le3A_980 = arith.cmpf ole, %abs3A_978, %le3A_979 : vector<8x1024xf32>
    %and3A_981 = arith.andi %le3A_977, %le3A_980 : vector<8x1024xi1>
    %abs3A_982 = math.absf %sub3A_950 : vector<8x1024xf32>
    %le3A_983 = vector.broadcast %add3A_974 : f32 to vector<8x1024xf32>
    %le3A_984 = arith.cmpf ole, %abs3A_982, %le3A_983 : vector<8x1024xf32>
    %and3A_985 = arith.andi %and3A_981, %le3A_984 : vector<8x1024xi1>
    %jit3A_986 = arith.constant 1.000000e+00 : f32
    %jit3A_987 = arith.constant 0.000000e+00 : f32
    %broadcast_in_dim3A_988 = vector.broadcast %jit3A_986 : f32 to vector<8x1024xf32>
    %broadcast_in_dim3A_989 = vector.broadcast %jit3A_987 : f32 to vector<8x1024xf32>
    %select_n3A_990 = arith.select %and3A_985, %broadcast_in_dim3A_988, %broadcast_in_dim3A_989 : vector<8x1024xi1>, vector<8x1024xf32>
    %lt3A_991 = arith.cmpf olt, %sqrt3A_956, %select_n3A_931 : vector<8x1024xf32>
    %select_n3A_992 = arith.select %lt3A_991, %sqrt3A_956, %select_n3A_931 : vector<8x1024xi1>, vector<8x1024xf32>
    %jit3A_993 = arith.constant 14 : i32
    %broadcast_in_dim3A_994 = vector.broadcast %jit3A_993 : i32 to vector<8x1024xi32>
    %select_n3A_995 = arith.select %lt3A_991, %broadcast_in_dim3A_994, %select_n3A_934 : vector<8x1024xi1>, vector<8x1024xi32>
    %select_n3A_996 = arith.select %lt3A_991, %select_n3A_990, %select_n3A_935 : vector<8x1024xi1>, vector<8x1024xf32>
    %get3A_997 = arith.constant 15 : index
    %get3A_998 = arith.constant 0 : index
    %get3A_999 = memref.load %arg2[%get3A_997, %get3A_998] : memref<16x6xf32, #tpu.memory_space<smem>>
    %sub3A_1000 = vector.broadcast %get3A_999 : f32 to vector<8x1024xf32>
    %sub3A_1001 = arith.subf %add3A_38, %sub3A_1000 : vector<8x1024xf32>
    %get3A_1002 = arith.constant 15 : index
    %get3A_1003 = arith.constant 1 : index
    %get3A_1004 = memref.load %arg2[%get3A_1002, %get3A_1003] : memref<16x6xf32, #tpu.memory_space<smem>>
    %sub3A_1005 = vector.broadcast %get3A_1004 : f32 to vector<8x1024xf32>
    %sub3A_1006 = arith.subf %add3A_66, %sub3A_1005 : vector<8x1024xf32>
    %get3A_1007 = arith.constant 15 : index
    %get3A_1008 = arith.constant 2 : index
    %get3A_1009 = memref.load %arg2[%get3A_1007, %get3A_1008] : memref<16x6xf32, #tpu.memory_space<smem>>
    %sub3A_1010 = vector.broadcast %get3A_1009 : f32 to vector<8x1024xf32>
    %sub3A_1011 = arith.subf %add3A_94, %sub3A_1010 : vector<8x1024xf32>
    %mul3A_1012 = arith.mulf %sub3A_1001, %sub3A_1001 : vector<8x1024xf32>
    %mul3A_1013 = arith.mulf %sub3A_1006, %sub3A_1006 : vector<8x1024xf32>
    %add3A_1014 = arith.addf %mul3A_1012, %mul3A_1013 : vector<8x1024xf32>
    %mul3A_1015 = arith.mulf %sub3A_1011, %sub3A_1011 : vector<8x1024xf32>
    %add3A_1016 = arith.addf %add3A_1014, %mul3A_1015 : vector<8x1024xf32>
    %sqrt3A_1017 = math.sqrt %add3A_1016 : vector<8x1024xf32>
    %get3A_1018 = arith.constant 15 : index
    %get3A_1019 = arith.constant 3 : index
    %get3A_1020 = memref.load %arg2[%get3A_1018, %get3A_1019] : memref<16x6xf32, #tpu.memory_space<smem>>
    %abs3A_1021 = math.absf %get3A_1020 : f32
    %add3A_1022 = arith.constant 1.000000e-03 : f32
    %add3A_1023 = arith.addf %abs3A_1021, %add3A_1022 : f32
    %get3A_1024 = arith.constant 15 : index
    %get3A_1025 = arith.constant 4 : index
    %get3A_1026 = memref.load %arg2[%get3A_1024, %get3A_1025] : memref<16x6xf32, #tpu.memory_space<smem>>
    %abs3A_1027 = math.absf %get3A_1026 : f32
    %add3A_1028 = arith.constant 1.000000e-03 : f32
    %add3A_1029 = arith.addf %abs3A_1027, %add3A_1028 : f32
    %get3A_1030 = arith.constant 15 : index
    %get3A_1031 = arith.constant 5 : index
    %get3A_1032 = memref.load %arg2[%get3A_1030, %get3A_1031] : memref<16x6xf32, #tpu.memory_space<smem>>
    %abs3A_1033 = math.absf %get3A_1032 : f32
    %add3A_1034 = arith.constant 1.000000e-03 : f32
    %add3A_1035 = arith.addf %abs3A_1033, %add3A_1034 : f32
    %abs3A_1036 = math.absf %sub3A_1001 : vector<8x1024xf32>
    %le3A_1037 = vector.broadcast %add3A_1023 : f32 to vector<8x1024xf32>
    %le3A_1038 = arith.cmpf ole, %abs3A_1036, %le3A_1037 : vector<8x1024xf32>
    %abs3A_1039 = math.absf %sub3A_1006 : vector<8x1024xf32>
    %le3A_1040 = vector.broadcast %add3A_1029 : f32 to vector<8x1024xf32>
    %le3A_1041 = arith.cmpf ole, %abs3A_1039, %le3A_1040 : vector<8x1024xf32>
    %and3A_1042 = arith.andi %le3A_1038, %le3A_1041 : vector<8x1024xi1>
    %abs3A_1043 = math.absf %sub3A_1011 : vector<8x1024xf32>
    %le3A_1044 = vector.broadcast %add3A_1035 : f32 to vector<8x1024xf32>
    %le3A_1045 = arith.cmpf ole, %abs3A_1043, %le3A_1044 : vector<8x1024xf32>
    %and3A_1046 = arith.andi %and3A_1042, %le3A_1045 : vector<8x1024xi1>
    %jit3A_1047 = arith.constant 1.000000e+00 : f32
    %jit3A_1048 = arith.constant 0.000000e+00 : f32
    %broadcast_in_dim3A_1049 = vector.broadcast %jit3A_1047 : f32 to vector<8x1024xf32>
    %broadcast_in_dim3A_1050 = vector.broadcast %jit3A_1048 : f32 to vector<8x1024xf32>
    %select_n3A_1051 = arith.select %and3A_1046, %broadcast_in_dim3A_1049, %broadcast_in_dim3A_1050 : vector<8x1024xi1>, vector<8x1024xf32>
    %lt3A_1052 = arith.cmpf olt, %sqrt3A_1017, %select_n3A_992 : vector<8x1024xf32>
    %jit3A_1053 = arith.constant 15 : i32
    %broadcast_in_dim3A_1054 = vector.broadcast %jit3A_1053 : i32 to vector<8x1024xi32>
    %select_n3A_1055 = arith.select %lt3A_1052, %broadcast_in_dim3A_1054, %select_n3A_995 : vector<8x1024xi1>, vector<8x1024xi32>
    %select_n3A_1056 = arith.select %lt3A_1052, %select_n3A_1051, %select_n3A_996 : vector<8x1024xi1>, vector<8x1024xf32>
    %swap3A = arith.constant 0 : index
    %swap3A_1057 = arith.constant 0 : index
    %swap3A_1058 = vector.load %arg10[%swap3A, %swap3A_1057] : memref<8x1024xf32, #tpu.memory_space<vmem>>, vector<8x1024xf32>
    tpu.vector_store %arg10[%swap3A, %swap3A_1057], %add3A_38 {strides = array<i32>} : memref<8x1024xf32, #tpu.memory_space<vmem>>, vector<8x1024xf32>,
    %swap3A_1059 = arith.constant 0 : index
    %swap3A_1060 = arith.constant 0 : index
    %swap3A_1061 = vector.load %arg11[%swap3A_1059, %swap3A_1060] : memref<8x1024xf32, #tpu.memory_space<vmem>>, vector<8x1024xf32>
    tpu.vector_store %arg11[%swap3A_1059, %swap3A_1060], %add3A_66 {strides = array<i32>} : memref<8x1024xf32, #tpu.memory_space<vmem>>, vector<8x1024xf32>,
    %swap3A_1062 = arith.constant 0 : index
    %swap3A_1063 = arith.constant 0 : index
    %swap3A_1064 = vector.load %arg12[%swap3A_1062, %swap3A_1063] : memref<8x1024xi32, #tpu.memory_space<vmem>>, vector<8x1024xi32>
    tpu.vector_store %arg12[%swap3A_1062, %swap3A_1063], %select_n3A_1055 {strides = array<i32>} : memref<8x1024xi32, #tpu.memory_space<vmem>>, vector<8x1024xi32>,
    %swap3A_1065 = arith.constant 0 : index
    %swap3A_1066 = arith.constant 0 : index
    %swap3A_1067 = vector.load %arg13[%swap3A_1065, %swap3A_1066] : memref<8x1024xf32, #tpu.memory_space<vmem>>, vector<8x1024xf32>
    tpu.vector_store %arg13[%swap3A_1065, %swap3A_1066], %select_n3A_1056 {strides = array<i32>} : memref<8x1024xf32, #tpu.memory_space<vmem>>, vector<8x1024xf32>,
    %get3A_1068 = arith.constant 0 : index
    %get3A_1069 = arith.constant 0 : index
    %get3A_1070 = vector.load %arg8[%get3A_1068, %get3A_1069] : memref<8192x64xf32, #tpu.memory_space<vmem>>, vector<8192x64xf32>
    %convert_element_type3A_1071 = arith.truncf %get3A_1070 : vector<8192x64xf32> to vector<8192x64xbf16>
    %get3A_1072 = arith.constant 0 : index
    %get3A_1073 = arith.constant 0 : index
    %get3A_1074 = vector.load %arg9[%get3A_1072, %get3A_1073] : memref<8x64xf32, #tpu.memory_space<vmem>>, vector<8x64xf32>
    %convert_element_type3A_1075 = arith.truncf %get3A_1074 : vector<8x64xf32> to vector<8x64xbf16>
    %dot_general3A = arith.constant dense<0.000000e+00> : vector<8x8192xf32>
    %dot_general3A_1076 = tpu.matmul %convert_element_type3A_1075, %convert_element_type3A_1071, %dot_general3A {dimension_numbers = #tpu.dot_dimension_numbers<[1], [1], [0], [0], [0, 0, 1, 0], [], []>, transpose_lhs_hint = false} : vector<8x64xbf16>, vector<8192x64xbf16>, vector<8x8192xf32> -> vector<8x8192xf32>
    %slice3A = vector.extract_strided_slice %dot_general3A_1076 {offsets = [0, 0], sizes = [1, 8192], strides = [1, 1]} : vector<8x8192xf32> to vector<1x8192xf32>
    %get3A_1077 = arith.constant 0 : index
    %get3A_1078 = memref.load %arg3[%get3A_1077] : memref<2xf32, #tpu.memory_space<smem>>
    %add3A_1079 = vector.broadcast %get3A_1078 : f32 to vector<1x8192xf32>
    %add3A_1080 = arith.addf %slice3A, %add3A_1079 : vector<1x8192xf32>
    %logistic3A = arith.negf %add3A_1080 : vector<1x8192xf32>
    %logistic3A_1081 = math.exp %logistic3A : vector<1x8192xf32>
    %logistic3A_1082 = arith.constant 1.000000e+00 : f32
    %logistic3A_1083 = vector.broadcast %logistic3A_1082 : f32 to vector<1x8192xf32>
    %logistic3A_1084 = arith.addf %logistic3A_1083, %logistic3A_1081 : vector<1x8192xf32>
    %logistic3A_1085 = arith.divf %logistic3A_1083, %logistic3A_1084 : vector<1x8192xf32>
    %slice3A_1086 = vector.extract_strided_slice %dot_general3A_1076 {offsets = [1, 0], sizes = [1, 8192], strides = [1, 1]} : vector<8x8192xf32> to vector<1x8192xf32>
    %get3A_1087 = arith.constant 1 : index
    %get3A_1088 = memref.load %arg3[%get3A_1087] : memref<2xf32, #tpu.memory_space<smem>>
    %add3A_1089 = vector.broadcast %get3A_1088 : f32 to vector<1x8192xf32>
    %add3A_1090 = arith.addf %slice3A_1086, %add3A_1089 : vector<1x8192xf32>
    %logistic3A_1091 = arith.negf %add3A_1090 : vector<1x8192xf32>
    %logistic3A_1092 = math.exp %logistic3A_1091 : vector<1x8192xf32>
    %logistic3A_1093 = arith.constant 1.000000e+00 : f32
    %logistic3A_1094 = vector.broadcast %logistic3A_1093 : f32 to vector<1x8192xf32>
    %logistic3A_1095 = arith.addf %logistic3A_1094, %logistic3A_1092 : vector<1x8192xf32>
    %logistic3A_1096 = arith.divf %logistic3A_1094, %logistic3A_1095 : vector<1x8192xf32>
    %slice3A_1097 = vector.extract_strided_slice %dot_general3A_1076 {offsets = [2, 0], sizes = [1, 8192], strides = [1, 1]} : vector<8x8192xf32> to vector<1x8192xf32>
    %get3A_1098 = arith.constant 0 : index
    %get3A_1099 = memref.load %arg4[%get3A_1098] : memref<2xf32, #tpu.memory_space<smem>>
    %add3A_1100 = vector.broadcast %get3A_1099 : f32 to vector<1x8192xf32>
    %add3A_1101 = arith.addf %slice3A_1097, %add3A_1100 : vector<1x8192xf32>
    %mul3A_1102 = arith.mulf %add3A_1101, %logistic3A_1085 : vector<1x8192xf32>
    %swap3A_1103 = arith.constant 0 : index
    %swap3A_1104 = arith.constant 0 : index
    %swap3A_1105 = vector.load %arg14[%swap3A_1103, %swap3A_1104] : memref<2x8192xf32, #tpu.memory_space<vmem>>, vector<1x8192xf32>
    tpu.vector_store %arg14[%swap3A_1103, %swap3A_1104], %mul3A_1102 {strides = array<i32>} : memref<2x8192xf32, #tpu.memory_space<vmem>>, vector<1x8192xf32>,
    %slice3A_1106 = vector.extract_strided_slice %dot_general3A_1076 {offsets = [3, 0], sizes = [1, 8192], strides = [1, 1]} : vector<8x8192xf32> to vector<1x8192xf32>
    %get3A_1107 = arith.constant 1 : index
    %get3A_1108 = memref.load %arg4[%get3A_1107] : memref<2xf32, #tpu.memory_space<smem>>
    %add3A_1109 = vector.broadcast %get3A_1108 : f32 to vector<1x8192xf32>
    %add3A_1110 = arith.addf %slice3A_1106, %add3A_1109 : vector<1x8192xf32>
    %mul3A_1111 = arith.mulf %add3A_1110, %logistic3A_1096 : vector<1x8192xf32>
    %swap3A_1112 = arith.constant 1 : index
    %swap3A_1113 = arith.constant 0 : index
    %swap3A_1114 = vector.load %arg14[%swap3A_1112, %swap3A_1113] : memref<2x8192xf32, #tpu.memory_space<vmem>>, vector<1x8192xf32>
    tpu.vector_store %arg14[%swap3A_1112, %swap3A_1113], %mul3A_1111 {strides = array<i32>} : memref<2x8192xf32, #tpu.memory_space<vmem>>, vector<1x8192xf32>,
    %eq3A = arith.constant 0 : i32
    %eq3A_1115 = arith.cmpi eq, %arg0, %eq3A : i32
    %convert_element_type3A_1116 = arith.extui %eq3A_1115 : i1 to i32
    %cond3A = arith.constant 0 : i32
    %cond3A_1117 = arith.cmpi ne, %convert_element_type3A_1116, %cond3A : i32
    scf.if %cond3A_1117 {
      %broadcast_in_dim3A_1166 = arith.constant 0.000000e+00 : f32
      %broadcast_in_dim3A_1167 = vector.broadcast %broadcast_in_dim3A_1166 : f32 to vector<8x128xf32>
      %swap3A_1168 = arith.constant 0 : index
      %swap3A_1169 = arith.constant 0 : index
      %swap3A_1170 = vector.load %arg15[%swap3A_1168, %swap3A_1169] : memref<8x128xf32, #tpu.memory_space<vmem>>, vector<8x128xf32>
      tpu.vector_store %arg15[%swap3A_1168, %swap3A_1169], %broadcast_in_dim3A_1167 {strides = array<i32>} : memref<8x128xf32, #tpu.memory_space<vmem>>, vector<8x128xf32>,
      %broadcast_in_dim3A_1171 = arith.constant 0x7F800000 : f32
      %broadcast_in_dim3A_1172 = vector.broadcast %broadcast_in_dim3A_1171 : f32 to vector<2x128xf32>
      %swap3A_1173 = arith.constant 0 : index
      %swap3A_1174 = arith.constant 0 : index
      %swap3A_1175 = vector.load %arg15[%swap3A_1173, %swap3A_1174] : memref<8x128xf32, #tpu.memory_space<vmem>>, vector<2x128xf32>
      tpu.vector_store %arg15[%swap3A_1173, %swap3A_1174], %broadcast_in_dim3A_1172 {strides = array<i32>} : memref<8x128xf32, #tpu.memory_space<vmem>>, vector<2x128xf32>,
      %broadcast_in_dim3A_1176 = arith.constant 0xFF800000 : f32
      %broadcast_in_dim3A_1177 = vector.broadcast %broadcast_in_dim3A_1176 : f32 to vector<2x128xf32>
      %swap3A_1178 = arith.constant 2 : index
      %swap3A_1179 = arith.constant 0 : index
      %swap3A_1180 = vector.load %arg15[%swap3A_1178, %swap3A_1179] : memref<8x128xf32, #tpu.memory_space<vmem>>, vector<2x128xf32>
      tpu.vector_store %arg15[%swap3A_1178, %swap3A_1179], %broadcast_in_dim3A_1177 {strides = array<i32>} : memref<8x128xf32, #tpu.memory_space<vmem>>, vector<2x128xf32>,
    } else {
    }
    %get3A_1118 = arith.constant 0 : index
    %get3A_1119 = arith.constant 0 : index
    %get3A_1120 = vector.load %arg15[%get3A_1118, %get3A_1119] : memref<8x128xf32, #tpu.memory_space<vmem>>, vector<1x128xf32>
    %reduce_min3A = vector.shape_cast %add3A_38 : vector<8x1024xf32> to vector<1x8x1024xf32>
    %reduce_min3A_1121 = arith.constant dense<0x7F800000> : vector<1xf32>
    %reduce_min3A_1122 = vector.multi_reduction <minimumf>, %reduce_min3A, %reduce_min3A_1121 [1, 2] : vector<1x8x1024xf32> to vector<1xf32>
    %reduce_min3A_1123 = vector.shape_cast %reduce_min3A_1122 : vector<1xf32> to vector<1x1x1xf32>
    %reduce_min3A_1124 = vector.extract %reduce_min3A_1123[0, 0, 0] : f32 from vector<1x1x1xf32>
    %min3A = vector.broadcast %reduce_min3A_1124 : f32 to vector<1x128xf32>
    %min3A_1125 = arith.minimumf %get3A_1120, %min3A : vector<1x128xf32>
    %swap3A_1126 = arith.constant 0 : index
    %swap3A_1127 = arith.constant 0 : index
    %swap3A_1128 = vector.load %arg15[%swap3A_1126, %swap3A_1127] : memref<8x128xf32, #tpu.memory_space<vmem>>, vector<1x128xf32>
    tpu.vector_store %arg15[%swap3A_1126, %swap3A_1127], %min3A_1125 {strides = array<i32>} : memref<8x128xf32, #tpu.memory_space<vmem>>, vector<1x128xf32>,
    %get3A_1129 = arith.constant 1 : index
    %get3A_1130 = arith.constant 0 : index
    %get3A_1131 = vector.load %arg15[%get3A_1129, %get3A_1130] : memref<8x128xf32, #tpu.memory_space<vmem>>, vector<1x128xf32>
    %reduce_min3A_1132 = vector.shape_cast %add3A_66 : vector<8x1024xf32> to vector<1x8x1024xf32>
    %reduce_min3A_1133 = arith.constant dense<0x7F800000> : vector<1xf32>
    %reduce_min3A_1134 = vector.multi_reduction <minimumf>, %reduce_min3A_1132, %reduce_min3A_1133 [1, 2] : vector<1x8x1024xf32> to vector<1xf32>
    %reduce_min3A_1135 = vector.shape_cast %reduce_min3A_1134 : vector<1xf32> to vector<1x1x1xf32>
    %reduce_min3A_1136 = vector.extract %reduce_min3A_1135[0, 0, 0] : f32 from vector<1x1x1xf32>
    %min3A_1137 = vector.broadcast %reduce_min3A_1136 : f32 to vector<1x128xf32>
    %min3A_1138 = arith.minimumf %get3A_1131, %min3A_1137 : vector<1x128xf32>
    %swap3A_1139 = arith.constant 1 : index
    %swap3A_1140 = arith.constant 0 : index
    %swap3A_1141 = vector.load %arg15[%swap3A_1139, %swap3A_1140] : memref<8x128xf32, #tpu.memory_space<vmem>>, vector<1x128xf32>
    tpu.vector_store %arg15[%swap3A_1139, %swap3A_1140], %min3A_1138 {strides = array<i32>} : memref<8x128xf32, #tpu.memory_space<vmem>>, vector<1x128xf32>,
    %get3A_1142 = arith.constant 2 : index
    %get3A_1143 = arith.constant 0 : index
    %get3A_1144 = vector.load %arg15[%get3A_1142, %get3A_1143] : memref<8x128xf32, #tpu.memory_space<vmem>>, vector<1x128xf32>
    %reduce_max3A = vector.shape_cast %add3A_38 : vector<8x1024xf32> to vector<1x8x1024xf32>
    %reduce_max3A_1145 = arith.constant dense<0xFF800000> : vector<1xf32>
    %reduce_max3A_1146 = vector.multi_reduction <maximumf>, %reduce_max3A, %reduce_max3A_1145 [1, 2] : vector<1x8x1024xf32> to vector<1xf32>
    %reduce_max3A_1147 = vector.shape_cast %reduce_max3A_1146 : vector<1xf32> to vector<1x1x1xf32>
    %reduce_max3A_1148 = vector.extract %reduce_max3A_1147[0, 0, 0] : f32 from vector<1x1x1xf32>
    %max3A = vector.broadcast %reduce_max3A_1148 : f32 to vector<1x128xf32>
    %max3A_1149 = arith.maximumf %get3A_1144, %max3A : vector<1x128xf32>
    %swap3A_1150 = arith.constant 2 : index
    %swap3A_1151 = arith.constant 0 : index
    %swap3A_1152 = vector.load %arg15[%swap3A_1150, %swap3A_1151] : memref<8x128xf32, #tpu.memory_space<vmem>>, vector<1x128xf32>
    tpu.vector_store %arg15[%swap3A_1150, %swap3A_1151], %max3A_1149 {strides = array<i32>} : memref<8x128xf32, #tpu.memory_space<vmem>>, vector<1x128xf32>,
    %get3A_1153 = arith.constant 3 : index
    %get3A_1154 = arith.constant 0 : index
    %get3A_1155 = vector.load %arg15[%get3A_1153, %get3A_1154] : memref<8x128xf32, #tpu.memory_space<vmem>>, vector<1x128xf32>
    %reduce_max3A_1156 = vector.shape_cast %add3A_66 : vector<8x1024xf32> to vector<1x8x1024xf32>
    %reduce_max3A_1157 = arith.constant dense<0xFF800000> : vector<1xf32>
    %reduce_max3A_1158 = vector.multi_reduction <maximumf>, %reduce_max3A_1156, %reduce_max3A_1157 [1, 2] : vector<1x8x1024xf32> to vector<1xf32>
    %reduce_max3A_1159 = vector.shape_cast %reduce_max3A_1158 : vector<1xf32> to vector<1x1x1xf32>
    %reduce_max3A_1160 = vector.extract %reduce_max3A_1159[0, 0, 0] : f32 from vector<1x1x1xf32>
    %max3A_1161 = vector.broadcast %reduce_max3A_1160 : f32 to vector<1x128xf32>
    %max3A_1162 = arith.maximumf %get3A_1155, %max3A_1161 : vector<1x128xf32>
    %swap3A_1163 = arith.constant 3 : index
    %swap3A_1164 = arith.constant 0 : index
    %swap3A_1165 = vector.load %arg15[%swap3A_1163, %swap3A_1164] : memref<8x128xf32, #tpu.memory_space<vmem>>, vector<1x128xf32>
    tpu.vector_store %arg15[%swap3A_1163, %swap3A_1164], %max3A_1162 {strides = array<i32>} : memref<8x128xf32, #tpu.memory_space<vmem>>, vector<1x128xf32>,
    return
  }
  func.func @transform_0(%arg0: i32) -> (i32, i32) {
    %c0_i32 = arith.constant 0 : i32
    %c0_i32_0 = arith.constant 0 : i32
    %c0_i32_1 = arith.constant 0 : i32
    return %c0_i32, %c0_i32_0 : i32, i32
  }
  func.func @transform_1(%arg0: i32) -> (i32, i32) {
    %c0_i32 = arith.constant 0 : i32
    %c0_i32_0 = arith.constant 0 : i32
    %c0_i32_1 = arith.constant 0 : i32
    return %c0_i32, %c0_i32_0 : i32, i32
  }
  func.func @transform_2(%arg0: i32) -> i32 {
    %c0_i32 = arith.constant 0 : i32
    %c0_i32_0 = arith.constant 0 : i32
    return %c0_i32 : i32
  }
  func.func @transform_3(%arg0: i32) -> i32 {
    %c0_i32 = arith.constant 0 : i32
    %c0_i32_0 = arith.constant 0 : i32
    return %c0_i32 : i32
  }
  func.func @transform_4(%arg0: i32) -> (i32, i32) {
    %c0_i32 = arith.constant 0 : i32
    %c0_i32_0 = arith.constant 0 : i32
    return %arg0, %c0_i32 : i32, i32
  }
  func.func @transform_5(%arg0: i32) -> (i32, i32) {
    %c0_i32 = arith.constant 0 : i32
    %c0_i32_0 = arith.constant 0 : i32
    return %arg0, %c0_i32 : i32, i32
  }
  func.func @transform_6(%arg0: i32) -> (i32, i32) {
    %c0_i32 = arith.constant 0 : i32
    %c0_i32_0 = arith.constant 0 : i32
    return %arg0, %c0_i32 : i32, i32
  }
  func.func @transform_7(%arg0: i32) -> (i32, i32) {
    %c0_i32 = arith.constant 0 : i32
    %c0_i32_0 = arith.constant 0 : i32
    return %arg0, %c0_i32 : i32, i32
  }
  func.func @transform_8(%arg0: i32) -> (i32, i32) {
    %c0_i32 = arith.constant 0 : i32
    %c0_i32_0 = arith.constant 0 : i32
    %c0_i32_1 = arith.constant 0 : i32
    return %c0_i32, %c0_i32_0 : i32, i32
  }
  func.func @transform_9(%arg0: i32) -> (i32, i32) {
    %c0_i32 = arith.constant 0 : i32
    %c0_i32_0 = arith.constant 0 : i32
    return %arg0, %c0_i32 : i32, i32
  }
  func.func @transform_10(%arg0: i32) -> (i32, i32) {
    %c0_i32 = arith.constant 0 : i32
    %c0_i32_0 = arith.constant 0 : i32
    return %arg0, %c0_i32 : i32, i32
  }
  func.func @transform_11(%arg0: i32) -> (i32, i32) {
    %c0_i32 = arith.constant 0 : i32
    %c0_i32_0 = arith.constant 0 : i32
    return %arg0, %c0_i32 : i32, i32
  }
  func.func @transform_12(%arg0: i32) -> (i32, i32) {
    %c0_i32 = arith.constant 0 : i32
    %c0_i32_0 = arith.constant 0 : i32
    return %arg0, %c0_i32 : i32, i32
  }
  func.func @transform_13(%arg0: i32) -> (i32, i32) {
    %c0_i32 = arith.constant 0 : i32
    %c0_i32_0 = arith.constant 0 : i32
    return %c0_i32, %arg0 : i32, i32
  }
  func.func @transform_14(%arg0: i32) -> (i32, i32) {
    %c0_i32 = arith.constant 0 : i32
    %c0_i32_0 = arith.constant 0 : i32
    %c0_i32_1 = arith.constant 0 : i32
    return %c0_i32, %c0_i32_0 : i32, i32
  }
}

module attributes {stable_mosaic.version = 14 : i64} {
  func.func @_k2b_body(%arg0: memref<32x20x16x16xf32, #tpu.memory_space<vmem>>, %arg1: memref<8x128xf32, #tpu.memory_space<vmem>>, %arg2: memref<1x16xi32, #tpu.memory_space<vmem>>, %arg3: memref<1x16xf32, #tpu.memory_space<vmem>>) attributes {dimension_semantics = [], scalar_prefetch = 0 : i64, scratch_operands = 0 : i64, tpu.core_type = #tpu.core_type<tc>} {
    %get3A = arith.constant 0 : index
    %get3A_0 = arith.constant 0 : index
    %get3A_1 = arith.constant 0 : index
    %get3A_2 = arith.constant 0 : index
    %get3A_3 = vector.load %arg0[%get3A, %get3A_0, %get3A_1, %get3A_2] : memref<32x20x16x16xf32, #tpu.memory_space<vmem>>, vector<32x20x16x16xf32>
    %reduce_sum3A = arith.constant dense<0.000000e+00> : vector<32x20x16xf32>
    %reduce_sum3A_4 = vector.multi_reduction <add>, %get3A_3, %reduce_sum3A [3] : vector<32x20x16x16xf32> to vector<32x20x16xf32>
    %reduce_sum3A_5 = arith.constant dense<0.000000e+00> : vector<20x16xf32>
    %reduce_sum3A_6 = vector.multi_reduction <add>, %reduce_sum3A_4, %reduce_sum3A_5 [0] : vector<32x20x16xf32> to vector<20x16xf32>
    %reduce_max3A = arith.constant dense<0xFF800000> : vector<16xf32>
    %reduce_max3A_7 = vector.multi_reduction <maximumf>, %reduce_sum3A_6, %reduce_max3A [0] : vector<20x16xf32> to vector<16xf32>
    %broadcast_in_dim3A = vector.shape_cast %reduce_max3A_7 : vector<16xf32> to vector<1x16xf32>
    %iota3A = tpu.iota {dimensions = array<i32: 0>} : vector<20x16xi32>
    %eq3A = vector.broadcast %broadcast_in_dim3A : vector<1x16xf32> to vector<20x16xf32>
    %eq3A_8 = arith.cmpf oeq, %reduce_sum3A_6, %eq3A : vector<20x16xf32>
    %jit3A = arith.constant 1073741824 : i32
    %broadcast_in_dim3A_9 = vector.broadcast %jit3A : i32 to vector<20x16xi32>
    %select_n3A = arith.select %eq3A_8, %iota3A, %broadcast_in_dim3A_9 : vector<20x16xi1>, vector<20x16xi32>
    %reduce_min3A = arith.constant dense<2147483647> : vector<16xi32>
    %reduce_min3A_10 = vector.multi_reduction <minsi>, %select_n3A, %reduce_min3A [0] : vector<20x16xi32> to vector<16xi32>
    %reshape3A = vector.shape_cast %reduce_min3A_10 : vector<16xi32> to vector<1x16xi32>
    %swap3A = arith.constant 0 : index
    %swap3A_11 = arith.constant 0 : index
    %swap3A_12 = vector.load %arg2[%swap3A, %swap3A_11] : memref<1x16xi32, #tpu.memory_space<vmem>>, vector<1x16xi32>
    tpu.vector_store %arg2[%swap3A, %swap3A_11], %reshape3A {strides = array<i32>} : memref<1x16xi32, #tpu.memory_space<vmem>>, vector<1x16xi32>,
    %get3A_13 = arith.constant 0 : index
    %get3A_14 = arith.constant 0 : index
    %get3A_15 = vector.load %arg1[%get3A_13, %get3A_14] : memref<8x128xf32, #tpu.memory_space<vmem>>, vector<8x128xf32>
    %slice3A = vector.extract_strided_slice %get3A_15 {offsets = [0, 0], sizes = [1, 128], strides = [1, 1]} : vector<8x128xf32> to vector<1x128xf32>
    %reduce_min3A_16 = vector.shape_cast %slice3A : vector<1x128xf32> to vector<1x1x128xf32>
    %reduce_min3A_17 = arith.constant dense<0x7F800000> : vector<1xf32>
    %reduce_min3A_18 = vector.multi_reduction <minimumf>, %reduce_min3A_16, %reduce_min3A_17 [1, 2] : vector<1x1x128xf32> to vector<1xf32>
    %reduce_min3A_19 = vector.shape_cast %reduce_min3A_18 : vector<1xf32> to vector<1x1x1xf32>
    %reduce_min3A_20 = vector.extract %reduce_min3A_19[0, 0, 0] : f32 from vector<1x1x1xf32>
    %slice3A_21 = vector.extract_strided_slice %get3A_15 {offsets = [1, 0], sizes = [1, 128], strides = [1, 1]} : vector<8x128xf32> to vector<1x128xf32>
    %reduce_min3A_22 = vector.shape_cast %slice3A_21 : vector<1x128xf32> to vector<1x1x128xf32>
    %reduce_min3A_23 = arith.constant dense<0x7F800000> : vector<1xf32>
    %reduce_min3A_24 = vector.multi_reduction <minimumf>, %reduce_min3A_22, %reduce_min3A_23 [1, 2] : vector<1x1x128xf32> to vector<1xf32>
    %reduce_min3A_25 = vector.shape_cast %reduce_min3A_24 : vector<1xf32> to vector<1x1x1xf32>
    %reduce_min3A_26 = vector.extract %reduce_min3A_25[0, 0, 0] : f32 from vector<1x1x1xf32>
    %slice3A_27 = vector.extract_strided_slice %get3A_15 {offsets = [2, 0], sizes = [1, 128], strides = [1, 1]} : vector<8x128xf32> to vector<1x128xf32>
    %reduce_max3A_28 = vector.shape_cast %slice3A_27 : vector<1x128xf32> to vector<1x1x128xf32>
    %reduce_max3A_29 = arith.constant dense<0xFF800000> : vector<1xf32>
    %reduce_max3A_30 = vector.multi_reduction <maximumf>, %reduce_max3A_28, %reduce_max3A_29 [1, 2] : vector<1x1x128xf32> to vector<1xf32>
    %reduce_max3A_31 = vector.shape_cast %reduce_max3A_30 : vector<1xf32> to vector<1x1x1xf32>
    %reduce_max3A_32 = vector.extract %reduce_max3A_31[0, 0, 0] : f32 from vector<1x1x1xf32>
    %slice3A_33 = vector.extract_strided_slice %get3A_15 {offsets = [3, 0], sizes = [1, 128], strides = [1, 1]} : vector<8x128xf32> to vector<1x128xf32>
    %reduce_max3A_34 = vector.shape_cast %slice3A_33 : vector<1x128xf32> to vector<1x1x128xf32>
    %reduce_max3A_35 = arith.constant dense<0xFF800000> : vector<1xf32>
    %reduce_max3A_36 = vector.multi_reduction <maximumf>, %reduce_max3A_34, %reduce_max3A_35 [1, 2] : vector<1x1x128xf32> to vector<1xf32>
    %reduce_max3A_37 = vector.shape_cast %reduce_max3A_36 : vector<1xf32> to vector<1x1x1xf32>
    %reduce_max3A_38 = vector.extract %reduce_max3A_37[0, 0, 0] : f32 from vector<1x1x1xf32>
    %sub3A = arith.subf %reduce_max3A_32, %reduce_min3A_20 : f32
    %add3A = arith.constant 9.99999997E-7 : f32
    %add3A_39 = arith.addf %sub3A, %add3A : f32
    %sub3A_40 = arith.subf %reduce_max3A_38, %reduce_min3A_26 : f32
    %add3A_41 = arith.constant 9.99999997E-7 : f32
    %add3A_42 = arith.addf %sub3A_40, %add3A_41 : f32
    %iota3A_43 = tpu.iota {dimensions = array<i32: 1>} : vector<1x16xi32>
    %eq3A_44 = arith.constant 0 : i32
    %eq3A_45 = vector.broadcast %eq3A_44 : i32 to vector<1x16xi32>
    %eq3A_46 = arith.cmpi eq, %iota3A_43, %eq3A_45 : vector<1x16xi32>
    %eq3A_47 = arith.constant 1 : i32
    %eq3A_48 = vector.broadcast %eq3A_47 : i32 to vector<1x16xi32>
    %eq3A_49 = arith.cmpi eq, %iota3A_43, %eq3A_48 : vector<1x16xi32>
    %eq3A_50 = arith.constant 2 : i32
    %eq3A_51 = vector.broadcast %eq3A_50 : i32 to vector<1x16xi32>
    %eq3A_52 = arith.cmpi eq, %iota3A_43, %eq3A_51 : vector<1x16xi32>
    %eq3A_53 = arith.constant 3 : i32
    %eq3A_54 = vector.broadcast %eq3A_53 : i32 to vector<1x16xi32>
    %eq3A_55 = arith.cmpi eq, %iota3A_43, %eq3A_54 : vector<1x16xi32>
    %jit3A_56 = arith.constant 0.000000e+00 : f32
    %broadcast_in_dim3A_57 = vector.broadcast %add3A_42 : f32 to vector<1x16xf32>
    %broadcast_in_dim3A_58 = vector.broadcast %jit3A_56 : f32 to vector<1x16xf32>
    %select_n3A_59 = arith.select %eq3A_55, %broadcast_in_dim3A_57, %broadcast_in_dim3A_58 : vector<1x16xi1>, vector<1x16xf32>
    %broadcast_in_dim3A_60 = vector.broadcast %add3A_39 : f32 to vector<1x16xf32>
    %select_n3A_61 = arith.select %eq3A_52, %broadcast_in_dim3A_60, %select_n3A_59 : vector<1x16xi1>, vector<1x16xf32>
    %broadcast_in_dim3A_62 = vector.broadcast %reduce_min3A_26 : f32 to vector<1x16xf32>
    %select_n3A_63 = arith.select %eq3A_49, %broadcast_in_dim3A_62, %select_n3A_61 : vector<1x16xi1>, vector<1x16xf32>
    %broadcast_in_dim3A_64 = vector.broadcast %reduce_min3A_20 : f32 to vector<1x16xf32>
    %select_n3A_65 = arith.select %eq3A_46, %broadcast_in_dim3A_64, %select_n3A_63 : vector<1x16xi1>, vector<1x16xf32>
    %swap3A_66 = arith.constant 0 : index
    %swap3A_67 = arith.constant 0 : index
    %swap3A_68 = vector.load %arg3[%swap3A_66, %swap3A_67] : memref<1x16xf32, #tpu.memory_space<vmem>>, vector<1x16xf32>
    tpu.vector_store %arg3[%swap3A_66, %swap3A_67], %select_n3A_65 {strides = array<i32>} : memref<1x16xf32, #tpu.memory_space<vmem>>, vector<1x16xf32>,
    return
  }
}

module attributes {stable_mosaic.version = 14 : i64} {
  func.func @_k3_body(%arg0: i32, %arg1: memref<2x20x4096xf32, #tpu.memory_space<vmem>>, %arg2: memref<2x8192xf32, #tpu.memory_space<vmem>>, %arg3: memref<4096xi32, #tpu.memory_space<vmem>>, %arg4: memref<8192xf32, #tpu.memory_space<vmem>>) attributes {dimension_semantics = [#tpu.dimension_semantics<arbitrary>], iteration_bounds = array<i64: 16>, scalar_prefetch = 0 : i64, scratch_operands = 0 : i64, tpu.core_type = #tpu.core_type<tc>, window_params = [{transform_indices = @transform_0, window_bounds = array<i64: 2, 20, 4096>}, {transform_indices = @transform_1, window_bounds = array<i64: 2, 8192>}, {transform_indices = @transform_2, window_bounds = array<i64: 4096>}, {transform_indices = @transform_3, window_bounds = array<i64: 8192>}]} {
    %get3A = arith.constant 0 : index
    %get3A_0 = arith.constant 0 : index
    %get3A_1 = arith.constant 0 : index
    %get3A_2 = vector.load %arg1[%get3A, %get3A_0, %get3A_1] : memref<2x20x4096xf32, #tpu.memory_space<vmem>>, vector<2x20x4096xf32>
    %slice3A = vector.extract_strided_slice %get3A_2 {offsets = [0, 0, 0], sizes = [1, 20, 4096], strides = [1, 1, 1]} : vector<2x20x4096xf32> to vector<1x20x4096xf32>
    %squeeze3A = vector.shape_cast %slice3A : vector<1x20x4096xf32> to vector<20x4096xf32>
    %slice3A_3 = vector.extract_strided_slice %get3A_2 {offsets = [1, 0, 0], sizes = [1, 20, 4096], strides = [1, 1, 1]} : vector<2x20x4096xf32> to vector<1x20x4096xf32>
    %squeeze3A_4 = vector.shape_cast %slice3A_3 : vector<1x20x4096xf32> to vector<20x4096xf32>
    %add3A = arith.addf %squeeze3A, %squeeze3A_4 : vector<20x4096xf32>
    %reduce_max3A = arith.constant dense<0xFF800000> : vector<4096xf32>
    %reduce_max3A_5 = vector.multi_reduction <maximumf>, %add3A, %reduce_max3A [0] : vector<20x4096xf32> to vector<4096xf32>
    %broadcast_in_dim3A = vector.shape_cast %reduce_max3A_5 : vector<4096xf32> to vector<1x4096xf32>
    %iota3A = tpu.iota {dimensions = array<i32: 0>} : vector<20x4096xi32>
    %eq3A = vector.broadcast %broadcast_in_dim3A : vector<1x4096xf32> to vector<20x4096xf32>
    %eq3A_6 = arith.cmpf oeq, %add3A, %eq3A : vector<20x4096xf32>
    %jit3A = arith.constant 1073741824 : i32
    %broadcast_in_dim3A_7 = vector.broadcast %jit3A : i32 to vector<20x4096xi32>
    %select_n3A = arith.select %eq3A_6, %iota3A, %broadcast_in_dim3A_7 : vector<20x4096xi1>, vector<20x4096xi32>
    %reduce_min3A = arith.constant dense<2147483647> : vector<4096xi32>
    %reduce_min3A_8 = vector.multi_reduction <minsi>, %select_n3A, %reduce_min3A [0] : vector<20x4096xi32> to vector<4096xi32>
    %swap3A = arith.constant 0 : index
    %swap3A_9 = vector.load %arg3[%swap3A] : memref<4096xi32, #tpu.memory_space<vmem>>, vector<4096xi32>
    tpu.vector_store %arg3[%swap3A], %reduce_min3A_8 {strides = array<i32>} : memref<4096xi32, #tpu.memory_space<vmem>>, vector<4096xi32>,
    %get3A_10 = arith.constant 0 : index
    %get3A_11 = arith.constant 0 : index
    %get3A_12 = vector.load %arg2[%get3A_10, %get3A_11] : memref<2x8192xf32, #tpu.memory_space<vmem>>, vector<2x8192xf32>
    %slice3A_13 = vector.extract_strided_slice %get3A_12 {offsets = [0, 0], sizes = [1, 8192], strides = [1, 1]} : vector<2x8192xf32> to vector<1x8192xf32>
    %squeeze3A_14 = vector.shape_cast %slice3A_13 : vector<1x8192xf32> to vector<8192xf32>
    %slice3A_15 = vector.extract_strided_slice %get3A_12 {offsets = [1, 0], sizes = [1, 8192], strides = [1, 1]} : vector<2x8192xf32> to vector<1x8192xf32>
    %squeeze3A_16 = vector.shape_cast %slice3A_15 : vector<1x8192xf32> to vector<8192xf32>
    %add3A_17 = arith.addf %squeeze3A_14, %squeeze3A_16 : vector<8192xf32>
    %swap3A_18 = arith.constant 0 : index
    %swap3A_19 = vector.load %arg4[%swap3A_18] : memref<8192xf32, #tpu.memory_space<vmem>>, vector<8192xf32>
    tpu.vector_store %arg4[%swap3A_18], %add3A_17 {strides = array<i32>} : memref<8192xf32, #tpu.memory_space<vmem>>, vector<8192xf32>,
    return
  }
  func.func @transform_0(%arg0: i32) -> (i32, i32, i32) {
    %c0_i32 = arith.constant 0 : i32
    %c0_i32_0 = arith.constant 0 : i32
    %c0_i32_1 = arith.constant 0 : i32
    return %c0_i32, %c0_i32_0, %arg0 : i32, i32, i32
  }
  func.func @transform_1(%arg0: i32) -> (i32, i32) {
    %c0_i32 = arith.constant 0 : i32
    %c0_i32_0 = arith.constant 0 : i32
    return %c0_i32, %arg0 : i32, i32
  }
  func.func @transform_2(%arg0: i32) -> i32 {
    %c0_i32 = arith.constant 0 : i32
    return %arg0 : i32
  }
  func.func @transform_3(%arg0: i32) -> i32 {
    %c0_i32 = arith.constant 0 : i32
    return %arg0 : i32
  }
}

</mosaic_0001>

<sc_bundles>
// kernel: kernel.10.cloned.1.call-start
scs
__scs_entry_jumppad:
0x0: {  	(pc) =	sbr.rel $0x88, $3  }
0x1: {  	(tag) =	ssettag $0x0;
	lr =	simm.s32 $0x1  }
0x2: {  	[smem:$0x3F98] =	sst lr;
	_ =	strace $0xD0000000  }
0x3: {  	_ = 	snop  }
0x4: {  	_ = 	snop  }
0x5: {  	_ = 	snop  }
0x6: {  	_ = 	snop  }
0x7: {  	_ = 	snop  }
__scs_overlays_trampoline_lowered:
0x8: {  	[smem:$0x3FA7] =	sst s0  }
0x9: {  	[smem:$0x3FA8] =	sst s1  }
0xa: {  	[smem:$0x3FA9] =	sst s2  }
0xb: {  	[smem:$0x3FAA] =	sst s3  }
0xc: {  	[smem:$0x3FAB] =	sst s4  }
0xd: {  	[smem:$0x3FAC] =	sst s5  }
0xe: {  	[smem:$0x3FAD] =	sst s6  }
0xf: {  	[smem:$0x3FAE] =	sst s7  }
0x10: {  	[smem:$0x3FAF] =	sst s8  }
0x11: {  	[smem:$0x3FB0] =	sst s9;
	s0 =	simm.s32 @!p0 $0x0  }
0x12: {  	s1 =	sld [smem:$0x3F96];
	s0 =	simm.s32 @p0 $0x1  }
0x13: {  	[smem:$0x3FB1] =	sst s0;
	s0 =	simm.s32 @!p1 $0x0  }
0x14: {  	s2 =	sld [smem:$0x3F95];
	s0 =	simm.s32 @p1 $0x1  }
0x15: {  	[smem:$0x3FB2] =	sst s0;
	s0 =	simm.s32 @!p2 $0x0  }
0x16: {  	s3 =	sld [smem:$0x3FDB];
	s0 =	simm.s32 @p2 $0x1  }
0x17: {  	s4 =	simm.s32 $0x1BF5;
	[smem:$0x3FB4] =	sst s0  }
0x18: {  	s0 =	sld [smem:$0x3F97];
	_ =	swait.ge [sflag:s4], $0x0  }
0x19: {  	s7 =	sld [smem:$0x3F98]  }
0x1a: {  	s8 =	sadd.s32 $0xFFFFE003, lr  }
0x1b: {  	s9 =	sadd.s32 $0xFFFFFEF7, lr;
	s5 =	simm.s32 $0xFFFFFFFF;
	p2 =	slt.u32 s8, $0xFFFFF086  }
0x1c: {  	p1 =	slt.u32 s9, $0xF7A;
	s5 =	simm.s32 @!p2 $0x0  }
0x1d: {  	s5 =	simm.s32 @p1 $0x1;
	p0 =	seq.s32 s7, s2  }
0x1e: {  	s7 =	smul.u32 @!p0 $0xF7A, s2;
	p2 =	seq.s32 @!p0 s5, $0x0  }
0x1f: {  	s9 =	smul.u32 $0xF7A, s1;
	s8 =	simm.s32 @!p0 $0x1BF5;
	p2 =	por !p2, p0  }
0x20: {  	[sflag:s8] =	ssyncset.s32 @!p0 $0xFFFFF086;
	s6 =	sadd.s32 @!p0 s3, s7;
	s7 =	simm.s32 @!p0 $0x108  }
0x21: {  	s3 =	sadd.s32 s3, s9;
	s6 =	sadd.s32 @!p0 $0x88, s6;
	s7 =	simm.s32 @p2 $0x1082  }
0x22: {  	[simem:s7], [sflag:s8] =	dma.local @!p0 [hbm:s6], $0xF7A  }
0x23: {  	s9 =	sor.u32 $0xD0000000, s2;
	s6 =	simm.s32 $0x108;
	_ =	swait.ge @!p0 [sflag:s8], $0x0  }
0x24: {  	s3 =	sadd.s32 $0x88, s3;
	s6 =	simm.s32 @!p1 $0x1082;
	[sflag:s4] =	ssyncset.s32 $0xFFFFF086  }
0x25: {  	[simem:s6], [sflag:s4] =	dma.local [hbm:s3], $0xF7A  }
0x26: {  	[smem:$0x3F98] =	sst s1;
	(tag) =	ssettag s2;
	_ =	strace s9  }
0x27: {  	s1 =	sld [smem:$0x3FA8]  }
0x28: {  	s2 =	sld [smem:$0x3FA9]  }
0x29: {  	s4 =	sld [smem:$0x3FAB]  }
0x2a: {  	p0 =	seq.s32 s5, $0x0;
	s5 =	sld [smem:$0x3FAC]  }
0x2b: {  	s6 =	sld [smem:$0x3FAD]  }
0x2c: {  	s7 =	sld [smem:$0x3FAE]  }
0x2d: {  	s3 =	simm.s32 $0x108;
	s8 =	sld [smem:$0x3FAF]  }
0x2e: {  	s3 =	simm.s32 @!p0 $0x1082;
	s9 =	sld [smem:$0x3FB0]  }
0x2f: {  	lr =	sadd.s32 s0, s3;
	s0 =	sld [smem:$0x3FA7]  }
0x30: {  	s3 =	sld [smem:$0x3FAA]  }
0x31: {  	[smem:$0x3FB3] =	sst s10  }
0x32: {  	s10 =	sld [smem:$0x3FB1];
	_ =	sdelay $0x3  }
0x33: {  	p0 =	seq.s32 s10, $0x1;
	s10 =	sld [smem:$0x3FB3];
	_ =	sdelay $0x3  }
0x34: {  	[smem:$0x3FB3] =	sst s10  }
0x35: {  	s10 =	sld [smem:$0x3FB2];
	_ =	sdelay $0x3  }
0x36: {  	p1 =	seq.s32 s10, $0x1;
	s10 =	sld [smem:$0x3FB3];
	_ =	sdelay $0x3  }
0x37: {  	[smem:$0x3FB3] =	sst s10  }
0x38: {  	s10 =	sld [smem:$0x3FB4]  }
0x39: {  	_ = 	snop;
	(pc) =	sbr.ind lr, $3  }
0x3a: {  	_ = 	snop  }
0x3b: {  	_ = 	snop  }
0x3c: {  	p2 =	seq.s32 s10, $0x1;
	s10 =	sld [smem:$0x3FB3]  }
0x3d: {  	_ =	shalt  }
0x3e: {  	_ =	shalt  }
0x3f: {  	_ =	shalt  }
0x40: {  	_ =	shalt  }
0x41: {  	_ =	shalt  }
0x42: {  	_ =	shalt  }
0x43: {  	_ =	shalt  }
0x44: {  	_ =	shalt  }
0x45: {  	_ =	shalt  }
0x46: {  	_ =	shalt  }
0x47: {  	_ =	shalt  }
0x48: {  	_ =	shalt  }
0x49: {  	_ =	shalt  }
0x4a: {  	_ =	shalt  }
0x4b: {  	_ =	shalt  }
0x4c: {  	_ =	shalt  }
0x4d: {  	_ =	shalt  }
0x4e: {  	_ =	shalt  }
0x4f: {  	_ =	shalt  }
0x50: {  	_ =	shalt  }
0x51: {  	_ =	shalt  }
0x52: {  	_ =	shalt  }
0x53: {  	_ =	shalt  }
0x54: {  	_ =	shalt  }
0x55: {  	_ =	shalt  }
0x56: {  	_ =	shalt  }
0x57: {  	_ =	shalt  }
0x58: {  	_ =	shalt  }
0x59: {  	_ =	shalt  }
0x5a: {  	_ =	shalt  }
0x5b: {  	_ =	shalt  }
0x5c: {  	_ =	shalt  }
0x5d: {  	_ =	shalt  }
0x5e: {  	_ =	shalt  }
0x5f: {  	_ =	shalt  }
0x60: {  	_ =	shalt  }
0x61: {  	_ =	shalt  }
0x62: {  	_ =	shalt  }
0x63: {  	_ =	shalt  }
0x64: {  	_ =	shalt  }
0x65: {  	_ =	shalt  }
0x66: {  	_ =	shalt  }
0x67: {  	_ =	shalt  }
0x68: {  	_ =	shalt  }
0x69: {  	_ =	shalt  }
0x6a: {  	_ =	shalt  }
0x6b: {  	_ =	shalt  }
0x6c: {  	_ =	shalt  }
0x6d: {  	_ =	shalt  }
0x6e: {  	_ =	shalt  }
0x6f: {  	_ =	shalt  }
0x70: {  	_ =	shalt  }
0x71: {  	_ =	shalt  }
0x72: {  	_ =	shalt  }
0x73: {  	_ =	shalt  }
0x74: {  	_ =	shalt  }
0x75: {  	_ =	shalt  }
0x76: {  	_ =	shalt  }
0x77: {  	_ =	shalt  }
0x78: {  	_ =	shalt  }
0x79: {  	_ =	shalt  }
0x7a: {  	_ =	shalt  }
0x7b: {  	_ =	shalt  }
0x7c: {  	_ =	shalt  }
0x7d: {  	_ =	shalt  }
0x7e: {  	_ =	shalt  }
0x7f: {  	_ =	shalt  }
0x80: {  	_ =	shalt  }
0x81: {  	_ =	shalt  }
0x82: {  	_ =	shalt  }
0x83: {  	_ =	shalt  }
0x84: {  	_ =	shalt  }
0x85: {  	_ =	shalt  }
0x86: {  	_ =	shalt  }
0x87: {  	_ =	shalt  }
.Lfunc_end0:
.L_simem_size_0:
called_computation.1_lowered:
.L_overlay_start_0:
0x88: {  	s2 =	sld [smem:$0x3FD9]  }
0x89: {  	s3 =	sld [smem:$0x3FFE];
	_ =	sdelay $0x1  }
0x8a: {  	s1 =	srdreg.scid  }
0x8b: {  	s0 =	sand.u32 $0x1, s1  }
0x8c: {  	s14 =	sshll.u32 s0, $0xA;
	s2 =	sadd.s32 s3, s2  }
0x8d: {  	s2 =	sadd.s32 s2, s14  }
0x8e: {  	[smem:$0x3FBF] =	sst s2  }
0x8f: {  	_ = 	snop  }
0x90: {  	s2 =	sld [smem:$0x3FD0];
	_ =	sdelay $0x2  }
0x91: {  	s15 =	simm.s32 $0xA;
	s4 =	simm.s32 $0x10  }
0x92: {  	[smem:s4], [sflag:s15] =	dma.local [hbm:s2], $0x1  }
0x93: {  	_ =	swait.eq [sflag:s15], $0x1  }
0x94: {  	[sflag:s15] =	ssyncset.done $0x0  }
0x95: {  	s16 =	sld [smem:$0x10];
	[sflag:s15] =	ssyncadd.s32 $0xFFFFFFFF  }
0x96: {  	s17 =	sld [smem:$0x11];
	(tm) =	ssettm $0x1  }
0x97: {  	s18 =	sld [smem:$0x3FFB];
	_ =	sdelay $0x3  }
0x98: {  	_ =	strace s18  }
0x99: {  	s4 =	sld [smem:$0x3FFC];
	_ =	sdelay $0x3  }
0x9a: {  	_ =	strace s4  }
0x9b: {  	s4 =	sld [smem:$0x3FFD];
	_ =	sdelay $0x3  }
0x9c: {  	_ =	strace s4  }
0x9d: {  	_ =	strace $0x8FFFFFFF  }
0x9e: {  	s19 =	sld [smem:$0x3FDB];
	_ =	sdelay $0x1  }
0x9f: {  	s5 =	simm.s32 $_scs_section_size  }
0xa0: {  	s6 =	simm.s32 $_size__tile_overlayer_lowered;
	s7 =	simm.s32 $_tile_overlayer_lowered  }
0xa1: {  	s22 =	simm.s32 $0x1BFF;
	s21 =	sshll.u32 s7, $0x1;
	s4 =	sadd.s32 s5, s19  }
0xa2: {  	s8 =	simm.s32 $0x0;
	s20 =	sshll.u32 s6, $0x1;
	s6 =	sadd.s32 s21, s4  }
0xa3: {  	[timem:s8], [sflag:s22] =	dma.local [hbm:s6], s20  }
0xa4: {  	_ =	swait.ge [sflag:s22], s20  }
0xa5: {  	s5 =	ssub.s32 $0x0, s20;
	[sflag:s22] =	ssyncset.done $0x0  }
0xa6: {  	[sflag:s22] =	ssyncadd.s32 s5;
	_ =	sdelay $0x1  }
0xa7: {  	s23 =	simm.s32 $0x1B8B  }
0xa8: {  	_ =	swait.ge [sflag:s23], $0x1  }
0xa9: {  	[sflag:s23] =	ssyncset.done $0x0  }
0xaa: {  	s25 =	simm.s32 $0x1B8E;
	s24 =	sld [smem:$0x3FFE];
	[sflag:s23] =	ssyncadd.s32 $0xFFFFFFFF  }
0xab: {  	s26 =	simm.s32 $execute0_lowered;
	[smem:$0x3FD2] =	sst s25  }
0xac: {  	s6 =	sshll.u32 s26, $0x1;
	_ =	strace $0x80000049;
	[dreg:$0x1] =	wrdreg $0xFFFFFFFF  }
0xad: {  	s28 =	simm.s32 $_size_execute0_lowered;
	s4 =	sadd.s32 s4, s6;
	[dreg:$0x0] =	wrdreg $0x0  }
0xae: {  	s6 =	sshll.u32 s28, $0x1;
	[dreg:$0x2] =	wrdreg s4  }
0xaf: {  	[dreg:$0x3] =	wrdreg s6  }
0xb0: {  	[dreg:$0x4] =	wrdreg $0xC0  }
0xb1: {  	_ =	task [dreg:s8], $0x5FFFF  }
0xb2: {  	[dreg:$0x1] =	wrdreg $0xFFFFFFFF  }
0xb3: {  	[dreg:$0x0] =	wrdreg $0x60  }
0xb4: {  	[dreg:$0x2] =	wrdreg s16  }
0xb5: {  	[dreg:$0x3] =	wrdreg s24  }
0xb6: {  	[dreg:$0x4] =	wrdreg s17  }
0xb7: {  	[dreg:$0x5] =	wrdreg $0x81000  }
0xb8: {  	[dreg:$0x6] =	wrdreg $0x1C1000  }
0xb9: {  	[dreg:$0x7] =	wrdreg $0x9  }
0xba: {  	_ =	task.clear_ibuf [dreg:s8], $0x8FFFF;
	_ =	strace $0x90000049  }
0xbb: {  	s29 =	simm.s32 $0x9;
	_ =	strace $0x8000004B  }
0xbc: {  	_ =	swait.ge [sflag:s29], $0x1  }
0xbd: {  	[sflag:s29] =	ssyncadd.s32 $0xFFFFFFFF  }
0xbe: {  	_ =	strace $0x9000004B  }
0xbf: {  	_ =	sfence  }
0xc0: {  	s30 =	sld [smem:$0x0];
	_ =	sdelay $0x2  }
0xc1: {  	s31 =	sshll.u32 s1, $0xD;
	s1 =	sshrl.u32 s1, $0x2  }
0xc2: {  	s3 =	sand.u32 $0x4000, s31;
	s1 =	sadd.s32 s1, s30  }
0xc3: {  	s0 =	sor.u32 s3, s0;
	s1 =	sshll.u32 s1, $0x11  }
0xc4: {  	s0 =	sor.u32 s1, s0  }
0xc5: {  	s0 =	sadd.s32 $0x8F2B, s0  }
0xc6: {  	[sflag:s0] =	ssyncadd.remote.s32 $0x1  }
0xc7: {  	_ =	sfence.sel $0xFFFF  }
0xc8: {  	[dreg:$0x0] =	wrdreg $0xFFFFFFFF;
	(pc) =	sbr.abs _section_cstart, $3  }
0xc9: {  	[dreg:$0x1] =	wrdreg $0xFFFFFFFF  }
0xca: {  	_ =	task.clear_ibuf [dreg:s8], $0x2FFFF;
	_ =	strace $0x9FFFFFFF  }
0xcb: {  	(tm) =	ssettm $0x7FFFFFFF  }
tec
execute0_lowered:
.L_overlay_start_1:
0x0: {  	(tag) =	ssettag $0x1  }
0x1: {  	s0 =	rddreg [dreg:$0x0]  }
0x2: {  	s1 =	rddreg [dreg:$0x1]  }
0x3: {  	s2 =	rddreg [dreg:$0x3]  }
0x4: {  	s3 =	rddreg [dreg:$0x4];
	s4 =	simm.s32 $0x0;
	s5 =	srdreg.scid  }
0x5: {  	s13 =	stileid.u32;
	[smem:$0x7FF] =	sst s4  }
0x6: {  	s26 =	sadd.s32 $0x16600, s1;
	s6 =	sadd.s32 $0x9600, s1;
	s5 =	sand.u32 $0x1, s5  }
0x7: {  	s7 =	smul.u32 $0x28000, s13;
	s8 =	sadd.s32 $0xD600, s1;
	s10 =	sshll.u32 s13, $0xE  }
0x8: {  	s11 =	sadd.s32 $0x1600, s1;
	s17 =	sadd.s32 $0x11600, s1;
	s18 =	smul.u32 $0x50000, s13  }
0x9: {  	s13 =	sshll.u32 s13, $0xD;
	s4 =	simm.s32 $0x1;
	_ =	strace $0x8000004A  }
0xa: {  	s9 =	sshll.u32 s5, $0x7;
	[dreg:$0x6] =	wrdreg s17;
	s12 =	ssub.s32 $0x2, s5  }
0xb: {  	s5 =	sshll.u32 s5, $0xC;
	s7 =	sor.u32 s9, s7;
	s9 =	sor.u32 s9, s10  }
0xc: {  	s14 =	sshrl.u32 s12, $0x1;
	s5 =	sor.u32 s5, s13;
	s7 =	sshrl.u32 s7, $0x3  }
0xd: {  	s9 =	sshrl.u32 s9, $0x3;
	s12 =	ssub.s32 s12, s14;
	s19 =	sshrl.u32 s5, $0x3  }
0xe: {  	s21 =	sshrl.u32 s5, $0x7;
	s5 =	sshrl.u32 s5, $0x2;
	s10 =	sadd.s32 s7, s1  }
0xf: {  	s9 =	sadd.s32 s9, s1;
	s7 =	sshrl.u32 s18, $0x2;
	s20 =	sadd.s32 s0, s19  }
0x10: {  	s16 =	sadd.s32 s26, s19;
	s22 =	sadd.s32 s6, s19;
	[dreg:$0x8] =	wrdreg s20  }
0x11: {  	s17 =	sor.u32 $0x10, s21;
	s14 =	sadd.s32 s8, s19;
	[dreg:$0x9] =	wrdreg s16  }
0x12: {  	s1 =	sadd.s32 $0x1610, s1;
	s7 =	sadd.s32 s7, s2;
	[dreg:$0xa] =	wrdreg s22  }
0x13: {  	[dreg:$0xb] =	wrdreg s14;
	s23 =	sshll.u32 s17, $0x4;
	s18 =	sadd.s32 s5, s1  }
0x14: {  	s22 =	sadd.s32 s13, s3;
	s15 =	sadd.s32 $0x2000, s7;
	s0 =	sadd.s32 s0, s23  }
0x15: {  	s24 =	sadd.s32 s26, s23;
	s25 =	sadd.s32 s6, s23;
	s16 =	sadd.s32 s8, s23  }
0x16: {  	s26 =	sshll.u32 s17, $0x5;
	s17 =	sadd.s32 s11, s5;
	s21 =	sadd.s32 $0x4000, s7  }
0x17: {  	s23 =	sadd.s32 $0x1A600, s10;
	s28 =	sadd.s32 $0x8000, s7;
	[dreg:$0x7] =	wrdreg s15  }
0x18: {  	s29 =	sadd.s32 $0xA000, s7;
	s30 =	sadd.s32 $0xC000, s7;
	[dreg:$0xc] =	wrdreg s0  }
0x19: {  	s31 =	sadd.s32 $0xE000, s7;
	s5 =	simm.s32 $0x6000;
	[dreg:$0xd] =	wrdreg s24  }
0x1a: {  	s6 =	simm.s32 $0x6100;
	s8 =	simm.s32 $0x100;
	[dreg:$0xe] =	wrdreg s25  }
0x1b: {  	s19 =	sadd.s32 s11, s26;
	s20 =	sadd.s32 s26, s1;
	s24 =	sadd.s32 $0x6A600, s9  }
0x1c: {  	s25 =	smax.u32 s12, $0x1;
	s26 =	sadd.s32 $0x6000, s7;
	s0 =	sadd.s32 $0x10000, s7  }
0x1d: {  	v0 =	vimm.f32 $0.0e+00;
	s1 =	sadd.s32 $0x12000, s7;
	s9 =	simm.s32 $0x80;
	s11 =	simm.s32 $0x0  }
.LBB2_1:
0x1e: {  	s10 =	rddreg [dreg:$0x2];
	s12 =	simm.s32 $0x0  }
0x1f: {  	[tilespmem:s5], [sflag:$0x1] =	stream.linear.gather [hbm4b:s10+s12], $0x80, $0x38;
	[tilespmem:$0x1E100] =	vst v63  }
0x20: {  	_ =	swait.ge [sflag:s4], $0x80  }
0x21: {  	[sflag:s4] =	ssyncset.done $0x0  }
0x22: {  	s13 =	simm.s32 $0x6080;
	s15 =	rddreg [dreg:$0x6];
	[sflag:s4] =	ssyncadd.s32 $0xFFFFFF80  }
0x23: {  	[tilespmem:s13], [sflag:$0x1] =	stream.linear.gather [hbm4b:s15+s12], $0x80, $0x38;
	[tilespmem:$0x1E100] =	vst v63  }
0x24: {  	_ =	swait.ge [sflag:s4], $0x80  }
0x25: {  	[sflag:s4] =	ssyncset.done $0x0  }
0x26: {  	[sflag:s4] =	ssyncadd.s32 $0xFFFFFF80  }
0x27: {  	s10 =	simm.s32 $0x40;
	s12 =	simm.s32 $0x0;
	v1 =	vld [tilespmem:$0x6080]  }
.LBB2_2:
0x28: {  	p0 =	sne.s32 s10, $0x7FC0;
	[tilespmem:s12+$0x6100] =	vst v0;
	s12 =	smov.u32 s10;
	s10 =	sadd.s32 $0x40, s10  }
.Ltmp0:
0x29: {  	(pc) =	sbr.rel @p0 .LBB2_2-.Ltmp0, $2  }
0x2a: {  	_ =	sdelay $0x2  }
0x2b: {  	s12 =	sshra.s32 s12, $0x2  }
0x2c: {  	[tilespmem:s12+$0x6100] =	vst v0  }
0x2d: {  	[spmem:s7] =	stream.linear.scatter [tilespmem:s6], [sflag:$0x1], $0x2000, $0x38;
	[tilespmem:$0x1E100] =	vst v63  }
0x2e: {  	_ =	swait.ge [sflag:s4], $0x2000  }
0x2f: {  	[sflag:s4] =	ssyncset.done $0x0  }
0x30: {  	s10 =	rddreg [dreg:$0x7];
	[sflag:s4] =	ssyncadd.s32 $0xFFFFE000  }
0x31: {  	[spmem:s10] =	stream.linear.scatter [tilespmem:s6], [sflag:$0x1], $0x2000, $0x38;
	[tilespmem:$0x1E100] =	vst v63  }
0x32: {  	_ =	swait.ge [sflag:s4], $0x2000  }
0x33: {  	[sflag:s4] =	ssyncset.done $0x0  }
0x34: {  	[sflag:s4] =	ssyncadd.s32 $0xFFFFE000  }
0x35: {  	[spmem:s21] =	stream.linear.scatter [tilespmem:s6], [sflag:$0x1], $0x2000, $0x38;
	[tilespmem:$0x1E100] =	vst v63  }
0x36: {  	_ =	swait.ge [sflag:s4], $0x2000  }
0x37: {  	[sflag:s4] =	ssyncset.done $0x0  }
0x38: {  	[sflag:s4] =	ssyncadd.s32 $0xFFFFE000  }
0x39: {  	[spmem:s26] =	stream.linear.scatter [tilespmem:s6], [sflag:$0x1], $0x2000, $0x38;
	[tilespmem:$0x1E100] =	vst v63  }
0x3a: {  	_ =	swait.ge [sflag:s4], $0x2000  }
0x3b: {  	[sflag:s4] =	ssyncset.done $0x0  }
0x3c: {  	[sflag:s4] =	ssyncadd.s32 $0xFFFFE000  }
0x3d: {  	[spmem:s28] =	stream.linear.scatter [tilespmem:s6], [sflag:$0x1], $0x2000, $0x38;
	[tilespmem:$0x1E100] =	vst v63  }
0x3e: {  	_ =	swait.ge [sflag:s4], $0x2000  }
0x3f: {  	[sflag:s4] =	ssyncset.done $0x0  }
0x40: {  	[sflag:s4] =	ssyncadd.s32 $0xFFFFE000  }
0x41: {  	[spmem:s29] =	stream.linear.scatter [tilespmem:s6], [sflag:$0x1], $0x2000, $0x38;
	[tilespmem:$0x1E100] =	vst v63  }
0x42: {  	_ =	swait.ge [sflag:s4], $0x2000  }
0x43: {  	[sflag:s4] =	ssyncset.done $0x0  }
0x44: {  	[sflag:s4] =	ssyncadd.s32 $0xFFFFE000  }
0x45: {  	[spmem:s30] =	stream.linear.scatter [tilespmem:s6], [sflag:$0x1], $0x2000, $0x38;
	[tilespmem:$0x1E100] =	vst v63  }
0x46: {  	_ =	swait.ge [sflag:s4], $0x2000  }
0x47: {  	[sflag:s4] =	ssyncset.done $0x0  }
0x48: {  	[sflag:s4] =	ssyncadd.s32 $0xFFFFE000  }
0x49: {  	[spmem:s31] =	stream.linear.scatter [tilespmem:s6], [sflag:$0x1], $0x2000, $0x38;
	[tilespmem:$0x1E100] =	vst v63  }
0x4a: {  	_ =	swait.ge [sflag:s4], $0x2000  }
0x4b: {  	[sflag:s4] =	ssyncset.done $0x0  }
0x4c: {  	[sflag:s4] =	ssyncadd.s32 $0xFFFFE000  }
0x4d: {  	[spmem:s0] =	stream.linear.scatter [tilespmem:s6], [sflag:$0x1], $0x2000, $0x38;
	[tilespmem:$0x1E100] =	vst v63  }
0x4e: {  	_ =	swait.ge [sflag:s4], $0x2000  }
0x4f: {  	[sflag:s4] =	ssyncset.done $0x0  }
0x50: {  	[sflag:s4] =	ssyncadd.s32 $0xFFFFE000  }
0x51: {  	[spmem:s1] =	stream.linear.scatter [tilespmem:s6], [sflag:$0x1], $0x2000, $0x38;
	[tilespmem:$0x1E100] =	vst v63  }
0x52: {  	_ =	swait.ge [sflag:s4], $0x2000  }
0x53: {  	[sflag:s4] =	ssyncset.done $0x0  }
0x54: {  	[sflag:s4] =	ssyncadd.s32 $0xFFFFE000  }
0x55: {  	[spmem:s22] =	stream.linear.scatter [tilespmem:s6], [sflag:$0x1], $0x2000, $0x38;
	[tilespmem:$0x1E100] =	vst v63  }
0x56: {  	_ =	swait.ge [sflag:s4], $0x2000  }
0x57: {  	[sflag:s4] =	ssyncset.done $0x0  }
0x58: {  	[sflag:s4] =	ssyncadd.s32 $0xFFFFE000  }
0x59: {  	[bflag:$0x0] =	sbarrier.arrive $0xFFFF  }
0x5a: {  	s10 =	simm.s32 $0x0;
	s14 =	rddreg [dreg:$0x8]  }
0x5b: {  	[tilespmem:s10], [sflag:$0x1] =	stream.linear.gather [hbm4b:s14+s10], $0x800, $0x38;
	[tilespmem:$0x1E100] =	vst v63  }
0x5c: {  	_ =	swait.ge [sflag:s4], $0x800  }
0x5d: {  	[sflag:s4] =	ssyncset.done $0x0  }
0x5e: {  	s13 =	simm.s32 $0x800;
	s15 =	rddreg [dreg:$0x9];
	[sflag:s4] =	ssyncadd.s32 $0xFFFFF800  }
0x5f: {  	[tilespmem:s13], [sflag:$0x1] =	stream.linear.gather [hbm4b:s15+s10], $0x800, $0x38;
	[tilespmem:$0x1E100] =	vst v63  }
0x60: {  	_ =	swait.ge [sflag:s4], $0x800  }
0x61: {  	[sflag:s4] =	ssyncset.done $0x0  }
0x62: {  	s15 =	simm.s32 $0x1000;
	s14 =	rddreg [dreg:$0xa];
	[sflag:s4] =	ssyncadd.s32 $0xFFFFF800  }
0x63: {  	[tilespmem:s15], [sflag:$0x1] =	stream.linear.gather [hbm4b:s14+s10], $0x800, $0x38;
	[tilespmem:$0x1E100] =	vst v63  }
0x64: {  	_ =	swait.ge [sflag:s4], $0x800  }
0x65: {  	[sflag:s4] =	ssyncset.done $0x0  }
0x66: {  	s15 =	simm.s32 $0x1800;
	s14 =	rddreg [dreg:$0xb];
	[sflag:s4] =	ssyncadd.s32 $0xFFFFF800  }
0x67: {  	[tilespmem:s15], [sflag:$0x1] =	stream.linear.gather [hbm4b:s14+s10], $0x800, $0x38;
	[tilespmem:$0x1E100] =	vst v63  }
0x68: {  	_ =	swait.ge [sflag:s4], $0x800  }
0x69: {  	[sflag:s4] =	ssyncset.done $0x0  }
0x6a: {  	s14 =	simm.s32 $0x2000;
	[sflag:s4] =	ssyncadd.s32 $0xFFFFF800  }
0x6b: {  	[tilespmem:s14], [sflag:$0x1] =	stream.strided.gather [hbm4b:s17+s9], $0x800, s8, s9, $0x38;
	[tilespmem:$0x1E100] =	vst v63  }
0x6c: {  	_ =	swait.ge [sflag:s4], $0x800  }
0x6d: {  	[sflag:s4] =	ssyncset.done $0x0  }
0x6e: {  	s15 =	simm.s32 $0x2800;
	[sflag:s4] =	ssyncadd.s32 $0xFFFFF800  }
0x6f: {  	v2 =	vbroadcast v1, $0x2;
	[tilespmem:s15], [sflag:$0x1] =	stream.strided.gather [hbm4b:s18+s9], $0x800, s8, s9, $0x38;
	[tilespmem:$0x1E100] =	vst v63  }
0x70: {  	v3 =	vbroadcast v1, $0x3;
	_ =	swait.ge [sflag:s4], $0x800  }
0x71: {  	(erf) = vrcp.f32 v2  }
0x72: {  	[sflag:s4] =	ssyncset.done $0x0;
	(erf) = vrcp.f32 v3  }
0x73: {  	s10 =	simm.s32 $0x0;
	[sflag:s4] =	ssyncadd.s32 $0xFFFFF800  }
0x74: {  	v2 =	vld [tilespmem:s10+$0x0]  }
0x75: {  	v5 =	vld [tilespmem:s10+$0x800];
	_ =	sdelay $0x1  }
0x76: {  	v4 =	vbroadcast v1, $0x0  }
0x77: {  	v3 =	vbroadcast v1, $0x1  }
0x78: {  	v11 =	vsub.f32 v2, v4  }
0x79: {  	v13 =	vld [tilespmem:s10+$0x1000];
	v5 =	vsub.f32 v5, v3;
	v2 =	vpop (erf)  }
0x7a: {  	v1 =	vpop (erf);
	v11 =	vmul.f32 v11, v2  }
0x7b: {  	v8 =	vld [tilespmem:s10+$0x2000];
	v5 =	vmul.f32 v5, v1  }
0x7c: {  	v15 =	vld [tilespmem:s10+$0x1800];
	v11 =	vmul.f32 $2.560000000e+02, v11  }
0x7d: {  	v6 =	vld [tilespmem:s10+$0x10];
	v5 =	vmul.f32 $2.560000000e+02, v5  }
0x7e: {  	v7 =	vld [tilespmem:s10+$0x810];
	v11 =	vtrunc.f32 v11  }
0x7f: {  	v11 =	vcvt.f32.s32 v11;
	v5 =	vtrunc.f32 v5  }
0x80: {  	v9 =	vld [tilespmem:s10+$0x20];
	v5 =	vcvt.f32.s32 v5  }
0x81: {  	v8 =	vmul.f32 v8, v15;
	v13 =	vld.idx.msk [tilespmem:v13+s5+$0x0], $0xffff;
	vm0 =	vgt.s32 v11, $0x0  }
0x82: {  	v10 =	vld [tilespmem:s10+$0x820];
	v6 =	vsub.f32 v6, v4;
	v11 =	vnsel vm0, $0x0, v11;
	vm14 =	vgt.s32 v5, $0x0  }
0x83: {  	v16 =	vld [tilespmem:s10+$0x30];
	v7 =	vsub.f32 v7, v3;
	v11 =	vmin.u32 v11, $0xFF;
	v5 =	vnsel vm14, $0x0, v5  }
0x84: {  	v18 =	vld [tilespmem:s10+$0x2800];
	[tilespmem:s10+$0x4800] =	vst v8;
	v6 =	vmul.f32 v6, v2;
	v5 =	vmin.u32 v5, $0xFF;
	v8 =	vshll.u32 v11, $0x8  }
0x85: {  	v17 =	vld [tilespmem:s10+$0x830];
	v7 =	vmul.f32 v7, v1;
	v5 =	vor.u32 v5, v8  }
0x86: {  	v21 =	vld [tilespmem:s10+$0x1010];
	v6 =	vmul.f32 $2.560000000e+02, v6;
	v13 =	vshll.u32 v13, $0x10;
	v8 =	vshll.u32 v5, $0x1  }
0x87: {  	v5 =	vor.u32 v13, v5;
	[tilespmem:s10+$0x4000] =	vst v8  }
0x88: {  	v8 =	vor.u32 $0x1, v8;
	[tilespmem:s10+$0x3000] =	vst v5;
	v5 =	vtrunc.f32 v6;
	v6 =	vmul.f32 $2.560000000e+02, v7  }
0x89: {  	v12 =	vld [tilespmem:s10+$0x2810];
	v9 =	vsub.f32 v9, v4;
	v16 =	vsub.f32 v16, v4;
	[tilespmem:s10+$0x5000] =	vst v8;
	v8 =	vmul.f32 v18, v15  }
0x8a: {  	v17 =	vsub.f32 v17, v3;
	[tilespmem:s10+$0x3800] =	vst v15;
	v15 =	vld [tilespmem:s10+$0x1810];
	v5 =	vcvt.f32.s32 v5;
	v6 =	vtrunc.f32 v6  }
0x8b: {  	v14 =	vld [tilespmem:s10+$0x2010];
	v10 =	vsub.f32 v10, v3;
	v9 =	vmul.f32 v9, v2;
	v6 =	vcvt.f32.s32 v6  }
0x8c: {  	v16 =	vmul.f32 v16, v2;
	v17 =	vmul.f32 v17, v1;
	vm15 =	vgt.s32 v5, $0x0  }
0x8d: {  	v9 =	vmul.f32 $2.560000000e+02, v9;
	v7 =	vld [tilespmem:s10+$0x1020];
	[tilespmem:s10+$0x5800] =	vst v8;
	v5 =	vnsel vm15, $0x0, v5;
	vm4 =	vgt.s32 v6, $0x0  }
0x8e: {  	v16 =	vmul.f32 $2.560000000e+02, v16;
	v21 =	vld.idx.msk [tilespmem:v21+s5+$0x0], $0xffff;
	v5 =	vmin.u32 v5, $0xFF;
	v6 =	vnsel vm4, $0x0, v6  }
0x8f: {  	v8 =	vmul.f32 v12, v15;
	v5 =	vshll.u32 v5, $0x8;
	v6 =	vmin.u32 v6, $0xFF  }
0x90: {  	v14 =	vmul.f32 v14, v15;
	[tilespmem:s10+$0x3810] =	vst v15;
	v5 =	vor.u32 v6, v5;
	v6 =	vmul.f32 v10, v1  }
0x91: {  	v19 =	vld [tilespmem:s10+$0x2820];
	v17 =	vmul.f32 $2.560000000e+02, v17;
	v9 =	vtrunc.f32 v9;
	[tilespmem:s10+$0x5810] =	vst v8  }
0x92: {  	v16 =	vtrunc.f32 v16;
	v11 =	vld [tilespmem:s10+$0x40];
	[tilespmem:s10+$0x4810] =	vst v14;
	v10 =	vshll.u32 v5, $0x1;
	v6 =	vmul.f32 $2.560000000e+02, v6  }
0x93: {  	v9 =	vcvt.f32.s32 v9;
	v14 =	vld [tilespmem:s10+$0x1820];
	v21 =	vshll.u32 v21, $0x10;
	[tilespmem:s10+$0x4010] =	vst v10;
	v10 =	vor.u32 $0x1, v10  }
0x94: {  	v20 =	vld [tilespmem:s10+$0x2020];
	v16 =	vcvt.f32.s32 v16;
	v5 =	vor.u32 v21, v5;
	[tilespmem:s10+$0x5010] =	vst v10;
	v6 =	vtrunc.f32 v6  }
0x95: {  	v17 =	vtrunc.f32 v17;
	vm5 =	vgt.s32 v9, $0x0;
	[tilespmem:s10+$0x3010] =	vst v5;
	v6 =	vcvt.f32.s32 v6  }
0x96: {  	v17 =	vcvt.f32.s32 v17;
	v5 =	vnsel vm5, $0x0, v9;
	v9 =	vld.idx.msk [tilespmem:v7+s5+$0x0], $0xffff  }
0x97: {  	v61 =	vld [tilespmem:s10+$0x1030];
	vm6 =	vgt.s32 v16, $0x0;
	v11 =	vsub.f32 v11, v4;
	vm1 =	vgt.s32 v6, $0x0  }
0x98: {  	v22 =	vld [tilespmem:s10+$0x840];
	v7 =	vmin.u32 v5, $0xFF;
	v19 =	vmul.f32 v19, v14;
	v6 =	vnsel vm1, $0x0, v6  }
0x99: {  	v7 =	vshll.u32 v7, $0x8;
	v20 =	vmul.f32 v20, v14;
	[tilespmem:s10+$0x3820] =	vst v14;
	v26 =	vmin.u32 v6, $0xFF  }
0x9a: {  	v23 =	vld [tilespmem:s10+$0x2030];
	v16 =	vnsel vm6, $0x0, v16;
	v11 =	vmul.f32 v11, v2;
	[tilespmem:s10+$0x5820] =	vst v19;
	v26 =	vor.u32 v26, v7  }
0x9b: {  	vm7 =	vgt.s32 v17, $0x0;
	v13 =	vld [tilespmem:s10+$0x50];
	[tilespmem:s10+$0x4820] =	vst v20;
	v9 =	vshll.u32 v9, $0x10;
	v19 =	vshll.u32 v26, $0x1  }
0x9c: {  	v18 =	vld [tilespmem:s10+$0x2830];
	v11 =	vmul.f32 $2.560000000e+02, v11;
	v14 =	vmin.u32 v16, $0xFF;
	v9 =	vor.u32 v9, v26;
	[tilespmem:s10+$0x4020] =	vst v19  }
0x9d: {  	v16 =	vnsel vm7, $0x0, v17;
	v17 =	vsub.f32 v22, v3;
	v20 =	vld [tilespmem:s10+$0x1830];
	v27 =	vor.u32 $0x1, v19;
	[tilespmem:s10+$0x3020] =	vst v9  }
0x9e: {  	v12 =	vld [tilespmem:s10+$0x850];
	v9 =	vshll.u32 v14, $0x8;
	v14 =	vmin.u32 v16, $0xFF;
	[tilespmem:s10+$0x5020] =	vst v27  }
0x9f: {  	v11 =	vtrunc.f32 v11;
	v17 =	vmul.f32 v17, v1;
	v9 =	vor.u32 v14, v9;
	v14 =	vld.idx.msk [tilespmem:v61+s5+$0x0], $0xffff  }
0xa0: {  	v11 =	vcvt.f32.s32 v11  }
0xa1: {  	v17 =	vmul.f32 $2.560000000e+02, v17;
	v16 =	vld [tilespmem:s10+$0x1040]  }
0xa2: {  	v13 =	vsub.f32 v13, v4;
	vm8 =	vgt.s32 v11, $0x0;
	v62 =	vmul.f32 v23, v20  }
0xa3: {  	v12 =	vsub.f32 v12, v3;
	v17 =	vtrunc.f32 v17;
	v18 =	vmul.f32 v18, v20;
	[tilespmem:s10+$0x3830] =	vst v20  }
0xa4: {  	v24 =	vld [tilespmem:s10+$0x2040];
	v11 =	vnsel vm8, $0x0, v11;
	v17 =	vcvt.f32.s32 v17;
	[tilespmem:s10+$0x4830] =	vst v62;
	v14 =	vshll.u32 v14, $0x10  }
0xa5: {  	v12 =	vmul.f32 v12, v1;
	v19 =	vshll.u32 v9, $0x1;
	[tilespmem:s10+$0x5830] =	vst v18;
	v18 =	vld [tilespmem:s10+$0x1840];
	v9 =	vor.u32 v14, v9  }
0xa6: {  	v25 =	vld [tilespmem:s10+$0x2840];
	v11 =	vmin.u32 v11, $0xFF;
	vm9 =	vgt.s32 v17, $0x0;
	[tilespmem:s10+$0x3030] =	vst v9;
	v9 =	vmul.f32 v13, v2  }
0xa7: {  	v8 =	vld [tilespmem:s10+$0x60];
	v12 =	vmul.f32 $2.560000000e+02, v12;
	[tilespmem:s10+$0x4030] =	vst v19;
	v19 =	vor.u32 $0x1, v19;
	v14 =	vnsel vm9, $0x0, v17  }
0xa8: {  	v11 =	vshll.u32 v11, $0x8;
	[tilespmem:s10+$0x5030] =	vst v19;
	v13 =	vmin.u32 v14, $0xFF;
	v14 =	vld [tilespmem:s10+$0x1050];
	v9 =	vmul.f32 $2.560000000e+02, v9  }
0xa9: {  	v12 =	vtrunc.f32 v12;
	v11 =	vor.u32 v13, v11;
	v13 =	vld.idx.msk [tilespmem:v16+s5+$0x0], $0xffff  }
0xaa: {  	v17 =	vmul.f32 v24, v18;
	v9 =	vtrunc.f32 v9  }
0xab: {  	v12 =	vcvt.f32.s32 v12;
	[tilespmem:s10+$0x3840] =	vst v18;
	v9 =	vcvt.f32.s32 v9  }
0xac: {  	v15 =	vld [tilespmem:s10+$0x860];
	v18 =	vmul.f32 v25, v18;
	[tilespmem:s10+$0x4840] =	vst v17;
	v16 =	vshll.u32 v11, $0x1  }
0xad: {  	v8 =	vsub.f32 v8, v4;
	vm11 =	vgt.s32 v12, $0x0;
	[tilespmem:s10+$0x4040] =	vst v16;
	vm10 =	vgt.s32 v9, $0x0  }
0xae: {  	v10 =	vld [tilespmem:s10+$0x2850];
	v16 =	vor.u32 $0x1, v16;
	[tilespmem:s10+$0x5840] =	vst v18;
	v13 =	vshll.u32 v13, $0x10;
	v9 =	vnsel vm10, $0x0, v9  }
0xaf: {  	v5 =	vld [tilespmem:s10+$0x70];
	v12 =	vnsel vm11, $0x0, v12;
	[tilespmem:s10+$0x5040] =	vst v16;
	v11 =	vor.u32 v13, v11;
	v9 =	vmin.u32 v9, $0xFF  }
0xb0: {  	v8 =	vmul.f32 v8, v2;
	v16 =	vld [tilespmem:s10+$0x1850];
	[tilespmem:s10+$0x3040] =	vst v11;
	v11 =	vmin.u32 v12, $0xFF;
	v9 =	vshll.u32 v9, $0x8  }
0xb1: {  	v9 =	vor.u32 v11, v9;
	v11 =	vld.idx.msk [tilespmem:v14+s5+$0x0], $0xffff;
	v14 =	vsub.f32 v15, v3  }
0xb2: {  	v8 =	vmul.f32 $2.560000000e+02, v8;
	v17 =	vld [tilespmem:s10+$0x2050]  }
0xb3: {  	v14 =	vmul.f32 v14, v1  }
0xb4: {  	v6 =	vld [tilespmem:s10+$0x870];
	v8 =	vtrunc.f32 v8  }
0xb5: {  	v12 =	vld [tilespmem:s10+$0x1060];
	v10 =	vmul.f32 v10, v16;
	v14 =	vmul.f32 $2.560000000e+02, v14  }
0xb6: {  	v5 =	vsub.f32 v5, v4;
	v7 =	vld [tilespmem:s10+$0x2070];
	v8 =	vcvt.f32.s32 v8  }
0xb7: {  	v15 =	vmul.f32 v17, v16;
	v17 =	vld [tilespmem:s10+$0x1870];
	[tilespmem:s10+$0x5850] =	vst v10;
	v13 =	vshll.u32 v9, $0x1;
	v14 =	vtrunc.f32 v14  }
0xb8: {  	v5 =	vmul.f32 v5, v2;
	v10 =	vld [tilespmem:s10+$0x1860];
	[tilespmem:s10+$0x4050] =	vst v13;
	v14 =	vcvt.f32.s32 v14  }
0xb9: {  	vm12 =	vgt.s32 v8, $0x0;
	v6 =	vsub.f32 v6, v3;
	v13 =	vor.u32 $0x1, v13;
	[tilespmem:s10+$0x4850] =	vst v15;
	v15 =	vld [tilespmem:s10+$0x2060]  }
0xba: {  	v8 =	vnsel vm12, $0x0, v8;
	[tilespmem:s10+$0x5050] =	vst v13;
	v13 =	vld [tilespmem:s10+$0x2870];
	v11 =	vshll.u32 v11, $0x10;
	vm13 =	vgt.s32 v14, $0x0  }
0xbb: {  	v8 =	vmin.u32 v8, $0xFF;
	[tilespmem:s10+$0x3850] =	vst v16;
	v9 =	vor.u32 v11, v9;
	v11 =	vld [tilespmem:s10+$0x2860];
	v14 =	vnsel vm13, $0x0, v14  }
0xbc: {  	v5 =	vmul.f32 $2.560000000e+02, v5;
	v8 =	vshll.u32 v8, $0x8;
	[tilespmem:s10+$0x3050] =	vst v9;
	v9 =	vld [tilespmem:s10+$0x1070];
	v14 =	vmin.u32 v14, $0xFF  }
0xbd: {  	s12 =	simm.s32 $0x80;
	v6 =	vmul.f32 v6, v1;
	v12 =	vld.idx.msk [tilespmem:v12+s5+$0x0], $0xffff;
	v14 =	vor.u32 v14, v8  }
0xbe: {  	v5 =	vtrunc.f32 v5;
	v16 =	vld [tilespmem:s12+$0x0];
	[tilespmem:s10+$0x3860] =	vst v10;
	v8 =	vshll.u32 v14, $0x1  }
0xbf: {  	v6 =	vmul.f32 $2.560000000e+02, v6;
	v15 =	vmul.f32 v15, v10;
	v18 =	vld [tilespmem:s12+$0x800];
	[tilespmem:s10+$0x4060] =	vst v8;
	v8 =	vor.u32 $0x1, v8  }
0xc0: {  	v10 =	vmul.f32 v11, v10;
	v11 =	vcvt.f32.s32 v5;
	v19 =	vld [tilespmem:s12+$0x10];
	[tilespmem:s10+$0x5060] =	vst v8  }
0xc1: {  	v20 =	vld [tilespmem:s12+$0x810];
	[tilespmem:s10+$0x4860] =	vst v15  }
0xc2: {  	v5 =	vtrunc.f32 v6;
	vm14 =	vgt.s32 v11, $0x0;
	v8 =	vld [tilespmem:s12+$0x2000];
	[tilespmem:s10+$0x5860] =	vst v10  }
0xc3: {  	v6 =	vshll.u32 v12, $0x10;
	v11 =	vnsel vm14, $0x0, v11;
	v10 =	vcvt.f32.s32 v5;
	v5 =	vld [tilespmem:s12+$0x20]  }
0xc4: {  	v12 =	vor.u32 v6, v14;
	v11 =	vmin.u32 v11, $0xFF;
	v21 =	vld [tilespmem:s12+$0x820]  }
0xc5: {  	v6 =	vld [tilespmem:s12+$0x2810];
	[tilespmem:s10+$0x3060] =	vst v12;
	v12 =	vshll.u32 v11, $0x8  }
0xc6: {  	v11 =	vmul.f32 v7, v17;
	v7 =	vsub.f32 v16, v4;
	vm15 =	vgt.s32 v10, $0x0  }
0xc7: {  	v15 =	vmul.f32 v13, v17;
	v16 =	vld.idx.msk [tilespmem:v9+s5+$0x0], $0xffff;
	v9 =	vsub.f32 v18, v3;
	v10 =	vnsel vm15, $0x0, v10  }
0xc8: {  	v18 =	vmul.f32 v7, v2;
	v19 =	vsub.f32 v19, v4;
	v10 =	vmin.u32 v10, $0xFF  }
0xc9: {  	v9 =	vmul.f32 v9, v1;
	v14 =	vor.u32 v10, v12;
	v10 =	vsub.f32 v20, v3  }
0xca: {  	v13 =	vld [tilespmem:s12+$0x1000];
	[tilespmem:s10+$0x3870] =	vst v17;
	v17 =	vmul.f32 $2.560000000e+02, v18;
	v20 =	vmul.f32 v19, v2;
	v12 =	vshll.u32 v14, $0x1  }
0xcb: {  	v7 =	vld [tilespmem:s12+$0x2010];
	v18 =	vmul.f32 $2.560000000e+02, v9;
	[tilespmem:s10+$0x4070] =	vst v12;
	v10 =	vmul.f32 v10, v1;
	v63 =	vor.u32 $0x1, v12  }
0xcc: {  	s13 =	simm.s32 $0x400;
	v9 =	vsub.f32 v21, v3;
	v19 =	vtrunc.f32 v17;
	v17 =	vmul.f32 $2.560000000e+02, v20;
	v12 =	vld [tilespmem:s12+$0x1800];
	[tilespmem:s10+$0x5070] =	vst v63  }
.LBB2_4:
0xcd: {  	p0 =	sne.s32 s13, $0x1E00;
	v19 =	vcvt.f32.s32 v19;
	v18 =	vtrunc.f32 v18;
	v20 =	vld [tilespmem:s12+$0x30];
	[tilespmem:s10+$0x4870] =	vst v11;
	s14 =	smov.u32 s13;
	s13 =	sadd.s32 $0x200, s13  }
0xce: {  	v11 =	vcvt.f32.s32 v18;
	v17 =	vtrunc.f32 v17;
	v18 =	vld [tilespmem:s12+$0x830];
	[tilespmem:s10+$0x5870] =	vst v15  }
0xcf: {  	v16 =	vshll.u32 v16, $0x10;
	vm0 =	vgt.s32 v19, $0x0;
	v15 =	vld [tilespmem:s12+$0x2800];
	v17 =	vcvt.f32.s32 v17  }
0xd0: {  	v14 =	vor.u32 v16, v14;
	v19 =	vnsel vm0, $0x0, v19;
	vm0 =	vgt.s32 v11, $0x0;
	v21 =	vld [tilespmem:s12+$0x2820]  }
0xd1: {  	v16 =	vmin.u32 v19, $0xFF;
	v11 =	vnsel vm0, $0x0, v11;
	vm0 =	vgt.s32 v17, $0x0;
	v19 =	vld [tilespmem:s12+$0x2020];
	[tilespmem:s10+$0x3070] =	vst v14;
	s10 =	smov.u32 s12  }
0xd2: {  	v8 =	vmul.f32 v8, v12;
	v11 =	vmin.u32 v11, $0xFF;
	v14 =	vshll.u32 v16, $0x8;
	v13 =	vld.idx.msk [tilespmem:v13+s5+$0x0], $0xffff  }
0xd3: {  	v10 =	vmul.f32 $2.560000000e+02, v10;
	v11 =	vor.u32 v11, v14;
	v14 =	vnsel vm0, $0x0, v17;
	v16 =	vld [tilespmem:s10+$0x1010]  }
0xd4: {  	v17 =	vshll.u32 v11, $0x1;
	[tilespmem:s10+$0x4800] =	vst v8;
	v8 =	vmul.f32 v15, v12;
	v14 =	vmin.u32 v14, $0xFF;
	v15 =	vld [tilespmem:s10+$0x40]  }
0xd5: {  	v22 =	vmul.f32 v9, v1;
	v10 =	vtrunc.f32 v10;
	[tilespmem:s10+$0x3800] =	vst v12;
	v12 =	vor.u32 $0x1, v17;
	v23 =	vld [tilespmem:s10+$0x840]  }
0xd6: {  	v18 =	vsub.f32 v18, v3;
	[tilespmem:s10+$0x4000] =	vst v17;
	v17 =	vcvt.f32.s32 v10;
	v10 =	vsub.f32 v20, v4;
	v9 =	vld [tilespmem:s10+$0x2030]  }
0xd7: {  	v5 =	vsub.f32 v5, v4;
	v20 =	vmul.f32 $2.560000000e+02, v22;
	[tilespmem:s10+$0x5000] =	vst v12;
	v12 =	vld [tilespmem:s10+$0x1810]  }
0xd8: {  	v13 =	vshll.u32 v13, $0x10;
	vm0 =	vgt.s32 v17, $0x0;
	v22 =	vmul.f32 v10, v2;
	v10 =	vld [tilespmem:s10+$0x2830]  }
0xd9: {  	v11 =	vor.u32 v13, v11;
	v13 =	vtrunc.f32 v20;
	[tilespmem:s10+$0x5800] =	vst v8;
	v8 =	vnsel vm0, $0x0, v17;
	v17 =	vld [tilespmem:s10+$0x50]  }
0xda: {  	[tilespmem:s10+$0x3000] =	vst v11;
	v8 =	vmin.u32 v8, $0xFF;
	v11 =	vcvt.f32.s32 v13;
	v13 =	vld [tilespmem:s10+$0x1020];
	v20 =	vmul.f32 $2.560000000e+02, v22  }
0xdb: {  	v5 =	vmul.f32 v5, v2;
	v18 =	vmul.f32 v18, v1;
	v15 =	vsub.f32 v15, v4;
	v16 =	vld.idx.msk [tilespmem:v16+s5+$0x0], $0xffff  }
0xdc: {  	v22 =	vmul.f32 v7, v12;
	v6 =	vmul.f32 v6, v12;
	vm0 =	vgt.s32 v11, $0x0;
	v24 =	vld [tilespmem:s10+$0x850]  }
0xdd: {  	v5 =	vmul.f32 $2.560000000e+02, v5;
	v14 =	vshll.u32 v14, $0x8;
	v11 =	vnsel vm0, $0x0, v11;
	v7 =	vld [tilespmem:s10+$0x2040]  }
0xde: {  	v14 =	vor.u32 v8, v14;
	[tilespmem:s10+$0x5810] =	vst v6;
	v6 =	vmul.f32 $2.560000000e+02, v18;
	v18 =	vtrunc.f32 v20;
	v8 =	vld [tilespmem:s10+$0x2840]  }
0xdf: {  	v5 =	vtrunc.f32 v5;
	v20 =	vshll.u32 v14, $0x1;
	[tilespmem:s10+$0x4810] =	vst v22;
	v18 =	vcvt.f32.s32 v18;
	v22 =	vld [tilespmem:s10+$0x60]  }
0xe0: {  	v5 =	vcvt.f32.s32 v5;
	[tilespmem:s10+$0x3810] =	vst v12;
	v12 =	vor.u32 $0x1, v20;
	v25 =	vld [tilespmem:s10+$0x1820];
	v6 =	vtrunc.f32 v6  }
0xe1: {  	v16 =	vshll.u32 v16, $0x10;
	[tilespmem:s10+$0x4010] =	vst v20;
	vm0 =	vgt.s32 v18, $0x0;
	v20 =	vcvt.f32.s32 v6;
	v26 =	vld [tilespmem:s10+$0x860]  }
0xe2: {  	vm1 =	vgt.s32 v5, $0x0;
	v14 =	vor.u32 v16, v14;
	[tilespmem:s10+$0x5010] =	vst v12;
	v12 =	vnsel vm0, $0x0, v18;
	v6 =	vld [tilespmem:s10+$0x2850]  }
0xe3: {  	v5 =	vnsel vm1, $0x0, v5;
	[tilespmem:s10+$0x3010] =	vst v14;
	v12 =	vmin.u32 v12, $0xFF;
	vm0 =	vgt.s32 v20, $0x0;
	v14 =	vld [tilespmem:s10+$0x1030]  }
0xe4: {  	v5 =	vmin.u32 v5, $0xFF;
	v13 =	vld.idx.msk [tilespmem:v13+s5+$0x0], $0xffff;
	v16 =	vnsel vm0, $0x0, v20;
	v12 =	vshll.u32 v12, $0x8  }
0xe5: {  	v5 =	vshll.u32 v5, $0x8;
	v11 =	vmin.u32 v11, $0xFF;
	v18 =	vmul.f32 v21, v25;
	v20 =	vld [tilespmem:s10+$0x70]  }
0xe6: {  	v15 =	vmul.f32 v15, v2;
	v11 =	vor.u32 v11, v5;
	v19 =	vmul.f32 v19, v25;
	v21 =	vld [tilespmem:s10+$0x870]  }
0xe7: {  	v17 =	vsub.f32 v17, v4;
	v27 =	vshll.u32 v11, $0x1;
	[tilespmem:s10+$0x5820] =	vst v18;
	v18 =	vsub.f32 v23, v3;
	v5 =	vld [tilespmem:s10+$0x2070]  }
0xe8: {  	v15 =	vmul.f32 $2.560000000e+02, v15;
	v23 =	vor.u32 $0x1, v27;
	[tilespmem:s10+$0x4820] =	vst v19;
	v19 =	vsub.f32 v24, v3  }
0xe9: {  	v17 =	vmul.f32 v17, v2;
	v22 =	vsub.f32 v22, v4;
	[tilespmem:s10+$0x5020] =	vst v23;
	v23 =	vld [tilespmem:s10+$0x1830];
	v18 =	vmul.f32 v18, v1  }
0xea: {  	v15 =	vtrunc.f32 v15;
	v13 =	vshll.u32 v13, $0x10;
	[tilespmem:s10+$0x4020] =	vst v27;
	v19 =	vmul.f32 v19, v1  }
0xeb: {  	v15 =	vcvt.f32.s32 v15;
	v11 =	vor.u32 v13, v11;
	[tilespmem:s10+$0x3820] =	vst v25;
	v13 =	vmul.f32 $2.560000000e+02, v18  }
0xec: {  	v17 =	vmul.f32 $2.560000000e+02, v17;
	[tilespmem:s10+$0x3020] =	vst v11;
	v11 =	vmin.u32 v16, $0xFF;
	v16 =	vld [tilespmem:s10+$0x1040];
	v18 =	vmul.f32 $2.560000000e+02, v19  }
0xed: {  	vm0 =	vgt.s32 v15, $0x0;
	v11 =	vor.u32 v11, v12;
	v12 =	vld.idx.msk [tilespmem:v14+s5+$0x0], $0xffff;
	v13 =	vtrunc.f32 v13  }
0xee: {  	v15 =	vnsel vm0, $0x0, v15;
	[tilespmem:s10+$0x3830] =	vst v23;
	v14 =	vshll.u32 v11, $0x1;
	v13 =	vcvt.f32.s32 v13  }
0xef: {  	v15 =	vmin.u32 v15, $0xFF;
	v9 =	vmul.f32 v9, v23;
	[tilespmem:s10+$0x4030] =	vst v14;
	v14 =	vor.u32 $0x1, v14  }
0xf0: {  	v10 =	vmul.f32 v10, v23;
	[tilespmem:s10+$0x5030] =	vst v14;
	vm0 =	vgt.s32 v13, $0x0;
	v14 =	vshll.u32 v15, $0x8  }
0xf1: {  	v15 =	vtrunc.f32 v18;
	[tilespmem:s10+$0x4830] =	vst v9;
	v9 =	vnsel vm0, $0x0, v13;
	v13 =	vtrunc.f32 v17  }
0xf2: {  	v15 =	vcvt.f32.s32 v15;
	v17 =	vsub.f32 v26, v3;
	[tilespmem:s10+$0x5830] =	vst v10;
	v10 =	vld [tilespmem:s10+$0x1840];
	v13 =	vcvt.f32.s32 v13  }
0xf3: {  	v19 =	vsub.f32 v20, v4;
	v18 =	vmul.f32 v22, v2;
	v12 =	vshll.u32 v12, $0x10  }
0xf4: {  	v11 =	vor.u32 v12, v11;
	vm1 =	vgt.s32 v15, $0x0;
	vm0 =	vgt.s32 v13, $0x0  }
0xf5: {  	v9 =	vmin.u32 v9, $0xFF;
	v12 =	vnsel vm1, $0x0, v15;
	[tilespmem:s10+$0x3030] =	vst v11;
	v11 =	vnsel vm0, $0x0, v13;
	v13 =	vld [tilespmem:s10+$0x1050]  }
0xf6: {  	v9 =	vor.u32 v9, v14;
	v15 =	vmul.f32 $2.560000000e+02, v18;
	v14 =	vld.idx.msk [tilespmem:v16+s5+$0x0], $0xffff;
	v11 =	vmin.u32 v11, $0xFF  }
0xf7: {  	v16 =	vshll.u32 v9, $0x1;
	[tilespmem:s10+$0x3840] =	vst v10;
	v7 =	vmul.f32 v7, v10;
	v11 =	vshll.u32 v11, $0x8  }
0xf8: {  	v8 =	vmul.f32 v8, v10;
	v10 =	vtrunc.f32 v15;
	[tilespmem:s10+$0x4040] =	vst v16;
	v16 =	vor.u32 $0x1, v16  }
0xf9: {  	v15 =	vmul.f32 v17, v1;
	v10 =	vcvt.f32.s32 v10;
	[tilespmem:s10+$0x5040] =	vst v16;
	v16 =	vsub.f32 v21, v3  }
0xfa: {  	[tilespmem:s10+$0x4840] =	vst v7;
	v7 =	vmul.f32 v19, v2  }
0xfb: {  	v15 =	vmul.f32 $2.560000000e+02, v15;
	vm0 =	vgt.s32 v10, $0x0;
	[tilespmem:s10+$0x5840] =	vst v8;
	v8 =	vld [tilespmem:s10+$0x1850];
	v16 =	vmul.f32 v16, v1  }
0xfc: {  	v14 =	vshll.u32 v14, $0x10;
	v10 =	vnsel vm0, $0x0, v10;
	v17 =	vld [tilespmem:s10+$0x2050];
	v7 =	vmul.f32 $2.560000000e+02, v7  }
0xfd: {  	v9 =	vor.u32 v14, v9;
	v10 =	vmin.u32 v10, $0xFF;
	v14 =	vtrunc.f32 v15  }
0xfe: {  	v10 =	vshll.u32 v10, $0x8;
	[tilespmem:s10+$0x3040] =	vst v9;
	v9 =	vmin.u32 v12, $0xFF;
	v12 =	vcvt.f32.s32 v14;
	v14 =	vld [tilespmem:s10+$0x1060]  }
0xff: {  	v7 =	vtrunc.f32 v7;
	v9 =	vor.u32 v9, v11;
	v11 =	vld.idx.msk [tilespmem:v13+s5+$0x0], $0xffff;
	v13 =	vmul.f32 $2.560000000e+02, v16  }
0x100: {  	[tilespmem:s10+$0x3850] =	vst v8;
	v15 =	vshll.u32 v9, $0x1;
	v6 =	vmul.f32 v6, v8;
	vm0 =	vgt.s32 v12, $0x0  }
0x101: {  	[tilespmem:s10+$0x4050] =	vst v15;
	v15 =	vor.u32 $0x1, v15;
	v8 =	vmul.f32 v17, v8;
	v12 =	vnsel vm0, $0x0, v12  }
0x102: {  	v7 =	vcvt.f32.s32 v7;
	v13 =	vtrunc.f32 v13;
	[tilespmem:s10+$0x5050] =	vst v15;
	v15 =	vld [tilespmem:s10+$0x2870]  }
0x103: {  	[tilespmem:s10+$0x4850] =	vst v8;
	v8 =	vcvt.f32.s32 v13;
	v17 =	vld [tilespmem:s10+$0x1870]  }
0x104: {  	vm0 =	vgt.s32 v7, $0x0;
	[tilespmem:s10+$0x5850] =	vst v6;
	v6 =	vld [tilespmem:s10+$0x1860]  }
0x105: {  	v7 =	vnsel vm0, $0x0, v7;
	v11 =	vshll.u32 v11, $0x10;
	v13 =	vld [tilespmem:s10+$0x2060];
	vm0 =	vgt.s32 v8, $0x0  }
0x106: {  	v7 =	vmin.u32 v7, $0xFF;
	v9 =	vor.u32 v11, v9;
	v16 =	vld [tilespmem:s10+$0x2860];
	v18 =	vnsel vm0, $0x0, v8  }
0x107: {  	v7 =	vshll.u32 v7, $0x8;
	v8 =	vmin.u32 v12, $0xFF;
	[tilespmem:s10+$0x3050] =	vst v9;
	v9 =	vld [tilespmem:s10+$0x1070]  }
0x108: {  	s12 =	sshra.s32 s14, $0x2;
	v10 =	vor.u32 v8, v10;
	v12 =	vld.idx.msk [tilespmem:v14+s5+$0x0], $0xffff;
	v11 =	vmul.f32 v5, v17  }
0x109: {  	v8 =	vshll.u32 v10, $0x1;
	v5 =	vld [tilespmem:s12+$0x0];
	[tilespmem:s10+$0x3860] =	vst v6  }
0x10a: {  	v14 =	vld [tilespmem:s12+$0x800];
	[tilespmem:s10+$0x4060] =	vst v8;
	v8 =	vor.u32 $0x1, v8;
	v13 =	vmul.f32 v13, v6  }
0x10b: {  	v19 =	vld [tilespmem:s12+$0x10];
	[tilespmem:s10+$0x5060] =	vst v8;
	v6 =	vmul.f32 v16, v6  }
0x10c: {  	v16 =	vld [tilespmem:s12+$0x810];
	[tilespmem:s10+$0x4860] =	vst v13  }
0x10d: {  	v8 =	vld [tilespmem:s12+$0x2000];
	[tilespmem:s10+$0x5860] =	vst v6  }
0x10e: {  	v12 =	vshll.u32 v12, $0x10;
	v6 =	vsub.f32 v5, v4;
	v5 =	vld [tilespmem:s12+$0x20]  }
0x10f: {  	v15 =	vmul.f32 v15, v17;
	v10 =	vor.u32 v12, v10;
	v13 =	vsub.f32 v14, v3;
	v20 =	vld [tilespmem:s12+$0x820]  }
.Ltmp1:
0x110: {  	v12 =	vmul.f32 v6, v2;
	v19 =	vsub.f32 v19, v4;
	v6 =	vld [tilespmem:s12+$0x2810];
	[tilespmem:s10+$0x3060] =	vst v10;
	v10 =	vmin.u32 v18, $0xFF;
	(pc) =	sbr.rel @p0 .LBB2_4-.Ltmp1, $4  }
0x111: {  	v18 =	vmul.f32 v13, v1;
	v21 =	vsub.f32 v16, v3;
	v14 =	vor.u32 v10, v7;
	v16 =	vld.idx.msk [tilespmem:v9+s5+$0x0], $0xffff  }
0x112: {  	v9 =	vmul.f32 $2.560000000e+02, v12;
	v13 =	vld [tilespmem:s12+$0x1000];
	v22 =	vmul.f32 v19, v2;
	[tilespmem:s10+$0x3870] =	vst v17;
	v12 =	vshll.u32 v14, $0x1  }
0x113: {  	v18 =	vmul.f32 $2.560000000e+02, v18;
	v10 =	vmul.f32 v21, v1;
	v7 =	vld [tilespmem:s12+$0x2010];
	[tilespmem:s10+$0x4070] =	vst v12;
	v21 =	vor.u32 $0x1, v12  }
0x114: {  	v19 =	vtrunc.f32 v9;
	v12 =	vld [tilespmem:s12+$0x1800];
	v17 =	vmul.f32 $2.560000000e+02, v22;
	v9 =	vsub.f32 v20, v3;
	[tilespmem:s10+$0x5070] =	vst v21  }
0x115: {  	_ = 	snop  }
0x116: {  	v20 =	vld [tilespmem:s12+$0x30];
	[tilespmem:s10+$0x4870] =	vst v11  }
0x117: {  	v11 =	vld [tilespmem:s12+$0x830];
	[tilespmem:s10+$0x5870] =	vst v15  }
0x118: {  	v19 =	vcvt.f32.s32 v19;
	v18 =	vtrunc.f32 v18;
	v16 =	vshll.u32 v16, $0x10;
	v15 =	vld [tilespmem:s12+$0x2800]  }
0x119: {  	v18 =	vcvt.f32.s32 v18;
	v21 =	vld [tilespmem:s12+$0x2820];
	v14 =	vor.u32 v16, v14  }
0x11a: {  	v40 =	vld [tilespmem:s12+$0x2020];
	vm0 =	vgt.s32 v19, $0x0;
	[tilespmem:s10+$0x3070] =	vst v14  }
0x11b: {  	v41 =	vnsel vm0, $0x0, v19;
	vm14 =	vgt.s32 v18, $0x0;
	v13 =	vld.idx.msk [tilespmem:v13+s5+$0x0], $0xffff  }
0x11c: {  	v8 =	vmul.f32 v8, v12;
	v42 =	vld [tilespmem:s12+$0x1010];
	v14 =	vmin.u32 v41, $0xFF;
	v18 =	vnsel vm14, $0x0, v18  }
0x11d: {  	v43 =	vmin.u32 v18, $0xFF;
	v14 =	vshll.u32 v14, $0x8  }
0x11e: {  	v10 =	vmul.f32 $2.560000000e+02, v10;
	v46 =	vld [tilespmem:s12+$0x1810];
	[tilespmem:s12+$0x4800] =	vst v8;
	v8 =	vor.u32 v43, v14  }
0x11f: {  	v5 =	vsub.f32 v5, v4;
	v49 =	vtrunc.f32 v17;
	[tilespmem:s12+$0x3800] =	vst v12;
	v14 =	vshll.u32 v8, $0x1  }
0x120: {  	v9 =	vmul.f32 v9, v1;
	[tilespmem:s12+$0x4000] =	vst v14;
	v14 =	vor.u32 $0x1, v14;
	v13 =	vshll.u32 v13, $0x10  }
0x121: {  	v10 =	vtrunc.f32 v10;
	v45 =	vmul.f32 v15, v12;
	[tilespmem:s12+$0x5000] =	vst v14;
	v8 =	vor.u32 v13, v8  }
0x122: {  	v5 =	vmul.f32 v5, v2;
	[tilespmem:s12+$0x3000] =	vst v8;
	v8 =	vcvt.f32.s32 v49  }
0x123: {  	v10 =	vcvt.f32.s32 v10;
	[tilespmem:s12+$0x5800] =	vst v45;
	v6 =	vmul.f32 v6, v46  }
0x124: {  	v9 =	vmul.f32 $2.560000000e+02, v9;
	v5 =	vmul.f32 $2.560000000e+02, v5;
	v51 =	vld.idx.msk [tilespmem:v42+s5+$0x0], $0xffff;
	vm15 =	vgt.s32 v8, $0x0  }
0x125: {  	v50 =	vld [tilespmem:s12+$0x1020];
	vm4 =	vgt.s32 v10, $0x0;
	v7 =	vmul.f32 v7, v46;
	[tilespmem:s12+$0x5810] =	vst v6;
	v6 =	vnsel vm15, $0x0, v8  }
0x126: {  	v9 =	vtrunc.f32 v9;
	v10 =	vnsel vm4, $0x0, v10;
	v6 =	vmin.u32 v6, $0xFF  }
0x127: {  	v55 =	vld [tilespmem:s12+$0x1820];
	v5 =	vtrunc.f32 v5;
	[tilespmem:s12+$0x4810] =	vst v7;
	v7 =	vmin.u32 v10, $0xFF;
	v54 =	vshll.u32 v6, $0x8  }
0x128: {  	v44 =	vld [tilespmem:s12+$0x40];
	v9 =	vcvt.f32.s32 v9;
	v5 =	vcvt.f32.s32 v5;
	v7 =	vor.u32 v7, v54  }
0x129: {  	v22 =	vld [tilespmem:s12+$0x840];
	v57 =	vsub.f32 v20, v4;
	[tilespmem:s12+$0x3810] =	vst v46;
	v17 =	vshll.u32 v51, $0x10;
	v10 =	vshll.u32 v7, $0x1  }
0x12a: {  	v23 =	vld [tilespmem:s12+$0x2030];
	vm1 =	vgt.s32 v9, $0x0;
	vm5 =	vgt.s32 v5, $0x0;
	v7 =	vor.u32 v17, v7;
	[tilespmem:s12+$0x4010] =	vst v10  }
0x12b: {  	v58 =	vld [tilespmem:s12+$0x1030];
	v9 =	vnsel vm1, $0x0, v9;
	v5 =	vnsel vm5, $0x0, v5;
	v10 =	vor.u32 $0x1, v10;
	[tilespmem:s12+$0x3010] =	vst v7  }
0x12c: {  	v63 =	vld [tilespmem:s12+$0x1830];
	v59 =	vmul.f32 v21, v55;
	v5 =	vmin.u32 v5, $0xFF;
	v7 =	vsub.f32 v11, v3;
	[tilespmem:s12+$0x5010] =	vst v10  }
0x12d: {  	v9 =	vmin.u32 v9, $0xFF;
	v5 =	vshll.u32 v5, $0x8;
	v17 =	vmul.f32 v57, v2;
	v13 =	vld.idx.msk [tilespmem:v50+s5+$0x0], $0xffff  }
0x12e: {  	v16 =	vmul.f32 v40, v55;
	v9 =	vor.u32 v9, v5;
	v7 =	vmul.f32 v7, v1  }
0x12f: {  	v47 =	vld [tilespmem:s12+$0x2830];
	v61 =	vshll.u32 v9, $0x1;
	v17 =	vmul.f32 $2.560000000e+02, v17;
	[tilespmem:s12+$0x5820] =	vst v59  }
0x130: {  	v18 =	vsub.f32 v44, v4;
	v27 =	vor.u32 $0x1, v61;
	[tilespmem:s12+$0x4820] =	vst v16;
	v7 =	vmul.f32 $2.560000000e+02, v7  }
0x131: {  	v22 =	vsub.f32 v22, v3;
	v33 =	vmul.f32 v23, v63;
	[tilespmem:s12+$0x5020] =	vst v27;
	v17 =	vtrunc.f32 v17  }
0x132: {  	[tilespmem:s12+$0x4020] =	vst v61;
	v62 =	vcvt.f32.s32 v17;
	v7 =	vtrunc.f32 v7;
	v13 =	vshll.u32 v13, $0x10  }
0x133: {  	v48 =	vld [tilespmem:s12+$0x50];
	v28 =	vmul.f32 v18, v2;
	[tilespmem:s12+$0x3820] =	vst v55;
	v7 =	vcvt.f32.s32 v7;
	v9 =	vor.u32 v13, v9  }
0x134: {  	v29 =	vld [tilespmem:s12+$0x1040];
	v34 =	vmul.f32 v47, v63;
	v14 =	vmul.f32 v22, v1;
	vm6 =	vgt.s32 v62, $0x0;
	[tilespmem:s12+$0x3020] =	vst v9  }
0x135: {  	v31 =	vmul.f32 $2.560000000e+02, v28;
	v16 =	vnsel vm6, $0x0, v62;
	vm7 =	vgt.s32 v7, $0x0;
	v30 =	vld.idx.msk [tilespmem:v58+s5+$0x0], $0xffff  }
0x136: {  	v52 =	vld [tilespmem:s12+$0x850];
	v14 =	vmul.f32 $2.560000000e+02, v14;
	v20 =	vmin.u32 v16, $0xFF;
	v7 =	vnsel vm7, $0x0, v7  }
0x137: {  	v24 =	vld [tilespmem:s12+$0x2040];
	v11 =	vtrunc.f32 v31;
	v27 =	vshll.u32 v20, $0x8;
	[tilespmem:s12+$0x3830] =	vst v63;
	v7 =	vmin.u32 v7, $0xFF  }
0x138: {  	v53 =	vld [tilespmem:s12+$0x2840];
	v14 =	vtrunc.f32 v14;
	v11 =	vcvt.f32.s32 v11;
	[tilespmem:s12+$0x4830] =	vst v33;
	v7 =	vor.u32 v7, v27  }
0x139: {  	v25 =	vld [tilespmem:s12+$0x860];
	v12 =	vsub.f32 v48, v4;
	v14 =	vcvt.f32.s32 v14;
	[tilespmem:s12+$0x5830] =	vst v34;
	v32 =	vshll.u32 v7, $0x1  }
0x13a: {  	v35 =	vld [tilespmem:s12+$0x1840];
	vm8 =	vgt.s32 v11, $0x0;
	[tilespmem:s12+$0x4030] =	vst v32;
	v13 =	vor.u32 $0x1, v32;
	v9 =	vshll.u32 v30, $0x10  }
0x13b: {  	v38 =	vld [tilespmem:s12+$0x1050];
	vm9 =	vgt.s32 v14, $0x0;
	v11 =	vnsel vm8, $0x0, v11;
	[tilespmem:s12+$0x5030] =	vst v13;
	v7 =	vor.u32 v9, v7  }
0x13c: {  	v36 =	vsub.f32 v52, v3;
	v6 =	vld [tilespmem:s12+$0x60];
	v14 =	vnsel vm9, $0x0, v14;
	v11 =	vmin.u32 v11, $0xFF;
	[tilespmem:s12+$0x3030] =	vst v7  }
0x13d: {  	v37 =	vmin.u32 v14, $0xFF;
	v11 =	vshll.u32 v11, $0x8;
	v7 =	vmul.f32 v12, v2;
	v39 =	vld.idx.msk [tilespmem:v29+s5+$0x0], $0xffff  }
0x13e: {  	v47 =	vsub.f32 v25, v3;
	v11 =	vor.u32 v37, v11;
	v9 =	vmul.f32 v36, v1  }
0x13f: {  	v41 =	vmul.f32 v24, v35;
	v40 =	vshll.u32 v11, $0x1;
	[tilespmem:s12+$0x3840] =	vst v35;
	v7 =	vmul.f32 $2.560000000e+02, v7  }
0x140: {  	v43 =	vld [tilespmem:s12+$0x2050];
	v48 =	vmul.f32 v47, v1;
	v15 =	vor.u32 $0x1, v40;
	v9 =	vmul.f32 $2.560000000e+02, v9;
	[tilespmem:s12+$0x4040] =	vst v40  }
0x141: {  	v42 =	vld [tilespmem:s12+$0x1850];
	v8 =	vmul.f32 v53, v35;
	v6 =	vsub.f32 v6, v4;
	[tilespmem:s12+$0x5040] =	vst v15;
	v7 =	vtrunc.f32 v7  }
0x142: {  	v56 =	vld [tilespmem:s12+$0x2850];
	[tilespmem:s12+$0x4840] =	vst v41;
	v9 =	vtrunc.f32 v9;
	v7 =	vcvt.f32.s32 v7;
	v12 =	vshll.u32 v39, $0x10  }
0x143: {  	v26 =	vld [tilespmem:s12+$0x870];
	v6 =	vmul.f32 v6, v2;
	[tilespmem:s12+$0x5840] =	vst v8;
	v9 =	vcvt.f32.s32 v9;
	v11 =	vor.u32 v12, v11  }
0x144: {  	v44 =	vld [tilespmem:s12+$0x1060];
	v50 =	vmul.f32 $2.560000000e+02, v48;
	vm10 =	vgt.s32 v7, $0x0;
	[tilespmem:s12+$0x3040] =	vst v11  }
0x145: {  	v6 =	vmul.f32 $2.560000000e+02, v6;
	vm11 =	vgt.s32 v9, $0x0;
	v7 =	vnsel vm10, $0x0, v7;
	v45 =	vld.idx.msk [tilespmem:v38+s5+$0x0], $0xffff  }
0x146: {  	v60 =	vld [tilespmem:s12+$0x70];
	v13 =	vmul.f32 v43, v42;
	v9 =	vnsel vm11, $0x0, v9;
	v7 =	vmin.u32 v7, $0xFF  }
0x147: {  	v8 =	vmul.f32 v56, v42;
	v9 =	vmin.u32 v9, $0xFF;
	[tilespmem:s12+$0x3850] =	vst v42;
	v7 =	vshll.u32 v7, $0x8  }
0x148: {  	v53 =	vld [tilespmem:s12+$0x1860];
	v54 =	vsub.f32 v26, v3;
	v6 =	vtrunc.f32 v6;
	[tilespmem:s12+$0x4850] =	vst v13;
	v7 =	vor.u32 v9, v7  }
0x149: {  	v55 =	vld [tilespmem:s12+$0x2060];
	v10 =	vtrunc.f32 v50;
	v6 =	vcvt.f32.s32 v6;
	[tilespmem:s12+$0x5850] =	vst v8;
	v46 =	vshll.u32 v7, $0x1  }
0x14a: {  	v10 =	vcvt.f32.s32 v10;
	v56 =	vld [tilespmem:s12+$0x2860];
	[tilespmem:s12+$0x4050] =	vst v46;
	v12 =	vor.u32 $0x1, v46;
	v9 =	vshll.u32 v45, $0x10  }
0x14b: {  	v52 =	vsub.f32 v60, v4;
	vm12 =	vgt.s32 v6, $0x0;
	[tilespmem:s12+$0x5050] =	vst v12;
	v7 =	vor.u32 v9, v7  }
0x14c: {  	vm13 =	vgt.s32 v10, $0x0;
	v58 =	vld [tilespmem:s12+$0x1070];
	v6 =	vnsel vm12, $0x0, v6;
	v15 =	vmul.f32 v54, v1;
	[tilespmem:s12+$0x3050] =	vst v7  }
0x14d: {  	v57 =	vnsel vm13, $0x0, v10;
	v6 =	vmin.u32 v6, $0xFF;
	v8 =	vmul.f32 v52, v2;
	v11 =	vld.idx.msk [tilespmem:v44+s5+$0x0], $0xffff  }
0x14e: {  	v16 =	vmul.f32 v55, v53;
	v6 =	vshll.u32 v6, $0x8;
	v15 =	vmul.f32 $2.560000000e+02, v15  }
0x14f: {  	v59 =	vmul.f32 v56, v53;
	v7 =	vmul.f32 $2.560000000e+02, v8;
	v8 =	vmin.u32 v57, $0xFF;
	[tilespmem:s12+$0x3860] =	vst v53  }
0x150: {  	v5 =	vld [tilespmem:s12+$0x2070];
	v6 =	vor.u32 v8, v6;
	[tilespmem:s12+$0x4860] =	vst v16  }
0x151: {  	v51 =	vld [tilespmem:s12+$0x1870];
	v15 =	vtrunc.f32 v15;
	[tilespmem:s12+$0x5860] =	vst v59;
	v7 =	vtrunc.f32 v7;
	v8 =	vshll.u32 v6, $0x1  }
0x152: {  	v49 =	vld [tilespmem:s12+$0x2870];
	v7 =	vcvt.f32.s32 v7;
	[tilespmem:s12+$0x4060] =	vst v8;
	v8 =	vor.u32 $0x1, v8;
	v60 =	vshll.u32 v11, $0x10  }
0x153: {  	v15 =	vcvt.f32.s32 v15;
	[tilespmem:s12+$0x5060] =	vst v8;
	v6 =	vor.u32 v60, v6  }
0x154: {  	vm14 =	vgt.s32 v7, $0x0;
	[tilespmem:s12+$0x3060] =	vst v6  }
0x155: {  	vm15 =	vgt.s32 v15, $0x0;
	v7 =	vnsel vm14, $0x0, v7;
	v62 =	vld.idx.msk [tilespmem:v58+s5+$0x0], $0xffff  }
0x156: {  	v5 =	vmul.f32 v5, v51;
	v61 =	vnsel vm15, $0x0, v15;
	v7 =	vmin.u32 v7, $0xFF  }
0x157: {  	v63 =	vmul.f32 v49, v51;
	v6 =	vshll.u32 v7, $0x8;
	v7 =	vmin.u32 v61, $0xFF;
	[tilespmem:s12+$0x3870] =	vst v51  }
0x158: {  	v6 =	vor.u32 v7, v6;
	[tilespmem:s12+$0x4870] =	vst v5  }
0x159: {  	[tilespmem:s12+$0x5870] =	vst v63;
	v7 =	vshll.u32 v6, $0x1  }
0x15a: {  	[tilespmem:s12+$0x4070] =	vst v7;
	v7 =	vor.u32 $0x1, v7;
	v5 =	vshll.u32 v62, $0x10  }
0x15b: {  	[tilespmem:s12+$0x5070] =	vst v7;
	v5 =	vor.u32 v5, v6  }
0x15c: {  	s14 =	simm.s32 $0x3800;
	s15 =	simm.s32 $0x3000;
	[tilespmem:s12+$0x3070] =	vst v5  }
0x15d: {  	[spmem:s2] =	stream.indirect.scatter.add.f32 [tilespmem:s14], [sflag:$0x1], $0x1, s15, s9, $0xb8;
	[tilespmem:$0x1E100] =	vst v63  }
0x15e: {  	_ =	swait.ge [sflag:s4], $0x80  }
0x15f: {  	[sflag:s4] =	ssyncset.done $0x0  }
0x160: {  	s13 =	simm.s32 $0x4000;
	s12 =	simm.s32 $0x4800;
	[sflag:s4] =	ssyncadd.s32 $0xFFFFFF80  }
0x161: {  	[spmem:s3] =	stream.indirect.scatter.add.f32 [tilespmem:s12], [sflag:$0x1], $0x1, s13, s9, $0xb8;
	[tilespmem:$0x1E100] =	vst v63  }
0x162: {  	_ =	swait.ge [sflag:s4], $0x80  }
0x163: {  	[sflag:s4] =	ssyncset.done $0x0  }
0x164: {  	s14 =	simm.s32 $0x5800;
	s15 =	simm.s32 $0x5000;
	[sflag:s4] =	ssyncadd.s32 $0xFFFFFF80  }
0x165: {  	[spmem:s3] =	stream.indirect.scatter.add.f32 [tilespmem:s14], [sflag:$0x1], $0x1, s15, s9, $0xb8;
	[tilespmem:$0x1E100] =	vst v63  }
0x166: {  	_ =	swait.ge [sflag:s4], $0x80  }
0x167: {  	s10 =	simm.s32 $0x80;
	s12 =	simm.s32 $0x400;
	[sflag:s4] =	ssyncset.done $0x0  }
.LBB2_6:
0x168: {  	s13 =	sadd.s32 $0x3800, s10  }
0x169: {  	s14 =	sadd.s32 $0x3000, s10;
	[sflag:s4] =	ssyncadd.s32 $0xFFFFFF80;
	s15 =	smov.u32 s12  }
0x16a: {  	[spmem:s2] =	stream.indirect.scatter.add.f32 [tilespmem:s13], [sflag:$0x1], $0x1, s14, s9, $0xb8;
	[tilespmem:$0x1E100] =	vst v63  }
0x16b: {  	p0 =	sne.s32 s12, $0x1E00;
	s12 =	sadd.s32 $0x200, s12;
	_ =	swait.ge [sflag:s4], $0x80  }
0x16c: {  	[sflag:s4] =	ssyncset.done $0x0  }
0x16d: {  	s13 =	sadd.s32 $0x4800, s10;
	s14 =	sadd.s32 $0x4000, s10;
	[sflag:s4] =	ssyncadd.s32 $0xFFFFFF80  }
0x16e: {  	[spmem:s3] =	stream.indirect.scatter.add.f32 [tilespmem:s13], [sflag:$0x1], $0x1, s14, s9, $0xb8;
	[tilespmem:$0x1E100] =	vst v63  }
0x16f: {  	_ =	swait.ge [sflag:s4], $0x80  }
.Ltmp2:
0x170: {  	[sflag:s4] =	ssyncset.done $0x0;
	(pc) =	sbr.rel @p0 .LBB2_6-.Ltmp2, $4  }
0x171: {  	s13 =	sadd.s32 $0x5800, s10;
	s10 =	sadd.s32 $0x5000, s10;
	[sflag:s4] =	ssyncadd.s32 $0xFFFFFF80  }
0x172: {  	[spmem:s3] =	stream.indirect.scatter.add.f32 [tilespmem:s13], [sflag:$0x1], $0x1, s10, s9, $0xb8;
	[tilespmem:$0x1E100] =	vst v63  }
0x173: {  	_ =	swait.ge [sflag:s4], $0x80  }
0x174: {  	s10 =	sshra.s32 s15, $0x2;
	[sflag:s4] =	ssyncset.done $0x0  }
0x175: {  	s12 =	sadd.s32 $0x3800, s10;
	s13 =	sadd.s32 $0x3000, s10;
	[sflag:s4] =	ssyncadd.s32 $0xFFFFFF80  }
0x176: {  	[spmem:s2] =	stream.indirect.scatter.add.f32 [tilespmem:s12], [sflag:$0x1], $0x1, s13, s9, $0xb8;
	[tilespmem:$0x1E100] =	vst v63  }
0x177: {  	_ =	swait.ge [sflag:s4], $0x80  }
0x178: {  	[sflag:s4] =	ssyncset.done $0x0  }
0x179: {  	s14 =	sadd.s32 $0x4800, s10;
	s15 =	sadd.s32 $0x4000, s10;
	[sflag:s4] =	ssyncadd.s32 $0xFFFFFF80  }
0x17a: {  	[spmem:s3] =	stream.indirect.scatter.add.f32 [tilespmem:s14], [sflag:$0x1], $0x1, s15, s9, $0xb8;
	[tilespmem:$0x1E100] =	vst v63  }
0x17b: {  	_ =	swait.ge [sflag:s4], $0x80  }
0x17c: {  	[sflag:s4] =	ssyncset.done $0x0  }
0x17d: {  	s14 =	sadd.s32 $0x5800, s10;
	s15 =	sadd.s32 $0x5000, s10;
	[sflag:s4] =	ssyncadd.s32 $0xFFFFFF80  }
0x17e: {  	[spmem:s3] =	stream.indirect.scatter.add.f32 [tilespmem:s14], [sflag:$0x1], $0x1, s15, s9, $0xb8;
	[tilespmem:$0x1E100] =	vst v63  }
0x17f: {  	_ =	swait.ge [sflag:s4], $0x80  }
0x180: {  	[sflag:s4] =	ssyncset.done $0x0  }
0x181: {  	s10 =	simm.s32 $0x0;
	s13 =	rddreg [dreg:$0xc];
	[sflag:s4] =	ssyncadd.s32 $0xFFFFFF80  }
0x182: {  	[tilespmem:s10], [sflag:$0x1] =	stream.linear.gather [hbm4b:s13+s10], $0x800, $0x38;
	[tilespmem:$0x1E100] =	vst v63  }
0x183: {  	_ =	swait.ge [sflag:s4], $0x800  }
0x184: {  	[sflag:s4] =	ssyncset.done $0x0  }
0x185: {  	s15 =	simm.s32 $0x800;
	s14 =	rddreg [dreg:$0xd];
	[sflag:s4] =	ssyncadd.s32 $0xFFFFF800  }
0x186: {  	[tilespmem:s15], [sflag:$0x1] =	stream.linear.gather [hbm4b:s14+s10], $0x800, $0x38;
	[tilespmem:$0x1E100] =	vst v63  }
0x187: {  	_ =	swait.ge [sflag:s4], $0x800  }
0x188: {  	[sflag:s4] =	ssyncset.done $0x0  }
0x189: {  	s15 =	simm.s32 $0x1000;
	s14 =	rddreg [dreg:$0xe];
	[sflag:s4] =	ssyncadd.s32 $0xFFFFF800  }
0x18a: {  	[tilespmem:s15], [sflag:$0x1] =	stream.linear.gather [hbm4b:s14+s10], $0x800, $0x38;
	[tilespmem:$0x1E100] =	vst v63  }
0x18b: {  	_ =	swait.ge [sflag:s4], $0x800  }
0x18c: {  	[sflag:s4] =	ssyncset.done $0x0  }
0x18d: {  	s13 =	simm.s32 $0x1800;
	[sflag:s4] =	ssyncadd.s32 $0xFFFFF800  }
0x18e: {  	[tilespmem:s13], [sflag:$0x1] =	stream.linear.gather [hbm4b:s16+s10], $0x800, $0x38;
	[tilespmem:$0x1E100] =	vst v63  }
0x18f: {  	_ =	swait.ge [sflag:s4], $0x800  }
0x190: {  	[sflag:s4] =	ssyncset.done $0x0  }
0x191: {  	s14 =	simm.s32 $0x2000;
	[sflag:s4] =	ssyncadd.s32 $0xFFFFF800  }
0x192: {  	[tilespmem:s14], [sflag:$0x1] =	stream.strided.gather [hbm4b:s19+s9], $0x800, s8, s9, $0x38;
	[tilespmem:$0x1E100] =	vst v63  }
0x193: {  	_ =	swait.ge [sflag:s4], $0x800  }
0x194: {  	[sflag:s4] =	ssyncset.done $0x0  }
0x195: {  	s15 =	simm.s32 $0x2800;
	[sflag:s4] =	ssyncadd.s32 $0xFFFFF800  }
0x196: {  	[tilespmem:s15], [sflag:$0x1] =	stream.strided.gather [hbm4b:s20+s9], $0x800, s8, s9, $0x38;
	[tilespmem:$0x1E100] =	vst v63  }
0x197: {  	_ =	swait.ge [sflag:s4], $0x800  }
0x198: {  	[sflag:s4] =	ssyncset.done $0x0  }
0x199: {  	s10 =	simm.s32 $0x0;
	[sflag:s4] =	ssyncadd.s32 $0xFFFFF800  }
0x19a: {  	v5 =	vld [tilespmem:s10+$0x0]  }
0x19b: {  	v6 =	vld [tilespmem:s10+$0x800];
	_ =	sdelay $0x3  }
0x19c: {  	v5 =	vsub.f32 v5, v4  }
0x19d: {  	v6 =	vsub.f32 v6, v3  }
0x19e: {  	v5 =	vmul.f32 v5, v2  }
0x19f: {  	v6 =	vmul.f32 v6, v1  }
0x1a0: {  	v5 =	vmul.f32 $2.560000000e+02, v5  }
0x1a1: {  	v6 =	vmul.f32 $2.560000000e+02, v6  }
0x1a2: {  	v13 =	vld [tilespmem:s10+$0x1000];
	v5 =	vtrunc.f32 v5  }
0x1a3: {  	v6 =	vtrunc.f32 v6;
	v5 =	vcvt.f32.s32 v5  }
0x1a4: {  	v7 =	vld [tilespmem:s10+$0x10];
	v6 =	vcvt.f32.s32 v6  }
0x1a5: {  	v8 =	vld [tilespmem:s10+$0x810];
	vm0 =	vgt.s32 v5, $0x0  }
0x1a6: {  	v15 =	vld [tilespmem:s10+$0x1800];
	vm14 =	vgt.s32 v6, $0x0;
	v5 =	vnsel vm0, $0x0, v5  }
0x1a7: {  	v18 =	vld [tilespmem:s10+$0x2800];
	v6 =	vnsel vm14, $0x0, v6;
	v5 =	vmin.u32 v5, $0xFF  }
0x1a8: {  	v9 =	vld [tilespmem:s10+$0x2000];
	v6 =	vmin.u32 v6, $0xFF;
	v5 =	vshll.u32 v5, $0x8  }
0x1a9: {  	v10 =	vld [tilespmem:s10+$0x20];
	v5 =	vor.u32 v6, v5  }
0x1aa: {  	v13 =	vld.idx.msk [tilespmem:v13+s5+$0x0], $0xffff;
	v6 =	vshll.u32 v5, $0x1  }
0x1ab: {  	v11 =	vld [tilespmem:s10+$0x820];
	v7 =	vsub.f32 v7, v4;
	[tilespmem:s10+$0x4000] =	vst v6;
	v6 =	vor.u32 $0x1, v6  }
0x1ac: {  	v16 =	vld [tilespmem:s10+$0x30];
	v8 =	vsub.f32 v8, v3;
	[tilespmem:s10+$0x5000] =	vst v6;
	v6 =	vmul.f32 v18, v15  }
0x1ad: {  	v21 =	vld [tilespmem:s10+$0x1010];
	v7 =	vmul.f32 v7, v2  }
0x1ae: {  	v17 =	vld [tilespmem:s10+$0x830];
	[tilespmem:s10+$0x5800] =	vst v6;
	v6 =	vmul.f32 v8, v1  }
0x1af: {  	v7 =	vmul.f32 $2.560000000e+02, v7;
	v13 =	vshll.u32 v13, $0x10  }
0x1b0: {  	v5 =	vor.u32 v13, v5;
	v6 =	vmul.f32 $2.560000000e+02, v6  }
0x1b1: {  	v12 =	vld [tilespmem:s10+$0x2810];
	v9 =	vmul.f32 v9, v15;
	v10 =	vsub.f32 v10, v4;
	[tilespmem:s10+$0x3000] =	vst v5;
	v5 =	vtrunc.f32 v7  }
0x1b2: {  	v16 =	vsub.f32 v16, v4;
	[tilespmem:s10+$0x3800] =	vst v15;
	v15 =	vld [tilespmem:s10+$0x1810];
	v5 =	vcvt.f32.s32 v5;
	v6 =	vtrunc.f32 v6  }
0x1b3: {  	v14 =	vld [tilespmem:s10+$0x2010];
	v11 =	vsub.f32 v11, v3;
	v17 =	vsub.f32 v17, v3;
	v6 =	vcvt.f32.s32 v6  }
0x1b4: {  	v10 =	vmul.f32 v10, v2;
	v16 =	vmul.f32 v16, v2;
	[tilespmem:s10+$0x4800] =	vst v9;
	vm15 =	vgt.s32 v5, $0x0  }
0x1b5: {  	v17 =	vmul.f32 v17, v1;
	v21 =	vld.idx.msk [tilespmem:v21+s5+$0x0], $0xffff;
	v5 =	vnsel vm15, $0x0, v5;
	vm4 =	vgt.s32 v6, $0x0  }
0x1b6: {  	v10 =	vmul.f32 $2.560000000e+02, v10;
	v7 =	vld [tilespmem:s10+$0x1020];
	v5 =	vmin.u32 v5, $0xFF;
	v6 =	vnsel vm4, $0x0, v6  }
0x1b7: {  	v8 =	vmul.f32 v12, v15;
	v5 =	vshll.u32 v5, $0x8;
	v6 =	vmin.u32 v6, $0xFF  }
0x1b8: {  	v19 =	vld [tilespmem:s10+$0x2820];
	v14 =	vmul.f32 v14, v15;
	[tilespmem:s10+$0x3810] =	vst v15;
	v5 =	vor.u32 v6, v5;
	v6 =	vmul.f32 v11, v1  }
0x1b9: {  	v9 =	vld [tilespmem:s10+$0x40];
	v16 =	vmul.f32 $2.560000000e+02, v16;
	v10 =	vtrunc.f32 v10;
	[tilespmem:s10+$0x5810] =	vst v8  }
0x1ba: {  	[tilespmem:s10+$0x4810] =	vst v14;
	v14 =	vld [tilespmem:s10+$0x1820];
	v21 =	vshll.u32 v21, $0x10;
	v11 =	vshll.u32 v5, $0x1;
	v6 =	vmul.f32 $2.560000000e+02, v6  }
0x1bb: {  	v20 =	vld [tilespmem:s10+$0x2020];
	v17 =	vmul.f32 $2.560000000e+02, v17;
	v10 =	vcvt.f32.s32 v10;
	v5 =	vor.u32 v21, v5;
	[tilespmem:s10+$0x4010] =	vst v11  }
0x1bc: {  	v16 =	vtrunc.f32 v16;
	v11 =	vor.u32 $0x1, v11;
	[tilespmem:s10+$0x3010] =	vst v5;
	v6 =	vtrunc.f32 v6  }
0x1bd: {  	v17 =	vtrunc.f32 v17;
	vm5 =	vgt.s32 v10, $0x0;
	[tilespmem:s10+$0x5010] =	vst v11;
	v6 =	vcvt.f32.s32 v6  }
0x1be: {  	v16 =	vcvt.f32.s32 v16;
	v17 =	vcvt.f32.s32 v17;
	v5 =	vnsel vm5, $0x0, v10;
	v10 =	vld.idx.msk [tilespmem:v7+s5+$0x0], $0xffff  }
0x1bf: {  	v61 =	vld [tilespmem:s10+$0x1030];
	v9 =	vsub.f32 v9, v4;
	v19 =	vmul.f32 v19, v14;
	vm1 =	vgt.s32 v6, $0x0  }
0x1c0: {  	v22 =	vld [tilespmem:s10+$0x840];
	v20 =	vmul.f32 v20, v14;
	v7 =	vmin.u32 v5, $0xFF;
	v6 =	vnsel vm1, $0x0, v6  }
0x1c1: {  	vm6 =	vgt.s32 v16, $0x0;
	[tilespmem:s10+$0x5820] =	vst v19;
	v7 =	vshll.u32 v7, $0x8;
	v26 =	vmin.u32 v6, $0xFF  }
0x1c2: {  	v23 =	vld [tilespmem:s10+$0x2030];
	vm7 =	vgt.s32 v17, $0x0;
	v9 =	vmul.f32 v9, v2;
	[tilespmem:s10+$0x4820] =	vst v20;
	v26 =	vor.u32 v26, v7  }
0x1c3: {  	v16 =	vnsel vm6, $0x0, v16;
	v13 =	vld [tilespmem:s10+$0x50];
	[tilespmem:s10+$0x3820] =	vst v14;
	v10 =	vshll.u32 v10, $0x10;
	v19 =	vshll.u32 v26, $0x1  }
0x1c4: {  	v9 =	vmul.f32 $2.560000000e+02, v9;
	v18 =	vld [tilespmem:s10+$0x2830];
	v14 =	vmin.u32 v16, $0xFF;
	v10 =	vor.u32 v10, v26;
	[tilespmem:s10+$0x4020] =	vst v19  }
0x1c5: {  	v20 =	vld [tilespmem:s10+$0x1830];
	v16 =	vnsel vm7, $0x0, v17;
	v17 =	vsub.f32 v22, v3;
	v27 =	vor.u32 $0x1, v19;
	[tilespmem:s10+$0x3020] =	vst v10  }
0x1c6: {  	v9 =	vtrunc.f32 v9;
	v12 =	vld [tilespmem:s10+$0x850];
	v10 =	vshll.u32 v14, $0x8;
	v14 =	vmin.u32 v16, $0xFF;
	[tilespmem:s10+$0x5020] =	vst v27  }
0x1c7: {  	v9 =	vcvt.f32.s32 v9;
	v17 =	vmul.f32 v17, v1;
	v10 =	vor.u32 v14, v10;
	v14 =	vld.idx.msk [tilespmem:v61+s5+$0x0], $0xffff;
	_ =	sdelay $0x1  }
0x1c8: {  	vm8 =	vgt.s32 v9, $0x0;
	v17 =	vmul.f32 $2.560000000e+02, v17;
	v16 =	vld [tilespmem:s10+$0x1040]  }
0x1c9: {  	v9 =	vnsel vm8, $0x0, v9;
	v62 =	vmul.f32 v23, v20  }
0x1ca: {  	v12 =	vsub.f32 v12, v3;
	v18 =	vmul.f32 v18, v20;
	v17 =	vtrunc.f32 v17;
	[tilespmem:s10+$0x3830] =	vst v20  }
0x1cb: {  	v24 =	vld [tilespmem:s10+$0x2040];
	v13 =	vsub.f32 v13, v4;
	v17 =	vcvt.f32.s32 v17;
	[tilespmem:s10+$0x4830] =	vst v62;
	v14 =	vshll.u32 v14, $0x10  }
0x1cc: {  	v12 =	vmul.f32 v12, v1;
	v19 =	vshll.u32 v10, $0x1;
	[tilespmem:s10+$0x5830] =	vst v18;
	v18 =	vld [tilespmem:s10+$0x1840];
	v10 =	vor.u32 v14, v10  }
0x1cd: {  	v9 =	vmin.u32 v9, $0xFF;
	v8 =	vld [tilespmem:s10+$0x60];
	vm9 =	vgt.s32 v17, $0x0;
	[tilespmem:s10+$0x3030] =	vst v10;
	v10 =	vmul.f32 v13, v2  }
0x1ce: {  	v25 =	vld [tilespmem:s10+$0x2840];
	v12 =	vmul.f32 $2.560000000e+02, v12;
	[tilespmem:s10+$0x4030] =	vst v19;
	v19 =	vor.u32 $0x1, v19;
	v14 =	vnsel vm9, $0x0, v17  }
0x1cf: {  	v9 =	vshll.u32 v9, $0x8;
	[tilespmem:s10+$0x5030] =	vst v19;
	v13 =	vmin.u32 v14, $0xFF;
	v14 =	vld [tilespmem:s10+$0x1050];
	v10 =	vmul.f32 $2.560000000e+02, v10  }
0x1d0: {  	v12 =	vtrunc.f32 v12;
	v9 =	vor.u32 v13, v9;
	v13 =	vld.idx.msk [tilespmem:v16+s5+$0x0], $0xffff  }
0x1d1: {  	v17 =	vmul.f32 v24, v18;
	v10 =	vtrunc.f32 v10  }
0x1d2: {  	v8 =	vsub.f32 v8, v4;
	v12 =	vcvt.f32.s32 v12;
	[tilespmem:s10+$0x3840] =	vst v18;
	v10 =	vcvt.f32.s32 v10  }
0x1d3: {  	v15 =	vld [tilespmem:s10+$0x860];
	v18 =	vmul.f32 v25, v18;
	[tilespmem:s10+$0x4840] =	vst v17;
	v16 =	vshll.u32 v9, $0x1  }
0x1d4: {  	v8 =	vmul.f32 v8, v2;
	vm11 =	vgt.s32 v12, $0x0;
	[tilespmem:s10+$0x4040] =	vst v16;
	vm10 =	vgt.s32 v10, $0x0  }
0x1d5: {  	v16 =	vor.u32 $0x1, v16;
	[tilespmem:s10+$0x5840] =	vst v18;
	v13 =	vshll.u32 v13, $0x10;
	v10 =	vnsel vm10, $0x0, v10  }
0x1d6: {  	v11 =	vld [tilespmem:s10+$0x2850];
	v12 =	vnsel vm11, $0x0, v12;
	[tilespmem:s10+$0x5040] =	vst v16;
	v9 =	vor.u32 v13, v9;
	v10 =	vmin.u32 v10, $0xFF  }
0x1d7: {  	v16 =	vld [tilespmem:s10+$0x1850];
	[tilespmem:s10+$0x3040] =	vst v9;
	v9 =	vshll.u32 v10, $0x8;
	v10 =	vmin.u32 v12, $0xFF  }
0x1d8: {  	v8 =	vmul.f32 $2.560000000e+02, v8;
	v9 =	vor.u32 v10, v9;
	v10 =	vld.idx.msk [tilespmem:v14+s5+$0x0], $0xffff;
	v14 =	vsub.f32 v15, v3  }
0x1d9: {  	v17 =	vld [tilespmem:s10+$0x2050]  }
0x1da: {  	v5 =	vld [tilespmem:s10+$0x70];
	v8 =	vtrunc.f32 v8;
	v14 =	vmul.f32 v14, v1  }
0x1db: {  	v8 =	vcvt.f32.s32 v8;
	v6 =	vld [tilespmem:s10+$0x870]  }
0x1dc: {  	v11 =	vmul.f32 v11, v16;
	v12 =	vld [tilespmem:s10+$0x1060];
	v14 =	vmul.f32 $2.560000000e+02, v14  }
0x1dd: {  	vm12 =	vgt.s32 v8, $0x0;
	v7 =	vld [tilespmem:s10+$0x2070]  }
0x1de: {  	v15 =	vmul.f32 v17, v16;
	v17 =	vld [tilespmem:s10+$0x1870];
	[tilespmem:s10+$0x5850] =	vst v11;
	v13 =	vshll.u32 v9, $0x1;
	v14 =	vtrunc.f32 v14  }
0x1df: {  	v5 =	vsub.f32 v5, v4;
	v8 =	vnsel vm12, $0x0, v8;
	v11 =	vld [tilespmem:s10+$0x1860];
	[tilespmem:s10+$0x4050] =	vst v13;
	v14 =	vcvt.f32.s32 v14  }
0x1e0: {  	v8 =	vmin.u32 v8, $0xFF;
	v13 =	vor.u32 $0x1, v13;
	[tilespmem:s10+$0x4850] =	vst v15;
	v15 =	vld [tilespmem:s10+$0x2060]  }
0x1e1: {  	v5 =	vmul.f32 v5, v2;
	[tilespmem:s10+$0x5050] =	vst v13;
	v13 =	vld [tilespmem:s10+$0x2870];
	v10 =	vshll.u32 v10, $0x10;
	vm13 =	vgt.s32 v14, $0x0  }
0x1e2: {  	v6 =	vsub.f32 v6, v3;
	[tilespmem:s10+$0x3850] =	vst v16;
	v9 =	vor.u32 v10, v9;
	v10 =	vld [tilespmem:s10+$0x2860];
	v14 =	vnsel vm13, $0x0, v14  }
0x1e3: {  	v8 =	vshll.u32 v8, $0x8;
	v5 =	vmul.f32 $2.560000000e+02, v5;
	[tilespmem:s10+$0x3050] =	vst v9;
	v9 =	vld [tilespmem:s10+$0x1070];
	v14 =	vmin.u32 v14, $0xFF  }
0x1e4: {  	s12 =	simm.s32 $0x80;
	v6 =	vmul.f32 v6, v1;
	v12 =	vld.idx.msk [tilespmem:v12+s5+$0x0], $0xffff;
	v14 =	vor.u32 v14, v8  }
0x1e5: {  	v5 =	vtrunc.f32 v5;
	v16 =	vld [tilespmem:s12+$0x0];
	[tilespmem:s10+$0x3860] =	vst v11;
	v8 =	vshll.u32 v14, $0x1  }
0x1e6: {  	v6 =	vmul.f32 $2.560000000e+02, v6;
	v15 =	vmul.f32 v15, v11;
	v18 =	vld [tilespmem:s12+$0x800];
	[tilespmem:s10+$0x4060] =	vst v8;
	v8 =	vor.u32 $0x1, v8  }
0x1e7: {  	v10 =	vmul.f32 v10, v11;
	v11 =	vcvt.f32.s32 v5;
	v19 =	vld [tilespmem:s12+$0x10];
	[tilespmem:s10+$0x5060] =	vst v8  }
0x1e8: {  	v20 =	vld [tilespmem:s12+$0x810];
	[tilespmem:s10+$0x4860] =	vst v15  }
0x1e9: {  	v5 =	vtrunc.f32 v6;
	vm14 =	vgt.s32 v11, $0x0;
	v8 =	vld [tilespmem:s12+$0x2000];
	[tilespmem:s10+$0x5860] =	vst v10  }
0x1ea: {  	v6 =	vshll.u32 v12, $0x10;
	v11 =	vnsel vm14, $0x0, v11;
	v10 =	vcvt.f32.s32 v5;
	v5 =	vld [tilespmem:s12+$0x20]  }
0x1eb: {  	v12 =	vor.u32 v6, v14;
	v11 =	vmin.u32 v11, $0xFF;
	v21 =	vld [tilespmem:s12+$0x820]  }
0x1ec: {  	v6 =	vld [tilespmem:s12+$0x2810];
	[tilespmem:s10+$0x3060] =	vst v12;
	v12 =	vshll.u32 v11, $0x8  }
0x1ed: {  	v11 =	vmul.f32 v7, v17;
	v7 =	vsub.f32 v16, v4;
	vm15 =	vgt.s32 v10, $0x0  }
0x1ee: {  	v15 =	vmul.f32 v13, v17;
	v16 =	vld.idx.msk [tilespmem:v9+s5+$0x0], $0xffff;
	v9 =	vsub.f32 v18, v3;
	v10 =	vnsel vm15, $0x0, v10  }
0x1ef: {  	v18 =	vmul.f32 v7, v2;
	v19 =	vsub.f32 v19, v4;
	v10 =	vmin.u32 v10, $0xFF  }
0x1f0: {  	v9 =	vmul.f32 v9, v1;
	v14 =	vor.u32 v10, v12;
	v10 =	vsub.f32 v20, v3  }
0x1f1: {  	v13 =	vld [tilespmem:s12+$0x1000];
	[tilespmem:s10+$0x3870] =	vst v17;
	v17 =	vmul.f32 $2.560000000e+02, v18;
	v20 =	vmul.f32 v19, v2;
	v12 =	vshll.u32 v14, $0x1  }
0x1f2: {  	v7 =	vld [tilespmem:s12+$0x2010];
	v18 =	vmul.f32 $2.560000000e+02, v9;
	[tilespmem:s10+$0x4070] =	vst v12;
	v10 =	vmul.f32 v10, v1;
	v63 =	vor.u32 $0x1, v12  }
0x1f3: {  	s13 =	simm.s32 $0x400;
	v9 =	vsub.f32 v21, v3;
	v19 =	vtrunc.f32 v17;
	v17 =	vmul.f32 $2.560000000e+02, v20;
	v12 =	vld [tilespmem:s12+$0x1800];
	[tilespmem:s10+$0x5070] =	vst v63  }
.LBB2_8:
0x1f4: {  	p0 =	sne.s32 s13, $0x1E00;
	v19 =	vcvt.f32.s32 v19;
	v18 =	vtrunc.f32 v18;
	v20 =	vld [tilespmem:s12+$0x30];
	[tilespmem:s10+$0x4870] =	vst v11;
	s14 =	smov.u32 s13;
	s13 =	sadd.s32 $0x200, s13  }
0x1f5: {  	v11 =	vcvt.f32.s32 v18;
	v17 =	vtrunc.f32 v17;
	v18 =	vld [tilespmem:s12+$0x830];
	[tilespmem:s10+$0x5870] =	vst v15  }
0x1f6: {  	v16 =	vshll.u32 v16, $0x10;
	vm0 =	vgt.s32 v19, $0x0;
	v15 =	vld [tilespmem:s12+$0x2800];
	v17 =	vcvt.f32.s32 v17  }
0x1f7: {  	v14 =	vor.u32 v16, v14;
	v19 =	vnsel vm0, $0x0, v19;
	vm0 =	vgt.s32 v11, $0x0;
	v21 =	vld [tilespmem:s12+$0x2820]  }
0x1f8: {  	v16 =	vmin.u32 v19, $0xFF;
	v11 =	vnsel vm0, $0x0, v11;
	vm0 =	vgt.s32 v17, $0x0;
	v19 =	vld [tilespmem:s12+$0x2020];
	[tilespmem:s10+$0x3070] =	vst v14;
	s10 =	smov.u32 s12  }
0x1f9: {  	v8 =	vmul.f32 v8, v12;
	v11 =	vmin.u32 v11, $0xFF;
	v14 =	vshll.u32 v16, $0x8;
	v13 =	vld.idx.msk [tilespmem:v13+s5+$0x0], $0xffff  }
0x1fa: {  	v10 =	vmul.f32 $2.560000000e+02, v10;
	v11 =	vor.u32 v11, v14;
	v14 =	vnsel vm0, $0x0, v17;
	v16 =	vld [tilespmem:s10+$0x1010]  }
0x1fb: {  	v17 =	vshll.u32 v11, $0x1;
	[tilespmem:s10+$0x4800] =	vst v8;
	v8 =	vmul.f32 v15, v12;
	v14 =	vmin.u32 v14, $0xFF;
	v15 =	vld [tilespmem:s10+$0x40]  }
0x1fc: {  	v22 =	vmul.f32 v9, v1;
	v10 =	vtrunc.f32 v10;
	[tilespmem:s10+$0x3800] =	vst v12;
	v12 =	vor.u32 $0x1, v17;
	v23 =	vld [tilespmem:s10+$0x840]  }
0x1fd: {  	v18 =	vsub.f32 v18, v3;
	[tilespmem:s10+$0x4000] =	vst v17;
	v17 =	vcvt.f32.s32 v10;
	v10 =	vsub.f32 v20, v4;
	v9 =	vld [tilespmem:s10+$0x2030]  }
0x1fe: {  	v5 =	vsub.f32 v5, v4;
	v20 =	vmul.f32 $2.560000000e+02, v22;
	[tilespmem:s10+$0x5000] =	vst v12;
	v12 =	vld [tilespmem:s10+$0x1810]  }
0x1ff: {  	v13 =	vshll.u32 v13, $0x10;
	vm0 =	vgt.s32 v17, $0x0;
	v22 =	vmul.f32 v10, v2;
	v10 =	vld [tilespmem:s10+$0x2830]  }
0x200: {  	v11 =	vor.u32 v13, v11;
	v13 =	vtrunc.f32 v20;
	[tilespmem:s10+$0x5800] =	vst v8;
	v8 =	vnsel vm0, $0x0, v17;
	v17 =	vld [tilespmem:s10+$0x50]  }
0x201: {  	[tilespmem:s10+$0x3000] =	vst v11;
	v8 =	vmin.u32 v8, $0xFF;
	v11 =	vcvt.f32.s32 v13;
	v13 =	vld [tilespmem:s10+$0x1020];
	v20 =	vmul.f32 $2.560000000e+02, v22  }
0x202: {  	v5 =	vmul.f32 v5, v2;
	v18 =	vmul.f32 v18, v1;
	v15 =	vsub.f32 v15, v4;
	v16 =	vld.idx.msk [tilespmem:v16+s5+$0x0], $0xffff  }
0x203: {  	v22 =	vmul.f32 v7, v12;
	v6 =	vmul.f32 v6, v12;
	vm0 =	vgt.s32 v11, $0x0;
	v24 =	vld [tilespmem:s10+$0x850]  }
0x204: {  	v5 =	vmul.f32 $2.560000000e+02, v5;
	v14 =	vshll.u32 v14, $0x8;
	v11 =	vnsel vm0, $0x0, v11;
	v7 =	vld [tilespmem:s10+$0x2040]  }
0x205: {  	v14 =	vor.u32 v8, v14;
	[tilespmem:s10+$0x5810] =	vst v6;
	v6 =	vmul.f32 $2.560000000e+02, v18;
	v18 =	vtrunc.f32 v20;
	v8 =	vld [tilespmem:s10+$0x2840]  }
0x206: {  	v5 =	vtrunc.f32 v5;
	v20 =	vshll.u32 v14, $0x1;
	[tilespmem:s10+$0x4810] =	vst v22;
	v18 =	vcvt.f32.s32 v18;
	v22 =	vld [tilespmem:s10+$0x60]  }
0x207: {  	v5 =	vcvt.f32.s32 v5;
	[tilespmem:s10+$0x3810] =	vst v12;
	v12 =	vor.u32 $0x1, v20;
	v25 =	vld [tilespmem:s10+$0x1820];
	v6 =	vtrunc.f32 v6  }
0x208: {  	v16 =	vshll.u32 v16, $0x10;
	[tilespmem:s10+$0x4010] =	vst v20;
	vm0 =	vgt.s32 v18, $0x0;
	v20 =	vcvt.f32.s32 v6;
	v26 =	vld [tilespmem:s10+$0x860]  }
0x209: {  	vm1 =	vgt.s32 v5, $0x0;
	v14 =	vor.u32 v16, v14;
	[tilespmem:s10+$0x5010] =	vst v12;
	v12 =	vnsel vm0, $0x0, v18;
	v6 =	vld [tilespmem:s10+$0x2850]  }
0x20a: {  	v5 =	vnsel vm1, $0x0, v5;
	[tilespmem:s10+$0x3010] =	vst v14;
	v12 =	vmin.u32 v12, $0xFF;
	vm0 =	vgt.s32 v20, $0x0;
	v14 =	vld [tilespmem:s10+$0x1030]  }
0x20b: {  	v5 =	vmin.u32 v5, $0xFF;
	v13 =	vld.idx.msk [tilespmem:v13+s5+$0x0], $0xffff;
	v16 =	vnsel vm0, $0x0, v20;
	v12 =	vshll.u32 v12, $0x8  }
0x20c: {  	v5 =	vshll.u32 v5, $0x8;
	v11 =	vmin.u32 v11, $0xFF;
	v18 =	vmul.f32 v21, v25;
	v20 =	vld [tilespmem:s10+$0x70]  }
0x20d: {  	v15 =	vmul.f32 v15, v2;
	v11 =	vor.u32 v11, v5;
	v19 =	vmul.f32 v19, v25;
	v21 =	vld [tilespmem:s10+$0x870]  }
0x20e: {  	v17 =	vsub.f32 v17, v4;
	v27 =	vshll.u32 v11, $0x1;
	[tilespmem:s10+$0x5820] =	vst v18;
	v18 =	vsub.f32 v23, v3;
	v5 =	vld [tilespmem:s10+$0x2070]  }
0x20f: {  	v15 =	vmul.f32 $2.560000000e+02, v15;
	v23 =	vor.u32 $0x1, v27;
	[tilespmem:s10+$0x4820] =	vst v19;
	v19 =	vsub.f32 v24, v3  }
0x210: {  	v17 =	vmul.f32 v17, v2;
	v22 =	vsub.f32 v22, v4;
	[tilespmem:s10+$0x5020] =	vst v23;
	v23 =	vld [tilespmem:s10+$0x1830];
	v18 =	vmul.f32 v18, v1  }
0x211: {  	v15 =	vtrunc.f32 v15;
	v13 =	vshll.u32 v13, $0x10;
	[tilespmem:s10+$0x4020] =	vst v27;
	v19 =	vmul.f32 v19, v1  }
0x212: {  	v15 =	vcvt.f32.s32 v15;
	v11 =	vor.u32 v13, v11;
	[tilespmem:s10+$0x3820] =	vst v25;
	v13 =	vmul.f32 $2.560000000e+02, v18  }
0x213: {  	v17 =	vmul.f32 $2.560000000e+02, v17;
	[tilespmem:s10+$0x3020] =	vst v11;
	v11 =	vmin.u32 v16, $0xFF;
	v16 =	vld [tilespmem:s10+$0x1040];
	v18 =	vmul.f32 $2.560000000e+02, v19  }
0x214: {  	vm0 =	vgt.s32 v15, $0x0;
	v11 =	vor.u32 v11, v12;
	v12 =	vld.idx.msk [tilespmem:v14+s5+$0x0], $0xffff;
	v13 =	vtrunc.f32 v13  }
0x215: {  	v15 =	vnsel vm0, $0x0, v15;
	[tilespmem:s10+$0x3830] =	vst v23;
	v14 =	vshll.u32 v11, $0x1;
	v13 =	vcvt.f32.s32 v13  }
0x216: {  	v15 =	vmin.u32 v15, $0xFF;
	v9 =	vmul.f32 v9, v23;
	[tilespmem:s10+$0x4030] =	vst v14;
	v14 =	vor.u32 $0x1, v14  }
0x217: {  	v10 =	vmul.f32 v10, v23;
	[tilespmem:s10+$0x5030] =	vst v14;
	vm0 =	vgt.s32 v13, $0x0;
	v14 =	vshll.u32 v15, $0x8  }
0x218: {  	v15 =	vtrunc.f32 v18;
	[tilespmem:s10+$0x4830] =	vst v9;
	v9 =	vnsel vm0, $0x0, v13;
	v13 =	vtrunc.f32 v17  }
0x219: {  	v15 =	vcvt.f32.s32 v15;
	v17 =	vsub.f32 v26, v3;
	[tilespmem:s10+$0x5830] =	vst v10;
	v10 =	vld [tilespmem:s10+$0x1840];
	v13 =	vcvt.f32.s32 v13  }
0x21a: {  	v19 =	vsub.f32 v20, v4;
	v18 =	vmul.f32 v22, v2;
	v12 =	vshll.u32 v12, $0x10  }
0x21b: {  	v11 =	vor.u32 v12, v11;
	vm1 =	vgt.s32 v15, $0x0;
	vm0 =	vgt.s32 v13, $0x0  }
0x21c: {  	v9 =	vmin.u32 v9, $0xFF;
	v12 =	vnsel vm1, $0x0, v15;
	[tilespmem:s10+$0x3030] =	vst v11;
	v11 =	vnsel vm0, $0x0, v13;
	v13 =	vld [tilespmem:s10+$0x1050]  }
0x21d: {  	v9 =	vor.u32 v9, v14;
	v15 =	vmul.f32 $2.560000000e+02, v18;
	v14 =	vld.idx.msk [tilespmem:v16+s5+$0x0], $0xffff;
	v11 =	vmin.u32 v11, $0xFF  }
0x21e: {  	v16 =	vshll.u32 v9, $0x1;
	[tilespmem:s10+$0x3840] =	vst v10;
	v7 =	vmul.f32 v7, v10;
	v11 =	vshll.u32 v11, $0x8  }
0x21f: {  	v8 =	vmul.f32 v8, v10;
	v10 =	vtrunc.f32 v15;
	[tilespmem:s10+$0x4040] =	vst v16;
	v16 =	vor.u32 $0x1, v16  }
0x220: {  	v15 =	vmul.f32 v17, v1;
	v10 =	vcvt.f32.s32 v10;
	[tilespmem:s10+$0x5040] =	vst v16;
	v16 =	vsub.f32 v21, v3  }
0x221: {  	[tilespmem:s10+$0x4840] =	vst v7;
	v7 =	vmul.f32 v19, v2  }
0x222: {  	v15 =	vmul.f32 $2.560000000e+02, v15;
	vm0 =	vgt.s32 v10, $0x0;
	[tilespmem:s10+$0x5840] =	vst v8;
	v8 =	vld [tilespmem:s10+$0x1850];
	v16 =	vmul.f32 v16, v1  }
0x223: {  	v14 =	vshll.u32 v14, $0x10;
	v10 =	vnsel vm0, $0x0, v10;
	v17 =	vld [tilespmem:s10+$0x2050];
	v7 =	vmul.f32 $2.560000000e+02, v7  }
0x224: {  	v9 =	vor.u32 v14, v9;
	v10 =	vmin.u32 v10, $0xFF;
	v14 =	vtrunc.f32 v15  }
0x225: {  	v10 =	vshll.u32 v10, $0x8;
	[tilespmem:s10+$0x3040] =	vst v9;
	v9 =	vmin.u32 v12, $0xFF;
	v12 =	vcvt.f32.s32 v14;
	v14 =	vld [tilespmem:s10+$0x1060]  }
0x226: {  	v7 =	vtrunc.f32 v7;
	v9 =	vor.u32 v9, v11;
	v11 =	vld.idx.msk [tilespmem:v13+s5+$0x0], $0xffff;
	v13 =	vmul.f32 $2.560000000e+02, v16  }
0x227: {  	[tilespmem:s10+$0x3850] =	vst v8;
	v15 =	vshll.u32 v9, $0x1;
	v6 =	vmul.f32 v6, v8;
	vm0 =	vgt.s32 v12, $0x0  }
0x228: {  	[tilespmem:s10+$0x4050] =	vst v15;
	v15 =	vor.u32 $0x1, v15;
	v8 =	vmul.f32 v17, v8;
	v12 =	vnsel vm0, $0x0, v12  }
0x229: {  	v7 =	vcvt.f32.s32 v7;
	v13 =	vtrunc.f32 v13;
	[tilespmem:s10+$0x5050] =	vst v15;
	v15 =	vld [tilespmem:s10+$0x2870]  }
0x22a: {  	[tilespmem:s10+$0x4850] =	vst v8;
	v8 =	vcvt.f32.s32 v13;
	v17 =	vld [tilespmem:s10+$0x1870]  }
0x22b: {  	vm0 =	vgt.s32 v7, $0x0;
	[tilespmem:s10+$0x5850] =	vst v6;
	v6 =	vld [tilespmem:s10+$0x1860]  }
0x22c: {  	v7 =	vnsel vm0, $0x0, v7;
	v11 =	vshll.u32 v11, $0x10;
	v13 =	vld [tilespmem:s10+$0x2060];
	vm0 =	vgt.s32 v8, $0x0  }
0x22d: {  	v7 =	vmin.u32 v7, $0xFF;
	v9 =	vor.u32 v11, v9;
	v16 =	vld [tilespmem:s10+$0x2860];
	v18 =	vnsel vm0, $0x0, v8  }
0x22e: {  	v7 =	vshll.u32 v7, $0x8;
	v8 =	vmin.u32 v12, $0xFF;
	[tilespmem:s10+$0x3050] =	vst v9;
	v9 =	vld [tilespmem:s10+$0x1070]  }
0x22f: {  	s12 =	sshra.s32 s14, $0x2;
	v10 =	vor.u32 v8, v10;
	v12 =	vld.idx.msk [tilespmem:v14+s5+$0x0], $0xffff;
	v11 =	vmul.f32 v5, v17  }
0x230: {  	v8 =	vshll.u32 v10, $0x1;
	v5 =	vld [tilespmem:s12+$0x0];
	[tilespmem:s10+$0x3860] =	vst v6  }
0x231: {  	v14 =	vld [tilespmem:s12+$0x800];
	[tilespmem:s10+$0x4060] =	vst v8;
	v8 =	vor.u32 $0x1, v8;
	v13 =	vmul.f32 v13, v6  }
0x232: {  	v19 =	vld [tilespmem:s12+$0x10];
	[tilespmem:s10+$0x5060] =	vst v8;
	v6 =	vmul.f32 v16, v6  }
0x233: {  	v16 =	vld [tilespmem:s12+$0x810];
	[tilespmem:s10+$0x4860] =	vst v13  }
0x234: {  	v8 =	vld [tilespmem:s12+$0x2000];
	[tilespmem:s10+$0x5860] =	vst v6  }
0x235: {  	v12 =	vshll.u32 v12, $0x10;
	v6 =	vsub.f32 v5, v4;
	v5 =	vld [tilespmem:s12+$0x20]  }
0x236: {  	v15 =	vmul.f32 v15, v17;
	v10 =	vor.u32 v12, v10;
	v13 =	vsub.f32 v14, v3;
	v20 =	vld [tilespmem:s12+$0x820]  }
.Ltmp3:
0x237: {  	v12 =	vmul.f32 v6, v2;
	v19 =	vsub.f32 v19, v4;
	v6 =	vld [tilespmem:s12+$0x2810];
	[tilespmem:s10+$0x3060] =	vst v10;
	v10 =	vmin.u32 v18, $0xFF;
	(pc) =	sbr.rel @p0 .LBB2_8-.Ltmp3, $4  }
0x238: {  	v18 =	vmul.f32 v13, v1;
	v21 =	vsub.f32 v16, v3;
	v14 =	vor.u32 v10, v7;
	v16 =	vld.idx.msk [tilespmem:v9+s5+$0x0], $0xffff  }
0x239: {  	v9 =	vmul.f32 $2.560000000e+02, v12;
	v13 =	vld [tilespmem:s12+$0x1000];
	v22 =	vmul.f32 v19, v2;
	[tilespmem:s10+$0x3870] =	vst v17;
	v12 =	vshll.u32 v14, $0x1  }
0x23a: {  	v18 =	vmul.f32 $2.560000000e+02, v18;
	v10 =	vmul.f32 v21, v1;
	v7 =	vld [tilespmem:s12+$0x2010];
	[tilespmem:s10+$0x4070] =	vst v12;
	v21 =	vor.u32 $0x1, v12  }
0x23b: {  	v19 =	vtrunc.f32 v9;
	v12 =	vld [tilespmem:s12+$0x1800];
	v17 =	vmul.f32 $2.560000000e+02, v22;
	v9 =	vsub.f32 v20, v3;
	[tilespmem:s10+$0x5070] =	vst v21  }
0x23c: {  	_ = 	snop  }
0x23d: {  	v20 =	vld [tilespmem:s12+$0x30];
	[tilespmem:s10+$0x4870] =	vst v11  }
0x23e: {  	v11 =	vld [tilespmem:s12+$0x830];
	[tilespmem:s10+$0x5870] =	vst v15  }
0x23f: {  	v19 =	vcvt.f32.s32 v19;
	v18 =	vtrunc.f32 v18;
	v16 =	vshll.u32 v16, $0x10;
	v15 =	vld [tilespmem:s12+$0x2800]  }
0x240: {  	v18 =	vcvt.f32.s32 v18;
	v21 =	vld [tilespmem:s12+$0x2820];
	v14 =	vor.u32 v16, v14  }
0x241: {  	v33 =	vld [tilespmem:s12+$0x2020];
	vm0 =	vgt.s32 v19, $0x0;
	[tilespmem:s10+$0x3070] =	vst v14  }
0x242: {  	v34 =	vnsel vm0, $0x0, v19;
	vm14 =	vgt.s32 v18, $0x0;
	v13 =	vld.idx.msk [tilespmem:v13+s5+$0x0], $0xffff  }
0x243: {  	v8 =	vmul.f32 v8, v12;
	v35 =	vld [tilespmem:s12+$0x1010];
	v14 =	vmin.u32 v34, $0xFF;
	v18 =	vnsel vm14, $0x0, v18  }
0x244: {  	v10 =	vmul.f32 $2.560000000e+02, v10;
	v36 =	vmin.u32 v18, $0xFF;
	v14 =	vshll.u32 v14, $0x8  }
0x245: {  	v5 =	vsub.f32 v5, v4;
	v42 =	vtrunc.f32 v17;
	[tilespmem:s12+$0x4800] =	vst v8;
	v8 =	vor.u32 v36, v14  }
0x246: {  	v9 =	vmul.f32 v9, v1;
	v10 =	vtrunc.f32 v10;
	[tilespmem:s12+$0x3800] =	vst v12;
	v39 =	vld [tilespmem:s12+$0x1810];
	v14 =	vshll.u32 v8, $0x1  }
0x247: {  	v5 =	vmul.f32 v5, v2;
	[tilespmem:s12+$0x4000] =	vst v14;
	v14 =	vor.u32 $0x1, v14;
	v13 =	vshll.u32 v13, $0x10  }
0x248: {  	v10 =	vcvt.f32.s32 v10;
	v38 =	vmul.f32 v15, v12;
	[tilespmem:s12+$0x5000] =	vst v14;
	v8 =	vor.u32 v13, v8  }
0x249: {  	v9 =	vmul.f32 $2.560000000e+02, v9;
	v37 =	vld [tilespmem:s12+$0x40];
	[tilespmem:s12+$0x3000] =	vst v8;
	v8 =	vcvt.f32.s32 v42  }
0x24a: {  	v22 =	vld [tilespmem:s12+$0x840];
	v5 =	vmul.f32 $2.560000000e+02, v5;
	vm4 =	vgt.s32 v10, $0x0;
	[tilespmem:s12+$0x5800] =	vst v38  }
0x24b: {  	v9 =	vtrunc.f32 v9;
	v6 =	vmul.f32 v6, v39;
	v44 =	vld.idx.msk [tilespmem:v35+s5+$0x0], $0xffff;
	vm15 =	vgt.s32 v8, $0x0  }
0x24c: {  	v43 =	vld [tilespmem:s12+$0x1020];
	v53 =	vsub.f32 v20, v4;
	v10 =	vnsel vm4, $0x0, v10;
	v46 =	vnsel vm15, $0x0, v8  }
0x24d: {  	v51 =	vld [tilespmem:s12+$0x1820];
	v5 =	vtrunc.f32 v5;
	v7 =	vmul.f32 v7, v39;
	[tilespmem:s12+$0x5810] =	vst v6;
	v6 =	vmin.u32 v46, $0xFF  }
0x24e: {  	v23 =	vld [tilespmem:s12+$0x2030];
	v9 =	vcvt.f32.s32 v9;
	v48 =	vmin.u32 v10, $0xFF;
	v49 =	vshll.u32 v6, $0x8  }
0x24f: {  	v40 =	vld [tilespmem:s12+$0x2830];
	v54 =	vsub.f32 v11, v3;
	v5 =	vcvt.f32.s32 v5;
	[tilespmem:s12+$0x4810] =	vst v7;
	v7 =	vor.u32 v48, v49  }
0x250: {  	v41 =	vld [tilespmem:s12+$0x50];
	vm1 =	vgt.s32 v9, $0x0;
	[tilespmem:s12+$0x3810] =	vst v39;
	v17 =	vshll.u32 v44, $0x10;
	v10 =	vshll.u32 v7, $0x1  }
0x251: {  	v60 =	vld [tilespmem:s12+$0x1830];
	vm5 =	vgt.s32 v5, $0x0;
	v9 =	vnsel vm1, $0x0, v9;
	v7 =	vor.u32 v17, v7;
	[tilespmem:s12+$0x4010] =	vst v10  }
0x252: {  	v45 =	vld [tilespmem:s12+$0x850];
	v56 =	vmul.f32 v21, v51;
	v5 =	vnsel vm5, $0x0, v5;
	v10 =	vor.u32 $0x1, v10;
	[tilespmem:s12+$0x3010] =	vst v7  }
0x253: {  	v55 =	vld [tilespmem:s12+$0x1030];
	v16 =	vmul.f32 v33, v51;
	v18 =	vsub.f32 v37, v4;
	v5 =	vmin.u32 v5, $0xFF;
	[tilespmem:s12+$0x5010] =	vst v10  }
0x254: {  	v9 =	vmin.u32 v9, $0xFF;
	v5 =	vshll.u32 v5, $0x8;
	v17 =	vmul.f32 v53, v2;
	v13 =	vld.idx.msk [tilespmem:v43+s5+$0x0], $0xffff  }
0x255: {  	v62 =	vsub.f32 v22, v3;
	v9 =	vor.u32 v9, v5;
	v7 =	vmul.f32 v54, v1  }
0x256: {  	v25 =	vld [tilespmem:s12+$0x860];
	v30 =	vmul.f32 v23, v60;
	v58 =	vshll.u32 v9, $0x1;
	v17 =	vmul.f32 $2.560000000e+02, v17;
	[tilespmem:s12+$0x5820] =	vst v56  }
0x257: {  	v31 =	vmul.f32 v40, v60;
	v27 =	vor.u32 $0x1, v58;
	v7 =	vmul.f32 $2.560000000e+02, v7;
	[tilespmem:s12+$0x4820] =	vst v16  }
0x258: {  	v12 =	vsub.f32 v41, v4;
	v33 =	vsub.f32 v45, v3;
	[tilespmem:s12+$0x5020] =	vst v27;
	v17 =	vtrunc.f32 v17  }
0x259: {  	[tilespmem:s12+$0x4020] =	vst v58;
	v59 =	vcvt.f32.s32 v17;
	v7 =	vtrunc.f32 v7;
	v13 =	vshll.u32 v13, $0x10  }
0x25a: {  	v20 =	vmul.f32 v18, v2;
	[tilespmem:s12+$0x3820] =	vst v51;
	v7 =	vcvt.f32.s32 v7;
	v9 =	vor.u32 v13, v9  }
0x25b: {  	v22 =	vld [tilespmem:s12+$0x1040];
	v45 =	vsub.f32 v25, v3;
	v14 =	vmul.f32 v62, v1;
	vm6 =	vgt.s32 v59, $0x0;
	[tilespmem:s12+$0x3020] =	vst v9  }
0x25c: {  	v28 =	vmul.f32 $2.560000000e+02, v20;
	v16 =	vnsel vm6, $0x0, v59;
	vm7 =	vgt.s32 v7, $0x0;
	v27 =	vld.idx.msk [tilespmem:v55+s5+$0x0], $0xffff  }
0x25d: {  	v24 =	vld [tilespmem:s12+$0x2040];
	v14 =	vmul.f32 $2.560000000e+02, v14;
	v61 =	vmin.u32 v16, $0xFF;
	v7 =	vnsel vm7, $0x0, v7  }
0x25e: {  	v32 =	vld [tilespmem:s12+$0x1840];
	v11 =	vtrunc.f32 v28;
	v63 =	vshll.u32 v61, $0x8;
	v7 =	vmin.u32 v7, $0xFF;
	[tilespmem:s12+$0x3830] =	vst v60  }
0x25f: {  	v50 =	vld [tilespmem:s12+$0x60];
	v14 =	vtrunc.f32 v14;
	v11 =	vcvt.f32.s32 v11;
	v7 =	vor.u32 v7, v63;
	[tilespmem:s12+$0x4830] =	vst v30  }
0x260: {  	v47 =	vld [tilespmem:s12+$0x2840];
	v34 =	vmul.f32 v12, v2;
	v14 =	vcvt.f32.s32 v14;
	[tilespmem:s12+$0x5830] =	vst v31;
	v29 =	vshll.u32 v7, $0x1  }
0x261: {  	vm8 =	vgt.s32 v11, $0x0;
	[tilespmem:s12+$0x4030] =	vst v29;
	v13 =	vor.u32 $0x1, v29;
	v9 =	vshll.u32 v27, $0x10  }
0x262: {  	v26 =	vld [tilespmem:s12+$0x870];
	vm9 =	vgt.s32 v14, $0x0;
	v11 =	vnsel vm8, $0x0, v11;
	[tilespmem:s12+$0x5030] =	vst v13;
	v7 =	vor.u32 v9, v7  }
0x263: {  	v36 =	vld [tilespmem:s12+$0x1050];
	v39 =	vmul.f32 v24, v32;
	v14 =	vnsel vm9, $0x0, v14;
	v11 =	vmin.u32 v11, $0xFF;
	[tilespmem:s12+$0x3030] =	vst v7  }
0x264: {  	v6 =	vsub.f32 v50, v4;
	v35 =	vmin.u32 v14, $0xFF;
	v11 =	vshll.u32 v11, $0x8;
	v37 =	vld.idx.msk [tilespmem:v22+s5+$0x0], $0xffff  }
0x265: {  	v57 =	vld [tilespmem:s12+$0x70];
	v8 =	vmul.f32 v47, v32;
	v11 =	vor.u32 v35, v11;
	v9 =	vmul.f32 v33, v1  }
0x266: {  	v6 =	vmul.f32 v6, v2;
	v38 =	vshll.u32 v11, $0x1;
	v7 =	vmul.f32 $2.560000000e+02, v34;
	[tilespmem:s12+$0x3840] =	vst v32  }
0x267: {  	v40 =	vld [tilespmem:s12+$0x1850];
	v46 =	vmul.f32 v45, v1;
	v15 =	vor.u32 $0x1, v38;
	v9 =	vmul.f32 $2.560000000e+02, v9;
	[tilespmem:s12+$0x4040] =	vst v38  }
0x268: {  	v41 =	vld [tilespmem:s12+$0x2050];
	v3 =	vsub.f32 v26, v3;
	v6 =	vmul.f32 $2.560000000e+02, v6;
	[tilespmem:s12+$0x5040] =	vst v15;
	v7 =	vtrunc.f32 v7  }
0x269: {  	v52 =	vld [tilespmem:s12+$0x2850];
	[tilespmem:s12+$0x4840] =	vst v39;
	v9 =	vtrunc.f32 v9;
	v7 =	vcvt.f32.s32 v7;
	v12 =	vshll.u32 v37, $0x10  }
0x26a: {  	v50 =	vsub.f32 v57, v4;
	[tilespmem:s12+$0x5840] =	vst v8;
	v9 =	vcvt.f32.s32 v9;
	v11 =	vor.u32 v12, v11  }
0x26b: {  	v42 =	vld [tilespmem:s12+$0x1060];
	v48 =	vmul.f32 $2.560000000e+02, v46;
	v6 =	vtrunc.f32 v6;
	vm10 =	vgt.s32 v7, $0x0;
	[tilespmem:s12+$0x3040] =	vst v11  }
0x26c: {  	v6 =	vcvt.f32.s32 v6;
	vm11 =	vgt.s32 v9, $0x0;
	v7 =	vnsel vm10, $0x0, v7;
	v43 =	vld.idx.msk [tilespmem:v36+s5+$0x0], $0xffff  }
0x26d: {  	v13 =	vmul.f32 v41, v40;
	v9 =	vnsel vm11, $0x0, v9;
	v7 =	vmin.u32 v7, $0xFF  }
0x26e: {  	v8 =	vmul.f32 v52, v40;
	v7 =	vshll.u32 v7, $0x8;
	v9 =	vmin.u32 v9, $0xFF;
	[tilespmem:s12+$0x3850] =	vst v40  }
0x26f: {  	v2 =	vmul.f32 v50, v2;
	v51 =	vtrunc.f32 v48;
	v7 =	vor.u32 v9, v7;
	[tilespmem:s12+$0x4850] =	vst v13  }
0x270: {  	v53 =	vld [tilespmem:s12+$0x2060];
	vm12 =	vgt.s32 v6, $0x0;
	[tilespmem:s12+$0x5850] =	vst v8;
	v8 =	vcvt.f32.s32 v51;
	v44 =	vshll.u32 v7, $0x1  }
0x271: {  	v1 =	vmul.f32 v3, v1;
	v52 =	vld [tilespmem:s12+$0x1860];
	[tilespmem:s12+$0x4050] =	vst v44;
	v12 =	vor.u32 $0x1, v44;
	v9 =	vshll.u32 v43, $0x10  }
0x272: {  	v55 =	vld [tilespmem:s12+$0x2860];
	v3 =	vnsel vm12, $0x0, v6;
	vm13 =	vgt.s32 v8, $0x0;
	[tilespmem:s12+$0x5050] =	vst v12;
	v54 =	vor.u32 v9, v7  }
0x273: {  	v57 =	vld [tilespmem:s12+$0x1070];
	v2 =	vmul.f32 $2.560000000e+02, v2;
	v3 =	vmin.u32 v3, $0xFF;
	v56 =	vnsel vm13, $0x0, v8;
	[tilespmem:s12+$0x3050] =	vst v54  }
0x274: {  	v3 =	vshll.u32 v3, $0x8;
	v4 =	vmin.u32 v56, $0xFF;
	v58 =	vld.idx.msk [tilespmem:v42+s5+$0x0], $0xffff  }
0x275: {  	v2 =	vtrunc.f32 v2;
	v1 =	vmul.f32 $2.560000000e+02, v1;
	v3 =	vor.u32 v4, v3  }
0x276: {  	v2 =	vcvt.f32.s32 v2;
	v59 =	vmul.f32 v53, v52;
	v4 =	vshll.u32 v3, $0x1;
	[tilespmem:s12+$0x3860] =	vst v52  }
0x277: {  	v1 =	vtrunc.f32 v1;
	v60 =	vmul.f32 v55, v52;
	[tilespmem:s12+$0x4060] =	vst v4  }
0x278: {  	v5 =	vld [tilespmem:s12+$0x2070];
	v1 =	vcvt.f32.s32 v1;
	[tilespmem:s12+$0x4860] =	vst v59  }
0x279: {  	v49 =	vld [tilespmem:s12+$0x1870];
	vm14 =	vgt.s32 v2, $0x0;
	v4 =	vor.u32 $0x1, v4;
	[tilespmem:s12+$0x5860] =	vst v60;
	v61 =	vshll.u32 v58, $0x10  }
0x27a: {  	v2 =	vnsel vm14, $0x0, v2;
	vm15 =	vgt.s32 v1, $0x0;
	[tilespmem:s12+$0x5060] =	vst v4;
	v3 =	vor.u32 v61, v3  }
0x27b: {  	v47 =	vld [tilespmem:s12+$0x2870];
	v2 =	vmin.u32 v2, $0xFF;
	v1 =	vnsel vm15, $0x0, v1;
	[tilespmem:s12+$0x3060] =	vst v3  }
0x27c: {  	v2 =	vshll.u32 v2, $0x8;
	v1 =	vmin.u32 v1, $0xFF;
	v3 =	vld.idx.msk [tilespmem:v57+s5+$0x0], $0xffff  }
0x27d: {  	v1 =	vor.u32 v1, v2  }
0x27e: {  	v62 =	vmul.f32 v5, v49;
	v2 =	vshll.u32 v1, $0x1;
	[tilespmem:s12+$0x3870] =	vst v49  }
0x27f: {  	[tilespmem:s12+$0x4070] =	vst v2  }
0x280: {  	v63 =	vmul.f32 v47, v49;
	v2 =	vor.u32 $0x1, v2;
	[tilespmem:s12+$0x4870] =	vst v62  }
0x281: {  	[tilespmem:s12+$0x5070] =	vst v2;
	v2 =	vshll.u32 v3, $0x10  }
0x282: {  	[tilespmem:s12+$0x5870] =	vst v63;
	v1 =	vor.u32 v2, v1  }
0x283: {  	s14 =	simm.s32 $0x3800;
	s15 =	simm.s32 $0x3000;
	[tilespmem:s12+$0x3070] =	vst v1  }
0x284: {  	[spmem:s2] =	stream.indirect.scatter.add.f32 [tilespmem:s14], [sflag:$0x1], $0x1, s15, s9, $0xb8;
	[tilespmem:$0x1E100] =	vst v63  }
0x285: {  	_ =	swait.ge [sflag:s4], $0x80  }
0x286: {  	[sflag:s4] =	ssyncset.done $0x0  }
0x287: {  	s13 =	simm.s32 $0x4000;
	s12 =	simm.s32 $0x4800;
	[sflag:s4] =	ssyncadd.s32 $0xFFFFFF80  }
0x288: {  	[spmem:s3] =	stream.indirect.scatter.add.f32 [tilespmem:s12], [sflag:$0x1], $0x1, s13, s9, $0xb8;
	[tilespmem:$0x1E100] =	vst v63  }
0x289: {  	_ =	swait.ge [sflag:s4], $0x80  }
0x28a: {  	[sflag:s4] =	ssyncset.done $0x0  }
0x28b: {  	s14 =	simm.s32 $0x5800;
	s15 =	simm.s32 $0x5000;
	[sflag:s4] =	ssyncadd.s32 $0xFFFFFF80  }
0x28c: {  	[spmem:s3] =	stream.indirect.scatter.add.f32 [tilespmem:s14], [sflag:$0x1], $0x1, s15, s9, $0xb8;
	[tilespmem:$0x1E100] =	vst v63  }
0x28d: {  	_ =	swait.ge [sflag:s4], $0x80  }
0x28e: {  	s10 =	simm.s32 $0x80;
	s12 =	simm.s32 $0x400;
	[sflag:s4] =	ssyncset.done $0x0  }
.LBB2_10:
0x28f: {  	s13 =	sadd.s32 $0x3800, s10  }
0x290: {  	s14 =	sadd.s32 $0x3000, s10;
	[sflag:s4] =	ssyncadd.s32 $0xFFFFFF80;
	s15 =	smov.u32 s12  }
0x291: {  	[spmem:s2] =	stream.indirect.scatter.add.f32 [tilespmem:s13], [sflag:$0x1], $0x1, s14, s9, $0xb8;
	[tilespmem:$0x1E100] =	vst v63  }
0x292: {  	p0 =	sne.s32 s12, $0x1E00;
	s12 =	sadd.s32 $0x200, s12;
	_ =	swait.ge [sflag:s4], $0x80  }
0x293: {  	[sflag:s4] =	ssyncset.done $0x0  }
0x294: {  	s13 =	sadd.s32 $0x4800, s10;
	s14 =	sadd.s32 $0x4000, s10;
	[sflag:s4] =	ssyncadd.s32 $0xFFFFFF80  }
0x295: {  	[spmem:s3] =	stream.indirect.scatter.add.f32 [tilespmem:s13], [sflag:$0x1], $0x1, s14, s9, $0xb8;
	[tilespmem:$0x1E100] =	vst v63  }
0x296: {  	_ =	swait.ge [sflag:s4], $0x80  }
.Ltmp4:
0x297: {  	[sflag:s4] =	ssyncset.done $0x0;
	(pc) =	sbr.rel @p0 .LBB2_10-.Ltmp4, $4  }
0x298: {  	s13 =	sadd.s32 $0x5800, s10;
	s10 =	sadd.s32 $0x5000, s10;
	[sflag:s4] =	ssyncadd.s32 $0xFFFFFF80  }
0x299: {  	[spmem:s3] =	stream.indirect.scatter.add.f32 [tilespmem:s13], [sflag:$0x1], $0x1, s10, s9, $0xb8;
	[tilespmem:$0x1E100] =	vst v63  }
0x29a: {  	_ =	swait.ge [sflag:s4], $0x80  }
0x29b: {  	s10 =	sshra.s32 s15, $0x2;
	[sflag:s4] =	ssyncset.done $0x0  }
0x29c: {  	s12 =	sadd.s32 $0x3800, s10;
	s13 =	sadd.s32 $0x3000, s10;
	[sflag:s4] =	ssyncadd.s32 $0xFFFFFF80  }
0x29d: {  	[spmem:s2] =	stream.indirect.scatter.add.f32 [tilespmem:s12], [sflag:$0x1], $0x1, s13, s9, $0xb8;
	[tilespmem:$0x1E100] =	vst v63  }
0x29e: {  	_ =	swait.ge [sflag:s4], $0x80  }
0x29f: {  	[sflag:s4] =	ssyncset.done $0x0  }
0x2a0: {  	s14 =	sadd.s32 $0x4000, s10;
	s13 =	sadd.s32 $0x4800, s10;
	[sflag:s4] =	ssyncadd.s32 $0xFFFFFF80  }
0x2a1: {  	[spmem:s3] =	stream.indirect.scatter.add.f32 [tilespmem:s13], [sflag:$0x1], $0x1, s14, s9, $0xb8;
	[tilespmem:$0x1E100] =	vst v63  }
0x2a2: {  	_ =	swait.ge [sflag:s4], $0x80  }
0x2a3: {  	[sflag:s4] =	ssyncset.done $0x0  }
0x2a4: {  	s15 =	sadd.s32 $0x5800, s10;
	s13 =	sadd.s32 $0x5000, s10;
	[sflag:s4] =	ssyncadd.s32 $0xFFFFFF80  }
0x2a5: {  	[spmem:s3] =	stream.indirect.scatter.add.f32 [tilespmem:s15], [sflag:$0x1], $0x1, s13, s9, $0xb8;
	[tilespmem:$0x1E100] =	vst v63  }
0x2a6: {  	s14 =	stileid.u32;
	_ =	swait.ge [sflag:s4], $0x80  }
0x2a7: {  	s10 =	sshll.u32 s14, $0x6;
	[sflag:s4] =	ssyncset.done $0x0  }
0x2a8: {  	s14 =	simm.s32 $0x10;
	s10 =	sor.u32 $0x1C01, s10;
	[sflag:s4] =	ssyncadd.s32 $0xFFFFFF80  }
0x2a9: {  	s15 =	sshrl.u32 s7, $0x3;
	s13 =	simm.s32 $0x20;
	[bflag:$0x0] =	sbarrier.arrive $0xFFFF  }
0x2aa: {  	[hbm:s23@s13], [sflag:s10] =	dma.strided [spmem:s15@s14], $0x2800, s4, $0x10   }
0x2ab: {  	s11 =	sadd.s32 $0x1, s11;
	_ =	swait.ge [sflag:s4], $0x2800  }
0x2ac: {  	p0 =	sne.s32 s11, s25;
	[sflag:s4] =	ssyncset.done $0x0  }
.Ltmp5:
0x2ad: {  	s15 =	sshrl.u32 s22, $0x3;
	[sflag:s4] =	ssyncadd.s32 $0xFFFFD800;
	(pc) =	sbr.rel @p0 .LBB2_1-.Ltmp5, $4  }
0x2ae: {  	[hbm:s24@s13], [sflag:s10] =	dma.strided [spmem:s15@s14], $0x400, s4, $0x10   }
0x2af: {  	_ =	swait.ge [sflag:s4], $0x400  }
0x2b0: {  	[sflag:s4] =	ssyncset.done $0x0  }
0x2b1: {  	[sflag:s4] =	ssyncadd.s32 $0xFFFFFC00  }
0x2b2: {  	_ =	sfence.sel $0x180000  }
0x2b3: {  	[bflag:$0x0] =	sbarrier.arrive $0xFFFF  }
0x2b4: {  	_ =	strace $0x9000004A  }
0x2b5: {  	s0 =	stileid.u32;
	[bflag:$0x2] =	sbarrier.arrive $0xFFFF  }
0x2b6: {  	p0 =	sne.s32 s0, $0x0;
	s0 =	rddreg [dreg:$0x5]  }
0x2b7: {  	s0 =	sadd.s32 @!p0 $0x100000, s0  }
0x2b8: {  	[sflag:s0] =	ssyncadd.tile.s32 @!p0 $0x1;
	_ =	shalt  }
.Lfunc_end2:
_tile_overlayer_lowered:
.L_overlay_start_2:
0x2b9: {  	(tag) =	ssettag $0x2  }
0x2ba: {  	s0 =	rddreg [dreg:$0x0];
	s2 =	stileid.u32  }
0x2bb: {  	s1 =	rddreg [dreg:$0x1];
	p0 =	sne.s32 s2, $0x0  }
0x2bc: {  	s3 =	rddreg [dreg:$0x2];
	[bflag:$0x3] =	sbarrier.arrive $0xFFFF;
	s2 =	simm.s32 @!p0 $0x1C01  }
0x2bd: {  	[timem:s3], [sflag:s2] =	dma.local @!p0 [hbm:s0], s1  }
0x2be: {  	s0 =	simm.s32 @!p0 $0x1  }
0x2bf: {  	_ =	swait.ge @!p0 [sflag:s0], s1  }
0x2c0: {  	s1 =	ssub.s32 @!p0 $0x0, s1;
	[sflag:s0] =	ssyncset.done @!p0 $0x0  }
0x2c1: {  	[sflag:s0] =	ssyncadd.s32 @!p0 s1  }
0x2c2: {  	[bflag:$0x3] =	sbarrier.arrive $0xFFFF  }
0x2c3: {  	_ =	shalt  }

// kernel: kernel.7.cloned.1.call-start
scs
__scs_entry_jumppad:
0x0: {  	(pc) =	sbr.rel $0x88, $3  }
0x1: {  	(tag) =	ssettag $0x0;
	lr =	simm.s32 $0x1  }
0x2: {  	[smem:$0x3F98] =	sst lr;
	_ =	strace $0xD0000000  }
0x3: {  	_ = 	snop  }
0x4: {  	_ = 	snop  }
0x5: {  	_ = 	snop  }
0x6: {  	_ = 	snop  }
0x7: {  	_ = 	snop  }
__scs_overlays_trampoline_lowered:
0x8: {  	[smem:$0x3FA7] =	sst s0  }
0x9: {  	[smem:$0x3FA8] =	sst s1  }
0xa: {  	[smem:$0x3FA9] =	sst s2  }
0xb: {  	[smem:$0x3FAA] =	sst s3  }
0xc: {  	[smem:$0x3FAB] =	sst s4  }
0xd: {  	[smem:$0x3FAC] =	sst s5  }
0xe: {  	[smem:$0x3FAD] =	sst s6  }
0xf: {  	[smem:$0x3FAE] =	sst s7  }
0x10: {  	[smem:$0x3FAF] =	sst s8  }
0x11: {  	[smem:$0x3FB0] =	sst s9;
	s0 =	simm.s32 @!p0 $0x0  }
0x12: {  	s1 =	sld [smem:$0x3F96];
	s0 =	simm.s32 @p0 $0x1  }
0x13: {  	[smem:$0x3FB1] =	sst s0;
	s0 =	simm.s32 @!p1 $0x0  }
0x14: {  	s2 =	sld [smem:$0x3F95];
	s0 =	simm.s32 @p1 $0x1  }
0x15: {  	[smem:$0x3FB2] =	sst s0;
	s0 =	simm.s32 @!p2 $0x0  }
0x16: {  	s3 =	sld [smem:$0x3FDB];
	s0 =	simm.s32 @p2 $0x1  }
0x17: {  	s4 =	simm.s32 $0x1BF5;
	[smem:$0x3FB4] =	sst s0  }
0x18: {  	s0 =	sld [smem:$0x3F97];
	_ =	swait.ge [sflag:s4], $0x0  }
0x19: {  	s7 =	sld [smem:$0x3F98]  }
0x1a: {  	s8 =	sadd.s32 $0xFFFFE003, lr  }
0x1b: {  	s9 =	sadd.s32 $0xFFFFFEF7, lr;
	s5 =	simm.s32 $0xFFFFFFFF;
	p2 =	slt.u32 s8, $0xFFFFF086  }
0x1c: {  	p1 =	slt.u32 s9, $0xF7A;
	s5 =	simm.s32 @!p2 $0x0  }
0x1d: {  	s5 =	simm.s32 @p1 $0x1;
	p0 =	seq.s32 s7, s2  }
0x1e: {  	s7 =	smul.u32 @!p0 $0xF7A, s2;
	p2 =	seq.s32 @!p0 s5, $0x0  }
0x1f: {  	s9 =	smul.u32 $0xF7A, s1;
	s8 =	simm.s32 @!p0 $0x1BF5;
	p2 =	por !p2, p0  }
0x20: {  	[sflag:s8] =	ssyncset.s32 @!p0 $0xFFFFF086;
	s6 =	sadd.s32 @!p0 s3, s7;
	s7 =	simm.s32 @!p0 $0x108  }
0x21: {  	s3 =	sadd.s32 s3, s9;
	s6 =	sadd.s32 @!p0 $0x88, s6;
	s7 =	simm.s32 @p2 $0x1082  }
0x22: {  	[simem:s7], [sflag:s8] =	dma.local @!p0 [hbm:s6], $0xF7A  }
0x23: {  	s9 =	sor.u32 $0xD0000000, s2;
	s6 =	simm.s32 $0x108;
	_ =	swait.ge @!p0 [sflag:s8], $0x0  }
0x24: {  	s3 =	sadd.s32 $0x88, s3;
	s6 =	simm.s32 @!p1 $0x1082;
	[sflag:s4] =	ssyncset.s32 $0xFFFFF086  }
0x25: {  	[simem:s6], [sflag:s4] =	dma.local [hbm:s3], $0xF7A  }
0x26: {  	[smem:$0x3F98] =	sst s1;
	(tag) =	ssettag s2;
	_ =	strace s9  }
0x27: {  	s1 =	sld [smem:$0x3FA8]  }
0x28: {  	s2 =	sld [smem:$0x3FA9]  }
0x29: {  	s4 =	sld [smem:$0x3FAB]  }
0x2a: {  	p0 =	seq.s32 s5, $0x0;
	s5 =	sld [smem:$0x3FAC]  }
0x2b: {  	s6 =	sld [smem:$0x3FAD]  }
0x2c: {  	s7 =	sld [smem:$0x3FAE]  }
0x2d: {  	s3 =	simm.s32 $0x108;
	s8 =	sld [smem:$0x3FAF]  }
0x2e: {  	s3 =	simm.s32 @!p0 $0x1082;
	s9 =	sld [smem:$0x3FB0]  }
0x2f: {  	lr =	sadd.s32 s0, s3;
	s0 =	sld [smem:$0x3FA7]  }
0x30: {  	s3 =	sld [smem:$0x3FAA]  }
0x31: {  	[smem:$0x3FB3] =	sst s10  }
0x32: {  	s10 =	sld [smem:$0x3FB1];
	_ =	sdelay $0x3  }
0x33: {  	p0 =	seq.s32 s10, $0x1;
	s10 =	sld [smem:$0x3FB3];
	_ =	sdelay $0x3  }
0x34: {  	[smem:$0x3FB3] =	sst s10  }
0x35: {  	s10 =	sld [smem:$0x3FB2];
	_ =	sdelay $0x3  }
0x36: {  	p1 =	seq.s32 s10, $0x1;
	s10 =	sld [smem:$0x3FB3];
	_ =	sdelay $0x3  }
0x37: {  	[smem:$0x3FB3] =	sst s10  }
0x38: {  	s10 =	sld [smem:$0x3FB4]  }
0x39: {  	_ = 	snop;
	(pc) =	sbr.ind lr, $3  }
0x3a: {  	_ = 	snop  }
0x3b: {  	_ = 	snop  }
0x3c: {  	p2 =	seq.s32 s10, $0x1;
	s10 =	sld [smem:$0x3FB3]  }
0x3d: {  	_ =	shalt  }
0x3e: {  	_ =	shalt  }
0x3f: {  	_ =	shalt  }
0x40: {  	_ =	shalt  }
0x41: {  	_ =	shalt  }
0x42: {  	_ =	shalt  }
0x43: {  	_ =	shalt  }
0x44: {  	_ =	shalt  }
0x45: {  	_ =	shalt  }
0x46: {  	_ =	shalt  }
0x47: {  	_ =	shalt  }
0x48: {  	_ =	shalt  }
0x49: {  	_ =	shalt  }
0x4a: {  	_ =	shalt  }
0x4b: {  	_ =	shalt  }
0x4c: {  	_ =	shalt  }
0x4d: {  	_ =	shalt  }
0x4e: {  	_ =	shalt  }
0x4f: {  	_ =	shalt  }
0x50: {  	_ =	shalt  }
0x51: {  	_ =	shalt  }
0x52: {  	_ =	shalt  }
0x53: {  	_ =	shalt  }
0x54: {  	_ =	shalt  }
0x55: {  	_ =	shalt  }
0x56: {  	_ =	shalt  }
0x57: {  	_ =	shalt  }
0x58: {  	_ =	shalt  }
0x59: {  	_ =	shalt  }
0x5a: {  	_ =	shalt  }
0x5b: {  	_ =	shalt  }
0x5c: {  	_ =	shalt  }
0x5d: {  	_ =	shalt  }
0x5e: {  	_ =	shalt  }
0x5f: {  	_ =	shalt  }
0x60: {  	_ =	shalt  }
0x61: {  	_ =	shalt  }
0x62: {  	_ =	shalt  }
0x63: {  	_ =	shalt  }
0x64: {  	_ =	shalt  }
0x65: {  	_ =	shalt  }
0x66: {  	_ =	shalt  }
0x67: {  	_ =	shalt  }
0x68: {  	_ =	shalt  }
0x69: {  	_ =	shalt  }
0x6a: {  	_ =	shalt  }
0x6b: {  	_ =	shalt  }
0x6c: {  	_ =	shalt  }
0x6d: {  	_ =	shalt  }
0x6e: {  	_ =	shalt  }
0x6f: {  	_ =	shalt  }
0x70: {  	_ =	shalt  }
0x71: {  	_ =	shalt  }
0x72: {  	_ =	shalt  }
0x73: {  	_ =	shalt  }
0x74: {  	_ =	shalt  }
0x75: {  	_ =	shalt  }
0x76: {  	_ =	shalt  }
0x77: {  	_ =	shalt  }
0x78: {  	_ =	shalt  }
0x79: {  	_ =	shalt  }
0x7a: {  	_ =	shalt  }
0x7b: {  	_ =	shalt  }
0x7c: {  	_ =	shalt  }
0x7d: {  	_ =	shalt  }
0x7e: {  	_ =	shalt  }
0x7f: {  	_ =	shalt  }
0x80: {  	_ =	shalt  }
0x81: {  	_ =	shalt  }
0x82: {  	_ =	shalt  }
0x83: {  	_ =	shalt  }
0x84: {  	_ =	shalt  }
0x85: {  	_ =	shalt  }
0x86: {  	_ =	shalt  }
0x87: {  	_ =	shalt  }
.Lfunc_end0:
.L_simem_size_0:
called_computation_lowered:
.L_overlay_start_0:
0x88: {  	s2 =	sld [smem:$0x3FD9]  }
0x89: {  	s3 =	sld [smem:$0x3FFE];
	_ =	sdelay $0x1  }
0x8a: {  	s1 =	srdreg.scid  }
0x8b: {  	s0 =	sand.u32 $0x1, s1  }
0x8c: {  	s17 =	sshll.u32 s0, $0xA;
	s2 =	sadd.s32 s3, s2  }
0x8d: {  	s2 =	sadd.s32 s2, s17  }
0x8e: {  	[smem:$0x3FBF] =	sst s2  }
0x8f: {  	_ = 	snop  }
0x90: {  	s2 =	sld [smem:$0x3FC7];
	(tm) =	ssettm $0x1  }
0x91: {  	s18 =	sld [smem:$0x3FFB];
	_ =	sdelay $0x3  }
0x92: {  	_ =	strace s18  }
0x93: {  	s3 =	sld [smem:$0x3FFC];
	_ =	sdelay $0x3  }
0x94: {  	_ =	strace s3  }
0x95: {  	s3 =	sld [smem:$0x3FFD];
	_ =	sdelay $0x3  }
0x96: {  	_ =	strace s3  }
0x97: {  	_ =	strace $0x8FFFFFFF  }
0x98: {  	s19 =	sld [smem:$0x3FDB];
	_ =	sdelay $0x1  }
0x99: {  	s4 =	simm.s32 $_scs_section_size  }
0x9a: {  	s5 =	simm.s32 $_size__tile_overlayer_lowered;
	s6 =	simm.s32 $_tile_overlayer_lowered  }
0x9b: {  	s22 =	simm.s32 $0x1BFF;
	s21 =	sshll.u32 s6, $0x1;
	s3 =	sadd.s32 s4, s19  }
0x9c: {  	s7 =	simm.s32 $0x0;
	s20 =	sshll.u32 s5, $0x1;
	s5 =	sadd.s32 s21, s3  }
0x9d: {  	[timem:s7], [sflag:s22] =	dma.local [hbm:s5], s20  }
0x9e: {  	_ =	swait.ge [sflag:s22], s20  }
0x9f: {  	s4 =	ssub.s32 $0x0, s20;
	[sflag:s22] =	ssyncset.done $0x0  }
0xa0: {  	[sflag:s22] =	ssyncadd.s32 s4;
	_ =	sdelay $0x1  }
0xa1: {  	s23 =	simm.s32 $0x1B8B  }
0xa2: {  	_ =	swait.ge [sflag:s23], $0x1  }
0xa3: {  	[sflag:s23] =	ssyncset.done $0x0  }
0xa4: {  	s25 =	simm.s32 $0x1B8E;
	s24 =	sld [smem:$0x3FFE];
	[sflag:s23] =	ssyncadd.s32 $0xFFFFFFFF  }
0xa5: {  	s26 =	simm.s32 $execute0_lowered;
	[smem:$0x3FD2] =	sst s25  }
0xa6: {  	s5 =	sshll.u32 s26, $0x1;
	_ =	strace $0x80000046;
	[dreg:$0x1] =	wrdreg $0xFFFFFFFF  }
0xa7: {  	s28 =	simm.s32 $_size_execute0_lowered;
	s3 =	sadd.s32 s3, s5;
	[dreg:$0x0] =	wrdreg $0x0  }
0xa8: {  	s5 =	sshll.u32 s28, $0x1;
	[dreg:$0x2] =	wrdreg s3  }
0xa9: {  	[dreg:$0x3] =	wrdreg s5  }
0xaa: {  	[dreg:$0x4] =	wrdreg $0xC0  }
0xab: {  	_ =	task [dreg:s7], $0x5FFFF  }
0xac: {  	[dreg:$0x1] =	wrdreg $0xFFFFFFFF  }
0xad: {  	[dreg:$0x0] =	wrdreg $0x60  }
0xae: {  	[dreg:$0x2] =	wrdreg s24  }
0xaf: {  	[dreg:$0x3] =	wrdreg s2  }
0xb0: {  	[dreg:$0x4] =	wrdreg $0x9  }
0xb1: {  	_ =	task.clear_ibuf [dreg:s7], $0x5FFFF;
	_ =	strace $0x90000046  }
0xb2: {  	s29 =	simm.s32 $0x9;
	_ =	strace $0x80000048  }
0xb3: {  	_ =	swait.ge [sflag:s29], $0x1  }
0xb4: {  	[sflag:s29] =	ssyncadd.s32 $0xFFFFFFFF  }
0xb5: {  	_ =	strace $0x90000048  }
0xb6: {  	_ =	sfence  }
0xb7: {  	s30 =	sld [smem:$0x0];
	_ =	sdelay $0x2  }
0xb8: {  	s31 =	sshll.u32 s1, $0xD;
	s1 =	sshrl.u32 s1, $0x2  }
0xb9: {  	s3 =	sand.u32 $0x4000, s31;
	s1 =	sadd.s32 s1, s30  }
0xba: {  	s0 =	sor.u32 s3, s0;
	s1 =	sshll.u32 s1, $0x11  }
0xbb: {  	s0 =	sor.u32 s1, s0  }
0xbc: {  	s0 =	sadd.s32 $0x8F2B, s0  }
0xbd: {  	[sflag:s0] =	ssyncadd.remote.s32 $0x1  }
0xbe: {  	_ =	sfence.sel $0xFFFF  }
0xbf: {  	[dreg:$0x0] =	wrdreg $0xFFFFFFFF;
	(pc) =	sbr.abs _section_cstart, $3  }
0xc0: {  	[dreg:$0x1] =	wrdreg $0xFFFFFFFF  }
0xc1: {  	_ =	task.clear_ibuf [dreg:s7], $0x2FFFF;
	_ =	strace $0x9FFFFFFF  }
0xc2: {  	(tm) =	ssettm $0x7FFFFFFF  }
0xc3: {  	_ =	shalt  }
tec
execute0_lowered:
.L_overlay_start_1:
0x0: {  	(tag) =	ssettag $0x1  }
0x1: {  	s3 =	rddreg [dreg:$0x0]  }
0x2: {  	s7 =	rddreg [dreg:$0x1];
	s2 =	srdreg.scid  }
0x3: {  	s1 =	stileid.u32;
	s0 =	rddreg [dreg:$0x2];
	s13 =	simm.s32 $0x1000  }
0x4: {  	s14 =	simm.s32 $0x1800;
	s15 =	simm.s32 $0x80;
	s16 =	simm.s32 $0x400  }
0x5: {  	s4 =	sand.u32 $0x1, s2;
	s5 =	sshll.u32 s1, $0x1;
	s2 =	simm.s32 $0x0  }
0x6: {  	s6 =	sshrl.u32 s1, $0x2;
	s9 =	sadd.s32 $0x9600, s3;
	s31 =	sadd.s32 $0xD600, s3  }
0x7: {  	s5 =	sor.u32 s4, s5;
	[smem:$0x7FF] =	sst s2;
	s6 =	smul.u32 $0xA000, s6  }
0x8: {  	s4 =	ssub.s32 $0x2, s4;
	s8 =	sshll.u32 s5, $0x7;
	_ =	strace $0x80000047  }
0x9: {  	s10 =	sshrl.u32 s4, $0x1;
	s5 =	sshll.u32 s5, $0x9;
	s8 =	sand.u32 $0x380, s8  }
0xa: {  	s10 =	ssub.s32 s4, s10;
	s12 =	sor.u32 $0x100, s5;
	s6 =	sor.u32 s6, s8  }
0xb: {  	s4 =	sadd.s32 s7, s5;
	s7 =	sadd.s32 s7, s12;
	s6 =	sshrl.u32 s6, $0x3  }
0xc: {  	s8 =	sadd.s32 s31, s12;
	s10 =	smax.u32 s10, $0x1;
	s11 =	sadd.s32 s6, s3  }
0xd: {  	s3 =	sadd.s32 s9, s5;
	s5 =	sadd.s32 s31, s5;
	s6 =	sadd.s32 s9, s12  }
0xe: {  	v0 =	vimm.f32 $0.0e+00;
	v1 =	vlaneseq.u32;
	s12 =	simm.s32 $0x800;
	s9 =	sadd.s32 $0x11600, s11;
	s11 =	simm.s32 $0x1  }
.LBB2_1:
0xf: {  	s17 =	simm.s32 $0x40;
	s18 =	simm.s32 $0x0  }
.LBB2_2:
0x10: {  	p0 =	sne.s32 s17, $0x4FC0;
	[tilespmem:s18+$0x1800] =	vst v0;
	s18 =	smov.u32 s17;
	s17 =	sadd.s32 $0x40, s17  }
.Ltmp0:
0x11: {  	(pc) =	sbr.rel @p0 .LBB2_2-.Ltmp0, $2  }
0x12: {  	_ =	sdelay $0x2  }
0x13: {  	s18 =	sshra.s32 s18, $0x2  }
0x14: {  	[tilespmem:s18+$0x1800] =	vst v0;
	s17 =	simm.s32 $0x0  }
0x15: {  	[tilespmem:s17], [sflag:$0x1] =	stream.linear.gather [hbm4b:s3+s17], $0x800, $0x38;
	[tilespmem:$0x2C00] =	vst v63  }
0x16: {  	_ =	swait.ge [sflag:s11], $0x800  }
0x17: {  	[sflag:s11] =	ssyncset.done $0x0  }
0x18: {  	[sflag:s11] =	ssyncadd.s32 $0xFFFFF800  }
0x19: {  	[tilespmem:s12], [sflag:$0x1] =	stream.linear.gather [hbm4b:s4+s17], $0x800, $0x38;
	[tilespmem:$0x2C00] =	vst v63  }
0x1a: {  	_ =	swait.ge [sflag:s11], $0x800  }
0x1b: {  	[sflag:s11] =	ssyncset.done $0x0  }
0x1c: {  	[sflag:s11] =	ssyncadd.s32 $0xFFFFF800  }
0x1d: {  	[tilespmem:s13], [sflag:$0x1] =	stream.linear.gather [hbm4b:s5+s17], $0x800, $0x38;
	[tilespmem:$0x2C00] =	vst v63  }
0x1e: {  	_ =	swait.ge [sflag:s11], $0x800  }
0x1f: {  	[sflag:s11] =	ssyncset.done $0x0  }
0x20: {  	s17 =	simm.s32 $0x0;
	[sflag:s11] =	ssyncadd.s32 $0xFFFFF800  }
0x21: {  	s18 =	simm.s32 $0x40;
	v2 =	vld [tilespmem:s17+$0x800]  }
.LBB2_4:
0x22: {  	p0 =	sne.s32 s18, $0x1FC0;
	v3 =	vld [tilespmem:s17+$0x0];
	_ =	sdelay $0x4  }
0x23: {  	v2 =	vshll.u32 v2, $0x8;
	v3 =	vshll.u32 v3, $0x4  }
0x24: {  	v2 =	vadd.s32 v3, v2;
	v3 =	vor.u32 v1, v3  }
0x25: {  	v2 =	vand.u32 $0xFFFFFF80, v2;
	v3 =	vand.u32 $0x7F, v3  }
0x26: {  	v4 =	vld [tilespmem:s17+$0x1000];
	v2 =	vor.u32 v3, v2;
	_ =	sdelay $0x1  }
.Ltmp1:
0x27: {  	(pc) =	sbr.rel @p0 .LBB2_4-.Ltmp1, $3  }
0x28: {  	_ =	sdelay $0x1  }
0x29: {  	s17 =	sshra.s32 s18, $0x2;
	[tilespmem:v2+s14+$0x0] =	vst.idx.add.f32.msk $0xffff, v4  }
0x2a: {  	s18 =	sadd.s32 $0x40, s18;
	v2 =	vld [tilespmem:s17+$0x800]  }
0x2b: {  	v3 =	vld [tilespmem:s17+$0x0];
	_ =	sdelay $0x4  }
0x2c: {  	v2 =	vshll.u32 v2, $0x8;
	v3 =	vshll.u32 v3, $0x4  }
0x2d: {  	v2 =	vadd.s32 v3, v2;
	v3 =	vor.u32 v1, v3  }
0x2e: {  	v2 =	vand.u32 $0xFFFFFF80, v2;
	v3 =	vand.u32 $0x7F, v3  }
0x2f: {  	v4 =	vld [tilespmem:s17+$0x1000];
	v2 =	vor.u32 v3, v2;
	_ =	sdelay $0x4  }
0x30: {  	s31 =	simm.s32 $0x0;
	[tilespmem:v2+s14+$0x0] =	vst.idx.add.f32.msk $0xffff, v4  }
0x31: {  	[tilespmem:s31], [sflag:$0x1] =	stream.linear.gather [hbm4b:s6+s31], $0x800, $0x38;
	[tilespmem:$0x2C00] =	vst v63  }
0x32: {  	_ =	swait.ge [sflag:s11], $0x800  }
0x33: {  	[sflag:s11] =	ssyncset.done $0x0  }
0x34: {  	[sflag:s11] =	ssyncadd.s32 $0xFFFFF800  }
0x35: {  	[tilespmem:s12], [sflag:$0x1] =	stream.linear.gather [hbm4b:s7+s31], $0x800, $0x38;
	[tilespmem:$0x2C00] =	vst v63  }
0x36: {  	_ =	swait.ge [sflag:s11], $0x800  }
0x37: {  	[sflag:s11] =	ssyncset.done $0x0  }
0x38: {  	[sflag:s11] =	ssyncadd.s32 $0xFFFFF800  }
0x39: {  	[tilespmem:s13], [sflag:$0x1] =	stream.linear.gather [hbm4b:s8+s31], $0x800, $0x38;
	[tilespmem:$0x2C00] =	vst v63  }
0x3a: {  	_ =	swait.ge [sflag:s11], $0x800  }
0x3b: {  	[sflag:s11] =	ssyncset.done $0x0  }
0x3c: {  	s17 =	simm.s32 $0x0;
	[sflag:s11] =	ssyncadd.s32 $0xFFFFF800  }
0x3d: {  	s18 =	simm.s32 $0x40;
	v2 =	vld [tilespmem:s17+$0x800]  }
.LBB2_6:
0x3e: {  	p0 =	sne.s32 s18, $0x1FC0;
	v3 =	vld [tilespmem:s17+$0x0];
	_ =	sdelay $0x4  }
0x3f: {  	v2 =	vshll.u32 v2, $0x8;
	v3 =	vshll.u32 v3, $0x4  }
0x40: {  	v2 =	vadd.s32 v3, v2;
	v3 =	vor.u32 v1, v3  }
0x41: {  	v2 =	vand.u32 $0xFFFFFF80, v2;
	v3 =	vand.u32 $0x7F, v3  }
0x42: {  	v4 =	vld [tilespmem:s17+$0x1000];
	v2 =	vor.u32 v3, v2;
	_ =	sdelay $0x1  }
.Ltmp2:
0x43: {  	(pc) =	sbr.rel @p0 .LBB2_6-.Ltmp2, $3  }
0x44: {  	_ =	sdelay $0x1  }
0x45: {  	s17 =	sshra.s32 s18, $0x2;
	[tilespmem:v2+s14+$0x0] =	vst.idx.add.f32.msk $0xffff, v4  }
0x46: {  	s18 =	sadd.s32 $0x40, s18;
	v2 =	vld [tilespmem:s17+$0x800]  }
0x47: {  	v3 =	vld [tilespmem:s17+$0x0];
	_ =	sdelay $0x4  }
0x48: {  	v2 =	vshll.u32 v2, $0x8;
	v3 =	vshll.u32 v3, $0x4  }
0x49: {  	v2 =	vadd.s32 v3, v2;
	v3 =	vor.u32 v1, v3  }
0x4a: {  	v2 =	vand.u32 $0xFFFFFF80, v2;
	v3 =	vand.u32 $0x7F, v3  }
0x4b: {  	v4 =	vld [tilespmem:s17+$0x1000];
	v2 =	vor.u32 v3, v2;
	_ =	sdelay $0x2  }
0x4c: {  	s2 =	sadd.s32 $0x1, s2  }
0x4d: {  	p0 =	sne.s32 s2, s10  }
.Ltmp3:
0x4e: {  	[tilespmem:v2+s14+$0x0] =	vst.idx.add.f32.msk $0xffff, v4;
	(pc) =	sbr.rel @p0 .LBB2_1-.Ltmp3, $4  }
0x4f: {  	[hbm4b:s9+s15] =	stream.strided.scatter [tilespmem:s14], [sflag:$0x1], $0x1400, s16, s15, $0x38;
	[tilespmem:$0x2C00] =	vst v63  }
0x50: {  	_ =	swait.ge [sflag:s11], $0x1400  }
0x51: {  	[sflag:s11] =	ssyncset.done $0x0  }
0x52: {  	[sflag:s11] =	ssyncadd.s32 $0xFFFFEC00  }
0x53: {  	_ =	sfence.sel $0x180000  }
0x54: {  	[bflag:$0x0] =	sbarrier.arrive $0xFFFF  }
0x55: {  	p0 =	sne.s32 s1, $0x0;
	_ =	strace $0x90000047  }
0x56: {  	s0 =	sadd.s32 @!p0 $0x100000, s0;
	[bflag:$0x2] =	sbarrier.arrive $0xFFFF  }
0x57: {  	[sflag:s0] =	ssyncadd.tile.s32 @!p0 $0x1;
	_ =	shalt  }
.Lfunc_end2:
_tile_overlayer_lowered:
.L_overlay_start_2:
0x58: {  	(tag) =	ssettag $0x2  }
0x59: {  	s0 =	rddreg [dreg:$0x0];
	s2 =	stileid.u32  }
0x5a: {  	s1 =	rddreg [dreg:$0x1];
	p0 =	sne.s32 s2, $0x0  }
0x5b: {  	s3 =	rddreg [dreg:$0x2];
	[bflag:$0x3] =	sbarrier.arrive $0xFFFF;
	s2 =	simm.s32 @!p0 $0x1C01  }
0x5c: {  	[timem:s3], [sflag:s2] =	dma.local @!p0 [hbm:s0], s1  }
0x5d: {  	s0 =	simm.s32 @!p0 $0x1  }
0x5e: {  	_ =	swait.ge @!p0 [sflag:s0], s1  }
0x5f: {  	s1 =	ssub.s32 @!p0 $0x0, s1;
	[sflag:s0] =	ssyncset.done @!p0 $0x0  }
0x60: {  	[sflag:s0] =	ssyncadd.s32 @!p0 s1  }
0x61: {  	[bflag:$0x3] =	sbarrier.arrive $0xFFFF  }
0x62: {  	_ =	shalt  }

</sc_bundles>
